<compile_context>
chip_gen: v7x
topology: tpu7x:2x2x1
jax: 0.10.2.dev20260603
libtpu: 0.0.44.dev20260713+nightly
codegen_flags: <defaults>
</compile_context>

<pallas_src>
import jax
import jax.numpy as jnp
from jax import lax
from jax.experimental import pallas as pl
from jax.experimental.pallas import tpu as pltpu
from jax.experimental.pallas import tpu_sc as plsc

K = 1000000
D = 16
NTILES = 32
CHUNK = 2048
SC_ROWS = 999936
NFULL = SC_ROWS // CHUNK
HALF_START = NFULL * CHUNK
HALF_ROWS = SC_ROWS - HALF_START
HALF_TILE = NFULL % NTILES
TC_START = SC_ROWS


def _iota16():
    return lax.iota(jnp.int32, 16)


def _lane_gather(v, idx16):
    dn = lax.GatherDimensionNumbers(
        offset_dims=(), collapsed_slice_dims=(0,), start_index_map=(0,))
    return lax.gather(v, idx16[:, None], dn, slice_sizes=(1,),
                      mode=lax.GatherScatterMode.PROMISE_IN_BOUNDS)


def _splat(v, lane):
    return _lane_gather(v, jnp.full((16,), lane, jnp.int32))


def _merge_topk(cur_v, cur_i, blk_v, blk_i):
    sk, si = plsc.sort_key_val(blk_v, blk_i)
    rv = lax.rev(sk, (0,))
    ri = lax.rev(si, (0,))
    take_a = cur_v <= rv
    mv = jnp.where(take_a, cur_v, rv)
    mi = jnp.where(take_a, cur_i, ri)
    nv, ni = plsc.sort_key_val(mv, mi)
    return nv, ni, _splat(nv, 7)


def _sc_body(mnvT_hbm, smp_hbm, outv_hbm, outi_hbm,
             bufa, bufb, sbuf, resv, resi, sema, semb):
    cid = lax.axis_index("c")
    sid = lax.axis_index("s")
    wid = sid * 2 + cid

    pltpu.sync_copy(smp_hbm, sbuf)
    s = sbuf[...]
    iota = _iota16()
    inf = jnp.float32(jnp.inf)
    s_d = [_splat(s, d) for d in range(D)]

    def block_dist2(buf, b):
        lr0 = b * 16
        accs = [jnp.zeros((16,), jnp.float32) for _ in range(4)]
        for d in range(D):
            col = buf[d, pl.ds(lr0, 16)]
            diff = col - s_d[d]
            accs[d & 3] = accs[d & 3] + diff * diff
        return (accs[0] + accs[1]) + (accs[2] + accs[3])

    NB = 4

    def make_blk_body(buf, ok, row_start):
        def blk_body(bb, carry):
            cur_v, cur_i, tv = carry
            b = bb * NB
            accs = [block_dist2(buf, b + q) for q in range(NB)]
            gidx0 = row_start + b * 16 + iota
            lo = accs[0]
            for a in accs[1:]:
                lo = jnp.minimum(lo, a)
            hit = ok & jnp.any(lo < tv)

            def do(*args):
                gidx0 = args[NB]
                cur_v, cur_i, tv = args[NB + 1:]
                for q in range(NB):
                    cur_v, cur_i, tv = _merge_topk(
                        cur_v, cur_i, args[q], gidx0 + q * 16)
                return cur_v, cur_i, tv

            def skip(*args):
                return args[NB + 1:]

            return lax.cond(hit, do, skip,
                            *accs, gidx0, cur_v, cur_i, tv)
        return blk_body

    def slot_chunk(j):
        ch = wid + j * NTILES
        ok = ch < NFULL
        return jnp.where(ok, ch, wid), ok

    def dma(ch, buf, sem):
        return pltpu.make_async_copy(
            mnvT_hbm.at[:, pl.ds(ch * CHUNK, CHUNK)], buf, sem)

    def compute(ch, ok, buf, carry):
        return lax.fori_loop(
            0, CHUNK // (16 * 4), make_blk_body(buf, ok, ch * CHUNK), carry)

    NSLOT = (NFULL + NTILES - 1) // NTILES

    ch0, _ = slot_chunk(0)
    dma(ch0, bufa, sema).start()

    def pair_body(p, carry):
        j0 = p * 2
        ch0, ok0 = slot_chunk(j0)
        ch1, ok1 = slot_chunk(j0 + 1)
        ch2, _ = slot_chunk(j0 + 2)
        dma(ch0, bufa, sema).wait()
        dma(ch1, bufb, semb).start()
        carry = compute(ch0, ok0, bufa, carry)
        dma(ch1, bufb, semb).wait()
        dma(ch2, bufa, sema).start()
        return compute(ch1, ok1, bufb, carry)

    init = (jnp.full((16,), inf), jnp.zeros((16,), jnp.int32),
            jnp.full((16,), inf))
    cur_v, cur_i, tv = lax.fori_loop(0, NSLOT // 2, pair_body, init)
    chx, _ = slot_chunk(NSLOT)
    dma(chx, bufa, sema).wait()

    @pl.when(wid == HALF_TILE)
    def _():
        pltpu.sync_copy(
            mnvT_hbm.at[:, pl.ds(HALF_START, HALF_ROWS)],
            bufa.at[:, pl.ds(0, HALF_ROWS)])
        cv, ci, _t = lax.fori_loop(
            0, HALF_ROWS // (16 * 4),
            make_blk_body(bufa, True, HALF_START), (cur_v, cur_i, tv))
        resv[...] = cv
        resi[...] = ci

    @pl.when(wid != HALF_TILE)
    def _():
        resv[...] = cur_v
        resi[...] = cur_i

    pltpu.sync_copy(resv, outv_hbm.at[pl.ds(wid * 16, 16)])
    pltpu.sync_copy(resi, outi_hbm.at[pl.ds(wid * 16, 16)])


def _sc_dist_topk(mnvT, smp):
    mesh = plsc.VectorSubcoreMesh(core_axis_name="c", subcore_axis_name="s")
    f = pl.kernel(
        _sc_body,
        mesh=mesh,
        compiler_params=pltpu.CompilerParams(
            needs_layout_passes=False, use_tc_tiling_on_sc=True),
        out_type=[
            jax.ShapeDtypeStruct((NTILES * 16,), jnp.float32),
            jax.ShapeDtypeStruct((NTILES * 16,), jnp.int32),
        ],
        scratch_types=[
            pltpu.VMEM((D, CHUNK), jnp.float32),
            pltpu.VMEM((D, CHUNK), jnp.float32),
            pltpu.VMEM((16,), jnp.float32),
            pltpu.VMEM((16,), jnp.float32),
            pltpu.VMEM((16,), jnp.int32),
            pltpu.SemaphoreType.DMA,
            pltpu.SemaphoreType.DMA,
        ],
    )
    return f(mnvT, smp)


def _tc_merge_body(v_ref, i_ref, tail_ref, s_ref, idx_ref, val_ref):
    t = tail_ref[...]
    sv = s_ref[...]
    td = jnp.sum((t - sv) ** 2, axis=0)
    td = jnp.where(lax.iota(jnp.int32, 128) < K - TC_START, td,
                   jnp.float32(jnp.inf))
    ti = TC_START + lax.iota(jnp.int32, 128)
    V = jnp.concatenate([v_ref[...], td])
    I = jnp.concatenate([i_ref[...], ti])
    big = jnp.int32(2**31 - 1)
    inf = jnp.float32(jnp.inf)
    idxs = []
    vals = []
    for _ in range(8):
        m = jnp.min(V)
        sel = V == m
        ci = jnp.min(jnp.where(sel, I, big))
        idxs.append(ci)
        vals.append(m)
        V = jnp.where(sel & (I == ci), inf, V)
    idx_ref[...] = jnp.stack(idxs)
    val_ref[...] = jnp.sqrt(jnp.stack(vals))


def _tc_merge(cv, ci, mnvT, smp):
    return pl.pallas_call(
        _tc_merge_body,
        grid=(1,),
        in_specs=[
            pl.BlockSpec((NTILES * 16,), lambda i: (0,)),
            pl.BlockSpec((NTILES * 16,), lambda i: (0,)),
            pl.BlockSpec((D, 128), lambda i: (0, TC_START // 128)),
            pl.BlockSpec((D, 1), lambda i: (0, 0)),
        ],
        out_specs=[
            pl.BlockSpec((8,), lambda i: (0,)),
            pl.BlockSpec((8,), lambda i: (0,)),
        ],
        out_shape=[
            jax.ShapeDtypeStruct((8,), jnp.int32),
            jax.ShapeDtypeStruct((8,), jnp.float32),
        ],
    )(cv, ci, mnvT, smp)


def kernel(samples, map_node_values, n):
    mnvT = map_node_values.T
    cv, ci = _sc_dist_topk(mnvT, samples)
    idx, vals = _tc_merge(cv, ci, mnvT, samples.reshape(D, 1))
    return idx, vals

# --- scband reference (transcript-rebuilt; emitter-appended) ---
"""Pipeline reference for scband-som-39221641347646 (READ-ONLY COPY).

The authoritative reference and input builder live on the scoring server;
editing this copy changes nothing except your own understanding.
"""

import jax, jax.numpy as jnp
import numpy as np

K = 1000000
D = 16
N_NEIGHBORS = 8


def setup_inputs(seed: int = 0) -> dict:
    key = jax.random.key(seed)
    k1, k2 = jax.random.split(key)
    samples = jax.random.normal(k1, (D,), dtype=jnp.float32)
    map_node_values = jax.random.normal(k2, (K, D), dtype=jnp.float32)
    return {"samples": samples, "map_node_values": map_node_values, "n": N_NEIGHBORS}


def reference(samples, map_node_values, n):
    # dist = torch.norm(samples - map_node_values, dim=1) ; samples [D] broadcasts against [K, D]
    dist = jnp.linalg.norm(samples - map_node_values, axis=1)
    # knn = dist.topk(n, largest=False) -> smallest-n distances
    neg_vals, idx = jax.lax.top_k(-dist, N_NEIGHBORS)
    idx = idx + (n - N_NEIGHBORS)
    vals = -neg_vals
    return (idx, vals)

if __name__ == "__main__":
    import jax
    _d = setup_inputs()
    print(jax.jit(kernel)(*tuple(_d.values())))

</pallas_src>

<mosaic_0001>
#map = affine_map<(d0, d1) -> (0, 0)>
#map1 = affine_map<(d0, d1) -> (0)>
module attributes {stable_mosaic.version = 14 : i64} {
  func.func @_sc_body(%arg0: i32, %arg1: i32, %arg2: memref<16x1000000xf32, #tpu.memory_space<hbm>>, %arg3: memref<16xf32, #tpu.memory_space<hbm>>, %arg4: memref<512xf32, #tpu.memory_space<hbm>>, %arg5: memref<512xi32, #tpu.memory_space<hbm>>, %arg6: memref<16x2048xf32, #tpu.memory_space<vmem>>, %arg7: memref<16x2048xf32, #tpu.memory_space<vmem>>, %arg8: memref<16xf32, #tpu.memory_space<vmem>>, %arg9: memref<16xf32, #tpu.memory_space<vmem>>, %arg10: memref<16xi32, #tpu.memory_space<vmem>>, %arg11: memref<!tpu.dma_semaphore, #tpu.memory_space<semaphore_mem>>, %arg12: memref<!tpu.dma_semaphore, #tpu.memory_space<semaphore_mem>>) attributes {dimension_semantics = [#tpu.dimension_semantics<core_parallel>, #tpu.dimension_semantics<subcore_parallel>], iteration_bounds = array<i64: 2, 16>, scalar_prefetch = 0 : i64, scratch_operands = 7 : i64, tpu.core_type = #tpu.core_type<sc_vector_subcore>, window_params = [{transform_indices = #map}, {transform_indices = #map1}, {transform_indices = #map1}, {transform_indices = #map1}]} {
    %mul3A = arith.constant 2 : i32
    %mul3A_0 = arith.muli %arg1, %mul3A : i32
    %add3A = arith.addi %mul3A_0, %arg0 : i32
    "tpu.region"() ({
      %run_scoped3A = tpu.sem_alloc : memref<!tpu.dma_semaphore, #tpu.memory_space<semaphore_mem>>
      tpu.enqueue_dma source(%arg3 : memref<16xf32, #tpu.memory_space<hbm>>) target(%arg8 : memref<16xf32, #tpu.memory_space<vmem>>) target_semaphore(%run_scoped3A : memref<!tpu.dma_semaphore, #tpu.memory_space<semaphore_mem>>)
      tpu.wait_dma2 semaphore(%run_scoped3A : memref<!tpu.dma_semaphore, #tpu.memory_space<semaphore_mem>>) src(%arg3 : memref<16xf32, #tpu.memory_space<hbm>>) dst(%arg8 : memref<16xf32, #tpu.memory_space<vmem>>)
      tpu.yield
    }) : () -> ()
    %get3A = arith.constant 0 : index
    %get3A_1 = tpu.vector_load %arg8[%get3A] {strides = array<i32>} : memref<16xf32, #tpu.memory_space<vmem>>, vector<16xf32>,
    %iota3A = tpu.iota {dimensions = array<i32: 0>} : vector<16xi32>
    %broadcast_in_dim3A = arith.constant 0 : i32
    %broadcast_in_dim3A_2 = vector.broadcast %broadcast_in_dim3A : i32 to vector<16xi32>
    %broadcast_in_dim3A_3 = vector.shape_cast %broadcast_in_dim3A_2 : vector<16xi32> to vector<16x1xi32>
    %gather3A = vector.shape_cast %broadcast_in_dim3A_3 : vector<16x1xi32> to vector<16xi32>
    %gather3A_4 = tpu.dynamic_gather %get3A_1[%gather3A] in [0] : vector<16xf32>, vector<16xi32> -> vector<16xf32>
    %broadcast_in_dim3A_5 = arith.constant 1 : i32
    %broadcast_in_dim3A_6 = vector.broadcast %broadcast_in_dim3A_5 : i32 to vector<16xi32>
    %broadcast_in_dim3A_7 = vector.shape_cast %broadcast_in_dim3A_6 : vector<16xi32> to vector<16x1xi32>
    %gather3A_8 = vector.shape_cast %broadcast_in_dim3A_7 : vector<16x1xi32> to vector<16xi32>
    %gather3A_9 = tpu.dynamic_gather %get3A_1[%gather3A_8] in [0] : vector<16xf32>, vector<16xi32> -> vector<16xf32>
    %broadcast_in_dim3A_10 = arith.constant 2 : i32
    %broadcast_in_dim3A_11 = vector.broadcast %broadcast_in_dim3A_10 : i32 to vector<16xi32>
    %broadcast_in_dim3A_12 = vector.shape_cast %broadcast_in_dim3A_11 : vector<16xi32> to vector<16x1xi32>
    %gather3A_13 = vector.shape_cast %broadcast_in_dim3A_12 : vector<16x1xi32> to vector<16xi32>
    %gather3A_14 = tpu.dynamic_gather %get3A_1[%gather3A_13] in [0] : vector<16xf32>, vector<16xi32> -> vector<16xf32>
    %broadcast_in_dim3A_15 = arith.constant 3 : i32
    %broadcast_in_dim3A_16 = vector.broadcast %broadcast_in_dim3A_15 : i32 to vector<16xi32>
    %broadcast_in_dim3A_17 = vector.shape_cast %broadcast_in_dim3A_16 : vector<16xi32> to vector<16x1xi32>
    %gather3A_18 = vector.shape_cast %broadcast_in_dim3A_17 : vector<16x1xi32> to vector<16xi32>
    %gather3A_19 = tpu.dynamic_gather %get3A_1[%gather3A_18] in [0] : vector<16xf32>, vector<16xi32> -> vector<16xf32>
    %broadcast_in_dim3A_20 = arith.constant 4 : i32
    %broadcast_in_dim3A_21 = vector.broadcast %broadcast_in_dim3A_20 : i32 to vector<16xi32>
    %broadcast_in_dim3A_22 = vector.shape_cast %broadcast_in_dim3A_21 : vector<16xi32> to vector<16x1xi32>
    %gather3A_23 = vector.shape_cast %broadcast_in_dim3A_22 : vector<16x1xi32> to vector<16xi32>
    %gather3A_24 = tpu.dynamic_gather %get3A_1[%gather3A_23] in [0] : vector<16xf32>, vector<16xi32> -> vector<16xf32>
    %broadcast_in_dim3A_25 = arith.constant 5 : i32
    %broadcast_in_dim3A_26 = vector.broadcast %broadcast_in_dim3A_25 : i32 to vector<16xi32>
    %broadcast_in_dim3A_27 = vector.shape_cast %broadcast_in_dim3A_26 : vector<16xi32> to vector<16x1xi32>
    %gather3A_28 = vector.shape_cast %broadcast_in_dim3A_27 : vector<16x1xi32> to vector<16xi32>
    %gather3A_29 = tpu.dynamic_gather %get3A_1[%gather3A_28] in [0] : vector<16xf32>, vector<16xi32> -> vector<16xf32>
    %broadcast_in_dim3A_30 = arith.constant 6 : i32
    %broadcast_in_dim3A_31 = vector.broadcast %broadcast_in_dim3A_30 : i32 to vector<16xi32>
    %broadcast_in_dim3A_32 = vector.shape_cast %broadcast_in_dim3A_31 : vector<16xi32> to vector<16x1xi32>
    %gather3A_33 = vector.shape_cast %broadcast_in_dim3A_32 : vector<16x1xi32> to vector<16xi32>
    %gather3A_34 = tpu.dynamic_gather %get3A_1[%gather3A_33] in [0] : vector<16xf32>, vector<16xi32> -> vector<16xf32>
    %broadcast_in_dim3A_35 = arith.constant 7 : i32
    %broadcast_in_dim3A_36 = vector.broadcast %broadcast_in_dim3A_35 : i32 to vector<16xi32>
    %broadcast_in_dim3A_37 = vector.shape_cast %broadcast_in_dim3A_36 : vector<16xi32> to vector<16x1xi32>
    %gather3A_38 = vector.shape_cast %broadcast_in_dim3A_37 : vector<16x1xi32> to vector<16xi32>
    %gather3A_39 = tpu.dynamic_gather %get3A_1[%gather3A_38] in [0] : vector<16xf32>, vector<16xi32> -> vector<16xf32>
    %broadcast_in_dim3A_40 = arith.constant 8 : i32
    %broadcast_in_dim3A_41 = vector.broadcast %broadcast_in_dim3A_40 : i32 to vector<16xi32>
    %broadcast_in_dim3A_42 = vector.shape_cast %broadcast_in_dim3A_41 : vector<16xi32> to vector<16x1xi32>
    %gather3A_43 = vector.shape_cast %broadcast_in_dim3A_42 : vector<16x1xi32> to vector<16xi32>
    %gather3A_44 = tpu.dynamic_gather %get3A_1[%gather3A_43] in [0] : vector<16xf32>, vector<16xi32> -> vector<16xf32>
    %broadcast_in_dim3A_45 = arith.constant 9 : i32
    %broadcast_in_dim3A_46 = vector.broadcast %broadcast_in_dim3A_45 : i32 to vector<16xi32>
    %broadcast_in_dim3A_47 = vector.shape_cast %broadcast_in_dim3A_46 : vector<16xi32> to vector<16x1xi32>
    %gather3A_48 = vector.shape_cast %broadcast_in_dim3A_47 : vector<16x1xi32> to vector<16xi32>
    %gather3A_49 = tpu.dynamic_gather %get3A_1[%gather3A_48] in [0] : vector<16xf32>, vector<16xi32> -> vector<16xf32>
    %broadcast_in_dim3A_50 = arith.constant 10 : i32
    %broadcast_in_dim3A_51 = vector.broadcast %broadcast_in_dim3A_50 : i32 to vector<16xi32>
    %broadcast_in_dim3A_52 = vector.shape_cast %broadcast_in_dim3A_51 : vector<16xi32> to vector<16x1xi32>
    %gather3A_53 = vector.shape_cast %broadcast_in_dim3A_52 : vector<16x1xi32> to vector<16xi32>
    %gather3A_54 = tpu.dynamic_gather %get3A_1[%gather3A_53] in [0] : vector<16xf32>, vector<16xi32> -> vector<16xf32>
    %broadcast_in_dim3A_55 = arith.constant 11 : i32
    %broadcast_in_dim3A_56 = vector.broadcast %broadcast_in_dim3A_55 : i32 to vector<16xi32>
    %broadcast_in_dim3A_57 = vector.shape_cast %broadcast_in_dim3A_56 : vector<16xi32> to vector<16x1xi32>
    %gather3A_58 = vector.shape_cast %broadcast_in_dim3A_57 : vector<16x1xi32> to vector<16xi32>
    %gather3A_59 = tpu.dynamic_gather %get3A_1[%gather3A_58] in [0] : vector<16xf32>, vector<16xi32> -> vector<16xf32>
    %broadcast_in_dim3A_60 = arith.constant 12 : i32
    %broadcast_in_dim3A_61 = vector.broadcast %broadcast_in_dim3A_60 : i32 to vector<16xi32>
    %broadcast_in_dim3A_62 = vector.shape_cast %broadcast_in_dim3A_61 : vector<16xi32> to vector<16x1xi32>
    %gather3A_63 = vector.shape_cast %broadcast_in_dim3A_62 : vector<16x1xi32> to vector<16xi32>
    %gather3A_64 = tpu.dynamic_gather %get3A_1[%gather3A_63] in [0] : vector<16xf32>, vector<16xi32> -> vector<16xf32>
    %broadcast_in_dim3A_65 = arith.constant 13 : i32
    %broadcast_in_dim3A_66 = vector.broadcast %broadcast_in_dim3A_65 : i32 to vector<16xi32>
    %broadcast_in_dim3A_67 = vector.shape_cast %broadcast_in_dim3A_66 : vector<16xi32> to vector<16x1xi32>
    %gather3A_68 = vector.shape_cast %broadcast_in_dim3A_67 : vector<16x1xi32> to vector<16xi32>
    %gather3A_69 = tpu.dynamic_gather %get3A_1[%gather3A_68] in [0] : vector<16xf32>, vector<16xi32> -> vector<16xf32>
    %broadcast_in_dim3A_70 = arith.constant 14 : i32
    %broadcast_in_dim3A_71 = vector.broadcast %broadcast_in_dim3A_70 : i32 to vector<16xi32>
    %broadcast_in_dim3A_72 = vector.shape_cast %broadcast_in_dim3A_71 : vector<16xi32> to vector<16x1xi32>
    %gather3A_73 = vector.shape_cast %broadcast_in_dim3A_72 : vector<16x1xi32> to vector<16xi32>
    %gather3A_74 = tpu.dynamic_gather %get3A_1[%gather3A_73] in [0] : vector<16xf32>, vector<16xi32> -> vector<16xf32>
    %broadcast_in_dim3A_75 = arith.constant 15 : i32
    %broadcast_in_dim3A_76 = vector.broadcast %broadcast_in_dim3A_75 : i32 to vector<16xi32>
    %broadcast_in_dim3A_77 = vector.shape_cast %broadcast_in_dim3A_76 : vector<16xi32> to vector<16x1xi32>
    %gather3A_78 = vector.shape_cast %broadcast_in_dim3A_77 : vector<16x1xi32> to vector<16xi32>
    %gather3A_79 = tpu.dynamic_gather %get3A_1[%gather3A_78] in [0] : vector<16xf32>, vector<16xi32> -> vector<16xf32>
    %add3A_80 = arith.constant 0 : i32
    %add3A_81 = arith.addi %add3A, %add3A_80 : i32
    %lt3A = arith.constant 488 : i32
    %lt3A_82 = arith.cmpi slt, %add3A_81, %lt3A : i32
    %select_n3A = arith.select %lt3A_82, %add3A_81, %add3A : i32
    %mul3A_83 = arith.constant 2048 : i32
    %mul3A_84 = arith.muli %select_n3A, %mul3A_83 : i32
    %dma_start3A = arith.constant 0 : i32
    %dma_start3A_85 = tpu.memref_slice %arg2[%dma_start3A, %mul3A_84] : memref<16x1000000xf32, #tpu.memory_space<hbm>> -> memref<16x2048xf32, #tpu.memory_space<hbm>>
    %dma_start3A_86 = arith.constant 0 : i32
    %dma_start3A_87 = tpu.memref_slice %arg2[%dma_start3A_86, %mul3A_84] : memref<16x1000000xf32, #tpu.memory_space<hbm>> -> memref<16x2048xf32, #tpu.memory_space<hbm>>
    tpu.enqueue_dma source(%dma_start3A_87 : memref<16x2048xf32, #tpu.memory_space<hbm>>) target(%arg6 : memref<16x2048xf32, #tpu.memory_space<vmem>>) target_semaphore(%arg11 : memref<!tpu.dma_semaphore, #tpu.memory_space<semaphore_mem>>)
    %broadcast_in_dim3A_88 = arith.constant 0x7F800000 : f32
    %broadcast_in_dim3A_89 = vector.broadcast %broadcast_in_dim3A_88 : f32 to vector<16xf32>
    %broadcast_in_dim3A_90 = arith.constant 0 : i32
    %broadcast_in_dim3A_91 = vector.broadcast %broadcast_in_dim3A_90 : i32 to vector<16xi32>
    %broadcast_in_dim3A_92 = arith.constant 0x7F800000 : f32
    %broadcast_in_dim3A_93 = vector.broadcast %broadcast_in_dim3A_92 : f32 to vector<16xf32>
    %scan3A = arith.constant 0 : i32
    %scan3A_94 = arith.constant 8 : i32
    %scan3A_95 = arith.addi %scan3A, %scan3A_94 : i32
    %scan3A_96 = arith.constant 1 : i32
    %scan3A_97:3 = scf.for %scan3A_119 = %scan3A to %scan3A_95 step %scan3A_96 iter_args(%scan3A_120 = %broadcast_in_dim3A_89, %scan3A_121 = %broadcast_in_dim3A_91, %scan3A_122 = %broadcast_in_dim3A_93) -> (vector<16xf32>, vector<16xi32>, vector<16xf32>)  : i32 {
      %mul3A_123 = arith.constant 2 : i32
      %mul3A_124 = arith.muli %scan3A_119, %mul3A_123 : i32
      %mul3A_125 = arith.constant 32 : i32
      %mul3A_126 = arith.muli %mul3A_124, %mul3A_125 : i32
      %add3A_127 = arith.addi %add3A, %mul3A_126 : i32
      %lt3A_128 = arith.constant 488 : i32
      %lt3A_129 = arith.cmpi slt, %add3A_127, %lt3A_128 : i32
      %select_n3A_130 = arith.select %lt3A_129, %add3A_127, %add3A : i32
      %add3A_131 = arith.constant 1 : i32
      %add3A_132 = arith.addi %mul3A_124, %add3A_131 : i32
      %mul3A_133 = arith.constant 32 : i32
      %mul3A_134 = arith.muli %add3A_132, %mul3A_133 : i32
      %add3A_135 = arith.addi %add3A, %mul3A_134 : i32
      %lt3A_136 = arith.constant 488 : i32
      %lt3A_137 = arith.cmpi slt, %add3A_135, %lt3A_136 : i32
      %select_n3A_138 = arith.select %lt3A_137, %add3A_135, %add3A : i32
      %add3A_139 = arith.constant 2 : i32
      %add3A_140 = arith.addi %mul3A_124, %add3A_139 : i32
      %mul3A_141 = arith.constant 32 : i32
      %mul3A_142 = arith.muli %add3A_140, %mul3A_141 : i32
      %add3A_143 = arith.addi %add3A, %mul3A_142 : i32
      %lt3A_144 = arith.constant 488 : i32
      %lt3A_145 = arith.cmpi slt, %add3A_143, %lt3A_144 : i32
      %select_n3A_146 = arith.select %lt3A_145, %add3A_143, %add3A : i32
      %mul3A_147 = arith.constant 2048 : i32
      %mul3A_148 = arith.muli %select_n3A_130, %mul3A_147 : i32
      %dma_wait3A_149 = arith.constant 0 : i32
      %dma_wait3A_150 = tpu.memref_slice %arg2[%dma_wait3A_149, %mul3A_148] : memref<16x1000000xf32, #tpu.memory_space<hbm>> -> memref<16x2048xf32, #tpu.memory_space<hbm>>
      %dma_wait3A_151 = arith.constant 0 : i32
      %dma_wait3A_152 = tpu.memref_slice %arg2[%dma_wait3A_151, %mul3A_148] : memref<16x1000000xf32, #tpu.memory_space<hbm>> -> memref<16x2048xf32, #tpu.memory_space<hbm>>
      tpu.wait_dma2 semaphore(%arg11 : memref<!tpu.dma_semaphore, #tpu.memory_space<semaphore_mem>>) src(%dma_wait3A_152 : memref<16x2048xf32, #tpu.memory_space<hbm>>) dst(%arg6 : memref<16x2048xf32, #tpu.memory_space<vmem>>)
      %mul3A_153 = arith.constant 2048 : i32
      %mul3A_154 = arith.muli %select_n3A_138, %mul3A_153 : i32
      %dma_start3A_155 = arith.constant 0 : i32
      %dma_start3A_156 = tpu.memref_slice %arg2[%dma_start3A_155, %mul3A_154] : memref<16x1000000xf32, #tpu.memory_space<hbm>> -> memref<16x2048xf32, #tpu.memory_space<hbm>>
      %dma_start3A_157 = arith.constant 0 : i32
      %dma_start3A_158 = tpu.memref_slice %arg2[%dma_start3A_157, %mul3A_154] : memref<16x1000000xf32, #tpu.memory_space<hbm>> -> memref<16x2048xf32, #tpu.memory_space<hbm>>
      tpu.enqueue_dma source(%dma_start3A_158 : memref<16x2048xf32, #tpu.memory_space<hbm>>) target(%arg7 : memref<16x2048xf32, #tpu.memory_space<vmem>>) target_semaphore(%arg12 : memref<!tpu.dma_semaphore, #tpu.memory_space<semaphore_mem>>)
      %mul3A_159 = arith.constant 2048 : i32
      %mul3A_160 = arith.muli %select_n3A_130, %mul3A_159 : i32
      %scan3A_161 = arith.constant 0 : i32
      %scan3A_162 = arith.constant 32 : i32
      %scan3A_163 = arith.addi %scan3A_161, %scan3A_162 : i32
      %scan3A_164 = arith.constant 1 : i32
      %scan3A_165:3 = scf.for %scan3A_187 = %scan3A_161 to %scan3A_163 step %scan3A_164 iter_args(%scan3A_188 = %scan3A_120, %scan3A_189 = %scan3A_121, %scan3A_190 = %scan3A_122) -> (vector<16xf32>, vector<16xi32>, vector<16xf32>)  : i32 {
        %mul3A_191 = arith.constant 4 : i32
        %mul3A_192 = arith.muli %scan3A_187, %mul3A_191 : i32
        %add3A_193 = arith.constant 0 : i32
        %add3A_194 = arith.addi %mul3A_192, %add3A_193 : i32
        %mul3A_195 = arith.constant 16 : i32
        %mul3A_196 = arith.muli %add3A_194, %mul3A_195 : i32
        %broadcast_in_dim3A_197 = arith.constant 0.000000e+00 : f32
        %broadcast_in_dim3A_198 = vector.broadcast %broadcast_in_dim3A_197 : f32 to vector<16xf32>
        %broadcast_in_dim3A_199 = arith.constant 0.000000e+00 : f32
        %broadcast_in_dim3A_200 = vector.broadcast %broadcast_in_dim3A_199 : f32 to vector<16xf32>
        %broadcast_in_dim3A_201 = arith.constant 0.000000e+00 : f32
        %broadcast_in_dim3A_202 = vector.broadcast %broadcast_in_dim3A_201 : f32 to vector<16xf32>
        %broadcast_in_dim3A_203 = arith.constant 0.000000e+00 : f32
        %broadcast_in_dim3A_204 = vector.broadcast %broadcast_in_dim3A_203 : f32 to vector<16xf32>
        %get3A_205 = arith.constant 0 : i32
        %get3A_206 = arith.index_cast %get3A_205 : i32 to index
        %get3A_207 = arith.index_cast %mul3A_196 : i32 to index
        %get3A_208 = tpu.vector_load %arg6[%get3A_206, %get3A_207] {strides = array<i32>} : memref<16x2048xf32, #tpu.memory_space<vmem>>, vector<16xf32>,
        %sub3A = arith.subf %get3A_208, %gather3A_4 : vector<16xf32>
        %mul3A_209 = arith.mulf %sub3A, %sub3A : vector<16xf32>
        %add3A_210 = arith.addf %broadcast_in_dim3A_198, %mul3A_209 : vector<16xf32>
        %get3A_211 = arith.constant 1 : i32
        %get3A_212 = arith.index_cast %get3A_211 : i32 to index
        %get3A_213 = arith.index_cast %mul3A_196 : i32 to index
        %get3A_214 = tpu.vector_load %arg6[%get3A_212, %get3A_213] {strides = array<i32>} : memref<16x2048xf32, #tpu.memory_space<vmem>>, vector<16xf32>,
        %sub3A_215 = arith.subf %get3A_214, %gather3A_9 : vector<16xf32>
        %mul3A_216 = arith.mulf %sub3A_215, %sub3A_215 : vector<16xf32>
        %add3A_217 = arith.addf %broadcast_in_dim3A_200, %mul3A_216 : vector<16xf32>
        %get3A_218 = arith.constant 2 : i32
        %get3A_219 = arith.index_cast %get3A_218 : i32 to index
        %get3A_220 = arith.index_cast %mul3A_196 : i32 to index
        %get3A_221 = tpu.vector_load %arg6[%get3A_219, %get3A_220] {strides = array<i32>} : memref<16x2048xf32, #tpu.memory_space<vmem>>, vector<16xf32>,
        %sub3A_222 = arith.subf %get3A_221, %gather3A_14 : vector<16xf32>
        %mul3A_223 = arith.mulf %sub3A_222, %sub3A_222 : vector<16xf32>
        %add3A_224 = arith.addf %broadcast_in_dim3A_202, %mul3A_223 : vector<16xf32>
        %get3A_225 = arith.constant 3 : i32
        %get3A_226 = arith.index_cast %get3A_225 : i32 to index
        %get3A_227 = arith.index_cast %mul3A_196 : i32 to index
        %get3A_228 = tpu.vector_load %arg6[%get3A_226, %get3A_227] {strides = array<i32>} : memref<16x2048xf32, #tpu.memory_space<vmem>>, vector<16xf32>,
        %sub3A_229 = arith.subf %get3A_228, %gather3A_19 : vector<16xf32>
        %mul3A_230 = arith.mulf %sub3A_229, %sub3A_229 : vector<16xf32>
        %add3A_231 = arith.addf %broadcast_in_dim3A_204, %mul3A_230 : vector<16xf32>
        %get3A_232 = arith.constant 4 : i32
        %get3A_233 = arith.index_cast %get3A_232 : i32 to index
        %get3A_234 = arith.index_cast %mul3A_196 : i32 to index
        %get3A_235 = tpu.vector_load %arg6[%get3A_233, %get3A_234] {strides = array<i32>} : memref<16x2048xf32, #tpu.memory_space<vmem>>, vector<16xf32>,
        %sub3A_236 = arith.subf %get3A_235, %gather3A_24 : vector<16xf32>
        %mul3A_237 = arith.mulf %sub3A_236, %sub3A_236 : vector<16xf32>
        %add3A_238 = arith.addf %add3A_210, %mul3A_237 : vector<16xf32>
        %get3A_239 = arith.constant 5 : i32
        %get3A_240 = arith.index_cast %get3A_239 : i32 to index
        %get3A_241 = arith.index_cast %mul3A_196 : i32 to index
        %get3A_242 = tpu.vector_load %arg6[%get3A_240, %get3A_241] {strides = array<i32>} : memref<16x2048xf32, #tpu.memory_space<vmem>>, vector<16xf32>,
        %sub3A_243 = arith.subf %get3A_242, %gather3A_29 : vector<16xf32>
        %mul3A_244 = arith.mulf %sub3A_243, %sub3A_243 : vector<16xf32>
        %add3A_245 = arith.addf %add3A_217, %mul3A_244 : vector<16xf32>
        %get3A_246 = arith.constant 6 : i32
        %get3A_247 = arith.index_cast %get3A_246 : i32 to index
        %get3A_248 = arith.index_cast %mul3A_196 : i32 to index
        %get3A_249 = tpu.vector_load %arg6[%get3A_247, %get3A_248] {strides = array<i32>} : memref<16x2048xf32, #tpu.memory_space<vmem>>, vector<16xf32>,
        %sub3A_250 = arith.subf %get3A_249, %gather3A_34 : vector<16xf32>
        %mul3A_251 = arith.mulf %sub3A_250, %sub3A_250 : vector<16xf32>
        %add3A_252 = arith.addf %add3A_224, %mul3A_251 : vector<16xf32>
        %get3A_253 = arith.constant 7 : i32
        %get3A_254 = arith.index_cast %get3A_253 : i32 to index
        %get3A_255 = arith.index_cast %mul3A_196 : i32 to index
        %get3A_256 = tpu.vector_load %arg6[%get3A_254, %get3A_255] {strides = array<i32>} : memref<16x2048xf32, #tpu.memory_space<vmem>>, vector<16xf32>,
        %sub3A_257 = arith.subf %get3A_256, %gather3A_39 : vector<16xf32>
        %mul3A_258 = arith.mulf %sub3A_257, %sub3A_257 : vector<16xf32>
        %add3A_259 = arith.addf %add3A_231, %mul3A_258 : vector<16xf32>
        %get3A_260 = arith.constant 8 : i32
        %get3A_261 = arith.index_cast %get3A_260 : i32 to index
        %get3A_262 = arith.index_cast %mul3A_196 : i32 to index
        %get3A_263 = tpu.vector_load %arg6[%get3A_261, %get3A_262] {strides = array<i32>} : memref<16x2048xf32, #tpu.memory_space<vmem>>, vector<16xf32>,
        %sub3A_264 = arith.subf %get3A_263, %gather3A_44 : vector<16xf32>
        %mul3A_265 = arith.mulf %sub3A_264, %sub3A_264 : vector<16xf32>
        %add3A_266 = arith.addf %add3A_238, %mul3A_265 : vector<16xf32>
        %get3A_267 = arith.constant 9 : i32
        %get3A_268 = arith.index_cast %get3A_267 : i32 to index
        %get3A_269 = arith.index_cast %mul3A_196 : i32 to index
        %get3A_270 = tpu.vector_load %arg6[%get3A_268, %get3A_269] {strides = array<i32>} : memref<16x2048xf32, #tpu.memory_space<vmem>>, vector<16xf32>,
        %sub3A_271 = arith.subf %get3A_270, %gather3A_49 : vector<16xf32>
        %mul3A_272 = arith.mulf %sub3A_271, %sub3A_271 : vector<16xf32>
        %add3A_273 = arith.addf %add3A_245, %mul3A_272 : vector<16xf32>
        %get3A_274 = arith.constant 10 : i32
        %get3A_275 = arith.index_cast %get3A_274 : i32 to index
        %get3A_276 = arith.index_cast %mul3A_196 : i32 to index
        %get3A_277 = tpu.vector_load %arg6[%get3A_275, %get3A_276] {strides = array<i32>} : memref<16x2048xf32, #tpu.memory_space<vmem>>, vector<16xf32>,
        %sub3A_278 = arith.subf %get3A_277, %gather3A_54 : vector<16xf32>
        %mul3A_279 = arith.mulf %sub3A_278, %sub3A_278 : vector<16xf32>
        %add3A_280 = arith.addf %add3A_252, %mul3A_279 : vector<16xf32>
        %get3A_281 = arith.constant 11 : i32
        %get3A_282 = arith.index_cast %get3A_281 : i32 to index
        %get3A_283 = arith.index_cast %mul3A_196 : i32 to index
        %get3A_284 = tpu.vector_load %arg6[%get3A_282, %get3A_283] {strides = array<i32>} : memref<16x2048xf32, #tpu.memory_space<vmem>>, vector<16xf32>,
        %sub3A_285 = arith.subf %get3A_284, %gather3A_59 : vector<16xf32>
        %mul3A_286 = arith.mulf %sub3A_285, %sub3A_285 : vector<16xf32>
        %add3A_287 = arith.addf %add3A_259, %mul3A_286 : vector<16xf32>
        %get3A_288 = arith.constant 12 : i32
        %get3A_289 = arith.index_cast %get3A_288 : i32 to index
        %get3A_290 = arith.index_cast %mul3A_196 : i32 to index
        %get3A_291 = tpu.vector_load %arg6[%get3A_289, %get3A_290] {strides = array<i32>} : memref<16x2048xf32, #tpu.memory_space<vmem>>, vector<16xf32>,
        %sub3A_292 = arith.subf %get3A_291, %gather3A_64 : vector<16xf32>
        %mul3A_293 = arith.mulf %sub3A_292, %sub3A_292 : vector<16xf32>
        %add3A_294 = arith.addf %add3A_266, %mul3A_293 : vector<16xf32>
        %get3A_295 = arith.constant 13 : i32
        %get3A_296 = arith.index_cast %get3A_295 : i32 to index
        %get3A_297 = arith.index_cast %mul3A_196 : i32 to index
        %get3A_298 = tpu.vector_load %arg6[%get3A_296, %get3A_297] {strides = array<i32>} : memref<16x2048xf32, #tpu.memory_space<vmem>>, vector<16xf32>,
        %sub3A_299 = arith.subf %get3A_298, %gather3A_69 : vector<16xf32>
        %mul3A_300 = arith.mulf %sub3A_299, %sub3A_299 : vector<16xf32>
        %add3A_301 = arith.addf %add3A_273, %mul3A_300 : vector<16xf32>
        %get3A_302 = arith.constant 14 : i32
        %get3A_303 = arith.index_cast %get3A_302 : i32 to index
        %get3A_304 = arith.index_cast %mul3A_196 : i32 to index
        %get3A_305 = tpu.vector_load %arg6[%get3A_303, %get3A_304] {strides = array<i32>} : memref<16x2048xf32, #tpu.memory_space<vmem>>, vector<16xf32>,
        %sub3A_306 = arith.subf %get3A_305, %gather3A_74 : vector<16xf32>
        %mul3A_307 = arith.mulf %sub3A_306, %sub3A_306 : vector<16xf32>
        %add3A_308 = arith.addf %add3A_280, %mul3A_307 : vector<16xf32>
        %get3A_309 = arith.constant 15 : i32
        %get3A_310 = arith.index_cast %get3A_309 : i32 to index
        %get3A_311 = arith.index_cast %mul3A_196 : i32 to index
        %get3A_312 = tpu.vector_load %arg6[%get3A_310, %get3A_311] {strides = array<i32>} : memref<16x2048xf32, #tpu.memory_space<vmem>>, vector<16xf32>,
        %sub3A_313 = arith.subf %get3A_312, %gather3A_79 : vector<16xf32>
        %mul3A_314 = arith.mulf %sub3A_313, %sub3A_313 : vector<16xf32>
        %add3A_315 = arith.addf %add3A_287, %mul3A_314 : vector<16xf32>
        %add3A_316 = arith.addf %add3A_294, %add3A_301 : vector<16xf32>
        %add3A_317 = arith.addf %add3A_308, %add3A_315 : vector<16xf32>
        %add3A_318 = arith.addf %add3A_316, %add3A_317 : vector<16xf32>
        %add3A_319 = arith.constant 1 : i32
        %add3A_320 = arith.addi %mul3A_192, %add3A_319 : i32
        %mul3A_321 = arith.constant 16 : i32
        %mul3A_322 = arith.muli %add3A_320, %mul3A_321 : i32
        %broadcast_in_dim3A_323 = arith.constant 0.000000e+00 : f32
        %broadcast_in_dim3A_324 = vector.broadcast %broadcast_in_dim3A_323 : f32 to vector<16xf32>
        %broadcast_in_dim3A_325 = arith.constant 0.000000e+00 : f32
        %broadcast_in_dim3A_326 = vector.broadcast %broadcast_in_dim3A_325 : f32 to vector<16xf32>
        %broadcast_in_dim3A_327 = arith.constant 0.000000e+00 : f32
        %broadcast_in_dim3A_328 = vector.broadcast %broadcast_in_dim3A_327 : f32 to vector<16xf32>
        %broadcast_in_dim3A_329 = arith.constant 0.000000e+00 : f32
        %broadcast_in_dim3A_330 = vector.broadcast %broadcast_in_dim3A_329 : f32 to vector<16xf32>
        %get3A_331 = arith.constant 0 : i32
        %get3A_332 = arith.index_cast %get3A_331 : i32 to index
        %get3A_333 = arith.index_cast %mul3A_322 : i32 to index
        %get3A_334 = tpu.vector_load %arg6[%get3A_332, %get3A_333] {strides = array<i32>} : memref<16x2048xf32, #tpu.memory_space<vmem>>, vector<16xf32>,
        %sub3A_335 = arith.subf %get3A_334, %gather3A_4 : vector<16xf32>
        %mul3A_336 = arith.mulf %sub3A_335, %sub3A_335 : vector<16xf32>
        %add3A_337 = arith.addf %broadcast_in_dim3A_324, %mul3A_336 : vector<16xf32>
        %get3A_338 = arith.constant 1 : i32
        %get3A_339 = arith.index_cast %get3A_338 : i32 to index
        %get3A_340 = arith.index_cast %mul3A_322 : i32 to index
        %get3A_341 = tpu.vector_load %arg6[%get3A_339, %get3A_340] {strides = array<i32>} : memref<16x2048xf32, #tpu.memory_space<vmem>>, vector<16xf32>,
        %sub3A_342 = arith.subf %get3A_341, %gather3A_9 : vector<16xf32>
        %mul3A_343 = arith.mulf %sub3A_342, %sub3A_342 : vector<16xf32>
        %add3A_344 = arith.addf %broadcast_in_dim3A_326, %mul3A_343 : vector<16xf32>
        %get3A_345 = arith.constant 2 : i32
        %get3A_346 = arith.index_cast %get3A_345 : i32 to index
        %get3A_347 = arith.index_cast %mul3A_322 : i32 to index
        %get3A_348 = tpu.vector_load %arg6[%get3A_346, %get3A_347] {strides = array<i32>} : memref<16x2048xf32, #tpu.memory_space<vmem>>, vector<16xf32>,
        %sub3A_349 = arith.subf %get3A_348, %gather3A_14 : vector<16xf32>
        %mul3A_350 = arith.mulf %sub3A_349, %sub3A_349 : vector<16xf32>
        %add3A_351 = arith.addf %broadcast_in_dim3A_328, %mul3A_350 : vector<16xf32>
        %get3A_352 = arith.constant 3 : i32
        %get3A_353 = arith.index_cast %get3A_352 : i32 to index
        %get3A_354 = arith.index_cast %mul3A_322 : i32 to index
        %get3A_355 = tpu.vector_load %arg6[%get3A_353, %get3A_354] {strides = array<i32>} : memref<16x2048xf32, #tpu.memory_space<vmem>>, vector<16xf32>,
        %sub3A_356 = arith.subf %get3A_355, %gather3A_19 : vector<16xf32>
        %mul3A_357 = arith.mulf %sub3A_356, %sub3A_356 : vector<16xf32>
        %add3A_358 = arith.addf %broadcast_in_dim3A_330, %mul3A_357 : vector<16xf32>
        %get3A_359 = arith.constant 4 : i32
        %get3A_360 = arith.index_cast %get3A_359 : i32 to index
        %get3A_361 = arith.index_cast %mul3A_322 : i32 to index
        %get3A_362 = tpu.vector_load %arg6[%get3A_360, %get3A_361] {strides = array<i32>} : memref<16x2048xf32, #tpu.memory_space<vmem>>, vector<16xf32>,
        %sub3A_363 = arith.subf %get3A_362, %gather3A_24 : vector<16xf32>
        %mul3A_364 = arith.mulf %sub3A_363, %sub3A_363 : vector<16xf32>
        %add3A_365 = arith.addf %add3A_337, %mul3A_364 : vector<16xf32>
        %get3A_366 = arith.constant 5 : i32
        %get3A_367 = arith.index_cast %get3A_366 : i32 to index
        %get3A_368 = arith.index_cast %mul3A_322 : i32 to index
        %get3A_369 = tpu.vector_load %arg6[%get3A_367, %get3A_368] {strides = array<i32>} : memref<16x2048xf32, #tpu.memory_space<vmem>>, vector<16xf32>,
        %sub3A_370 = arith.subf %get3A_369, %gather3A_29 : vector<16xf32>
        %mul3A_371 = arith.mulf %sub3A_370, %sub3A_370 : vector<16xf32>
        %add3A_372 = arith.addf %add3A_344, %mul3A_371 : vector<16xf32>
        %get3A_373 = arith.constant 6 : i32
        %get3A_374 = arith.index_cast %get3A_373 : i32 to index
        %get3A_375 = arith.index_cast %mul3A_322 : i32 to index
        %get3A_376 = tpu.vector_load %arg6[%get3A_374, %get3A_375] {strides = array<i32>} : memref<16x2048xf32, #tpu.memory_space<vmem>>, vector<16xf32>,
        %sub3A_377 = arith.subf %get3A_376, %gather3A_34 : vector<16xf32>
        %mul3A_378 = arith.mulf %sub3A_377, %sub3A_377 : vector<16xf32>
        %add3A_379 = arith.addf %add3A_351, %mul3A_378 : vector<16xf32>
        %get3A_380 = arith.constant 7 : i32
        %get3A_381 = arith.index_cast %get3A_380 : i32 to index
        %get3A_382 = arith.index_cast %mul3A_322 : i32 to index
        %get3A_383 = tpu.vector_load %arg6[%get3A_381, %get3A_382] {strides = array<i32>} : memref<16x2048xf32, #tpu.memory_space<vmem>>, vector<16xf32>,
        %sub3A_384 = arith.subf %get3A_383, %gather3A_39 : vector<16xf32>
        %mul3A_385 = arith.mulf %sub3A_384, %sub3A_384 : vector<16xf32>
        %add3A_386 = arith.addf %add3A_358, %mul3A_385 : vector<16xf32>
        %get3A_387 = arith.constant 8 : i32
        %get3A_388 = arith.index_cast %get3A_387 : i32 to index
        %get3A_389 = arith.index_cast %mul3A_322 : i32 to index
        %get3A_390 = tpu.vector_load %arg6[%get3A_388, %get3A_389] {strides = array<i32>} : memref<16x2048xf32, #tpu.memory_space<vmem>>, vector<16xf32>,
        %sub3A_391 = arith.subf %get3A_390, %gather3A_44 : vector<16xf32>
        %mul3A_392 = arith.mulf %sub3A_391, %sub3A_391 : vector<16xf32>
        %add3A_393 = arith.addf %add3A_365, %mul3A_392 : vector<16xf32>
        %get3A_394 = arith.constant 9 : i32
        %get3A_395 = arith.index_cast %get3A_394 : i32 to index
        %get3A_396 = arith.index_cast %mul3A_322 : i32 to index
        %get3A_397 = tpu.vector_load %arg6[%get3A_395, %get3A_396] {strides = array<i32>} : memref<16x2048xf32, #tpu.memory_space<vmem>>, vector<16xf32>,
        %sub3A_398 = arith.subf %get3A_397, %gather3A_49 : vector<16xf32>
        %mul3A_399 = arith.mulf %sub3A_398, %sub3A_398 : vector<16xf32>
        %add3A_400 = arith.addf %add3A_372, %mul3A_399 : vector<16xf32>
        %get3A_401 = arith.constant 10 : i32
        %get3A_402 = arith.index_cast %get3A_401 : i32 to index
        %get3A_403 = arith.index_cast %mul3A_322 : i32 to index
        %get3A_404 = tpu.vector_load %arg6[%get3A_402, %get3A_403] {strides = array<i32>} : memref<16x2048xf32, #tpu.memory_space<vmem>>, vector<16xf32>,
        %sub3A_405 = arith.subf %get3A_404, %gather3A_54 : vector<16xf32>
        %mul3A_406 = arith.mulf %sub3A_405, %sub3A_405 : vector<16xf32>
        %add3A_407 = arith.addf %add3A_379, %mul3A_406 : vector<16xf32>
        %get3A_408 = arith.constant 11 : i32
        %get3A_409 = arith.index_cast %get3A_408 : i32 to index
        %get3A_410 = arith.index_cast %mul3A_322 : i32 to index
        %get3A_411 = tpu.vector_load %arg6[%get3A_409, %get3A_410] {strides = array<i32>} : memref<16x2048xf32, #tpu.memory_space<vmem>>, vector<16xf32>,
        %sub3A_412 = arith.subf %get3A_411, %gather3A_59 : vector<16xf32>
        %mul3A_413 = arith.mulf %sub3A_412, %sub3A_412 : vector<16xf32>
        %add3A_414 = arith.addf %add3A_386, %mul3A_413 : vector<16xf32>
        %get3A_415 = arith.constant 12 : i32
        %get3A_416 = arith.index_cast %get3A_415 : i32 to index
        %get3A_417 = arith.index_cast %mul3A_322 : i32 to index
        %get3A_418 = tpu.vector_load %arg6[%get3A_416, %get3A_417] {strides = array<i32>} : memref<16x2048xf32, #tpu.memory_space<vmem>>, vector<16xf32>,
        %sub3A_419 = arith.subf %get3A_418, %gather3A_64 : vector<16xf32>
        %mul3A_420 = arith.mulf %sub3A_419, %sub3A_419 : vector<16xf32>
        %add3A_421 = arith.addf %add3A_393, %mul3A_420 : vector<16xf32>
        %get3A_422 = arith.constant 13 : i32
        %get3A_423 = arith.index_cast %get3A_422 : i32 to index
        %get3A_424 = arith.index_cast %mul3A_322 : i32 to index
        %get3A_425 = tpu.vector_load %arg6[%get3A_423, %get3A_424] {strides = array<i32>} : memref<16x2048xf32, #tpu.memory_space<vmem>>, vector<16xf32>,
        %sub3A_426 = arith.subf %get3A_425, %gather3A_69 : vector<16xf32>
        %mul3A_427 = arith.mulf %sub3A_426, %sub3A_426 : vector<16xf32>
        %add3A_428 = arith.addf %add3A_400, %mul3A_427 : vector<16xf32>
        %get3A_429 = arith.constant 14 : i32
        %get3A_430 = arith.index_cast %get3A_429 : i32 to index
        %get3A_431 = arith.index_cast %mul3A_322 : i32 to index
        %get3A_432 = tpu.vector_load %arg6[%get3A_430, %get3A_431] {strides = array<i32>} : memref<16x2048xf32, #tpu.memory_space<vmem>>, vector<16xf32>,
        %sub3A_433 = arith.subf %get3A_432, %gather3A_74 : vector<16xf32>
        %mul3A_434 = arith.mulf %sub3A_433, %sub3A_433 : vector<16xf32>
        %add3A_435 = arith.addf %add3A_407, %mul3A_434 : vector<16xf32>
        %get3A_436 = arith.constant 15 : i32
        %get3A_437 = arith.index_cast %get3A_436 : i32 to index
        %get3A_438 = arith.index_cast %mul3A_322 : i32 to index
        %get3A_439 = tpu.vector_load %arg6[%get3A_437, %get3A_438] {strides = array<i32>} : memref<16x2048xf32, #tpu.memory_space<vmem>>, vector<16xf32>,
        %sub3A_440 = arith.subf %get3A_439, %gather3A_79 : vector<16xf32>
        %mul3A_441 = arith.mulf %sub3A_440, %sub3A_440 : vector<16xf32>
        %add3A_442 = arith.addf %add3A_414, %mul3A_441 : vector<16xf32>
        %add3A_443 = arith.addf %add3A_421, %add3A_428 : vector<16xf32>
        %add3A_444 = arith.addf %add3A_435, %add3A_442 : vector<16xf32>
        %add3A_445 = arith.addf %add3A_443, %add3A_444 : vector<16xf32>
        %add3A_446 = arith.constant 2 : i32
        %add3A_447 = arith.addi %mul3A_192, %add3A_446 : i32
        %mul3A_448 = arith.constant 16 : i32
        %mul3A_449 = arith.muli %add3A_447, %mul3A_448 : i32
        %broadcast_in_dim3A_450 = arith.constant 0.000000e+00 : f32
        %broadcast_in_dim3A_451 = vector.broadcast %broadcast_in_dim3A_450 : f32 to vector<16xf32>
        %broadcast_in_dim3A_452 = arith.constant 0.000000e+00 : f32
        %broadcast_in_dim3A_453 = vector.broadcast %broadcast_in_dim3A_452 : f32 to vector<16xf32>
        %broadcast_in_dim3A_454 = arith.constant 0.000000e+00 : f32
        %broadcast_in_dim3A_455 = vector.broadcast %broadcast_in_dim3A_454 : f32 to vector<16xf32>
        %broadcast_in_dim3A_456 = arith.constant 0.000000e+00 : f32
        %broadcast_in_dim3A_457 = vector.broadcast %broadcast_in_dim3A_456 : f32 to vector<16xf32>
        %get3A_458 = arith.constant 0 : i32
        %get3A_459 = arith.index_cast %get3A_458 : i32 to index
        %get3A_460 = arith.index_cast %mul3A_449 : i32 to index
        %get3A_461 = tpu.vector_load %arg6[%get3A_459, %get3A_460] {strides = array<i32>} : memref<16x2048xf32, #tpu.memory_space<vmem>>, vector<16xf32>,
        %sub3A_462 = arith.subf %get3A_461, %gather3A_4 : vector<16xf32>
        %mul3A_463 = arith.mulf %sub3A_462, %sub3A_462 : vector<16xf32>
        %add3A_464 = arith.addf %broadcast_in_dim3A_451, %mul3A_463 : vector<16xf32>
        %get3A_465 = arith.constant 1 : i32
        %get3A_466 = arith.index_cast %get3A_465 : i32 to index
        %get3A_467 = arith.index_cast %mul3A_449 : i32 to index
        %get3A_468 = tpu.vector_load %arg6[%get3A_466, %get3A_467] {strides = array<i32>} : memref<16x2048xf32, #tpu.memory_space<vmem>>, vector<16xf32>,
        %sub3A_469 = arith.subf %get3A_468, %gather3A_9 : vector<16xf32>
        %mul3A_470 = arith.mulf %sub3A_469, %sub3A_469 : vector<16xf32>
        %add3A_471 = arith.addf %broadcast_in_dim3A_453, %mul3A_470 : vector<16xf32>
        %get3A_472 = arith.constant 2 : i32
        %get3A_473 = arith.index_cast %get3A_472 : i32 to index
        %get3A_474 = arith.index_cast %mul3A_449 : i32 to index
        %get3A_475 = tpu.vector_load %arg6[%get3A_473, %get3A_474] {strides = array<i32>} : memref<16x2048xf32, #tpu.memory_space<vmem>>, vector<16xf32>,
        %sub3A_476 = arith.subf %get3A_475, %gather3A_14 : vector<16xf32>
        %mul3A_477 = arith.mulf %sub3A_476, %sub3A_476 : vector<16xf32>
        %add3A_478 = arith.addf %broadcast_in_dim3A_455, %mul3A_477 : vector<16xf32>
        %get3A_479 = arith.constant 3 : i32
        %get3A_480 = arith.index_cast %get3A_479 : i32 to index
        %get3A_481 = arith.index_cast %mul3A_449 : i32 to index
        %get3A_482 = tpu.vector_load %arg6[%get3A_480, %get3A_481] {strides = array<i32>} : memref<16x2048xf32, #tpu.memory_space<vmem>>, vector<16xf32>,
        %sub3A_483 = arith.subf %get3A_482, %gather3A_19 : vector<16xf32>
        %mul3A_484 = arith.mulf %sub3A_483, %sub3A_483 : vector<16xf32>
        %add3A_485 = arith.addf %broadcast_in_dim3A_457, %mul3A_484 : vector<16xf32>
        %get3A_486 = arith.constant 4 : i32
        %get3A_487 = arith.index_cast %get3A_486 : i32 to index
        %get3A_488 = arith.index_cast %mul3A_449 : i32 to index
        %get3A_489 = tpu.vector_load %arg6[%get3A_487, %get3A_488] {strides = array<i32>} : memref<16x2048xf32, #tpu.memory_space<vmem>>, vector<16xf32>,
        %sub3A_490 = arith.subf %get3A_489, %gather3A_24 : vector<16xf32>
        %mul3A_491 = arith.mulf %sub3A_490, %sub3A_490 : vector<16xf32>
        %add3A_492 = arith.addf %add3A_464, %mul3A_491 : vector<16xf32>
        %get3A_493 = arith.constant 5 : i32
        %get3A_494 = arith.index_cast %get3A_493 : i32 to index
        %get3A_495 = arith.index_cast %mul3A_449 : i32 to index
        %get3A_496 = tpu.vector_load %arg6[%get3A_494, %get3A_495] {strides = array<i32>} : memref<16x2048xf32, #tpu.memory_space<vmem>>, vector<16xf32>,
        %sub3A_497 = arith.subf %get3A_496, %gather3A_29 : vector<16xf32>
        %mul3A_498 = arith.mulf %sub3A_497, %sub3A_497 : vector<16xf32>
        %add3A_499 = arith.addf %add3A_471, %mul3A_498 : vector<16xf32>
        %get3A_500 = arith.constant 6 : i32
        %get3A_501 = arith.index_cast %get3A_500 : i32 to index
        %get3A_502 = arith.index_cast %mul3A_449 : i32 to index
        %get3A_503 = tpu.vector_load %arg6[%get3A_501, %get3A_502] {strides = array<i32>} : memref<16x2048xf32, #tpu.memory_space<vmem>>, vector<16xf32>,
        %sub3A_504 = arith.subf %get3A_503, %gather3A_34 : vector<16xf32>
        %mul3A_505 = arith.mulf %sub3A_504, %sub3A_504 : vector<16xf32>
        %add3A_506 = arith.addf %add3A_478, %mul3A_505 : vector<16xf32>
        %get3A_507 = arith.constant 7 : i32
        %get3A_508 = arith.index_cast %get3A_507 : i32 to index
        %get3A_509 = arith.index_cast %mul3A_449 : i32 to index
        %get3A_510 = tpu.vector_load %arg6[%get3A_508, %get3A_509] {strides = array<i32>} : memref<16x2048xf32, #tpu.memory_space<vmem>>, vector<16xf32>,
        %sub3A_511 = arith.subf %get3A_510, %gather3A_39 : vector<16xf32>
        %mul3A_512 = arith.mulf %sub3A_511, %sub3A_511 : vector<16xf32>
        %add3A_513 = arith.addf %add3A_485, %mul3A_512 : vector<16xf32>
        %get3A_514 = arith.constant 8 : i32
        %get3A_515 = arith.index_cast %get3A_514 : i32 to index
        %get3A_516 = arith.index_cast %mul3A_449 : i32 to index
        %get3A_517 = tpu.vector_load %arg6[%get3A_515, %get3A_516] {strides = array<i32>} : memref<16x2048xf32, #tpu.memory_space<vmem>>, vector<16xf32>,
        %sub3A_518 = arith.subf %get3A_517, %gather3A_44 : vector<16xf32>
        %mul3A_519 = arith.mulf %sub3A_518, %sub3A_518 : vector<16xf32>
        %add3A_520 = arith.addf %add3A_492, %mul3A_519 : vector<16xf32>
        %get3A_521 = arith.constant 9 : i32
        %get3A_522 = arith.index_cast %get3A_521 : i32 to index
        %get3A_523 = arith.index_cast %mul3A_449 : i32 to index
        %get3A_524 = tpu.vector_load %arg6[%get3A_522, %get3A_523] {strides = array<i32>} : memref<16x2048xf32, #tpu.memory_space<vmem>>, vector<16xf32>,
        %sub3A_525 = arith.subf %get3A_524, %gather3A_49 : vector<16xf32>
        %mul3A_526 = arith.mulf %sub3A_525, %sub3A_525 : vector<16xf32>
        %add3A_527 = arith.addf %add3A_499, %mul3A_526 : vector<16xf32>
        %get3A_528 = arith.constant 10 : i32
        %get3A_529 = arith.index_cast %get3A_528 : i32 to index
        %get3A_530 = arith.index_cast %mul3A_449 : i32 to index
        %get3A_531 = tpu.vector_load %arg6[%get3A_529, %get3A_530] {strides = array<i32>} : memref<16x2048xf32, #tpu.memory_space<vmem>>, vector<16xf32>,
        %sub3A_532 = arith.subf %get3A_531, %gather3A_54 : vector<16xf32>
        %mul3A_533 = arith.mulf %sub3A_532, %sub3A_532 : vector<16xf32>
        %add3A_534 = arith.addf %add3A_506, %mul3A_533 : vector<16xf32>
        %get3A_535 = arith.constant 11 : i32
        %get3A_536 = arith.index_cast %get3A_535 : i32 to index
        %get3A_537 = arith.index_cast %mul3A_449 : i32 to index
        %get3A_538 = tpu.vector_load %arg6[%get3A_536, %get3A_537] {strides = array<i32>} : memref<16x2048xf32, #tpu.memory_space<vmem>>, vector<16xf32>,
        %sub3A_539 = arith.subf %get3A_538, %gather3A_59 : vector<16xf32>
        %mul3A_540 = arith.mulf %sub3A_539, %sub3A_539 : vector<16xf32>
        %add3A_541 = arith.addf %add3A_513, %mul3A_540 : vector<16xf32>
        %get3A_542 = arith.constant 12 : i32
        %get3A_543 = arith.index_cast %get3A_542 : i32 to index
        %get3A_544 = arith.index_cast %mul3A_449 : i32 to index
        %get3A_545 = tpu.vector_load %arg6[%get3A_543, %get3A_544] {strides = array<i32>} : memref<16x2048xf32, #tpu.memory_space<vmem>>, vector<16xf32>,
        %sub3A_546 = arith.subf %get3A_545, %gather3A_64 : vector<16xf32>
        %mul3A_547 = arith.mulf %sub3A_546, %sub3A_546 : vector<16xf32>
        %add3A_548 = arith.addf %add3A_520, %mul3A_547 : vector<16xf32>
        %get3A_549 = arith.constant 13 : i32
        %get3A_550 = arith.index_cast %get3A_549 : i32 to index
        %get3A_551 = arith.index_cast %mul3A_449 : i32 to index
        %get3A_552 = tpu.vector_load %arg6[%get3A_550, %get3A_551] {strides = array<i32>} : memref<16x2048xf32, #tpu.memory_space<vmem>>, vector<16xf32>,
        %sub3A_553 = arith.subf %get3A_552, %gather3A_69 : vector<16xf32>
        %mul3A_554 = arith.mulf %sub3A_553, %sub3A_553 : vector<16xf32>
        %add3A_555 = arith.addf %add3A_527, %mul3A_554 : vector<16xf32>
        %get3A_556 = arith.constant 14 : i32
        %get3A_557 = arith.index_cast %get3A_556 : i32 to index
        %get3A_558 = arith.index_cast %mul3A_449 : i32 to index
        %get3A_559 = tpu.vector_load %arg6[%get3A_557, %get3A_558] {strides = array<i32>} : memref<16x2048xf32, #tpu.memory_space<vmem>>, vector<16xf32>,
        %sub3A_560 = arith.subf %get3A_559, %gather3A_74 : vector<16xf32>
        %mul3A_561 = arith.mulf %sub3A_560, %sub3A_560 : vector<16xf32>
        %add3A_562 = arith.addf %add3A_534, %mul3A_561 : vector<16xf32>
        %get3A_563 = arith.constant 15 : i32
        %get3A_564 = arith.index_cast %get3A_563 : i32 to index
        %get3A_565 = arith.index_cast %mul3A_449 : i32 to index
        %get3A_566 = tpu.vector_load %arg6[%get3A_564, %get3A_565] {strides = array<i32>} : memref<16x2048xf32, #tpu.memory_space<vmem>>, vector<16xf32>,
        %sub3A_567 = arith.subf %get3A_566, %gather3A_79 : vector<16xf32>
        %mul3A_568 = arith.mulf %sub3A_567, %sub3A_567 : vector<16xf32>
        %add3A_569 = arith.addf %add3A_541, %mul3A_568 : vector<16xf32>
        %add3A_570 = arith.addf %add3A_548, %add3A_555 : vector<16xf32>
        %add3A_571 = arith.addf %add3A_562, %add3A_569 : vector<16xf32>
        %add3A_572 = arith.addf %add3A_570, %add3A_571 : vector<16xf32>
        %add3A_573 = arith.constant 3 : i32
        %add3A_574 = arith.addi %mul3A_192, %add3A_573 : i32
        %mul3A_575 = arith.constant 16 : i32
        %mul3A_576 = arith.muli %add3A_574, %mul3A_575 : i32
        %broadcast_in_dim3A_577 = arith.constant 0.000000e+00 : f32
        %broadcast_in_dim3A_578 = vector.broadcast %broadcast_in_dim3A_577 : f32 to vector<16xf32>
        %broadcast_in_dim3A_579 = arith.constant 0.000000e+00 : f32
        %broadcast_in_dim3A_580 = vector.broadcast %broadcast_in_dim3A_579 : f32 to vector<16xf32>
        %broadcast_in_dim3A_581 = arith.constant 0.000000e+00 : f32
        %broadcast_in_dim3A_582 = vector.broadcast %broadcast_in_dim3A_581 : f32 to vector<16xf32>
        %broadcast_in_dim3A_583 = arith.constant 0.000000e+00 : f32
        %broadcast_in_dim3A_584 = vector.broadcast %broadcast_in_dim3A_583 : f32 to vector<16xf32>
        %get3A_585 = arith.constant 0 : i32
        %get3A_586 = arith.index_cast %get3A_585 : i32 to index
        %get3A_587 = arith.index_cast %mul3A_576 : i32 to index
        %get3A_588 = tpu.vector_load %arg6[%get3A_586, %get3A_587] {strides = array<i32>} : memref<16x2048xf32, #tpu.memory_space<vmem>>, vector<16xf32>,
        %sub3A_589 = arith.subf %get3A_588, %gather3A_4 : vector<16xf32>
        %mul3A_590 = arith.mulf %sub3A_589, %sub3A_589 : vector<16xf32>
        %add3A_591 = arith.addf %broadcast_in_dim3A_578, %mul3A_590 : vector<16xf32>
        %get3A_592 = arith.constant 1 : i32
        %get3A_593 = arith.index_cast %get3A_592 : i32 to index
        %get3A_594 = arith.index_cast %mul3A_576 : i32 to index
        %get3A_595 = tpu.vector_load %arg6[%get3A_593, %get3A_594] {strides = array<i32>} : memref<16x2048xf32, #tpu.memory_space<vmem>>, vector<16xf32>,
        %sub3A_596 = arith.subf %get3A_595, %gather3A_9 : vector<16xf32>
        %mul3A_597 = arith.mulf %sub3A_596, %sub3A_596 : vector<16xf32>
        %add3A_598 = arith.addf %broadcast_in_dim3A_580, %mul3A_597 : vector<16xf32>
        %get3A_599 = arith.constant 2 : i32
        %get3A_600 = arith.index_cast %get3A_599 : i32 to index
        %get3A_601 = arith.index_cast %mul3A_576 : i32 to index
        %get3A_602 = tpu.vector_load %arg6[%get3A_600, %get3A_601] {strides = array<i32>} : memref<16x2048xf32, #tpu.memory_space<vmem>>, vector<16xf32>,
        %sub3A_603 = arith.subf %get3A_602, %gather3A_14 : vector<16xf32>
        %mul3A_604 = arith.mulf %sub3A_603, %sub3A_603 : vector<16xf32>
        %add3A_605 = arith.addf %broadcast_in_dim3A_582, %mul3A_604 : vector<16xf32>
        %get3A_606 = arith.constant 3 : i32
        %get3A_607 = arith.index_cast %get3A_606 : i32 to index
        %get3A_608 = arith.index_cast %mul3A_576 : i32 to index
        %get3A_609 = tpu.vector_load %arg6[%get3A_607, %get3A_608] {strides = array<i32>} : memref<16x2048xf32, #tpu.memory_space<vmem>>, vector<16xf32>,
        %sub3A_610 = arith.subf %get3A_609, %gather3A_19 : vector<16xf32>
        %mul3A_611 = arith.mulf %sub3A_610, %sub3A_610 : vector<16xf32>
        %add3A_612 = arith.addf %broadcast_in_dim3A_584, %mul3A_611 : vector<16xf32>
        %get3A_613 = arith.constant 4 : i32
        %get3A_614 = arith.index_cast %get3A_613 : i32 to index
        %get3A_615 = arith.index_cast %mul3A_576 : i32 to index
        %get3A_616 = tpu.vector_load %arg6[%get3A_614, %get3A_615] {strides = array<i32>} : memref<16x2048xf32, #tpu.memory_space<vmem>>, vector<16xf32>,
        %sub3A_617 = arith.subf %get3A_616, %gather3A_24 : vector<16xf32>
        %mul3A_618 = arith.mulf %sub3A_617, %sub3A_617 : vector<16xf32>
        %add3A_619 = arith.addf %add3A_591, %mul3A_618 : vector<16xf32>
        %get3A_620 = arith.constant 5 : i32
        %get3A_621 = arith.index_cast %get3A_620 : i32 to index
        %get3A_622 = arith.index_cast %mul3A_576 : i32 to index
        %get3A_623 = tpu.vector_load %arg6[%get3A_621, %get3A_622] {strides = array<i32>} : memref<16x2048xf32, #tpu.memory_space<vmem>>, vector<16xf32>,
        %sub3A_624 = arith.subf %get3A_623, %gather3A_29 : vector<16xf32>
        %mul3A_625 = arith.mulf %sub3A_624, %sub3A_624 : vector<16xf32>
        %add3A_626 = arith.addf %add3A_598, %mul3A_625 : vector<16xf32>
        %get3A_627 = arith.constant 6 : i32
        %get3A_628 = arith.index_cast %get3A_627 : i32 to index
        %get3A_629 = arith.index_cast %mul3A_576 : i32 to index
        %get3A_630 = tpu.vector_load %arg6[%get3A_628, %get3A_629] {strides = array<i32>} : memref<16x2048xf32, #tpu.memory_space<vmem>>, vector<16xf32>,
        %sub3A_631 = arith.subf %get3A_630, %gather3A_34 : vector<16xf32>
        %mul3A_632 = arith.mulf %sub3A_631, %sub3A_631 : vector<16xf32>
        %add3A_633 = arith.addf %add3A_605, %mul3A_632 : vector<16xf32>
        %get3A_634 = arith.constant 7 : i32
        %get3A_635 = arith.index_cast %get3A_634 : i32 to index
        %get3A_636 = arith.index_cast %mul3A_576 : i32 to index
        %get3A_637 = tpu.vector_load %arg6[%get3A_635, %get3A_636] {strides = array<i32>} : memref<16x2048xf32, #tpu.memory_space<vmem>>, vector<16xf32>,
        %sub3A_638 = arith.subf %get3A_637, %gather3A_39 : vector<16xf32>
        %mul3A_639 = arith.mulf %sub3A_638, %sub3A_638 : vector<16xf32>
        %add3A_640 = arith.addf %add3A_612, %mul3A_639 : vector<16xf32>
        %get3A_641 = arith.constant 8 : i32
        %get3A_642 = arith.index_cast %get3A_641 : i32 to index
        %get3A_643 = arith.index_cast %mul3A_576 : i32 to index
        %get3A_644 = tpu.vector_load %arg6[%get3A_642, %get3A_643] {strides = array<i32>} : memref<16x2048xf32, #tpu.memory_space<vmem>>, vector<16xf32>,
        %sub3A_645 = arith.subf %get3A_644, %gather3A_44 : vector<16xf32>
        %mul3A_646 = arith.mulf %sub3A_645, %sub3A_645 : vector<16xf32>
        %add3A_647 = arith.addf %add3A_619, %mul3A_646 : vector<16xf32>
        %get3A_648 = arith.constant 9 : i32
        %get3A_649 = arith.index_cast %get3A_648 : i32 to index
        %get3A_650 = arith.index_cast %mul3A_576 : i32 to index
        %get3A_651 = tpu.vector_load %arg6[%get3A_649, %get3A_650] {strides = array<i32>} : memref<16x2048xf32, #tpu.memory_space<vmem>>, vector<16xf32>,
        %sub3A_652 = arith.subf %get3A_651, %gather3A_49 : vector<16xf32>
        %mul3A_653 = arith.mulf %sub3A_652, %sub3A_652 : vector<16xf32>
        %add3A_654 = arith.addf %add3A_626, %mul3A_653 : vector<16xf32>
        %get3A_655 = arith.constant 10 : i32
        %get3A_656 = arith.index_cast %get3A_655 : i32 to index
        %get3A_657 = arith.index_cast %mul3A_576 : i32 to index
        %get3A_658 = tpu.vector_load %arg6[%get3A_656, %get3A_657] {strides = array<i32>} : memref<16x2048xf32, #tpu.memory_space<vmem>>, vector<16xf32>,
        %sub3A_659 = arith.subf %get3A_658, %gather3A_54 : vector<16xf32>
        %mul3A_660 = arith.mulf %sub3A_659, %sub3A_659 : vector<16xf32>
        %add3A_661 = arith.addf %add3A_633, %mul3A_660 : vector<16xf32>
        %get3A_662 = arith.constant 11 : i32
        %get3A_663 = arith.index_cast %get3A_662 : i32 to index
        %get3A_664 = arith.index_cast %mul3A_576 : i32 to index
        %get3A_665 = tpu.vector_load %arg6[%get3A_663, %get3A_664] {strides = array<i32>} : memref<16x2048xf32, #tpu.memory_space<vmem>>, vector<16xf32>,
        %sub3A_666 = arith.subf %get3A_665, %gather3A_59 : vector<16xf32>
        %mul3A_667 = arith.mulf %sub3A_666, %sub3A_666 : vector<16xf32>
        %add3A_668 = arith.addf %add3A_640, %mul3A_667 : vector<16xf32>
        %get3A_669 = arith.constant 12 : i32
        %get3A_670 = arith.index_cast %get3A_669 : i32 to index
        %get3A_671 = arith.index_cast %mul3A_576 : i32 to index
        %get3A_672 = tpu.vector_load %arg6[%get3A_670, %get3A_671] {strides = array<i32>} : memref<16x2048xf32, #tpu.memory_space<vmem>>, vector<16xf32>,
        %sub3A_673 = arith.subf %get3A_672, %gather3A_64 : vector<16xf32>
        %mul3A_674 = arith.mulf %sub3A_673, %sub3A_673 : vector<16xf32>
        %add3A_675 = arith.addf %add3A_647, %mul3A_674 : vector<16xf32>
        %get3A_676 = arith.constant 13 : i32
        %get3A_677 = arith.index_cast %get3A_676 : i32 to index
        %get3A_678 = arith.index_cast %mul3A_576 : i32 to index
        %get3A_679 = tpu.vector_load %arg6[%get3A_677, %get3A_678] {strides = array<i32>} : memref<16x2048xf32, #tpu.memory_space<vmem>>, vector<16xf32>,
        %sub3A_680 = arith.subf %get3A_679, %gather3A_69 : vector<16xf32>
        %mul3A_681 = arith.mulf %sub3A_680, %sub3A_680 : vector<16xf32>
        %add3A_682 = arith.addf %add3A_654, %mul3A_681 : vector<16xf32>
        %get3A_683 = arith.constant 14 : i32
        %get3A_684 = arith.index_cast %get3A_683 : i32 to index
        %get3A_685 = arith.index_cast %mul3A_576 : i32 to index
        %get3A_686 = tpu.vector_load %arg6[%get3A_684, %get3A_685] {strides = array<i32>} : memref<16x2048xf32, #tpu.memory_space<vmem>>, vector<16xf32>,
        %sub3A_687 = arith.subf %get3A_686, %gather3A_74 : vector<16xf32>
        %mul3A_688 = arith.mulf %sub3A_687, %sub3A_687 : vector<16xf32>
        %add3A_689 = arith.addf %add3A_661, %mul3A_688 : vector<16xf32>
        %get3A_690 = arith.constant 15 : i32
        %get3A_691 = arith.index_cast %get3A_690 : i32 to index
        %get3A_692 = arith.index_cast %mul3A_576 : i32 to index
        %get3A_693 = tpu.vector_load %arg6[%get3A_691, %get3A_692] {strides = array<i32>} : memref<16x2048xf32, #tpu.memory_space<vmem>>, vector<16xf32>,
        %sub3A_694 = arith.subf %get3A_693, %gather3A_79 : vector<16xf32>
        %mul3A_695 = arith.mulf %sub3A_694, %sub3A_694 : vector<16xf32>
        %add3A_696 = arith.addf %add3A_668, %mul3A_695 : vector<16xf32>
        %add3A_697 = arith.addf %add3A_675, %add3A_682 : vector<16xf32>
        %add3A_698 = arith.addf %add3A_689, %add3A_696 : vector<16xf32>
        %add3A_699 = arith.addf %add3A_697, %add3A_698 : vector<16xf32>
        %mul3A_700 = arith.constant 16 : i32
        %mul3A_701 = arith.muli %mul3A_192, %mul3A_700 : i32
        %add3A_702 = arith.addi %mul3A_160, %mul3A_701 : i32
        %add3A_703 = vector.broadcast %add3A_702 : i32 to vector<16xi32>
        %add3A_704 = arith.addi %add3A_703, %iota3A : vector<16xi32>
        %min3A = arith.minimumf %add3A_318, %add3A_445 : vector<16xf32>
        %min3A_705 = arith.minimumf %min3A, %add3A_572 : vector<16xf32>
        %min3A_706 = arith.minimumf %min3A_705, %add3A_699 : vector<16xf32>
        %lt3A_707 = arith.cmpf olt, %min3A_706, %scan3A_190 : vector<16xf32>
        %reduce_or3A = arith.constant 1.000000e+00 : f32
        %reduce_or3A_708 = arith.constant 0.000000e+00 : f32
        %reduce_or3A_709 = vector.broadcast %reduce_or3A : f32 to vector<16xf32>
        %reduce_or3A_710 = vector.broadcast %reduce_or3A_708 : f32 to vector<16xf32>
        %reduce_or3A_711 = arith.select %lt3A_707, %reduce_or3A_709, %reduce_or3A_710 : vector<16xi1>, vector<16xf32>
        %reduce_or3A_712 = arith.constant true
        %reduce_or3A_713 = vector.broadcast %reduce_or3A_712 : i1 to vector<16xi1>
        %reduce_or3A_714 = tpu.scan <max>, %reduce_or3A_711 masked %reduce_or3A_713 : vector<16xf32>, vector<16xi1> -> vector<16xf32>
        %reduce_or3A_715 = vector.extract %reduce_or3A_714[15] : f32 from vector<16xf32>
        %reduce_or3A_716 = arith.constant 0.000000e+00 : f32
        %reduce_or3A_717 = arith.cmpf ogt, %reduce_or3A_715, %reduce_or3A_716 : f32
        %and3A = arith.andi %lt3A_129, %reduce_or3A_717 : i1
        %convert_element_type3A_718 = arith.extui %and3A : i1 to i32
        %cond3A_719 = arith.constant 0 : i32
        %cond3A_720 = arith.cmpi ne, %convert_element_type3A_718, %cond3A_719 : i32
        %cond3A_721:3 = scf.if %cond3A_720 -> (vector<16xf32>, vector<16xi32>, vector<16xf32>) {
          %add3A_722 = arith.constant 0 : i32
          %add3A_723 = vector.broadcast %add3A_722 : i32 to vector<16xi32>
          %add3A_724 = arith.addi %add3A_704, %add3A_723 : vector<16xi32>
          %masked_sort3A = arith.constant dense<true> : vector<16xi1>
          %masked_sort3A_725, %masked_sort3A_726, %masked_sort3A_727 = tpu.sort %add3A_318, %add3A_724 masked %masked_sort3A : (vector<16xf32>, vector<16xi32>, vector<16xi1>) -> (vector<16xi1>, vector<16xf32>, vector<16xi32>)
          %rev3A = arith.constant 15 : i32
          %rev3A_728 = vector.broadcast %rev3A : i32 to vector<16xi32>
          %rev3A_729 = tpu.iota {dimensions = array<i32: 0>} : vector<16xi32>
          %rev3A_730 = arith.subi %rev3A_728, %rev3A_729 : vector<16xi32>
          %rev3A_731 = tpu.dynamic_gather %masked_sort3A_726[%rev3A_730] in [0] : vector<16xf32>, vector<16xi32> -> vector<16xf32>
          %rev3A_732 = arith.constant 15 : i32
          %rev3A_733 = vector.broadcast %rev3A_732 : i32 to vector<16xi32>
          %rev3A_734 = tpu.iota {dimensions = array<i32: 0>} : vector<16xi32>
          %rev3A_735 = arith.subi %rev3A_733, %rev3A_734 : vector<16xi32>
          %rev3A_736 = tpu.dynamic_gather %masked_sort3A_727[%rev3A_735] in [0] : vector<16xi32>, vector<16xi32> -> vector<16xi32>
          %le3A = arith.cmpf ole, %scan3A_188, %rev3A_731 : vector<16xf32>
          %select_n3A_737 = arith.select %le3A, %scan3A_188, %rev3A_731 : vector<16xi1>, vector<16xf32>
          %select_n3A_738 = arith.select %le3A, %scan3A_189, %rev3A_736 : vector<16xi1>, vector<16xi32>
          %masked_sort3A_739 = arith.constant dense<true> : vector<16xi1>
          %masked_sort3A_740, %masked_sort3A_741, %masked_sort3A_742 = tpu.sort %select_n3A_737, %select_n3A_738 masked %masked_sort3A_739 : (vector<16xf32>, vector<16xi32>, vector<16xi1>) -> (vector<16xi1>, vector<16xf32>, vector<16xi32>)
          %broadcast_in_dim3A_743 = arith.constant 7 : i32
          %broadcast_in_dim3A_744 = vector.broadcast %broadcast_in_dim3A_743 : i32 to vector<16xi32>
          %broadcast_in_dim3A_745 = vector.shape_cast %broadcast_in_dim3A_744 : vector<16xi32> to vector<16x1xi32>
          %gather3A_746 = vector.shape_cast %broadcast_in_dim3A_745 : vector<16x1xi32> to vector<16xi32>
          %gather3A_747 = tpu.dynamic_gather %masked_sort3A_741[%gather3A_746] in [0] : vector<16xf32>, vector<16xi32> -> vector<16xf32>
          %add3A_748 = arith.constant 16 : i32
          %add3A_749 = vector.broadcast %add3A_748 : i32 to vector<16xi32>
          %add3A_750 = arith.addi %add3A_704, %add3A_749 : vector<16xi32>
          %masked_sort3A_751 = arith.constant dense<true> : vector<16xi1>
          %masked_sort3A_752, %masked_sort3A_753, %masked_sort3A_754 = tpu.sort %add3A_445, %add3A_750 masked %masked_sort3A_751 : (vector<16xf32>, vector<16xi32>, vector<16xi1>) -> (vector<16xi1>, vector<16xf32>, vector<16xi32>)
          %rev3A_755 = arith.constant 15 : i32
          %rev3A_756 = vector.broadcast %rev3A_755 : i32 to vector<16xi32>
          %rev3A_757 = tpu.iota {dimensions = array<i32: 0>} : vector<16xi32>
          %rev3A_758 = arith.subi %rev3A_756, %rev3A_757 : vector<16xi32>
          %rev3A_759 = tpu.dynamic_gather %masked_sort3A_753[%rev3A_758] in [0] : vector<16xf32>, vector<16xi32> -> vector<16xf32>
          %rev3A_760 = arith.constant 15 : i32
          %rev3A_761 = vector.broadcast %rev3A_760 : i32 to vector<16xi32>
          %rev3A_762 = tpu.iota {dimensions = array<i32: 0>} : vector<16xi32>
          %rev3A_763 = arith.subi %rev3A_761, %rev3A_762 : vector<16xi32>
          %rev3A_764 = tpu.dynamic_gather %masked_sort3A_754[%rev3A_763] in [0] : vector<16xi32>, vector<16xi32> -> vector<16xi32>
          %le3A_765 = arith.cmpf ole, %masked_sort3A_741, %rev3A_759 : vector<16xf32>
          %select_n3A_766 = arith.select %le3A_765, %masked_sort3A_741, %rev3A_759 : vector<16xi1>, vector<16xf32>
          %select_n3A_767 = arith.select %le3A_765, %masked_sort3A_742, %rev3A_764 : vector<16xi1>, vector<16xi32>
          %masked_sort3A_768 = arith.constant dense<true> : vector<16xi1>
          %masked_sort3A_769, %masked_sort3A_770, %masked_sort3A_771 = tpu.sort %select_n3A_766, %select_n3A_767 masked %masked_sort3A_768 : (vector<16xf32>, vector<16xi32>, vector<16xi1>) -> (vector<16xi1>, vector<16xf32>, vector<16xi32>)
          %broadcast_in_dim3A_772 = arith.constant 7 : i32
          %broadcast_in_dim3A_773 = vector.broadcast %broadcast_in_dim3A_772 : i32 to vector<16xi32>
          %broadcast_in_dim3A_774 = vector.shape_cast %broadcast_in_dim3A_773 : vector<16xi32> to vector<16x1xi32>
          %gather3A_775 = vector.shape_cast %broadcast_in_dim3A_774 : vector<16x1xi32> to vector<16xi32>
          %gather3A_776 = tpu.dynamic_gather %masked_sort3A_770[%gather3A_775] in [0] : vector<16xf32>, vector<16xi32> -> vector<16xf32>
          %add3A_777 = arith.constant 32 : i32
          %add3A_778 = vector.broadcast %add3A_777 : i32 to vector<16xi32>
          %add3A_779 = arith.addi %add3A_704, %add3A_778 : vector<16xi32>
          %masked_sort3A_780 = arith.constant dense<true> : vector<16xi1>
          %masked_sort3A_781, %masked_sort3A_782, %masked_sort3A_783 = tpu.sort %add3A_572, %add3A_779 masked %masked_sort3A_780 : (vector<16xf32>, vector<16xi32>, vector<16xi1>) -> (vector<16xi1>, vector<16xf32>, vector<16xi32>)
          %rev3A_784 = arith.constant 15 : i32
          %rev3A_785 = vector.broadcast %rev3A_784 : i32 to vector<16xi32>
          %rev3A_786 = tpu.iota {dimensions = array<i32: 0>} : vector<16xi32>
          %rev3A_787 = arith.subi %rev3A_785, %rev3A_786 : vector<16xi32>
          %rev3A_788 = tpu.dynamic_gather %masked_sort3A_782[%rev3A_787] in [0] : vector<16xf32>, vector<16xi32> -> vector<16xf32>
          %rev3A_789 = arith.constant 15 : i32
          %rev3A_790 = vector.broadcast %rev3A_789 : i32 to vector<16xi32>
          %rev3A_791 = tpu.iota {dimensions = array<i32: 0>} : vector<16xi32>
          %rev3A_792 = arith.subi %rev3A_790, %rev3A_791 : vector<16xi32>
          %rev3A_793 = tpu.dynamic_gather %masked_sort3A_783[%rev3A_792] in [0] : vector<16xi32>, vector<16xi32> -> vector<16xi32>
          %le3A_794 = arith.cmpf ole, %masked_sort3A_770, %rev3A_788 : vector<16xf32>
          %select_n3A_795 = arith.select %le3A_794, %masked_sort3A_770, %rev3A_788 : vector<16xi1>, vector<16xf32>
          %select_n3A_796 = arith.select %le3A_794, %masked_sort3A_771, %rev3A_793 : vector<16xi1>, vector<16xi32>
          %masked_sort3A_797 = arith.constant dense<true> : vector<16xi1>
          %masked_sort3A_798, %masked_sort3A_799, %masked_sort3A_800 = tpu.sort %select_n3A_795, %select_n3A_796 masked %masked_sort3A_797 : (vector<16xf32>, vector<16xi32>, vector<16xi1>) -> (vector<16xi1>, vector<16xf32>, vector<16xi32>)
          %broadcast_in_dim3A_801 = arith.constant 7 : i32
          %broadcast_in_dim3A_802 = vector.broadcast %broadcast_in_dim3A_801 : i32 to vector<16xi32>
          %broadcast_in_dim3A_803 = vector.shape_cast %broadcast_in_dim3A_802 : vector<16xi32> to vector<16x1xi32>
          %gather3A_804 = vector.shape_cast %broadcast_in_dim3A_803 : vector<16x1xi32> to vector<16xi32>
          %gather3A_805 = tpu.dynamic_gather %masked_sort3A_799[%gather3A_804] in [0] : vector<16xf32>, vector<16xi32> -> vector<16xf32>
          %add3A_806 = arith.constant 48 : i32
          %add3A_807 = vector.broadcast %add3A_806 : i32 to vector<16xi32>
          %add3A_808 = arith.addi %add3A_704, %add3A_807 : vector<16xi32>
          %masked_sort3A_809 = arith.constant dense<true> : vector<16xi1>
          %masked_sort3A_810, %masked_sort3A_811, %masked_sort3A_812 = tpu.sort %add3A_699, %add3A_808 masked %masked_sort3A_809 : (vector<16xf32>, vector<16xi32>, vector<16xi1>) -> (vector<16xi1>, vector<16xf32>, vector<16xi32>)
          %rev3A_813 = arith.constant 15 : i32
          %rev3A_814 = vector.broadcast %rev3A_813 : i32 to vector<16xi32>
          %rev3A_815 = tpu.iota {dimensions = array<i32: 0>} : vector<16xi32>
          %rev3A_816 = arith.subi %rev3A_814, %rev3A_815 : vector<16xi32>
          %rev3A_817 = tpu.dynamic_gather %masked_sort3A_811[%rev3A_816] in [0] : vector<16xf32>, vector<16xi32> -> vector<16xf32>
          %rev3A_818 = arith.constant 15 : i32
          %rev3A_819 = vector.broadcast %rev3A_818 : i32 to vector<16xi32>
          %rev3A_820 = tpu.iota {dimensions = array<i32: 0>} : vector<16xi32>
          %rev3A_821 = arith.subi %rev3A_819, %rev3A_820 : vector<16xi32>
          %rev3A_822 = tpu.dynamic_gather %masked_sort3A_812[%rev3A_821] in [0] : vector<16xi32>, vector<16xi32> -> vector<16xi32>
          %le3A_823 = arith.cmpf ole, %masked_sort3A_799, %rev3A_817 : vector<16xf32>
          %select_n3A_824 = arith.select %le3A_823, %masked_sort3A_799, %rev3A_817 : vector<16xi1>, vector<16xf32>
          %select_n3A_825 = arith.select %le3A_823, %masked_sort3A_800, %rev3A_822 : vector<16xi1>, vector<16xi32>
          %masked_sort3A_826 = arith.constant dense<true> : vector<16xi1>
          %masked_sort3A_827, %masked_sort3A_828, %masked_sort3A_829 = tpu.sort %select_n3A_824, %select_n3A_825 masked %masked_sort3A_826 : (vector<16xf32>, vector<16xi32>, vector<16xi1>) -> (vector<16xi1>, vector<16xf32>, vector<16xi32>)
          %broadcast_in_dim3A_830 = arith.constant 7 : i32
          %broadcast_in_dim3A_831 = vector.broadcast %broadcast_in_dim3A_830 : i32 to vector<16xi32>
          %broadcast_in_dim3A_832 = vector.shape_cast %broadcast_in_dim3A_831 : vector<16xi32> to vector<16x1xi32>
          %gather3A_833 = vector.shape_cast %broadcast_in_dim3A_832 : vector<16x1xi32> to vector<16xi32>
          %gather3A_834 = tpu.dynamic_gather %masked_sort3A_828[%gather3A_833] in [0] : vector<16xf32>, vector<16xi32> -> vector<16xf32>
          scf.yield %masked_sort3A_828, %masked_sort3A_829, %gather3A_834 : vector<16xf32>, vector<16xi32>, vector<16xf32>
        } else {
          scf.yield %scan3A_188, %scan3A_189, %scan3A_190 : vector<16xf32>, vector<16xi32>, vector<16xf32>
        }
        scf.yield %cond3A_721#0, %cond3A_721#1, %cond3A_721#2 : vector<16xf32>, vector<16xi32>, vector<16xf32>
      }
      %scan3A_166 = arith.constant 32 : i32
      %mul3A_167 = arith.constant 2048 : i32
      %mul3A_168 = arith.muli %select_n3A_138, %mul3A_167 : i32
      %dma_wait3A_169 = arith.constant 0 : i32
      %dma_wait3A_170 = tpu.memref_slice %arg2[%dma_wait3A_169, %mul3A_168] : memref<16x1000000xf32, #tpu.memory_space<hbm>> -> memref<16x2048xf32, #tpu.memory_space<hbm>>
      %dma_wait3A_171 = arith.constant 0 : i32
      %dma_wait3A_172 = tpu.memref_slice %arg2[%dma_wait3A_171, %mul3A_168] : memref<16x1000000xf32, #tpu.memory_space<hbm>> -> memref<16x2048xf32, #tpu.memory_space<hbm>>
      tpu.wait_dma2 semaphore(%arg12 : memref<!tpu.dma_semaphore, #tpu.memory_space<semaphore_mem>>) src(%dma_wait3A_172 : memref<16x2048xf32, #tpu.memory_space<hbm>>) dst(%arg7 : memref<16x2048xf32, #tpu.memory_space<vmem>>)
      %mul3A_173 = arith.constant 2048 : i32
      %mul3A_174 = arith.muli %select_n3A_146, %mul3A_173 : i32
      %dma_start3A_175 = arith.constant 0 : i32
      %dma_start3A_176 = tpu.memref_slice %arg2[%dma_start3A_175, %mul3A_174] : memref<16x1000000xf32, #tpu.memory_space<hbm>> -> memref<16x2048xf32, #tpu.memory_space<hbm>>
      %dma_start3A_177 = arith.constant 0 : i32
      %dma_start3A_178 = tpu.memref_slice %arg2[%dma_start3A_177, %mul3A_174] : memref<16x1000000xf32, #tpu.memory_space<hbm>> -> memref<16x2048xf32, #tpu.memory_space<hbm>>
      tpu.enqueue_dma source(%dma_start3A_178 : memref<16x2048xf32, #tpu.memory_space<hbm>>) target(%arg6 : memref<16x2048xf32, #tpu.memory_space<vmem>>) target_semaphore(%arg11 : memref<!tpu.dma_semaphore, #tpu.memory_space<semaphore_mem>>)
      %mul3A_179 = arith.constant 2048 : i32
      %mul3A_180 = arith.muli %select_n3A_138, %mul3A_179 : i32
      %scan3A_181 = arith.constant 0 : i32
      %scan3A_182 = arith.constant 32 : i32
      %scan3A_183 = arith.addi %scan3A_181, %scan3A_182 : i32
      %scan3A_184 = arith.constant 1 : i32
      %scan3A_185:3 = scf.for %scan3A_187 = %scan3A_181 to %scan3A_183 step %scan3A_184 iter_args(%scan3A_188 = %scan3A_165#0, %scan3A_189 = %scan3A_165#1, %scan3A_190 = %scan3A_165#2) -> (vector<16xf32>, vector<16xi32>, vector<16xf32>)  : i32 {
        %mul3A_191 = arith.constant 4 : i32
        %mul3A_192 = arith.muli %scan3A_187, %mul3A_191 : i32
        %add3A_193 = arith.constant 0 : i32
        %add3A_194 = arith.addi %mul3A_192, %add3A_193 : i32
        %mul3A_195 = arith.constant 16 : i32
        %mul3A_196 = arith.muli %add3A_194, %mul3A_195 : i32
        %broadcast_in_dim3A_197 = arith.constant 0.000000e+00 : f32
        %broadcast_in_dim3A_198 = vector.broadcast %broadcast_in_dim3A_197 : f32 to vector<16xf32>
        %broadcast_in_dim3A_199 = arith.constant 0.000000e+00 : f32
        %broadcast_in_dim3A_200 = vector.broadcast %broadcast_in_dim3A_199 : f32 to vector<16xf32>
        %broadcast_in_dim3A_201 = arith.constant 0.000000e+00 : f32
        %broadcast_in_dim3A_202 = vector.broadcast %broadcast_in_dim3A_201 : f32 to vector<16xf32>
        %broadcast_in_dim3A_203 = arith.constant 0.000000e+00 : f32
        %broadcast_in_dim3A_204 = vector.broadcast %broadcast_in_dim3A_203 : f32 to vector<16xf32>
        %get3A_205 = arith.constant 0 : i32
        %get3A_206 = arith.index_cast %get3A_205 : i32 to index
        %get3A_207 = arith.index_cast %mul3A_196 : i32 to index
        %get3A_208 = tpu.vector_load %arg7[%get3A_206, %get3A_207] {strides = array<i32>} : memref<16x2048xf32, #tpu.memory_space<vmem>>, vector<16xf32>,
        %sub3A = arith.subf %get3A_208, %gather3A_4 : vector<16xf32>
        %mul3A_209 = arith.mulf %sub3A, %sub3A : vector<16xf32>
        %add3A_210 = arith.addf %broadcast_in_dim3A_198, %mul3A_209 : vector<16xf32>
        %get3A_211 = arith.constant 1 : i32
        %get3A_212 = arith.index_cast %get3A_211 : i32 to index
        %get3A_213 = arith.index_cast %mul3A_196 : i32 to index
        %get3A_214 = tpu.vector_load %arg7[%get3A_212, %get3A_213] {strides = array<i32>} : memref<16x2048xf32, #tpu.memory_space<vmem>>, vector<16xf32>,
        %sub3A_215 = arith.subf %get3A_214, %gather3A_9 : vector<16xf32>
        %mul3A_216 = arith.mulf %sub3A_215, %sub3A_215 : vector<16xf32>
        %add3A_217 = arith.addf %broadcast_in_dim3A_200, %mul3A_216 : vector<16xf32>
        %get3A_218 = arith.constant 2 : i32
        %get3A_219 = arith.index_cast %get3A_218 : i32 to index
        %get3A_220 = arith.index_cast %mul3A_196 : i32 to index
        %get3A_221 = tpu.vector_load %arg7[%get3A_219, %get3A_220] {strides = array<i32>} : memref<16x2048xf32, #tpu.memory_space<vmem>>, vector<16xf32>,
        %sub3A_222 = arith.subf %get3A_221, %gather3A_14 : vector<16xf32>
        %mul3A_223 = arith.mulf %sub3A_222, %sub3A_222 : vector<16xf32>
        %add3A_224 = arith.addf %broadcast_in_dim3A_202, %mul3A_223 : vector<16xf32>
        %get3A_225 = arith.constant 3 : i32
        %get3A_226 = arith.index_cast %get3A_225 : i32 to index
        %get3A_227 = arith.index_cast %mul3A_196 : i32 to index
        %get3A_228 = tpu.vector_load %arg7[%get3A_226, %get3A_227] {strides = array<i32>} : memref<16x2048xf32, #tpu.memory_space<vmem>>, vector<16xf32>,
        %sub3A_229 = arith.subf %get3A_228, %gather3A_19 : vector<16xf32>
        %mul3A_230 = arith.mulf %sub3A_229, %sub3A_229 : vector<16xf32>
        %add3A_231 = arith.addf %broadcast_in_dim3A_204, %mul3A_230 : vector<16xf32>
        %get3A_232 = arith.constant 4 : i32
        %get3A_233 = arith.index_cast %get3A_232 : i32 to index
        %get3A_234 = arith.index_cast %mul3A_196 : i32 to index
        %get3A_235 = tpu.vector_load %arg7[%get3A_233, %get3A_234] {strides = array<i32>} : memref<16x2048xf32, #tpu.memory_space<vmem>>, vector<16xf32>,
        %sub3A_236 = arith.subf %get3A_235, %gather3A_24 : vector<16xf32>
        %mul3A_237 = arith.mulf %sub3A_236, %sub3A_236 : vector<16xf32>
        %add3A_238 = arith.addf %add3A_210, %mul3A_237 : vector<16xf32>
        %get3A_239 = arith.constant 5 : i32
        %get3A_240 = arith.index_cast %get3A_239 : i32 to index
        %get3A_241 = arith.index_cast %mul3A_196 : i32 to index
        %get3A_242 = tpu.vector_load %arg7[%get3A_240, %get3A_241] {strides = array<i32>} : memref<16x2048xf32, #tpu.memory_space<vmem>>, vector<16xf32>,
        %sub3A_243 = arith.subf %get3A_242, %gather3A_29 : vector<16xf32>
        %mul3A_244 = arith.mulf %sub3A_243, %sub3A_243 : vector<16xf32>
        %add3A_245 = arith.addf %add3A_217, %mul3A_244 : vector<16xf32>
        %get3A_246 = arith.constant 6 : i32
        %get3A_247 = arith.index_cast %get3A_246 : i32 to index
        %get3A_248 = arith.index_cast %mul3A_196 : i32 to index
        %get3A_249 = tpu.vector_load %arg7[%get3A_247, %get3A_248] {strides = array<i32>} : memref<16x2048xf32, #tpu.memory_space<vmem>>, vector<16xf32>,
        %sub3A_250 = arith.subf %get3A_249, %gather3A_34 : vector<16xf32>
        %mul3A_251 = arith.mulf %sub3A_250, %sub3A_250 : vector<16xf32>
        %add3A_252 = arith.addf %add3A_224, %mul3A_251 : vector<16xf32>
        %get3A_253 = arith.constant 7 : i32
        %get3A_254 = arith.index_cast %get3A_253 : i32 to index
        %get3A_255 = arith.index_cast %mul3A_196 : i32 to index
        %get3A_256 = tpu.vector_load %arg7[%get3A_254, %get3A_255] {strides = array<i32>} : memref<16x2048xf32, #tpu.memory_space<vmem>>, vector<16xf32>,
        %sub3A_257 = arith.subf %get3A_256, %gather3A_39 : vector<16xf32>
        %mul3A_258 = arith.mulf %sub3A_257, %sub3A_257 : vector<16xf32>
        %add3A_259 = arith.addf %add3A_231, %mul3A_258 : vector<16xf32>
        %get3A_260 = arith.constant 8 : i32
        %get3A_261 = arith.index_cast %get3A_260 : i32 to index
        %get3A_262 = arith.index_cast %mul3A_196 : i32 to index
        %get3A_263 = tpu.vector_load %arg7[%get3A_261, %get3A_262] {strides = array<i32>} : memref<16x2048xf32, #tpu.memory_space<vmem>>, vector<16xf32>,
        %sub3A_264 = arith.subf %get3A_263, %gather3A_44 : vector<16xf32>
        %mul3A_265 = arith.mulf %sub3A_264, %sub3A_264 : vector<16xf32>
        %add3A_266 = arith.addf %add3A_238, %mul3A_265 : vector<16xf32>
        %get3A_267 = arith.constant 9 : i32
        %get3A_268 = arith.index_cast %get3A_267 : i32 to index
        %get3A_269 = arith.index_cast %mul3A_196 : i32 to index
        %get3A_270 = tpu.vector_load %arg7[%get3A_268, %get3A_269] {strides = array<i32>} : memref<16x2048xf32, #tpu.memory_space<vmem>>, vector<16xf32>,
        %sub3A_271 = arith.subf %get3A_270, %gather3A_49 : vector<16xf32>
        %mul3A_272 = arith.mulf %sub3A_271, %sub3A_271 : vector<16xf32>
        %add3A_273 = arith.addf %add3A_245, %mul3A_272 : vector<16xf32>
        %get3A_274 = arith.constant 10 : i32
        %get3A_275 = arith.index_cast %get3A_274 : i32 to index
        %get3A_276 = arith.index_cast %mul3A_196 : i32 to index
        %get3A_277 = tpu.vector_load %arg7[%get3A_275, %get3A_276] {strides = array<i32>} : memref<16x2048xf32, #tpu.memory_space<vmem>>, vector<16xf32>,
        %sub3A_278 = arith.subf %get3A_277, %gather3A_54 : vector<16xf32>
        %mul3A_279 = arith.mulf %sub3A_278, %sub3A_278 : vector<16xf32>
        %add3A_280 = arith.addf %add3A_252, %mul3A_279 : vector<16xf32>
        %get3A_281 = arith.constant 11 : i32
        %get3A_282 = arith.index_cast %get3A_281 : i32 to index
        %get3A_283 = arith.index_cast %mul3A_196 : i32 to index
        %get3A_284 = tpu.vector_load %arg7[%get3A_282, %get3A_283] {strides = array<i32>} : memref<16x2048xf32, #tpu.memory_space<vmem>>, vector<16xf32>,
        %sub3A_285 = arith.subf %get3A_284, %gather3A_59 : vector<16xf32>
        %mul3A_286 = arith.mulf %sub3A_285, %sub3A_285 : vector<16xf32>
        %add3A_287 = arith.addf %add3A_259, %mul3A_286 : vector<16xf32>
        %get3A_288 = arith.constant 12 : i32
        %get3A_289 = arith.index_cast %get3A_288 : i32 to index
        %get3A_290 = arith.index_cast %mul3A_196 : i32 to index
        %get3A_291 = tpu.vector_load %arg7[%get3A_289, %get3A_290] {strides = array<i32>} : memref<16x2048xf32, #tpu.memory_space<vmem>>, vector<16xf32>,
        %sub3A_292 = arith.subf %get3A_291, %gather3A_64 : vector<16xf32>
        %mul3A_293 = arith.mulf %sub3A_292, %sub3A_292 : vector<16xf32>
        %add3A_294 = arith.addf %add3A_266, %mul3A_293 : vector<16xf32>
        %get3A_295 = arith.constant 13 : i32
        %get3A_296 = arith.index_cast %get3A_295 : i32 to index
        %get3A_297 = arith.index_cast %mul3A_196 : i32 to index
        %get3A_298 = tpu.vector_load %arg7[%get3A_296, %get3A_297] {strides = array<i32>} : memref<16x2048xf32, #tpu.memory_space<vmem>>, vector<16xf32>,
        %sub3A_299 = arith.subf %get3A_298, %gather3A_69 : vector<16xf32>
        %mul3A_300 = arith.mulf %sub3A_299, %sub3A_299 : vector<16xf32>
        %add3A_301 = arith.addf %add3A_273, %mul3A_300 : vector<16xf32>
        %get3A_302 = arith.constant 14 : i32
        %get3A_303 = arith.index_cast %get3A_302 : i32 to index
        %get3A_304 = arith.index_cast %mul3A_196 : i32 to index
        %get3A_305 = tpu.vector_load %arg7[%get3A_303, %get3A_304] {strides = array<i32>} : memref<16x2048xf32, #tpu.memory_space<vmem>>, vector<16xf32>,
        %sub3A_306 = arith.subf %get3A_305, %gather3A_74 : vector<16xf32>
        %mul3A_307 = arith.mulf %sub3A_306, %sub3A_306 : vector<16xf32>
        %add3A_308 = arith.addf %add3A_280, %mul3A_307 : vector<16xf32>
        %get3A_309 = arith.constant 15 : i32
        %get3A_310 = arith.index_cast %get3A_309 : i32 to index
        %get3A_311 = arith.index_cast %mul3A_196 : i32 to index
        %get3A_312 = tpu.vector_load %arg7[%get3A_310, %get3A_311] {strides = array<i32>} : memref<16x2048xf32, #tpu.memory_space<vmem>>, vector<16xf32>,
        %sub3A_313 = arith.subf %get3A_312, %gather3A_79 : vector<16xf32>
        %mul3A_314 = arith.mulf %sub3A_313, %sub3A_313 : vector<16xf32>
        %add3A_315 = arith.addf %add3A_287, %mul3A_314 : vector<16xf32>
        %add3A_316 = arith.addf %add3A_294, %add3A_301 : vector<16xf32>
        %add3A_317 = arith.addf %add3A_308, %add3A_315 : vector<16xf32>
        %add3A_318 = arith.addf %add3A_316, %add3A_317 : vector<16xf32>
        %add3A_319 = arith.constant 1 : i32
        %add3A_320 = arith.addi %mul3A_192, %add3A_319 : i32
        %mul3A_321 = arith.constant 16 : i32
        %mul3A_322 = arith.muli %add3A_320, %mul3A_321 : i32
        %broadcast_in_dim3A_323 = arith.constant 0.000000e+00 : f32
        %broadcast_in_dim3A_324 = vector.broadcast %broadcast_in_dim3A_323 : f32 to vector<16xf32>
        %broadcast_in_dim3A_325 = arith.constant 0.000000e+00 : f32
        %broadcast_in_dim3A_326 = vector.broadcast %broadcast_in_dim3A_325 : f32 to vector<16xf32>
        %broadcast_in_dim3A_327 = arith.constant 0.000000e+00 : f32
        %broadcast_in_dim3A_328 = vector.broadcast %broadcast_in_dim3A_327 : f32 to vector<16xf32>
        %broadcast_in_dim3A_329 = arith.constant 0.000000e+00 : f32
        %broadcast_in_dim3A_330 = vector.broadcast %broadcast_in_dim3A_329 : f32 to vector<16xf32>
        %get3A_331 = arith.constant 0 : i32
        %get3A_332 = arith.index_cast %get3A_331 : i32 to index
        %get3A_333 = arith.index_cast %mul3A_322 : i32 to index
        %get3A_334 = tpu.vector_load %arg7[%get3A_332, %get3A_333] {strides = array<i32>} : memref<16x2048xf32, #tpu.memory_space<vmem>>, vector<16xf32>,
        %sub3A_335 = arith.subf %get3A_334, %gather3A_4 : vector<16xf32>
        %mul3A_336 = arith.mulf %sub3A_335, %sub3A_335 : vector<16xf32>
        %add3A_337 = arith.addf %broadcast_in_dim3A_324, %mul3A_336 : vector<16xf32>
        %get3A_338 = arith.constant 1 : i32
        %get3A_339 = arith.index_cast %get3A_338 : i32 to index
        %get3A_340 = arith.index_cast %mul3A_322 : i32 to index
        %get3A_341 = tpu.vector_load %arg7[%get3A_339, %get3A_340] {strides = array<i32>} : memref<16x2048xf32, #tpu.memory_space<vmem>>, vector<16xf32>,
        %sub3A_342 = arith.subf %get3A_341, %gather3A_9 : vector<16xf32>
        %mul3A_343 = arith.mulf %sub3A_342, %sub3A_342 : vector<16xf32>
        %add3A_344 = arith.addf %broadcast_in_dim3A_326, %mul3A_343 : vector<16xf32>
        %get3A_345 = arith.constant 2 : i32
        %get3A_346 = arith.index_cast %get3A_345 : i32 to index
        %get3A_347 = arith.index_cast %mul3A_322 : i32 to index
        %get3A_348 = tpu.vector_load %arg7[%get3A_346, %get3A_347] {strides = array<i32>} : memref<16x2048xf32, #tpu.memory_space<vmem>>, vector<16xf32>,
        %sub3A_349 = arith.subf %get3A_348, %gather3A_14 : vector<16xf32>
        %mul3A_350 = arith.mulf %sub3A_349, %sub3A_349 : vector<16xf32>
        %add3A_351 = arith.addf %broadcast_in_dim3A_328, %mul3A_350 : vector<16xf32>
        %get3A_352 = arith.constant 3 : i32
        %get3A_353 = arith.index_cast %get3A_352 : i32 to index
        %get3A_354 = arith.index_cast %mul3A_322 : i32 to index
        %get3A_355 = tpu.vector_load %arg7[%get3A_353, %get3A_354] {strides = array<i32>} : memref<16x2048xf32, #tpu.memory_space<vmem>>, vector<16xf32>,
        %sub3A_356 = arith.subf %get3A_355, %gather3A_19 : vector<16xf32>
        %mul3A_357 = arith.mulf %sub3A_356, %sub3A_356 : vector<16xf32>
        %add3A_358 = arith.addf %broadcast_in_dim3A_330, %mul3A_357 : vector<16xf32>
        %get3A_359 = arith.constant 4 : i32
        %get3A_360 = arith.index_cast %get3A_359 : i32 to index
        %get3A_361 = arith.index_cast %mul3A_322 : i32 to index
        %get3A_362 = tpu.vector_load %arg7[%get3A_360, %get3A_361] {strides = array<i32>} : memref<16x2048xf32, #tpu.memory_space<vmem>>, vector<16xf32>,
        %sub3A_363 = arith.subf %get3A_362, %gather3A_24 : vector<16xf32>
        %mul3A_364 = arith.mulf %sub3A_363, %sub3A_363 : vector<16xf32>
        %add3A_365 = arith.addf %add3A_337, %mul3A_364 : vector<16xf32>
        %get3A_366 = arith.constant 5 : i32
        %get3A_367 = arith.index_cast %get3A_366 : i32 to index
        %get3A_368 = arith.index_cast %mul3A_322 : i32 to index
        %get3A_369 = tpu.vector_load %arg7[%get3A_367, %get3A_368] {strides = array<i32>} : memref<16x2048xf32, #tpu.memory_space<vmem>>, vector<16xf32>,
        %sub3A_370 = arith.subf %get3A_369, %gather3A_29 : vector<16xf32>
        %mul3A_371 = arith.mulf %sub3A_370, %sub3A_370 : vector<16xf32>
        %add3A_372 = arith.addf %add3A_344, %mul3A_371 : vector<16xf32>
        %get3A_373 = arith.constant 6 : i32
        %get3A_374 = arith.index_cast %get3A_373 : i32 to index
        %get3A_375 = arith.index_cast %mul3A_322 : i32 to index
        %get3A_376 = tpu.vector_load %arg7[%get3A_374, %get3A_375] {strides = array<i32>} : memref<16x2048xf32, #tpu.memory_space<vmem>>, vector<16xf32>,
        %sub3A_377 = arith.subf %get3A_376, %gather3A_34 : vector<16xf32>
        %mul3A_378 = arith.mulf %sub3A_377, %sub3A_377 : vector<16xf32>
        %add3A_379 = arith.addf %add3A_351, %mul3A_378 : vector<16xf32>
        %get3A_380 = arith.constant 7 : i32
        %get3A_381 = arith.index_cast %get3A_380 : i32 to index
        %get3A_382 = arith.index_cast %mul3A_322 : i32 to index
        %get3A_383 = tpu.vector_load %arg7[%get3A_381, %get3A_382] {strides = array<i32>} : memref<16x2048xf32, #tpu.memory_space<vmem>>, vector<16xf32>,
        %sub3A_384 = arith.subf %get3A_383, %gather3A_39 : vector<16xf32>
        %mul3A_385 = arith.mulf %sub3A_384, %sub3A_384 : vector<16xf32>
        %add3A_386 = arith.addf %add3A_358, %mul3A_385 : vector<16xf32>
        %get3A_387 = arith.constant 8 : i32
        %get3A_388 = arith.index_cast %get3A_387 : i32 to index
        %get3A_389 = arith.index_cast %mul3A_322 : i32 to index
        %get3A_390 = tpu.vector_load %arg7[%get3A_388, %get3A_389] {strides = array<i32>} : memref<16x2048xf32, #tpu.memory_space<vmem>>, vector<16xf32>,
        %sub3A_391 = arith.subf %get3A_390, %gather3A_44 : vector<16xf32>
        %mul3A_392 = arith.mulf %sub3A_391, %sub3A_391 : vector<16xf32>
        %add3A_393 = arith.addf %add3A_365, %mul3A_392 : vector<16xf32>
        %get3A_394 = arith.constant 9 : i32
        %get3A_395 = arith.index_cast %get3A_394 : i32 to index
        %get3A_396 = arith.index_cast %mul3A_322 : i32 to index
        %get3A_397 = tpu.vector_load %arg7[%get3A_395, %get3A_396] {strides = array<i32>} : memref<16x2048xf32, #tpu.memory_space<vmem>>, vector<16xf32>,
        %sub3A_398 = arith.subf %get3A_397, %gather3A_49 : vector<16xf32>
        %mul3A_399 = arith.mulf %sub3A_398, %sub3A_398 : vector<16xf32>
        %add3A_400 = arith.addf %add3A_372, %mul3A_399 : vector<16xf32>
        %get3A_401 = arith.constant 10 : i32
        %get3A_402 = arith.index_cast %get3A_401 : i32 to index
        %get3A_403 = arith.index_cast %mul3A_322 : i32 to index
        %get3A_404 = tpu.vector_load %arg7[%get3A_402, %get3A_403] {strides = array<i32>} : memref<16x2048xf32, #tpu.memory_space<vmem>>, vector<16xf32>,
        %sub3A_405 = arith.subf %get3A_404, %gather3A_54 : vector<16xf32>
        %mul3A_406 = arith.mulf %sub3A_405, %sub3A_405 : vector<16xf32>
        %add3A_407 = arith.addf %add3A_379, %mul3A_406 : vector<16xf32>
        %get3A_408 = arith.constant 11 : i32
        %get3A_409 = arith.index_cast %get3A_408 : i32 to index
        %get3A_410 = arith.index_cast %mul3A_322 : i32 to index
        %get3A_411 = tpu.vector_load %arg7[%get3A_409, %get3A_410] {strides = array<i32>} : memref<16x2048xf32, #tpu.memory_space<vmem>>, vector<16xf32>,
        %sub3A_412 = arith.subf %get3A_411, %gather3A_59 : vector<16xf32>
        %mul3A_413 = arith.mulf %sub3A_412, %sub3A_412 : vector<16xf32>
        %add3A_414 = arith.addf %add3A_386, %mul3A_413 : vector<16xf32>
        %get3A_415 = arith.constant 12 : i32
        %get3A_416 = arith.index_cast %get3A_415 : i32 to index
        %get3A_417 = arith.index_cast %mul3A_322 : i32 to index
        %get3A_418 = tpu.vector_load %arg7[%get3A_416, %get3A_417] {strides = array<i32>} : memref<16x2048xf32, #tpu.memory_space<vmem>>, vector<16xf32>,
        %sub3A_419 = arith.subf %get3A_418, %gather3A_64 : vector<16xf32>
        %mul3A_420 = arith.mulf %sub3A_419, %sub3A_419 : vector<16xf32>
        %add3A_421 = arith.addf %add3A_393, %mul3A_420 : vector<16xf32>
        %get3A_422 = arith.constant 13 : i32
        %get3A_423 = arith.index_cast %get3A_422 : i32 to index
        %get3A_424 = arith.index_cast %mul3A_322 : i32 to index
        %get3A_425 = tpu.vector_load %arg7[%get3A_423, %get3A_424] {strides = array<i32>} : memref<16x2048xf32, #tpu.memory_space<vmem>>, vector<16xf32>,
        %sub3A_426 = arith.subf %get3A_425, %gather3A_69 : vector<16xf32>
        %mul3A_427 = arith.mulf %sub3A_426, %sub3A_426 : vector<16xf32>
        %add3A_428 = arith.addf %add3A_400, %mul3A_427 : vector<16xf32>
        %get3A_429 = arith.constant 14 : i32
        %get3A_430 = arith.index_cast %get3A_429 : i32 to index
        %get3A_431 = arith.index_cast %mul3A_322 : i32 to index
        %get3A_432 = tpu.vector_load %arg7[%get3A_430, %get3A_431] {strides = array<i32>} : memref<16x2048xf32, #tpu.memory_space<vmem>>, vector<16xf32>,
        %sub3A_433 = arith.subf %get3A_432, %gather3A_74 : vector<16xf32>
        %mul3A_434 = arith.mulf %sub3A_433, %sub3A_433 : vector<16xf32>
        %add3A_435 = arith.addf %add3A_407, %mul3A_434 : vector<16xf32>
        %get3A_436 = arith.constant 15 : i32
        %get3A_437 = arith.index_cast %get3A_436 : i32 to index
        %get3A_438 = arith.index_cast %mul3A_322 : i32 to index
        %get3A_439 = tpu.vector_load %arg7[%get3A_437, %get3A_438] {strides = array<i32>} : memref<16x2048xf32, #tpu.memory_space<vmem>>, vector<16xf32>,
        %sub3A_440 = arith.subf %get3A_439, %gather3A_79 : vector<16xf32>
        %mul3A_441 = arith.mulf %sub3A_440, %sub3A_440 : vector<16xf32>
        %add3A_442 = arith.addf %add3A_414, %mul3A_441 : vector<16xf32>
        %add3A_443 = arith.addf %add3A_421, %add3A_428 : vector<16xf32>
        %add3A_444 = arith.addf %add3A_435, %add3A_442 : vector<16xf32>
        %add3A_445 = arith.addf %add3A_443, %add3A_444 : vector<16xf32>
        %add3A_446 = arith.constant 2 : i32
        %add3A_447 = arith.addi %mul3A_192, %add3A_446 : i32
        %mul3A_448 = arith.constant 16 : i32
        %mul3A_449 = arith.muli %add3A_447, %mul3A_448 : i32
        %broadcast_in_dim3A_450 = arith.constant 0.000000e+00 : f32
        %broadcast_in_dim3A_451 = vector.broadcast %broadcast_in_dim3A_450 : f32 to vector<16xf32>
        %broadcast_in_dim3A_452 = arith.constant 0.000000e+00 : f32
        %broadcast_in_dim3A_453 = vector.broadcast %broadcast_in_dim3A_452 : f32 to vector<16xf32>
        %broadcast_in_dim3A_454 = arith.constant 0.000000e+00 : f32
        %broadcast_in_dim3A_455 = vector.broadcast %broadcast_in_dim3A_454 : f32 to vector<16xf32>
        %broadcast_in_dim3A_456 = arith.constant 0.000000e+00 : f32
        %broadcast_in_dim3A_457 = vector.broadcast %broadcast_in_dim3A_456 : f32 to vector<16xf32>
        %get3A_458 = arith.constant 0 : i32
        %get3A_459 = arith.index_cast %get3A_458 : i32 to index
        %get3A_460 = arith.index_cast %mul3A_449 : i32 to index
        %get3A_461 = tpu.vector_load %arg7[%get3A_459, %get3A_460] {strides = array<i32>} : memref<16x2048xf32, #tpu.memory_space<vmem>>, vector<16xf32>,
        %sub3A_462 = arith.subf %get3A_461, %gather3A_4 : vector<16xf32>
        %mul3A_463 = arith.mulf %sub3A_462, %sub3A_462 : vector<16xf32>
        %add3A_464 = arith.addf %broadcast_in_dim3A_451, %mul3A_463 : vector<16xf32>
        %get3A_465 = arith.constant 1 : i32
        %get3A_466 = arith.index_cast %get3A_465 : i32 to index
        %get3A_467 = arith.index_cast %mul3A_449 : i32 to index
        %get3A_468 = tpu.vector_load %arg7[%get3A_466, %get3A_467] {strides = array<i32>} : memref<16x2048xf32, #tpu.memory_space<vmem>>, vector<16xf32>,
        %sub3A_469 = arith.subf %get3A_468, %gather3A_9 : vector<16xf32>
        %mul3A_470 = arith.mulf %sub3A_469, %sub3A_469 : vector<16xf32>
        %add3A_471 = arith.addf %broadcast_in_dim3A_453, %mul3A_470 : vector<16xf32>
        %get3A_472 = arith.constant 2 : i32
        %get3A_473 = arith.index_cast %get3A_472 : i32 to index
        %get3A_474 = arith.index_cast %mul3A_449 : i32 to index
        %get3A_475 = tpu.vector_load %arg7[%get3A_473, %get3A_474] {strides = array<i32>} : memref<16x2048xf32, #tpu.memory_space<vmem>>, vector<16xf32>,
        %sub3A_476 = arith.subf %get3A_475, %gather3A_14 : vector<16xf32>
        %mul3A_477 = arith.mulf %sub3A_476, %sub3A_476 : vector<16xf32>
        %add3A_478 = arith.addf %broadcast_in_dim3A_455, %mul3A_477 : vector<16xf32>
        %get3A_479 = arith.constant 3 : i32
        %get3A_480 = arith.index_cast %get3A_479 : i32 to index
        %get3A_481 = arith.index_cast %mul3A_449 : i32 to index
        %get3A_482 = tpu.vector_load %arg7[%get3A_480, %get3A_481] {strides = array<i32>} : memref<16x2048xf32, #tpu.memory_space<vmem>>, vector<16xf32>,
        %sub3A_483 = arith.subf %get3A_482, %gather3A_19 : vector<16xf32>
        %mul3A_484 = arith.mulf %sub3A_483, %sub3A_483 : vector<16xf32>
        %add3A_485 = arith.addf %broadcast_in_dim3A_457, %mul3A_484 : vector<16xf32>
        %get3A_486 = arith.constant 4 : i32
        %get3A_487 = arith.index_cast %get3A_486 : i32 to index
        %get3A_488 = arith.index_cast %mul3A_449 : i32 to index
        %get3A_489 = tpu.vector_load %arg7[%get3A_487, %get3A_488] {strides = array<i32>} : memref<16x2048xf32, #tpu.memory_space<vmem>>, vector<16xf32>,
        %sub3A_490 = arith.subf %get3A_489, %gather3A_24 : vector<16xf32>
        %mul3A_491 = arith.mulf %sub3A_490, %sub3A_490 : vector<16xf32>
        %add3A_492 = arith.addf %add3A_464, %mul3A_491 : vector<16xf32>
        %get3A_493 = arith.constant 5 : i32
        %get3A_494 = arith.index_cast %get3A_493 : i32 to index
        %get3A_495 = arith.index_cast %mul3A_449 : i32 to index
        %get3A_496 = tpu.vector_load %arg7[%get3A_494, %get3A_495] {strides = array<i32>} : memref<16x2048xf32, #tpu.memory_space<vmem>>, vector<16xf32>,
        %sub3A_497 = arith.subf %get3A_496, %gather3A_29 : vector<16xf32>
        %mul3A_498 = arith.mulf %sub3A_497, %sub3A_497 : vector<16xf32>
        %add3A_499 = arith.addf %add3A_471, %mul3A_498 : vector<16xf32>
        %get3A_500 = arith.constant 6 : i32
        %get3A_501 = arith.index_cast %get3A_500 : i32 to index
        %get3A_502 = arith.index_cast %mul3A_449 : i32 to index
        %get3A_503 = tpu.vector_load %arg7[%get3A_501, %get3A_502] {strides = array<i32>} : memref<16x2048xf32, #tpu.memory_space<vmem>>, vector<16xf32>,
        %sub3A_504 = arith.subf %get3A_503, %gather3A_34 : vector<16xf32>
        %mul3A_505 = arith.mulf %sub3A_504, %sub3A_504 : vector<16xf32>
        %add3A_506 = arith.addf %add3A_478, %mul3A_505 : vector<16xf32>
        %get3A_507 = arith.constant 7 : i32
        %get3A_508 = arith.index_cast %get3A_507 : i32 to index
        %get3A_509 = arith.index_cast %mul3A_449 : i32 to index
        %get3A_510 = tpu.vector_load %arg7[%get3A_508, %get3A_509] {strides = array<i32>} : memref<16x2048xf32, #tpu.memory_space<vmem>>, vector<16xf32>,
        %sub3A_511 = arith.subf %get3A_510, %gather3A_39 : vector<16xf32>
        %mul3A_512 = arith.mulf %sub3A_511, %sub3A_511 : vector<16xf32>
        %add3A_513 = arith.addf %add3A_485, %mul3A_512 : vector<16xf32>
        %get3A_514 = arith.constant 8 : i32
        %get3A_515 = arith.index_cast %get3A_514 : i32 to index
        %get3A_516 = arith.index_cast %mul3A_449 : i32 to index
        %get3A_517 = tpu.vector_load %arg7[%get3A_515, %get3A_516] {strides = array<i32>} : memref<16x2048xf32, #tpu.memory_space<vmem>>, vector<16xf32>,
        %sub3A_518 = arith.subf %get3A_517, %gather3A_44 : vector<16xf32>
        %mul3A_519 = arith.mulf %sub3A_518, %sub3A_518 : vector<16xf32>
        %add3A_520 = arith.addf %add3A_492, %mul3A_519 : vector<16xf32>
        %get3A_521 = arith.constant 9 : i32
        %get3A_522 = arith.index_cast %get3A_521 : i32 to index
        %get3A_523 = arith.index_cast %mul3A_449 : i32 to index
        %get3A_524 = tpu.vector_load %arg7[%get3A_522, %get3A_523] {strides = array<i32>} : memref<16x2048xf32, #tpu.memory_space<vmem>>, vector<16xf32>,
        %sub3A_525 = arith.subf %get3A_524, %gather3A_49 : vector<16xf32>
        %mul3A_526 = arith.mulf %sub3A_525, %sub3A_525 : vector<16xf32>
        %add3A_527 = arith.addf %add3A_499, %mul3A_526 : vector<16xf32>
        %get3A_528 = arith.constant 10 : i32
        %get3A_529 = arith.index_cast %get3A_528 : i32 to index
        %get3A_530 = arith.index_cast %mul3A_449 : i32 to index
        %get3A_531 = tpu.vector_load %arg7[%get3A_529, %get3A_530] {strides = array<i32>} : memref<16x2048xf32, #tpu.memory_space<vmem>>, vector<16xf32>,
        %sub3A_532 = arith.subf %get3A_531, %gather3A_54 : vector<16xf32>
        %mul3A_533 = arith.mulf %sub3A_532, %sub3A_532 : vector<16xf32>
        %add3A_534 = arith.addf %add3A_506, %mul3A_533 : vector<16xf32>
        %get3A_535 = arith.constant 11 : i32
        %get3A_536 = arith.index_cast %get3A_535 : i32 to index
        %get3A_537 = arith.index_cast %mul3A_449 : i32 to index
        %get3A_538 = tpu.vector_load %arg7[%get3A_536, %get3A_537] {strides = array<i32>} : memref<16x2048xf32, #tpu.memory_space<vmem>>, vector<16xf32>,
        %sub3A_539 = arith.subf %get3A_538, %gather3A_59 : vector<16xf32>
        %mul3A_540 = arith.mulf %sub3A_539, %sub3A_539 : vector<16xf32>
        %add3A_541 = arith.addf %add3A_513, %mul3A_540 : vector<16xf32>
        %get3A_542 = arith.constant 12 : i32
        %get3A_543 = arith.index_cast %get3A_542 : i32 to index
        %get3A_544 = arith.index_cast %mul3A_449 : i32 to index
        %get3A_545 = tpu.vector_load %arg7[%get3A_543, %get3A_544] {strides = array<i32>} : memref<16x2048xf32, #tpu.memory_space<vmem>>, vector<16xf32>,
        %sub3A_546 = arith.subf %get3A_545, %gather3A_64 : vector<16xf32>
        %mul3A_547 = arith.mulf %sub3A_546, %sub3A_546 : vector<16xf32>
        %add3A_548 = arith.addf %add3A_520, %mul3A_547 : vector<16xf32>
        %get3A_549 = arith.constant 13 : i32
        %get3A_550 = arith.index_cast %get3A_549 : i32 to index
        %get3A_551 = arith.index_cast %mul3A_449 : i32 to index
        %get3A_552 = tpu.vector_load %arg7[%get3A_550, %get3A_551] {strides = array<i32>} : memref<16x2048xf32, #tpu.memory_space<vmem>>, vector<16xf32>,
        %sub3A_553 = arith.subf %get3A_552, %gather3A_69 : vector<16xf32>
        %mul3A_554 = arith.mulf %sub3A_553, %sub3A_553 : vector<16xf32>
        %add3A_555 = arith.addf %add3A_527, %mul3A_554 : vector<16xf32>
        %get3A_556 = arith.constant 14 : i32
        %get3A_557 = arith.index_cast %get3A_556 : i32 to index
        %get3A_558 = arith.index_cast %mul3A_449 : i32 to index
        %get3A_559 = tpu.vector_load %arg7[%get3A_557, %get3A_558] {strides = array<i32>} : memref<16x2048xf32, #tpu.memory_space<vmem>>, vector<16xf32>,
        %sub3A_560 = arith.subf %get3A_559, %gather3A_74 : vector<16xf32>
        %mul3A_561 = arith.mulf %sub3A_560, %sub3A_560 : vector<16xf32>
        %add3A_562 = arith.addf %add3A_534, %mul3A_561 : vector<16xf32>
        %get3A_563 = arith.constant 15 : i32
        %get3A_564 = arith.index_cast %get3A_563 : i32 to index
        %get3A_565 = arith.index_cast %mul3A_449 : i32 to index
        %get3A_566 = tpu.vector_load %arg7[%get3A_564, %get3A_565] {strides = array<i32>} : memref<16x2048xf32, #tpu.memory_space<vmem>>, vector<16xf32>,
        %sub3A_567 = arith.subf %get3A_566, %gather3A_79 : vector<16xf32>
        %mul3A_568 = arith.mulf %sub3A_567, %sub3A_567 : vector<16xf32>
        %add3A_569 = arith.addf %add3A_541, %mul3A_568 : vector<16xf32>
        %add3A_570 = arith.addf %add3A_548, %add3A_555 : vector<16xf32>
        %add3A_571 = arith.addf %add3A_562, %add3A_569 : vector<16xf32>
        %add3A_572 = arith.addf %add3A_570, %add3A_571 : vector<16xf32>
        %add3A_573 = arith.constant 3 : i32
        %add3A_574 = arith.addi %mul3A_192, %add3A_573 : i32
        %mul3A_575 = arith.constant 16 : i32
        %mul3A_576 = arith.muli %add3A_574, %mul3A_575 : i32
        %broadcast_in_dim3A_577 = arith.constant 0.000000e+00 : f32
        %broadcast_in_dim3A_578 = vector.broadcast %broadcast_in_dim3A_577 : f32 to vector<16xf32>
        %broadcast_in_dim3A_579 = arith.constant 0.000000e+00 : f32
        %broadcast_in_dim3A_580 = vector.broadcast %broadcast_in_dim3A_579 : f32 to vector<16xf32>
        %broadcast_in_dim3A_581 = arith.constant 0.000000e+00 : f32
        %broadcast_in_dim3A_582 = vector.broadcast %broadcast_in_dim3A_581 : f32 to vector<16xf32>
        %broadcast_in_dim3A_583 = arith.constant 0.000000e+00 : f32
        %broadcast_in_dim3A_584 = vector.broadcast %broadcast_in_dim3A_583 : f32 to vector<16xf32>
        %get3A_585 = arith.constant 0 : i32
        %get3A_586 = arith.index_cast %get3A_585 : i32 to index
        %get3A_587 = arith.index_cast %mul3A_576 : i32 to index
        %get3A_588 = tpu.vector_load %arg7[%get3A_586, %get3A_587] {strides = array<i32>} : memref<16x2048xf32, #tpu.memory_space<vmem>>, vector<16xf32>,
        %sub3A_589 = arith.subf %get3A_588, %gather3A_4 : vector<16xf32>
        %mul3A_590 = arith.mulf %sub3A_589, %sub3A_589 : vector<16xf32>
        %add3A_591 = arith.addf %broadcast_in_dim3A_578, %mul3A_590 : vector<16xf32>
        %get3A_592 = arith.constant 1 : i32
        %get3A_593 = arith.index_cast %get3A_592 : i32 to index
        %get3A_594 = arith.index_cast %mul3A_576 : i32 to index
        %get3A_595 = tpu.vector_load %arg7[%get3A_593, %get3A_594] {strides = array<i32>} : memref<16x2048xf32, #tpu.memory_space<vmem>>, vector<16xf32>,
        %sub3A_596 = arith.subf %get3A_595, %gather3A_9 : vector<16xf32>
        %mul3A_597 = arith.mulf %sub3A_596, %sub3A_596 : vector<16xf32>
        %add3A_598 = arith.addf %broadcast_in_dim3A_580, %mul3A_597 : vector<16xf32>
        %get3A_599 = arith.constant 2 : i32
        %get3A_600 = arith.index_cast %get3A_599 : i32 to index
        %get3A_601 = arith.index_cast %mul3A_576 : i32 to index
        %get3A_602 = tpu.vector_load %arg7[%get3A_600, %get3A_601] {strides = array<i32>} : memref<16x2048xf32, #tpu.memory_space<vmem>>, vector<16xf32>,
        %sub3A_603 = arith.subf %get3A_602, %gather3A_14 : vector<16xf32>
        %mul3A_604 = arith.mulf %sub3A_603, %sub3A_603 : vector<16xf32>
        %add3A_605 = arith.addf %broadcast_in_dim3A_582, %mul3A_604 : vector<16xf32>
        %get3A_606 = arith.constant 3 : i32
        %get3A_607 = arith.index_cast %get3A_606 : i32 to index
        %get3A_608 = arith.index_cast %mul3A_576 : i32 to index
        %get3A_609 = tpu.vector_load %arg7[%get3A_607, %get3A_608] {strides = array<i32>} : memref<16x2048xf32, #tpu.memory_space<vmem>>, vector<16xf32>,
        %sub3A_610 = arith.subf %get3A_609, %gather3A_19 : vector<16xf32>
        %mul3A_611 = arith.mulf %sub3A_610, %sub3A_610 : vector<16xf32>
        %add3A_612 = arith.addf %broadcast_in_dim3A_584, %mul3A_611 : vector<16xf32>
        %get3A_613 = arith.constant 4 : i32
        %get3A_614 = arith.index_cast %get3A_613 : i32 to index
        %get3A_615 = arith.index_cast %mul3A_576 : i32 to index
        %get3A_616 = tpu.vector_load %arg7[%get3A_614, %get3A_615] {strides = array<i32>} : memref<16x2048xf32, #tpu.memory_space<vmem>>, vector<16xf32>,
        %sub3A_617 = arith.subf %get3A_616, %gather3A_24 : vector<16xf32>
        %mul3A_618 = arith.mulf %sub3A_617, %sub3A_617 : vector<16xf32>
        %add3A_619 = arith.addf %add3A_591, %mul3A_618 : vector<16xf32>
        %get3A_620 = arith.constant 5 : i32
        %get3A_621 = arith.index_cast %get3A_620 : i32 to index
        %get3A_622 = arith.index_cast %mul3A_576 : i32 to index
        %get3A_623 = tpu.vector_load %arg7[%get3A_621, %get3A_622] {strides = array<i32>} : memref<16x2048xf32, #tpu.memory_space<vmem>>, vector<16xf32>,
        %sub3A_624 = arith.subf %get3A_623, %gather3A_29 : vector<16xf32>
        %mul3A_625 = arith.mulf %sub3A_624, %sub3A_624 : vector<16xf32>
        %add3A_626 = arith.addf %add3A_598, %mul3A_625 : vector<16xf32>
        %get3A_627 = arith.constant 6 : i32
        %get3A_628 = arith.index_cast %get3A_627 : i32 to index
        %get3A_629 = arith.index_cast %mul3A_576 : i32 to index
        %get3A_630 = tpu.vector_load %arg7[%get3A_628, %get3A_629] {strides = array<i32>} : memref<16x2048xf32, #tpu.memory_space<vmem>>, vector<16xf32>,
        %sub3A_631 = arith.subf %get3A_630, %gather3A_34 : vector<16xf32>
        %mul3A_632 = arith.mulf %sub3A_631, %sub3A_631 : vector<16xf32>
        %add3A_633 = arith.addf %add3A_605, %mul3A_632 : vector<16xf32>
        %get3A_634 = arith.constant 7 : i32
        %get3A_635 = arith.index_cast %get3A_634 : i32 to index
        %get3A_636 = arith.index_cast %mul3A_576 : i32 to index
        %get3A_637 = tpu.vector_load %arg7[%get3A_635, %get3A_636] {strides = array<i32>} : memref<16x2048xf32, #tpu.memory_space<vmem>>, vector<16xf32>,
        %sub3A_638 = arith.subf %get3A_637, %gather3A_39 : vector<16xf32>
        %mul3A_639 = arith.mulf %sub3A_638, %sub3A_638 : vector<16xf32>
        %add3A_640 = arith.addf %add3A_612, %mul3A_639 : vector<16xf32>
        %get3A_641 = arith.constant 8 : i32
        %get3A_642 = arith.index_cast %get3A_641 : i32 to index
        %get3A_643 = arith.index_cast %mul3A_576 : i32 to index
        %get3A_644 = tpu.vector_load %arg7[%get3A_642, %get3A_643] {strides = array<i32>} : memref<16x2048xf32, #tpu.memory_space<vmem>>, vector<16xf32>,
        %sub3A_645 = arith.subf %get3A_644, %gather3A_44 : vector<16xf32>
        %mul3A_646 = arith.mulf %sub3A_645, %sub3A_645 : vector<16xf32>
        %add3A_647 = arith.addf %add3A_619, %mul3A_646 : vector<16xf32>
        %get3A_648 = arith.constant 9 : i32
        %get3A_649 = arith.index_cast %get3A_648 : i32 to index
        %get3A_650 = arith.index_cast %mul3A_576 : i32 to index
        %get3A_651 = tpu.vector_load %arg7[%get3A_649, %get3A_650] {strides = array<i32>} : memref<16x2048xf32, #tpu.memory_space<vmem>>, vector<16xf32>,
        %sub3A_652 = arith.subf %get3A_651, %gather3A_49 : vector<16xf32>
        %mul3A_653 = arith.mulf %sub3A_652, %sub3A_652 : vector<16xf32>
        %add3A_654 = arith.addf %add3A_626, %mul3A_653 : vector<16xf32>
        %get3A_655 = arith.constant 10 : i32
        %get3A_656 = arith.index_cast %get3A_655 : i32 to index
        %get3A_657 = arith.index_cast %mul3A_576 : i32 to index
        %get3A_658 = tpu.vector_load %arg7[%get3A_656, %get3A_657] {strides = array<i32>} : memref<16x2048xf32, #tpu.memory_space<vmem>>, vector<16xf32>,
        %sub3A_659 = arith.subf %get3A_658, %gather3A_54 : vector<16xf32>
        %mul3A_660 = arith.mulf %sub3A_659, %sub3A_659 : vector<16xf32>
        %add3A_661 = arith.addf %add3A_633, %mul3A_660 : vector<16xf32>
        %get3A_662 = arith.constant 11 : i32
        %get3A_663 = arith.index_cast %get3A_662 : i32 to index
        %get3A_664 = arith.index_cast %mul3A_576 : i32 to index
        %get3A_665 = tpu.vector_load %arg7[%get3A_663, %get3A_664] {strides = array<i32>} : memref<16x2048xf32, #tpu.memory_space<vmem>>, vector<16xf32>,
        %sub3A_666 = arith.subf %get3A_665, %gather3A_59 : vector<16xf32>
        %mul3A_667 = arith.mulf %sub3A_666, %sub3A_666 : vector<16xf32>
        %add3A_668 = arith.addf %add3A_640, %mul3A_667 : vector<16xf32>
        %get3A_669 = arith.constant 12 : i32
        %get3A_670 = arith.index_cast %get3A_669 : i32 to index
        %get3A_671 = arith.index_cast %mul3A_576 : i32 to index
        %get3A_672 = tpu.vector_load %arg7[%get3A_670, %get3A_671] {strides = array<i32>} : memref<16x2048xf32, #tpu.memory_space<vmem>>, vector<16xf32>,
        %sub3A_673 = arith.subf %get3A_672, %gather3A_64 : vector<16xf32>
        %mul3A_674 = arith.mulf %sub3A_673, %sub3A_673 : vector<16xf32>
        %add3A_675 = arith.addf %add3A_647, %mul3A_674 : vector<16xf32>
        %get3A_676 = arith.constant 13 : i32
        %get3A_677 = arith.index_cast %get3A_676 : i32 to index
        %get3A_678 = arith.index_cast %mul3A_576 : i32 to index
        %get3A_679 = tpu.vector_load %arg7[%get3A_677, %get3A_678] {strides = array<i32>} : memref<16x2048xf32, #tpu.memory_space<vmem>>, vector<16xf32>,
        %sub3A_680 = arith.subf %get3A_679, %gather3A_69 : vector<16xf32>
        %mul3A_681 = arith.mulf %sub3A_680, %sub3A_680 : vector<16xf32>
        %add3A_682 = arith.addf %add3A_654, %mul3A_681 : vector<16xf32>
        %get3A_683 = arith.constant 14 : i32
        %get3A_684 = arith.index_cast %get3A_683 : i32 to index
        %get3A_685 = arith.index_cast %mul3A_576 : i32 to index
        %get3A_686 = tpu.vector_load %arg7[%get3A_684, %get3A_685] {strides = array<i32>} : memref<16x2048xf32, #tpu.memory_space<vmem>>, vector<16xf32>,
        %sub3A_687 = arith.subf %get3A_686, %gather3A_74 : vector<16xf32>
        %mul3A_688 = arith.mulf %sub3A_687, %sub3A_687 : vector<16xf32>
        %add3A_689 = arith.addf %add3A_661, %mul3A_688 : vector<16xf32>
        %get3A_690 = arith.constant 15 : i32
        %get3A_691 = arith.index_cast %get3A_690 : i32 to index
        %get3A_692 = arith.index_cast %mul3A_576 : i32 to index
        %get3A_693 = tpu.vector_load %arg7[%get3A_691, %get3A_692] {strides = array<i32>} : memref<16x2048xf32, #tpu.memory_space<vmem>>, vector<16xf32>,
        %sub3A_694 = arith.subf %get3A_693, %gather3A_79 : vector<16xf32>
        %mul3A_695 = arith.mulf %sub3A_694, %sub3A_694 : vector<16xf32>
        %add3A_696 = arith.addf %add3A_668, %mul3A_695 : vector<16xf32>
        %add3A_697 = arith.addf %add3A_675, %add3A_682 : vector<16xf32>
        %add3A_698 = arith.addf %add3A_689, %add3A_696 : vector<16xf32>
        %add3A_699 = arith.addf %add3A_697, %add3A_698 : vector<16xf32>
        %mul3A_700 = arith.constant 16 : i32
        %mul3A_701 = arith.muli %mul3A_192, %mul3A_700 : i32
        %add3A_702 = arith.addi %mul3A_180, %mul3A_701 : i32
        %add3A_703 = vector.broadcast %add3A_702 : i32 to vector<16xi32>
        %add3A_704 = arith.addi %add3A_703, %iota3A : vector<16xi32>
        %min3A = arith.minimumf %add3A_318, %add3A_445 : vector<16xf32>
        %min3A_705 = arith.minimumf %min3A, %add3A_572 : vector<16xf32>
        %min3A_706 = arith.minimumf %min3A_705, %add3A_699 : vector<16xf32>
        %lt3A_707 = arith.cmpf olt, %min3A_706, %scan3A_190 : vector<16xf32>
        %reduce_or3A = arith.constant 1.000000e+00 : f32
        %reduce_or3A_708 = arith.constant 0.000000e+00 : f32
        %reduce_or3A_709 = vector.broadcast %reduce_or3A : f32 to vector<16xf32>
        %reduce_or3A_710 = vector.broadcast %reduce_or3A_708 : f32 to vector<16xf32>
        %reduce_or3A_711 = arith.select %lt3A_707, %reduce_or3A_709, %reduce_or3A_710 : vector<16xi1>, vector<16xf32>
        %reduce_or3A_712 = arith.constant true
        %reduce_or3A_713 = vector.broadcast %reduce_or3A_712 : i1 to vector<16xi1>
        %reduce_or3A_714 = tpu.scan <max>, %reduce_or3A_711 masked %reduce_or3A_713 : vector<16xf32>, vector<16xi1> -> vector<16xf32>
        %reduce_or3A_715 = vector.extract %reduce_or3A_714[15] : f32 from vector<16xf32>
        %reduce_or3A_716 = arith.constant 0.000000e+00 : f32
        %reduce_or3A_717 = arith.cmpf ogt, %reduce_or3A_715, %reduce_or3A_716 : f32
        %and3A = arith.andi %lt3A_137, %reduce_or3A_717 : i1
        %convert_element_type3A_718 = arith.extui %and3A : i1 to i32
        %cond3A_719 = arith.constant 0 : i32
        %cond3A_720 = arith.cmpi ne, %convert_element_type3A_718, %cond3A_719 : i32
        %cond3A_721:3 = scf.if %cond3A_720 -> (vector<16xf32>, vector<16xi32>, vector<16xf32>) {
          %add3A_722 = arith.constant 0 : i32
          %add3A_723 = vector.broadcast %add3A_722 : i32 to vector<16xi32>
          %add3A_724 = arith.addi %add3A_704, %add3A_723 : vector<16xi32>
          %masked_sort3A = arith.constant dense<true> : vector<16xi1>
          %masked_sort3A_725, %masked_sort3A_726, %masked_sort3A_727 = tpu.sort %add3A_318, %add3A_724 masked %masked_sort3A : (vector<16xf32>, vector<16xi32>, vector<16xi1>) -> (vector<16xi1>, vector<16xf32>, vector<16xi32>)
          %rev3A = arith.constant 15 : i32
          %rev3A_728 = vector.broadcast %rev3A : i32 to vector<16xi32>
          %rev3A_729 = tpu.iota {dimensions = array<i32: 0>} : vector<16xi32>
          %rev3A_730 = arith.subi %rev3A_728, %rev3A_729 : vector<16xi32>
          %rev3A_731 = tpu.dynamic_gather %masked_sort3A_726[%rev3A_730] in [0] : vector<16xf32>, vector<16xi32> -> vector<16xf32>
          %rev3A_732 = arith.constant 15 : i32
          %rev3A_733 = vector.broadcast %rev3A_732 : i32 to vector<16xi32>
          %rev3A_734 = tpu.iota {dimensions = array<i32: 0>} : vector<16xi32>
          %rev3A_735 = arith.subi %rev3A_733, %rev3A_734 : vector<16xi32>
          %rev3A_736 = tpu.dynamic_gather %masked_sort3A_727[%rev3A_735] in [0] : vector<16xi32>, vector<16xi32> -> vector<16xi32>
          %le3A = arith.cmpf ole, %scan3A_188, %rev3A_731 : vector<16xf32>
          %select_n3A_737 = arith.select %le3A, %scan3A_188, %rev3A_731 : vector<16xi1>, vector<16xf32>
          %select_n3A_738 = arith.select %le3A, %scan3A_189, %rev3A_736 : vector<16xi1>, vector<16xi32>
          %masked_sort3A_739 = arith.constant dense<true> : vector<16xi1>
          %masked_sort3A_740, %masked_sort3A_741, %masked_sort3A_742 = tpu.sort %select_n3A_737, %select_n3A_738 masked %masked_sort3A_739 : (vector<16xf32>, vector<16xi32>, vector<16xi1>) -> (vector<16xi1>, vector<16xf32>, vector<16xi32>)
          %broadcast_in_dim3A_743 = arith.constant 7 : i32
          %broadcast_in_dim3A_744 = vector.broadcast %broadcast_in_dim3A_743 : i32 to vector<16xi32>
          %broadcast_in_dim3A_745 = vector.shape_cast %broadcast_in_dim3A_744 : vector<16xi32> to vector<16x1xi32>
          %gather3A_746 = vector.shape_cast %broadcast_in_dim3A_745 : vector<16x1xi32> to vector<16xi32>
          %gather3A_747 = tpu.dynamic_gather %masked_sort3A_741[%gather3A_746] in [0] : vector<16xf32>, vector<16xi32> -> vector<16xf32>
          %add3A_748 = arith.constant 16 : i32
          %add3A_749 = vector.broadcast %add3A_748 : i32 to vector<16xi32>
          %add3A_750 = arith.addi %add3A_704, %add3A_749 : vector<16xi32>
          %masked_sort3A_751 = arith.constant dense<true> : vector<16xi1>
          %masked_sort3A_752, %masked_sort3A_753, %masked_sort3A_754 = tpu.sort %add3A_445, %add3A_750 masked %masked_sort3A_751 : (vector<16xf32>, vector<16xi32>, vector<16xi1>) -> (vector<16xi1>, vector<16xf32>, vector<16xi32>)
          %rev3A_755 = arith.constant 15 : i32
          %rev3A_756 = vector.broadcast %rev3A_755 : i32 to vector<16xi32>
          %rev3A_757 = tpu.iota {dimensions = array<i32: 0>} : vector<16xi32>
          %rev3A_758 = arith.subi %rev3A_756, %rev3A_757 : vector<16xi32>
          %rev3A_759 = tpu.dynamic_gather %masked_sort3A_753[%rev3A_758] in [0] : vector<16xf32>, vector<16xi32> -> vector<16xf32>
          %rev3A_760 = arith.constant 15 : i32
          %rev3A_761 = vector.broadcast %rev3A_760 : i32 to vector<16xi32>
          %rev3A_762 = tpu.iota {dimensions = array<i32: 0>} : vector<16xi32>
          %rev3A_763 = arith.subi %rev3A_761, %rev3A_762 : vector<16xi32>
          %rev3A_764 = tpu.dynamic_gather %masked_sort3A_754[%rev3A_763] in [0] : vector<16xi32>, vector<16xi32> -> vector<16xi32>
          %le3A_765 = arith.cmpf ole, %masked_sort3A_741, %rev3A_759 : vector<16xf32>
          %select_n3A_766 = arith.select %le3A_765, %masked_sort3A_741, %rev3A_759 : vector<16xi1>, vector<16xf32>
          %select_n3A_767 = arith.select %le3A_765, %masked_sort3A_742, %rev3A_764 : vector<16xi1>, vector<16xi32>
          %masked_sort3A_768 = arith.constant dense<true> : vector<16xi1>
          %masked_sort3A_769, %masked_sort3A_770, %masked_sort3A_771 = tpu.sort %select_n3A_766, %select_n3A_767 masked %masked_sort3A_768 : (vector<16xf32>, vector<16xi32>, vector<16xi1>) -> (vector<16xi1>, vector<16xf32>, vector<16xi32>)
          %broadcast_in_dim3A_772 = arith.constant 7 : i32
          %broadcast_in_dim3A_773 = vector.broadcast %broadcast_in_dim3A_772 : i32 to vector<16xi32>
          %broadcast_in_dim3A_774 = vector.shape_cast %broadcast_in_dim3A_773 : vector<16xi32> to vector<16x1xi32>
          %gather3A_775 = vector.shape_cast %broadcast_in_dim3A_774 : vector<16x1xi32> to vector<16xi32>
          %gather3A_776 = tpu.dynamic_gather %masked_sort3A_770[%gather3A_775] in [0] : vector<16xf32>, vector<16xi32> -> vector<16xf32>
          %add3A_777 = arith.constant 32 : i32
          %add3A_778 = vector.broadcast %add3A_777 : i32 to vector<16xi32>
          %add3A_779 = arith.addi %add3A_704, %add3A_778 : vector<16xi32>
          %masked_sort3A_780 = arith.constant dense<true> : vector<16xi1>
          %masked_sort3A_781, %masked_sort3A_782, %masked_sort3A_783 = tpu.sort %add3A_572, %add3A_779 masked %masked_sort3A_780 : (vector<16xf32>, vector<16xi32>, vector<16xi1>) -> (vector<16xi1>, vector<16xf32>, vector<16xi32>)
          %rev3A_784 = arith.constant 15 : i32
          %rev3A_785 = vector.broadcast %rev3A_784 : i32 to vector<16xi32>
          %rev3A_786 = tpu.iota {dimensions = array<i32: 0>} : vector<16xi32>
          %rev3A_787 = arith.subi %rev3A_785, %rev3A_786 : vector<16xi32>
          %rev3A_788 = tpu.dynamic_gather %masked_sort3A_782[%rev3A_787] in [0] : vector<16xf32>, vector<16xi32> -> vector<16xf32>
          %rev3A_789 = arith.constant 15 : i32
          %rev3A_790 = vector.broadcast %rev3A_789 : i32 to vector<16xi32>
          %rev3A_791 = tpu.iota {dimensions = array<i32: 0>} : vector<16xi32>
          %rev3A_792 = arith.subi %rev3A_790, %rev3A_791 : vector<16xi32>
          %rev3A_793 = tpu.dynamic_gather %masked_sort3A_783[%rev3A_792] in [0] : vector<16xi32>, vector<16xi32> -> vector<16xi32>
          %le3A_794 = arith.cmpf ole, %masked_sort3A_770, %rev3A_788 : vector<16xf32>
          %select_n3A_795 = arith.select %le3A_794, %masked_sort3A_770, %rev3A_788 : vector<16xi1>, vector<16xf32>
          %select_n3A_796 = arith.select %le3A_794, %masked_sort3A_771, %rev3A_793 : vector<16xi1>, vector<16xi32>
          %masked_sort3A_797 = arith.constant dense<true> : vector<16xi1>
          %masked_sort3A_798, %masked_sort3A_799, %masked_sort3A_800 = tpu.sort %select_n3A_795, %select_n3A_796 masked %masked_sort3A_797 : (vector<16xf32>, vector<16xi32>, vector<16xi1>) -> (vector<16xi1>, vector<16xf32>, vector<16xi32>)
          %broadcast_in_dim3A_801 = arith.constant 7 : i32
          %broadcast_in_dim3A_802 = vector.broadcast %broadcast_in_dim3A_801 : i32 to vector<16xi32>
          %broadcast_in_dim3A_803 = vector.shape_cast %broadcast_in_dim3A_802 : vector<16xi32> to vector<16x1xi32>
          %gather3A_804 = vector.shape_cast %broadcast_in_dim3A_803 : vector<16x1xi32> to vector<16xi32>
          %gather3A_805 = tpu.dynamic_gather %masked_sort3A_799[%gather3A_804] in [0] : vector<16xf32>, vector<16xi32> -> vector<16xf32>
          %add3A_806 = arith.constant 48 : i32
          %add3A_807 = vector.broadcast %add3A_806 : i32 to vector<16xi32>
          %add3A_808 = arith.addi %add3A_704, %add3A_807 : vector<16xi32>
          %masked_sort3A_809 = arith.constant dense<true> : vector<16xi1>
          %masked_sort3A_810, %masked_sort3A_811, %masked_sort3A_812 = tpu.sort %add3A_699, %add3A_808 masked %masked_sort3A_809 : (vector<16xf32>, vector<16xi32>, vector<16xi1>) -> (vector<16xi1>, vector<16xf32>, vector<16xi32>)
          %rev3A_813 = arith.constant 15 : i32
          %rev3A_814 = vector.broadcast %rev3A_813 : i32 to vector<16xi32>
          %rev3A_815 = tpu.iota {dimensions = array<i32: 0>} : vector<16xi32>
          %rev3A_816 = arith.subi %rev3A_814, %rev3A_815 : vector<16xi32>
          %rev3A_817 = tpu.dynamic_gather %masked_sort3A_811[%rev3A_816] in [0] : vector<16xf32>, vector<16xi32> -> vector<16xf32>
          %rev3A_818 = arith.constant 15 : i32
          %rev3A_819 = vector.broadcast %rev3A_818 : i32 to vector<16xi32>
          %rev3A_820 = tpu.iota {dimensions = array<i32: 0>} : vector<16xi32>
          %rev3A_821 = arith.subi %rev3A_819, %rev3A_820 : vector<16xi32>
          %rev3A_822 = tpu.dynamic_gather %masked_sort3A_812[%rev3A_821] in [0] : vector<16xi32>, vector<16xi32> -> vector<16xi32>
          %le3A_823 = arith.cmpf ole, %masked_sort3A_799, %rev3A_817 : vector<16xf32>
          %select_n3A_824 = arith.select %le3A_823, %masked_sort3A_799, %rev3A_817 : vector<16xi1>, vector<16xf32>
          %select_n3A_825 = arith.select %le3A_823, %masked_sort3A_800, %rev3A_822 : vector<16xi1>, vector<16xi32>
          %masked_sort3A_826 = arith.constant dense<true> : vector<16xi1>
          %masked_sort3A_827, %masked_sort3A_828, %masked_sort3A_829 = tpu.sort %select_n3A_824, %select_n3A_825 masked %masked_sort3A_826 : (vector<16xf32>, vector<16xi32>, vector<16xi1>) -> (vector<16xi1>, vector<16xf32>, vector<16xi32>)
          %broadcast_in_dim3A_830 = arith.constant 7 : i32
          %broadcast_in_dim3A_831 = vector.broadcast %broadcast_in_dim3A_830 : i32 to vector<16xi32>
          %broadcast_in_dim3A_832 = vector.shape_cast %broadcast_in_dim3A_831 : vector<16xi32> to vector<16x1xi32>
          %gather3A_833 = vector.shape_cast %broadcast_in_dim3A_832 : vector<16x1xi32> to vector<16xi32>
          %gather3A_834 = tpu.dynamic_gather %masked_sort3A_828[%gather3A_833] in [0] : vector<16xf32>, vector<16xi32> -> vector<16xf32>
          scf.yield %masked_sort3A_828, %masked_sort3A_829, %gather3A_834 : vector<16xf32>, vector<16xi32>, vector<16xf32>
        } else {
          scf.yield %scan3A_188, %scan3A_189, %scan3A_190 : vector<16xf32>, vector<16xi32>, vector<16xf32>
        }
        scf.yield %cond3A_721#0, %cond3A_721#1, %cond3A_721#2 : vector<16xf32>, vector<16xi32>, vector<16xf32>
      }
      %scan3A_186 = arith.constant 32 : i32
      scf.yield %scan3A_185#0, %scan3A_185#1, %scan3A_185#2 : vector<16xf32>, vector<16xi32>, vector<16xf32>
    }
    %scan3A_98 = arith.constant 8 : i32
    %add3A_99 = arith.constant 512 : i32
    %add3A_100 = arith.addi %add3A, %add3A_99 : i32
    %lt3A_101 = arith.constant 488 : i32
    %lt3A_102 = arith.cmpi slt, %add3A_100, %lt3A_101 : i32
    %select_n3A_103 = arith.select %lt3A_102, %add3A_100, %add3A : i32
    %mul3A_104 = arith.constant 2048 : i32
    %mul3A_105 = arith.muli %select_n3A_103, %mul3A_104 : i32
    %dma_wait3A = arith.constant 0 : i32
    %dma_wait3A_106 = tpu.memref_slice %arg2[%dma_wait3A, %mul3A_105] : memref<16x1000000xf32, #tpu.memory_space<hbm>> -> memref<16x2048xf32, #tpu.memory_space<hbm>>
    %dma_wait3A_107 = arith.constant 0 : i32
    %dma_wait3A_108 = tpu.memref_slice %arg2[%dma_wait3A_107, %mul3A_105] : memref<16x1000000xf32, #tpu.memory_space<hbm>> -> memref<16x2048xf32, #tpu.memory_space<hbm>>
    tpu.wait_dma2 semaphore(%arg11 : memref<!tpu.dma_semaphore, #tpu.memory_space<semaphore_mem>>) src(%dma_wait3A_108 : memref<16x2048xf32, #tpu.memory_space<hbm>>) dst(%arg6 : memref<16x2048xf32, #tpu.memory_space<vmem>>)
    %eq3A = arith.constant 8 : i32
    %eq3A_109 = arith.cmpi eq, %add3A, %eq3A : i32
    %convert_element_type3A = arith.extui %eq3A_109 : i1 to i32
    %cond3A = arith.constant 0 : i32
    %cond3A_110 = arith.cmpi ne, %convert_element_type3A, %cond3A : i32
    scf.if %cond3A_110 {
      "tpu.region"() ({
        %run_scoped3A = tpu.sem_alloc : memref<!tpu.dma_semaphore, #tpu.memory_space<semaphore_mem>>
        %dma_start3A_128 = arith.constant 0 : i32
        %dma_start3A_129 = arith.constant 0 : i32
        %dma_start3A_130 = tpu.memref_slice %arg6[%dma_start3A_128, %dma_start3A_129] : memref<16x2048xf32, #tpu.memory_space<vmem>> -> memref<16x512xf32, #tpu.memory_space<vmem>>
        %dma_start3A_131 = arith.constant 0 : i32
        %dma_start3A_132 = arith.constant 999424 : i32
        %dma_start3A_133 = tpu.memref_slice %arg2[%dma_start3A_131, %dma_start3A_132] : memref<16x1000000xf32, #tpu.memory_space<hbm>> -> memref<16x512xf32, #tpu.memory_space<hbm>>
        %dma_start3A_134 = arith.constant 0 : i32
        %dma_start3A_135 = arith.constant 0 : i32
        %dma_start3A_136 = tpu.memref_slice %arg6[%dma_start3A_134, %dma_start3A_135] : memref<16x2048xf32, #tpu.memory_space<vmem>> -> memref<16x512xf32, #tpu.memory_space<vmem>>
        %dma_start3A_137 = arith.constant 0 : i32
        %dma_start3A_138 = arith.constant 999424 : i32
        %dma_start3A_139 = tpu.memref_slice %arg2[%dma_start3A_137, %dma_start3A_138] : memref<16x1000000xf32, #tpu.memory_space<hbm>> -> memref<16x512xf32, #tpu.memory_space<hbm>>
        tpu.enqueue_dma source(%dma_start3A_139 : memref<16x512xf32, #tpu.memory_space<hbm>>) target(%dma_start3A_136 : memref<16x512xf32, #tpu.memory_space<vmem>>) target_semaphore(%run_scoped3A : memref<!tpu.dma_semaphore, #tpu.memory_space<semaphore_mem>>)
        %dma_wait3A_140 = arith.constant 0 : i32
        %dma_wait3A_141 = arith.constant 0 : i32
        %dma_wait3A_142 = tpu.memref_slice %arg6[%dma_wait3A_140, %dma_wait3A_141] : memref<16x2048xf32, #tpu.memory_space<vmem>> -> memref<16x512xf32, #tpu.memory_space<vmem>>
        %dma_wait3A_143 = arith.constant 0 : i32
        %dma_wait3A_144 = arith.constant 999424 : i32
        %dma_wait3A_145 = tpu.memref_slice %arg2[%dma_wait3A_143, %dma_wait3A_144] : memref<16x1000000xf32, #tpu.memory_space<hbm>> -> memref<16x512xf32, #tpu.memory_space<hbm>>
        %dma_wait3A_146 = arith.constant 0 : i32
        %dma_wait3A_147 = arith.constant 0 : i32
        %dma_wait3A_148 = tpu.memref_slice %arg6[%dma_wait3A_146, %dma_wait3A_147] : memref<16x2048xf32, #tpu.memory_space<vmem>> -> memref<16x512xf32, #tpu.memory_space<vmem>>
        %dma_wait3A_149 = arith.constant 0 : i32
        %dma_wait3A_150 = arith.constant 999424 : i32
        %dma_wait3A_151 = tpu.memref_slice %arg2[%dma_wait3A_149, %dma_wait3A_150] : memref<16x1000000xf32, #tpu.memory_space<hbm>> -> memref<16x512xf32, #tpu.memory_space<hbm>>
        tpu.wait_dma2 semaphore(%run_scoped3A : memref<!tpu.dma_semaphore, #tpu.memory_space<semaphore_mem>>) src(%dma_wait3A_151 : memref<16x512xf32, #tpu.memory_space<hbm>>) dst(%dma_wait3A_148 : memref<16x512xf32, #tpu.memory_space<vmem>>)
        tpu.yield
      }) : () -> ()
      %scan3A_119 = arith.constant 0 : i32
      %scan3A_120 = arith.constant 8 : i32
      %scan3A_121 = arith.addi %scan3A_119, %scan3A_120 : i32
      %scan3A_122 = arith.constant 1 : i32
      %scan3A_123:3 = scf.for %scan3A_128 = %scan3A_119 to %scan3A_121 step %scan3A_122 iter_args(%scan3A_129 = %scan3A_97#0, %scan3A_130 = %scan3A_97#1, %scan3A_131 = %scan3A_97#2) -> (vector<16xf32>, vector<16xi32>, vector<16xf32>)  : i32 {
        %mul3A_132 = arith.constant 4 : i32
        %mul3A_133 = arith.muli %scan3A_128, %mul3A_132 : i32
        %add3A_134 = arith.constant 0 : i32
        %add3A_135 = arith.addi %mul3A_133, %add3A_134 : i32
        %mul3A_136 = arith.constant 16 : i32
        %mul3A_137 = arith.muli %add3A_135, %mul3A_136 : i32
        %broadcast_in_dim3A_138 = arith.constant 0.000000e+00 : f32
        %broadcast_in_dim3A_139 = vector.broadcast %broadcast_in_dim3A_138 : f32 to vector<16xf32>
        %broadcast_in_dim3A_140 = arith.constant 0.000000e+00 : f32
        %broadcast_in_dim3A_141 = vector.broadcast %broadcast_in_dim3A_140 : f32 to vector<16xf32>
        %broadcast_in_dim3A_142 = arith.constant 0.000000e+00 : f32
        %broadcast_in_dim3A_143 = vector.broadcast %broadcast_in_dim3A_142 : f32 to vector<16xf32>
        %broadcast_in_dim3A_144 = arith.constant 0.000000e+00 : f32
        %broadcast_in_dim3A_145 = vector.broadcast %broadcast_in_dim3A_144 : f32 to vector<16xf32>
        %get3A_146 = arith.constant 0 : i32
        %get3A_147 = arith.index_cast %get3A_146 : i32 to index
        %get3A_148 = arith.index_cast %mul3A_137 : i32 to index
        %get3A_149 = tpu.vector_load %arg6[%get3A_147, %get3A_148] {strides = array<i32>} : memref<16x2048xf32, #tpu.memory_space<vmem>>, vector<16xf32>,
        %sub3A = arith.subf %get3A_149, %gather3A_4 : vector<16xf32>
        %mul3A_150 = arith.mulf %sub3A, %sub3A : vector<16xf32>
        %add3A_151 = arith.addf %broadcast_in_dim3A_139, %mul3A_150 : vector<16xf32>
        %get3A_152 = arith.constant 1 : i32
        %get3A_153 = arith.index_cast %get3A_152 : i32 to index
        %get3A_154 = arith.index_cast %mul3A_137 : i32 to index
        %get3A_155 = tpu.vector_load %arg6[%get3A_153, %get3A_154] {strides = array<i32>} : memref<16x2048xf32, #tpu.memory_space<vmem>>, vector<16xf32>,
        %sub3A_156 = arith.subf %get3A_155, %gather3A_9 : vector<16xf32>
        %mul3A_157 = arith.mulf %sub3A_156, %sub3A_156 : vector<16xf32>
        %add3A_158 = arith.addf %broadcast_in_dim3A_141, %mul3A_157 : vector<16xf32>
        %get3A_159 = arith.constant 2 : i32
        %get3A_160 = arith.index_cast %get3A_159 : i32 to index
        %get3A_161 = arith.index_cast %mul3A_137 : i32 to index
        %get3A_162 = tpu.vector_load %arg6[%get3A_160, %get3A_161] {strides = array<i32>} : memref<16x2048xf32, #tpu.memory_space<vmem>>, vector<16xf32>,
        %sub3A_163 = arith.subf %get3A_162, %gather3A_14 : vector<16xf32>
        %mul3A_164 = arith.mulf %sub3A_163, %sub3A_163 : vector<16xf32>
        %add3A_165 = arith.addf %broadcast_in_dim3A_143, %mul3A_164 : vector<16xf32>
        %get3A_166 = arith.constant 3 : i32
        %get3A_167 = arith.index_cast %get3A_166 : i32 to index
        %get3A_168 = arith.index_cast %mul3A_137 : i32 to index
        %get3A_169 = tpu.vector_load %arg6[%get3A_167, %get3A_168] {strides = array<i32>} : memref<16x2048xf32, #tpu.memory_space<vmem>>, vector<16xf32>,
        %sub3A_170 = arith.subf %get3A_169, %gather3A_19 : vector<16xf32>
        %mul3A_171 = arith.mulf %sub3A_170, %sub3A_170 : vector<16xf32>
        %add3A_172 = arith.addf %broadcast_in_dim3A_145, %mul3A_171 : vector<16xf32>
        %get3A_173 = arith.constant 4 : i32
        %get3A_174 = arith.index_cast %get3A_173 : i32 to index
        %get3A_175 = arith.index_cast %mul3A_137 : i32 to index
        %get3A_176 = tpu.vector_load %arg6[%get3A_174, %get3A_175] {strides = array<i32>} : memref<16x2048xf32, #tpu.memory_space<vmem>>, vector<16xf32>,
        %sub3A_177 = arith.subf %get3A_176, %gather3A_24 : vector<16xf32>
        %mul3A_178 = arith.mulf %sub3A_177, %sub3A_177 : vector<16xf32>
        %add3A_179 = arith.addf %add3A_151, %mul3A_178 : vector<16xf32>
        %get3A_180 = arith.constant 5 : i32
        %get3A_181 = arith.index_cast %get3A_180 : i32 to index
        %get3A_182 = arith.index_cast %mul3A_137 : i32 to index
        %get3A_183 = tpu.vector_load %arg6[%get3A_181, %get3A_182] {strides = array<i32>} : memref<16x2048xf32, #tpu.memory_space<vmem>>, vector<16xf32>,
        %sub3A_184 = arith.subf %get3A_183, %gather3A_29 : vector<16xf32>
        %mul3A_185 = arith.mulf %sub3A_184, %sub3A_184 : vector<16xf32>
        %add3A_186 = arith.addf %add3A_158, %mul3A_185 : vector<16xf32>
        %get3A_187 = arith.constant 6 : i32
        %get3A_188 = arith.index_cast %get3A_187 : i32 to index
        %get3A_189 = arith.index_cast %mul3A_137 : i32 to index
        %get3A_190 = tpu.vector_load %arg6[%get3A_188, %get3A_189] {strides = array<i32>} : memref<16x2048xf32, #tpu.memory_space<vmem>>, vector<16xf32>,
        %sub3A_191 = arith.subf %get3A_190, %gather3A_34 : vector<16xf32>
        %mul3A_192 = arith.mulf %sub3A_191, %sub3A_191 : vector<16xf32>
        %add3A_193 = arith.addf %add3A_165, %mul3A_192 : vector<16xf32>
        %get3A_194 = arith.constant 7 : i32
        %get3A_195 = arith.index_cast %get3A_194 : i32 to index
        %get3A_196 = arith.index_cast %mul3A_137 : i32 to index
        %get3A_197 = tpu.vector_load %arg6[%get3A_195, %get3A_196] {strides = array<i32>} : memref<16x2048xf32, #tpu.memory_space<vmem>>, vector<16xf32>,
        %sub3A_198 = arith.subf %get3A_197, %gather3A_39 : vector<16xf32>
        %mul3A_199 = arith.mulf %sub3A_198, %sub3A_198 : vector<16xf32>
        %add3A_200 = arith.addf %add3A_172, %mul3A_199 : vector<16xf32>
        %get3A_201 = arith.constant 8 : i32
        %get3A_202 = arith.index_cast %get3A_201 : i32 to index
        %get3A_203 = arith.index_cast %mul3A_137 : i32 to index
        %get3A_204 = tpu.vector_load %arg6[%get3A_202, %get3A_203] {strides = array<i32>} : memref<16x2048xf32, #tpu.memory_space<vmem>>, vector<16xf32>,
        %sub3A_205 = arith.subf %get3A_204, %gather3A_44 : vector<16xf32>
        %mul3A_206 = arith.mulf %sub3A_205, %sub3A_205 : vector<16xf32>
        %add3A_207 = arith.addf %add3A_179, %mul3A_206 : vector<16xf32>
        %get3A_208 = arith.constant 9 : i32
        %get3A_209 = arith.index_cast %get3A_208 : i32 to index
        %get3A_210 = arith.index_cast %mul3A_137 : i32 to index
        %get3A_211 = tpu.vector_load %arg6[%get3A_209, %get3A_210] {strides = array<i32>} : memref<16x2048xf32, #tpu.memory_space<vmem>>, vector<16xf32>,
        %sub3A_212 = arith.subf %get3A_211, %gather3A_49 : vector<16xf32>
        %mul3A_213 = arith.mulf %sub3A_212, %sub3A_212 : vector<16xf32>
        %add3A_214 = arith.addf %add3A_186, %mul3A_213 : vector<16xf32>
        %get3A_215 = arith.constant 10 : i32
        %get3A_216 = arith.index_cast %get3A_215 : i32 to index
        %get3A_217 = arith.index_cast %mul3A_137 : i32 to index
        %get3A_218 = tpu.vector_load %arg6[%get3A_216, %get3A_217] {strides = array<i32>} : memref<16x2048xf32, #tpu.memory_space<vmem>>, vector<16xf32>,
        %sub3A_219 = arith.subf %get3A_218, %gather3A_54 : vector<16xf32>
        %mul3A_220 = arith.mulf %sub3A_219, %sub3A_219 : vector<16xf32>
        %add3A_221 = arith.addf %add3A_193, %mul3A_220 : vector<16xf32>
        %get3A_222 = arith.constant 11 : i32
        %get3A_223 = arith.index_cast %get3A_222 : i32 to index
        %get3A_224 = arith.index_cast %mul3A_137 : i32 to index
        %get3A_225 = tpu.vector_load %arg6[%get3A_223, %get3A_224] {strides = array<i32>} : memref<16x2048xf32, #tpu.memory_space<vmem>>, vector<16xf32>,
        %sub3A_226 = arith.subf %get3A_225, %gather3A_59 : vector<16xf32>
        %mul3A_227 = arith.mulf %sub3A_226, %sub3A_226 : vector<16xf32>
        %add3A_228 = arith.addf %add3A_200, %mul3A_227 : vector<16xf32>
        %get3A_229 = arith.constant 12 : i32
        %get3A_230 = arith.index_cast %get3A_229 : i32 to index
        %get3A_231 = arith.index_cast %mul3A_137 : i32 to index
        %get3A_232 = tpu.vector_load %arg6[%get3A_230, %get3A_231] {strides = array<i32>} : memref<16x2048xf32, #tpu.memory_space<vmem>>, vector<16xf32>,
        %sub3A_233 = arith.subf %get3A_232, %gather3A_64 : vector<16xf32>
        %mul3A_234 = arith.mulf %sub3A_233, %sub3A_233 : vector<16xf32>
        %add3A_235 = arith.addf %add3A_207, %mul3A_234 : vector<16xf32>
        %get3A_236 = arith.constant 13 : i32
        %get3A_237 = arith.index_cast %get3A_236 : i32 to index
        %get3A_238 = arith.index_cast %mul3A_137 : i32 to index
        %get3A_239 = tpu.vector_load %arg6[%get3A_237, %get3A_238] {strides = array<i32>} : memref<16x2048xf32, #tpu.memory_space<vmem>>, vector<16xf32>,
        %sub3A_240 = arith.subf %get3A_239, %gather3A_69 : vector<16xf32>
        %mul3A_241 = arith.mulf %sub3A_240, %sub3A_240 : vector<16xf32>
        %add3A_242 = arith.addf %add3A_214, %mul3A_241 : vector<16xf32>
        %get3A_243 = arith.constant 14 : i32
        %get3A_244 = arith.index_cast %get3A_243 : i32 to index
        %get3A_245 = arith.index_cast %mul3A_137 : i32 to index
        %get3A_246 = tpu.vector_load %arg6[%get3A_244, %get3A_245] {strides = array<i32>} : memref<16x2048xf32, #tpu.memory_space<vmem>>, vector<16xf32>,
        %sub3A_247 = arith.subf %get3A_246, %gather3A_74 : vector<16xf32>
        %mul3A_248 = arith.mulf %sub3A_247, %sub3A_247 : vector<16xf32>
        %add3A_249 = arith.addf %add3A_221, %mul3A_248 : vector<16xf32>
        %get3A_250 = arith.constant 15 : i32
        %get3A_251 = arith.index_cast %get3A_250 : i32 to index
        %get3A_252 = arith.index_cast %mul3A_137 : i32 to index
        %get3A_253 = tpu.vector_load %arg6[%get3A_251, %get3A_252] {strides = array<i32>} : memref<16x2048xf32, #tpu.memory_space<vmem>>, vector<16xf32>,
        %sub3A_254 = arith.subf %get3A_253, %gather3A_79 : vector<16xf32>
        %mul3A_255 = arith.mulf %sub3A_254, %sub3A_254 : vector<16xf32>
        %add3A_256 = arith.addf %add3A_228, %mul3A_255 : vector<16xf32>
        %add3A_257 = arith.addf %add3A_235, %add3A_242 : vector<16xf32>
        %add3A_258 = arith.addf %add3A_249, %add3A_256 : vector<16xf32>
        %add3A_259 = arith.addf %add3A_257, %add3A_258 : vector<16xf32>
        %add3A_260 = arith.constant 1 : i32
        %add3A_261 = arith.addi %mul3A_133, %add3A_260 : i32
        %mul3A_262 = arith.constant 16 : i32
        %mul3A_263 = arith.muli %add3A_261, %mul3A_262 : i32
        %broadcast_in_dim3A_264 = arith.constant 0.000000e+00 : f32
        %broadcast_in_dim3A_265 = vector.broadcast %broadcast_in_dim3A_264 : f32 to vector<16xf32>
        %broadcast_in_dim3A_266 = arith.constant 0.000000e+00 : f32
        %broadcast_in_dim3A_267 = vector.broadcast %broadcast_in_dim3A_266 : f32 to vector<16xf32>
        %broadcast_in_dim3A_268 = arith.constant 0.000000e+00 : f32
        %broadcast_in_dim3A_269 = vector.broadcast %broadcast_in_dim3A_268 : f32 to vector<16xf32>
        %broadcast_in_dim3A_270 = arith.constant 0.000000e+00 : f32
        %broadcast_in_dim3A_271 = vector.broadcast %broadcast_in_dim3A_270 : f32 to vector<16xf32>
        %get3A_272 = arith.constant 0 : i32
        %get3A_273 = arith.index_cast %get3A_272 : i32 to index
        %get3A_274 = arith.index_cast %mul3A_263 : i32 to index
        %get3A_275 = tpu.vector_load %arg6[%get3A_273, %get3A_274] {strides = array<i32>} : memref<16x2048xf32, #tpu.memory_space<vmem>>, vector<16xf32>,
        %sub3A_276 = arith.subf %get3A_275, %gather3A_4 : vector<16xf32>
        %mul3A_277 = arith.mulf %sub3A_276, %sub3A_276 : vector<16xf32>
        %add3A_278 = arith.addf %broadcast_in_dim3A_265, %mul3A_277 : vector<16xf32>
        %get3A_279 = arith.constant 1 : i32
        %get3A_280 = arith.index_cast %get3A_279 : i32 to index
        %get3A_281 = arith.index_cast %mul3A_263 : i32 to index
        %get3A_282 = tpu.vector_load %arg6[%get3A_280, %get3A_281] {strides = array<i32>} : memref<16x2048xf32, #tpu.memory_space<vmem>>, vector<16xf32>,
        %sub3A_283 = arith.subf %get3A_282, %gather3A_9 : vector<16xf32>
        %mul3A_284 = arith.mulf %sub3A_283, %sub3A_283 : vector<16xf32>
        %add3A_285 = arith.addf %broadcast_in_dim3A_267, %mul3A_284 : vector<16xf32>
        %get3A_286 = arith.constant 2 : i32
        %get3A_287 = arith.index_cast %get3A_286 : i32 to index
        %get3A_288 = arith.index_cast %mul3A_263 : i32 to index
        %get3A_289 = tpu.vector_load %arg6[%get3A_287, %get3A_288] {strides = array<i32>} : memref<16x2048xf32, #tpu.memory_space<vmem>>, vector<16xf32>,
        %sub3A_290 = arith.subf %get3A_289, %gather3A_14 : vector<16xf32>
        %mul3A_291 = arith.mulf %sub3A_290, %sub3A_290 : vector<16xf32>
        %add3A_292 = arith.addf %broadcast_in_dim3A_269, %mul3A_291 : vector<16xf32>
        %get3A_293 = arith.constant 3 : i32
        %get3A_294 = arith.index_cast %get3A_293 : i32 to index
        %get3A_295 = arith.index_cast %mul3A_263 : i32 to index
        %get3A_296 = tpu.vector_load %arg6[%get3A_294, %get3A_295] {strides = array<i32>} : memref<16x2048xf32, #tpu.memory_space<vmem>>, vector<16xf32>,
        %sub3A_297 = arith.subf %get3A_296, %gather3A_19 : vector<16xf32>
        %mul3A_298 = arith.mulf %sub3A_297, %sub3A_297 : vector<16xf32>
        %add3A_299 = arith.addf %broadcast_in_dim3A_271, %mul3A_298 : vector<16xf32>
        %get3A_300 = arith.constant 4 : i32
        %get3A_301 = arith.index_cast %get3A_300 : i32 to index
        %get3A_302 = arith.index_cast %mul3A_263 : i32 to index
        %get3A_303 = tpu.vector_load %arg6[%get3A_301, %get3A_302] {strides = array<i32>} : memref<16x2048xf32, #tpu.memory_space<vmem>>, vector<16xf32>,
        %sub3A_304 = arith.subf %get3A_303, %gather3A_24 : vector<16xf32>
        %mul3A_305 = arith.mulf %sub3A_304, %sub3A_304 : vector<16xf32>
        %add3A_306 = arith.addf %add3A_278, %mul3A_305 : vector<16xf32>
        %get3A_307 = arith.constant 5 : i32
        %get3A_308 = arith.index_cast %get3A_307 : i32 to index
        %get3A_309 = arith.index_cast %mul3A_263 : i32 to index
        %get3A_310 = tpu.vector_load %arg6[%get3A_308, %get3A_309] {strides = array<i32>} : memref<16x2048xf32, #tpu.memory_space<vmem>>, vector<16xf32>,
        %sub3A_311 = arith.subf %get3A_310, %gather3A_29 : vector<16xf32>
        %mul3A_312 = arith.mulf %sub3A_311, %sub3A_311 : vector<16xf32>
        %add3A_313 = arith.addf %add3A_285, %mul3A_312 : vector<16xf32>
        %get3A_314 = arith.constant 6 : i32
        %get3A_315 = arith.index_cast %get3A_314 : i32 to index
        %get3A_316 = arith.index_cast %mul3A_263 : i32 to index
        %get3A_317 = tpu.vector_load %arg6[%get3A_315, %get3A_316] {strides = array<i32>} : memref<16x2048xf32, #tpu.memory_space<vmem>>, vector<16xf32>,
        %sub3A_318 = arith.subf %get3A_317, %gather3A_34 : vector<16xf32>
        %mul3A_319 = arith.mulf %sub3A_318, %sub3A_318 : vector<16xf32>
        %add3A_320 = arith.addf %add3A_292, %mul3A_319 : vector<16xf32>
        %get3A_321 = arith.constant 7 : i32
        %get3A_322 = arith.index_cast %get3A_321 : i32 to index
        %get3A_323 = arith.index_cast %mul3A_263 : i32 to index
        %get3A_324 = tpu.vector_load %arg6[%get3A_322, %get3A_323] {strides = array<i32>} : memref<16x2048xf32, #tpu.memory_space<vmem>>, vector<16xf32>,
        %sub3A_325 = arith.subf %get3A_324, %gather3A_39 : vector<16xf32>
        %mul3A_326 = arith.mulf %sub3A_325, %sub3A_325 : vector<16xf32>
        %add3A_327 = arith.addf %add3A_299, %mul3A_326 : vector<16xf32>
        %get3A_328 = arith.constant 8 : i32
        %get3A_329 = arith.index_cast %get3A_328 : i32 to index
        %get3A_330 = arith.index_cast %mul3A_263 : i32 to index
        %get3A_331 = tpu.vector_load %arg6[%get3A_329, %get3A_330] {strides = array<i32>} : memref<16x2048xf32, #tpu.memory_space<vmem>>, vector<16xf32>,
        %sub3A_332 = arith.subf %get3A_331, %gather3A_44 : vector<16xf32>
        %mul3A_333 = arith.mulf %sub3A_332, %sub3A_332 : vector<16xf32>
        %add3A_334 = arith.addf %add3A_306, %mul3A_333 : vector<16xf32>
        %get3A_335 = arith.constant 9 : i32
        %get3A_336 = arith.index_cast %get3A_335 : i32 to index
        %get3A_337 = arith.index_cast %mul3A_263 : i32 to index
        %get3A_338 = tpu.vector_load %arg6[%get3A_336, %get3A_337] {strides = array<i32>} : memref<16x2048xf32, #tpu.memory_space<vmem>>, vector<16xf32>,
        %sub3A_339 = arith.subf %get3A_338, %gather3A_49 : vector<16xf32>
        %mul3A_340 = arith.mulf %sub3A_339, %sub3A_339 : vector<16xf32>
        %add3A_341 = arith.addf %add3A_313, %mul3A_340 : vector<16xf32>
        %get3A_342 = arith.constant 10 : i32
        %get3A_343 = arith.index_cast %get3A_342 : i32 to index
        %get3A_344 = arith.index_cast %mul3A_263 : i32 to index
        %get3A_345 = tpu.vector_load %arg6[%get3A_343, %get3A_344] {strides = array<i32>} : memref<16x2048xf32, #tpu.memory_space<vmem>>, vector<16xf32>,
        %sub3A_346 = arith.subf %get3A_345, %gather3A_54 : vector<16xf32>
        %mul3A_347 = arith.mulf %sub3A_346, %sub3A_346 : vector<16xf32>
        %add3A_348 = arith.addf %add3A_320, %mul3A_347 : vector<16xf32>
        %get3A_349 = arith.constant 11 : i32
        %get3A_350 = arith.index_cast %get3A_349 : i32 to index
        %get3A_351 = arith.index_cast %mul3A_263 : i32 to index
        %get3A_352 = tpu.vector_load %arg6[%get3A_350, %get3A_351] {strides = array<i32>} : memref<16x2048xf32, #tpu.memory_space<vmem>>, vector<16xf32>,
        %sub3A_353 = arith.subf %get3A_352, %gather3A_59 : vector<16xf32>
        %mul3A_354 = arith.mulf %sub3A_353, %sub3A_353 : vector<16xf32>
        %add3A_355 = arith.addf %add3A_327, %mul3A_354 : vector<16xf32>
        %get3A_356 = arith.constant 12 : i32
        %get3A_357 = arith.index_cast %get3A_356 : i32 to index
        %get3A_358 = arith.index_cast %mul3A_263 : i32 to index
        %get3A_359 = tpu.vector_load %arg6[%get3A_357, %get3A_358] {strides = array<i32>} : memref<16x2048xf32, #tpu.memory_space<vmem>>, vector<16xf32>,
        %sub3A_360 = arith.subf %get3A_359, %gather3A_64 : vector<16xf32>
        %mul3A_361 = arith.mulf %sub3A_360, %sub3A_360 : vector<16xf32>
        %add3A_362 = arith.addf %add3A_334, %mul3A_361 : vector<16xf32>
        %get3A_363 = arith.constant 13 : i32
        %get3A_364 = arith.index_cast %get3A_363 : i32 to index
        %get3A_365 = arith.index_cast %mul3A_263 : i32 to index
        %get3A_366 = tpu.vector_load %arg6[%get3A_364, %get3A_365] {strides = array<i32>} : memref<16x2048xf32, #tpu.memory_space<vmem>>, vector<16xf32>,
        %sub3A_367 = arith.subf %get3A_366, %gather3A_69 : vector<16xf32>
        %mul3A_368 = arith.mulf %sub3A_367, %sub3A_367 : vector<16xf32>
        %add3A_369 = arith.addf %add3A_341, %mul3A_368 : vector<16xf32>
        %get3A_370 = arith.constant 14 : i32
        %get3A_371 = arith.index_cast %get3A_370 : i32 to index
        %get3A_372 = arith.index_cast %mul3A_263 : i32 to index
        %get3A_373 = tpu.vector_load %arg6[%get3A_371, %get3A_372] {strides = array<i32>} : memref<16x2048xf32, #tpu.memory_space<vmem>>, vector<16xf32>,
        %sub3A_374 = arith.subf %get3A_373, %gather3A_74 : vector<16xf32>
        %mul3A_375 = arith.mulf %sub3A_374, %sub3A_374 : vector<16xf32>
        %add3A_376 = arith.addf %add3A_348, %mul3A_375 : vector<16xf32>
        %get3A_377 = arith.constant 15 : i32
        %get3A_378 = arith.index_cast %get3A_377 : i32 to index
        %get3A_379 = arith.index_cast %mul3A_263 : i32 to index
        %get3A_380 = tpu.vector_load %arg6[%get3A_378, %get3A_379] {strides = array<i32>} : memref<16x2048xf32, #tpu.memory_space<vmem>>, vector<16xf32>,
        %sub3A_381 = arith.subf %get3A_380, %gather3A_79 : vector<16xf32>
        %mul3A_382 = arith.mulf %sub3A_381, %sub3A_381 : vector<16xf32>
        %add3A_383 = arith.addf %add3A_355, %mul3A_382 : vector<16xf32>
        %add3A_384 = arith.addf %add3A_362, %add3A_369 : vector<16xf32>
        %add3A_385 = arith.addf %add3A_376, %add3A_383 : vector<16xf32>
        %add3A_386 = arith.addf %add3A_384, %add3A_385 : vector<16xf32>
        %add3A_387 = arith.constant 2 : i32
        %add3A_388 = arith.addi %mul3A_133, %add3A_387 : i32
        %mul3A_389 = arith.constant 16 : i32
        %mul3A_390 = arith.muli %add3A_388, %mul3A_389 : i32
        %broadcast_in_dim3A_391 = arith.constant 0.000000e+00 : f32
        %broadcast_in_dim3A_392 = vector.broadcast %broadcast_in_dim3A_391 : f32 to vector<16xf32>
        %broadcast_in_dim3A_393 = arith.constant 0.000000e+00 : f32
        %broadcast_in_dim3A_394 = vector.broadcast %broadcast_in_dim3A_393 : f32 to vector<16xf32>
        %broadcast_in_dim3A_395 = arith.constant 0.000000e+00 : f32
        %broadcast_in_dim3A_396 = vector.broadcast %broadcast_in_dim3A_395 : f32 to vector<16xf32>
        %broadcast_in_dim3A_397 = arith.constant 0.000000e+00 : f32
        %broadcast_in_dim3A_398 = vector.broadcast %broadcast_in_dim3A_397 : f32 to vector<16xf32>
        %get3A_399 = arith.constant 0 : i32
        %get3A_400 = arith.index_cast %get3A_399 : i32 to index
        %get3A_401 = arith.index_cast %mul3A_390 : i32 to index
        %get3A_402 = tpu.vector_load %arg6[%get3A_400, %get3A_401] {strides = array<i32>} : memref<16x2048xf32, #tpu.memory_space<vmem>>, vector<16xf32>,
        %sub3A_403 = arith.subf %get3A_402, %gather3A_4 : vector<16xf32>
        %mul3A_404 = arith.mulf %sub3A_403, %sub3A_403 : vector<16xf32>
        %add3A_405 = arith.addf %broadcast_in_dim3A_392, %mul3A_404 : vector<16xf32>
        %get3A_406 = arith.constant 1 : i32
        %get3A_407 = arith.index_cast %get3A_406 : i32 to index
        %get3A_408 = arith.index_cast %mul3A_390 : i32 to index
        %get3A_409 = tpu.vector_load %arg6[%get3A_407, %get3A_408] {strides = array<i32>} : memref<16x2048xf32, #tpu.memory_space<vmem>>, vector<16xf32>,
        %sub3A_410 = arith.subf %get3A_409, %gather3A_9 : vector<16xf32>
        %mul3A_411 = arith.mulf %sub3A_410, %sub3A_410 : vector<16xf32>
        %add3A_412 = arith.addf %broadcast_in_dim3A_394, %mul3A_411 : vector<16xf32>
        %get3A_413 = arith.constant 2 : i32
        %get3A_414 = arith.index_cast %get3A_413 : i32 to index
        %get3A_415 = arith.index_cast %mul3A_390 : i32 to index
        %get3A_416 = tpu.vector_load %arg6[%get3A_414, %get3A_415] {strides = array<i32>} : memref<16x2048xf32, #tpu.memory_space<vmem>>, vector<16xf32>,
        %sub3A_417 = arith.subf %get3A_416, %gather3A_14 : vector<16xf32>
        %mul3A_418 = arith.mulf %sub3A_417, %sub3A_417 : vector<16xf32>
        %add3A_419 = arith.addf %broadcast_in_dim3A_396, %mul3A_418 : vector<16xf32>
        %get3A_420 = arith.constant 3 : i32
        %get3A_421 = arith.index_cast %get3A_420 : i32 to index
        %get3A_422 = arith.index_cast %mul3A_390 : i32 to index
        %get3A_423 = tpu.vector_load %arg6[%get3A_421, %get3A_422] {strides = array<i32>} : memref<16x2048xf32, #tpu.memory_space<vmem>>, vector<16xf32>,
        %sub3A_424 = arith.subf %get3A_423, %gather3A_19 : vector<16xf32>
        %mul3A_425 = arith.mulf %sub3A_424, %sub3A_424 : vector<16xf32>
        %add3A_426 = arith.addf %broadcast_in_dim3A_398, %mul3A_425 : vector<16xf32>
        %get3A_427 = arith.constant 4 : i32
        %get3A_428 = arith.index_cast %get3A_427 : i32 to index
        %get3A_429 = arith.index_cast %mul3A_390 : i32 to index
        %get3A_430 = tpu.vector_load %arg6[%get3A_428, %get3A_429] {strides = array<i32>} : memref<16x2048xf32, #tpu.memory_space<vmem>>, vector<16xf32>,
        %sub3A_431 = arith.subf %get3A_430, %gather3A_24 : vector<16xf32>
        %mul3A_432 = arith.mulf %sub3A_431, %sub3A_431 : vector<16xf32>
        %add3A_433 = arith.addf %add3A_405, %mul3A_432 : vector<16xf32>
        %get3A_434 = arith.constant 5 : i32
        %get3A_435 = arith.index_cast %get3A_434 : i32 to index
        %get3A_436 = arith.index_cast %mul3A_390 : i32 to index
        %get3A_437 = tpu.vector_load %arg6[%get3A_435, %get3A_436] {strides = array<i32>} : memref<16x2048xf32, #tpu.memory_space<vmem>>, vector<16xf32>,
        %sub3A_438 = arith.subf %get3A_437, %gather3A_29 : vector<16xf32>
        %mul3A_439 = arith.mulf %sub3A_438, %sub3A_438 : vector<16xf32>
        %add3A_440 = arith.addf %add3A_412, %mul3A_439 : vector<16xf32>
        %get3A_441 = arith.constant 6 : i32
        %get3A_442 = arith.index_cast %get3A_441 : i32 to index
        %get3A_443 = arith.index_cast %mul3A_390 : i32 to index
        %get3A_444 = tpu.vector_load %arg6[%get3A_442, %get3A_443] {strides = array<i32>} : memref<16x2048xf32, #tpu.memory_space<vmem>>, vector<16xf32>,
        %sub3A_445 = arith.subf %get3A_444, %gather3A_34 : vector<16xf32>
        %mul3A_446 = arith.mulf %sub3A_445, %sub3A_445 : vector<16xf32>
        %add3A_447 = arith.addf %add3A_419, %mul3A_446 : vector<16xf32>
        %get3A_448 = arith.constant 7 : i32
        %get3A_449 = arith.index_cast %get3A_448 : i32 to index
        %get3A_450 = arith.index_cast %mul3A_390 : i32 to index
        %get3A_451 = tpu.vector_load %arg6[%get3A_449, %get3A_450] {strides = array<i32>} : memref<16x2048xf32, #tpu.memory_space<vmem>>, vector<16xf32>,
        %sub3A_452 = arith.subf %get3A_451, %gather3A_39 : vector<16xf32>
        %mul3A_453 = arith.mulf %sub3A_452, %sub3A_452 : vector<16xf32>
        %add3A_454 = arith.addf %add3A_426, %mul3A_453 : vector<16xf32>
        %get3A_455 = arith.constant 8 : i32
        %get3A_456 = arith.index_cast %get3A_455 : i32 to index
        %get3A_457 = arith.index_cast %mul3A_390 : i32 to index
        %get3A_458 = tpu.vector_load %arg6[%get3A_456, %get3A_457] {strides = array<i32>} : memref<16x2048xf32, #tpu.memory_space<vmem>>, vector<16xf32>,
        %sub3A_459 = arith.subf %get3A_458, %gather3A_44 : vector<16xf32>
        %mul3A_460 = arith.mulf %sub3A_459, %sub3A_459 : vector<16xf32>
        %add3A_461 = arith.addf %add3A_433, %mul3A_460 : vector<16xf32>
        %get3A_462 = arith.constant 9 : i32
        %get3A_463 = arith.index_cast %get3A_462 : i32 to index
        %get3A_464 = arith.index_cast %mul3A_390 : i32 to index
        %get3A_465 = tpu.vector_load %arg6[%get3A_463, %get3A_464] {strides = array<i32>} : memref<16x2048xf32, #tpu.memory_space<vmem>>, vector<16xf32>,
        %sub3A_466 = arith.subf %get3A_465, %gather3A_49 : vector<16xf32>
        %mul3A_467 = arith.mulf %sub3A_466, %sub3A_466 : vector<16xf32>
        %add3A_468 = arith.addf %add3A_440, %mul3A_467 : vector<16xf32>
        %get3A_469 = arith.constant 10 : i32
        %get3A_470 = arith.index_cast %get3A_469 : i32 to index
        %get3A_471 = arith.index_cast %mul3A_390 : i32 to index
        %get3A_472 = tpu.vector_load %arg6[%get3A_470, %get3A_471] {strides = array<i32>} : memref<16x2048xf32, #tpu.memory_space<vmem>>, vector<16xf32>,
        %sub3A_473 = arith.subf %get3A_472, %gather3A_54 : vector<16xf32>
        %mul3A_474 = arith.mulf %sub3A_473, %sub3A_473 : vector<16xf32>
        %add3A_475 = arith.addf %add3A_447, %mul3A_474 : vector<16xf32>
        %get3A_476 = arith.constant 11 : i32
        %get3A_477 = arith.index_cast %get3A_476 : i32 to index
        %get3A_478 = arith.index_cast %mul3A_390 : i32 to index
        %get3A_479 = tpu.vector_load %arg6[%get3A_477, %get3A_478] {strides = array<i32>} : memref<16x2048xf32, #tpu.memory_space<vmem>>, vector<16xf32>,
        %sub3A_480 = arith.subf %get3A_479, %gather3A_59 : vector<16xf32>
        %mul3A_481 = arith.mulf %sub3A_480, %sub3A_480 : vector<16xf32>
        %add3A_482 = arith.addf %add3A_454, %mul3A_481 : vector<16xf32>
        %get3A_483 = arith.constant 12 : i32
        %get3A_484 = arith.index_cast %get3A_483 : i32 to index
        %get3A_485 = arith.index_cast %mul3A_390 : i32 to index
        %get3A_486 = tpu.vector_load %arg6[%get3A_484, %get3A_485] {strides = array<i32>} : memref<16x2048xf32, #tpu.memory_space<vmem>>, vector<16xf32>,
        %sub3A_487 = arith.subf %get3A_486, %gather3A_64 : vector<16xf32>
        %mul3A_488 = arith.mulf %sub3A_487, %sub3A_487 : vector<16xf32>
        %add3A_489 = arith.addf %add3A_461, %mul3A_488 : vector<16xf32>
        %get3A_490 = arith.constant 13 : i32
        %get3A_491 = arith.index_cast %get3A_490 : i32 to index
        %get3A_492 = arith.index_cast %mul3A_390 : i32 to index
        %get3A_493 = tpu.vector_load %arg6[%get3A_491, %get3A_492] {strides = array<i32>} : memref<16x2048xf32, #tpu.memory_space<vmem>>, vector<16xf32>,
        %sub3A_494 = arith.subf %get3A_493, %gather3A_69 : vector<16xf32>
        %mul3A_495 = arith.mulf %sub3A_494, %sub3A_494 : vector<16xf32>
        %add3A_496 = arith.addf %add3A_468, %mul3A_495 : vector<16xf32>
        %get3A_497 = arith.constant 14 : i32
        %get3A_498 = arith.index_cast %get3A_497 : i32 to index
        %get3A_499 = arith.index_cast %mul3A_390 : i32 to index
        %get3A_500 = tpu.vector_load %arg6[%get3A_498, %get3A_499] {strides = array<i32>} : memref<16x2048xf32, #tpu.memory_space<vmem>>, vector<16xf32>,
        %sub3A_501 = arith.subf %get3A_500, %gather3A_74 : vector<16xf32>
        %mul3A_502 = arith.mulf %sub3A_501, %sub3A_501 : vector<16xf32>
        %add3A_503 = arith.addf %add3A_475, %mul3A_502 : vector<16xf32>
        %get3A_504 = arith.constant 15 : i32
        %get3A_505 = arith.index_cast %get3A_504 : i32 to index
        %get3A_506 = arith.index_cast %mul3A_390 : i32 to index
        %get3A_507 = tpu.vector_load %arg6[%get3A_505, %get3A_506] {strides = array<i32>} : memref<16x2048xf32, #tpu.memory_space<vmem>>, vector<16xf32>,
        %sub3A_508 = arith.subf %get3A_507, %gather3A_79 : vector<16xf32>
        %mul3A_509 = arith.mulf %sub3A_508, %sub3A_508 : vector<16xf32>
        %add3A_510 = arith.addf %add3A_482, %mul3A_509 : vector<16xf32>
        %add3A_511 = arith.addf %add3A_489, %add3A_496 : vector<16xf32>
        %add3A_512 = arith.addf %add3A_503, %add3A_510 : vector<16xf32>
        %add3A_513 = arith.addf %add3A_511, %add3A_512 : vector<16xf32>
        %add3A_514 = arith.constant 3 : i32
        %add3A_515 = arith.addi %mul3A_133, %add3A_514 : i32
        %mul3A_516 = arith.constant 16 : i32
        %mul3A_517 = arith.muli %add3A_515, %mul3A_516 : i32
        %broadcast_in_dim3A_518 = arith.constant 0.000000e+00 : f32
        %broadcast_in_dim3A_519 = vector.broadcast %broadcast_in_dim3A_518 : f32 to vector<16xf32>
        %broadcast_in_dim3A_520 = arith.constant 0.000000e+00 : f32
        %broadcast_in_dim3A_521 = vector.broadcast %broadcast_in_dim3A_520 : f32 to vector<16xf32>
        %broadcast_in_dim3A_522 = arith.constant 0.000000e+00 : f32
        %broadcast_in_dim3A_523 = vector.broadcast %broadcast_in_dim3A_522 : f32 to vector<16xf32>
        %broadcast_in_dim3A_524 = arith.constant 0.000000e+00 : f32
        %broadcast_in_dim3A_525 = vector.broadcast %broadcast_in_dim3A_524 : f32 to vector<16xf32>
        %get3A_526 = arith.constant 0 : i32
        %get3A_527 = arith.index_cast %get3A_526 : i32 to index
        %get3A_528 = arith.index_cast %mul3A_517 : i32 to index
        %get3A_529 = tpu.vector_load %arg6[%get3A_527, %get3A_528] {strides = array<i32>} : memref<16x2048xf32, #tpu.memory_space<vmem>>, vector<16xf32>,
        %sub3A_530 = arith.subf %get3A_529, %gather3A_4 : vector<16xf32>
        %mul3A_531 = arith.mulf %sub3A_530, %sub3A_530 : vector<16xf32>
        %add3A_532 = arith.addf %broadcast_in_dim3A_519, %mul3A_531 : vector<16xf32>
        %get3A_533 = arith.constant 1 : i32
        %get3A_534 = arith.index_cast %get3A_533 : i32 to index
        %get3A_535 = arith.index_cast %mul3A_517 : i32 to index
        %get3A_536 = tpu.vector_load %arg6[%get3A_534, %get3A_535] {strides = array<i32>} : memref<16x2048xf32, #tpu.memory_space<vmem>>, vector<16xf32>,
        %sub3A_537 = arith.subf %get3A_536, %gather3A_9 : vector<16xf32>
        %mul3A_538 = arith.mulf %sub3A_537, %sub3A_537 : vector<16xf32>
        %add3A_539 = arith.addf %broadcast_in_dim3A_521, %mul3A_538 : vector<16xf32>
        %get3A_540 = arith.constant 2 : i32
        %get3A_541 = arith.index_cast %get3A_540 : i32 to index
        %get3A_542 = arith.index_cast %mul3A_517 : i32 to index
        %get3A_543 = tpu.vector_load %arg6[%get3A_541, %get3A_542] {strides = array<i32>} : memref<16x2048xf32, #tpu.memory_space<vmem>>, vector<16xf32>,
        %sub3A_544 = arith.subf %get3A_543, %gather3A_14 : vector<16xf32>
        %mul3A_545 = arith.mulf %sub3A_544, %sub3A_544 : vector<16xf32>
        %add3A_546 = arith.addf %broadcast_in_dim3A_523, %mul3A_545 : vector<16xf32>
        %get3A_547 = arith.constant 3 : i32
        %get3A_548 = arith.index_cast %get3A_547 : i32 to index
        %get3A_549 = arith.index_cast %mul3A_517 : i32 to index
        %get3A_550 = tpu.vector_load %arg6[%get3A_548, %get3A_549] {strides = array<i32>} : memref<16x2048xf32, #tpu.memory_space<vmem>>, vector<16xf32>,
        %sub3A_551 = arith.subf %get3A_550, %gather3A_19 : vector<16xf32>
        %mul3A_552 = arith.mulf %sub3A_551, %sub3A_551 : vector<16xf32>
        %add3A_553 = arith.addf %broadcast_in_dim3A_525, %mul3A_552 : vector<16xf32>
        %get3A_554 = arith.constant 4 : i32
        %get3A_555 = arith.index_cast %get3A_554 : i32 to index
        %get3A_556 = arith.index_cast %mul3A_517 : i32 to index
        %get3A_557 = tpu.vector_load %arg6[%get3A_555, %get3A_556] {strides = array<i32>} : memref<16x2048xf32, #tpu.memory_space<vmem>>, vector<16xf32>,
        %sub3A_558 = arith.subf %get3A_557, %gather3A_24 : vector<16xf32>
        %mul3A_559 = arith.mulf %sub3A_558, %sub3A_558 : vector<16xf32>
        %add3A_560 = arith.addf %add3A_532, %mul3A_559 : vector<16xf32>
        %get3A_561 = arith.constant 5 : i32
        %get3A_562 = arith.index_cast %get3A_561 : i32 to index
        %get3A_563 = arith.index_cast %mul3A_517 : i32 to index
        %get3A_564 = tpu.vector_load %arg6[%get3A_562, %get3A_563] {strides = array<i32>} : memref<16x2048xf32, #tpu.memory_space<vmem>>, vector<16xf32>,
        %sub3A_565 = arith.subf %get3A_564, %gather3A_29 : vector<16xf32>
        %mul3A_566 = arith.mulf %sub3A_565, %sub3A_565 : vector<16xf32>
        %add3A_567 = arith.addf %add3A_539, %mul3A_566 : vector<16xf32>
        %get3A_568 = arith.constant 6 : i32
        %get3A_569 = arith.index_cast %get3A_568 : i32 to index
        %get3A_570 = arith.index_cast %mul3A_517 : i32 to index
        %get3A_571 = tpu.vector_load %arg6[%get3A_569, %get3A_570] {strides = array<i32>} : memref<16x2048xf32, #tpu.memory_space<vmem>>, vector<16xf32>,
        %sub3A_572 = arith.subf %get3A_571, %gather3A_34 : vector<16xf32>
        %mul3A_573 = arith.mulf %sub3A_572, %sub3A_572 : vector<16xf32>
        %add3A_574 = arith.addf %add3A_546, %mul3A_573 : vector<16xf32>
        %get3A_575 = arith.constant 7 : i32
        %get3A_576 = arith.index_cast %get3A_575 : i32 to index
        %get3A_577 = arith.index_cast %mul3A_517 : i32 to index
        %get3A_578 = tpu.vector_load %arg6[%get3A_576, %get3A_577] {strides = array<i32>} : memref<16x2048xf32, #tpu.memory_space<vmem>>, vector<16xf32>,
        %sub3A_579 = arith.subf %get3A_578, %gather3A_39 : vector<16xf32>
        %mul3A_580 = arith.mulf %sub3A_579, %sub3A_579 : vector<16xf32>
        %add3A_581 = arith.addf %add3A_553, %mul3A_580 : vector<16xf32>
        %get3A_582 = arith.constant 8 : i32
        %get3A_583 = arith.index_cast %get3A_582 : i32 to index
        %get3A_584 = arith.index_cast %mul3A_517 : i32 to index
        %get3A_585 = tpu.vector_load %arg6[%get3A_583, %get3A_584] {strides = array<i32>} : memref<16x2048xf32, #tpu.memory_space<vmem>>, vector<16xf32>,
        %sub3A_586 = arith.subf %get3A_585, %gather3A_44 : vector<16xf32>
        %mul3A_587 = arith.mulf %sub3A_586, %sub3A_586 : vector<16xf32>
        %add3A_588 = arith.addf %add3A_560, %mul3A_587 : vector<16xf32>
        %get3A_589 = arith.constant 9 : i32
        %get3A_590 = arith.index_cast %get3A_589 : i32 to index
        %get3A_591 = arith.index_cast %mul3A_517 : i32 to index
        %get3A_592 = tpu.vector_load %arg6[%get3A_590, %get3A_591] {strides = array<i32>} : memref<16x2048xf32, #tpu.memory_space<vmem>>, vector<16xf32>,
        %sub3A_593 = arith.subf %get3A_592, %gather3A_49 : vector<16xf32>
        %mul3A_594 = arith.mulf %sub3A_593, %sub3A_593 : vector<16xf32>
        %add3A_595 = arith.addf %add3A_567, %mul3A_594 : vector<16xf32>
        %get3A_596 = arith.constant 10 : i32
        %get3A_597 = arith.index_cast %get3A_596 : i32 to index
        %get3A_598 = arith.index_cast %mul3A_517 : i32 to index
        %get3A_599 = tpu.vector_load %arg6[%get3A_597, %get3A_598] {strides = array<i32>} : memref<16x2048xf32, #tpu.memory_space<vmem>>, vector<16xf32>,
        %sub3A_600 = arith.subf %get3A_599, %gather3A_54 : vector<16xf32>
        %mul3A_601 = arith.mulf %sub3A_600, %sub3A_600 : vector<16xf32>
        %add3A_602 = arith.addf %add3A_574, %mul3A_601 : vector<16xf32>
        %get3A_603 = arith.constant 11 : i32
        %get3A_604 = arith.index_cast %get3A_603 : i32 to index
        %get3A_605 = arith.index_cast %mul3A_517 : i32 to index
        %get3A_606 = tpu.vector_load %arg6[%get3A_604, %get3A_605] {strides = array<i32>} : memref<16x2048xf32, #tpu.memory_space<vmem>>, vector<16xf32>,
        %sub3A_607 = arith.subf %get3A_606, %gather3A_59 : vector<16xf32>
        %mul3A_608 = arith.mulf %sub3A_607, %sub3A_607 : vector<16xf32>
        %add3A_609 = arith.addf %add3A_581, %mul3A_608 : vector<16xf32>
        %get3A_610 = arith.constant 12 : i32
        %get3A_611 = arith.index_cast %get3A_610 : i32 to index
        %get3A_612 = arith.index_cast %mul3A_517 : i32 to index
        %get3A_613 = tpu.vector_load %arg6[%get3A_611, %get3A_612] {strides = array<i32>} : memref<16x2048xf32, #tpu.memory_space<vmem>>, vector<16xf32>,
        %sub3A_614 = arith.subf %get3A_613, %gather3A_64 : vector<16xf32>
        %mul3A_615 = arith.mulf %sub3A_614, %sub3A_614 : vector<16xf32>
        %add3A_616 = arith.addf %add3A_588, %mul3A_615 : vector<16xf32>
        %get3A_617 = arith.constant 13 : i32
        %get3A_618 = arith.index_cast %get3A_617 : i32 to index
        %get3A_619 = arith.index_cast %mul3A_517 : i32 to index
        %get3A_620 = tpu.vector_load %arg6[%get3A_618, %get3A_619] {strides = array<i32>} : memref<16x2048xf32, #tpu.memory_space<vmem>>, vector<16xf32>,
        %sub3A_621 = arith.subf %get3A_620, %gather3A_69 : vector<16xf32>
        %mul3A_622 = arith.mulf %sub3A_621, %sub3A_621 : vector<16xf32>
        %add3A_623 = arith.addf %add3A_595, %mul3A_622 : vector<16xf32>
        %get3A_624 = arith.constant 14 : i32
        %get3A_625 = arith.index_cast %get3A_624 : i32 to index
        %get3A_626 = arith.index_cast %mul3A_517 : i32 to index
        %get3A_627 = tpu.vector_load %arg6[%get3A_625, %get3A_626] {strides = array<i32>} : memref<16x2048xf32, #tpu.memory_space<vmem>>, vector<16xf32>,
        %sub3A_628 = arith.subf %get3A_627, %gather3A_74 : vector<16xf32>
        %mul3A_629 = arith.mulf %sub3A_628, %sub3A_628 : vector<16xf32>
        %add3A_630 = arith.addf %add3A_602, %mul3A_629 : vector<16xf32>
        %get3A_631 = arith.constant 15 : i32
        %get3A_632 = arith.index_cast %get3A_631 : i32 to index
        %get3A_633 = arith.index_cast %mul3A_517 : i32 to index
        %get3A_634 = tpu.vector_load %arg6[%get3A_632, %get3A_633] {strides = array<i32>} : memref<16x2048xf32, #tpu.memory_space<vmem>>, vector<16xf32>,
        %sub3A_635 = arith.subf %get3A_634, %gather3A_79 : vector<16xf32>
        %mul3A_636 = arith.mulf %sub3A_635, %sub3A_635 : vector<16xf32>
        %add3A_637 = arith.addf %add3A_609, %mul3A_636 : vector<16xf32>
        %add3A_638 = arith.addf %add3A_616, %add3A_623 : vector<16xf32>
        %add3A_639 = arith.addf %add3A_630, %add3A_637 : vector<16xf32>
        %add3A_640 = arith.addf %add3A_638, %add3A_639 : vector<16xf32>
        %mul3A_641 = arith.constant 16 : i32
        %mul3A_642 = arith.muli %mul3A_133, %mul3A_641 : i32
        %add3A_643 = arith.constant 999424 : i32
        %add3A_644 = arith.addi %add3A_643, %mul3A_642 : i32
        %add3A_645 = vector.broadcast %add3A_644 : i32 to vector<16xi32>
        %add3A_646 = arith.addi %add3A_645, %iota3A : vector<16xi32>
        %min3A = arith.minimumf %add3A_259, %add3A_386 : vector<16xf32>
        %min3A_647 = arith.minimumf %min3A, %add3A_513 : vector<16xf32>
        %min3A_648 = arith.minimumf %min3A_647, %add3A_640 : vector<16xf32>
        %lt3A_649 = arith.cmpf olt, %min3A_648, %scan3A_131 : vector<16xf32>
        %reduce_or3A = arith.constant 1.000000e+00 : f32
        %reduce_or3A_650 = arith.constant 0.000000e+00 : f32
        %reduce_or3A_651 = vector.broadcast %reduce_or3A : f32 to vector<16xf32>
        %reduce_or3A_652 = vector.broadcast %reduce_or3A_650 : f32 to vector<16xf32>
        %reduce_or3A_653 = arith.select %lt3A_649, %reduce_or3A_651, %reduce_or3A_652 : vector<16xi1>, vector<16xf32>
        %reduce_or3A_654 = arith.constant true
        %reduce_or3A_655 = vector.broadcast %reduce_or3A_654 : i1 to vector<16xi1>
        %reduce_or3A_656 = tpu.scan <max>, %reduce_or3A_653 masked %reduce_or3A_655 : vector<16xf32>, vector<16xi1> -> vector<16xf32>
        %reduce_or3A_657 = vector.extract %reduce_or3A_656[15] : f32 from vector<16xf32>
        %reduce_or3A_658 = arith.constant 0.000000e+00 : f32
        %reduce_or3A_659 = arith.cmpf ogt, %reduce_or3A_657, %reduce_or3A_658 : f32
        %and3A = arith.constant true
        %and3A_660 = arith.andi %and3A, %reduce_or3A_659 : i1
        %convert_element_type3A_661 = arith.extui %and3A_660 : i1 to i32
        %cond3A_662 = arith.constant 0 : i32
        %cond3A_663 = arith.cmpi ne, %convert_element_type3A_661, %cond3A_662 : i32
        %cond3A_664:3 = scf.if %cond3A_663 -> (vector<16xf32>, vector<16xi32>, vector<16xf32>) {
          %add3A_665 = arith.constant 0 : i32
          %add3A_666 = vector.broadcast %add3A_665 : i32 to vector<16xi32>
          %add3A_667 = arith.addi %add3A_646, %add3A_666 : vector<16xi32>
          %masked_sort3A = arith.constant dense<true> : vector<16xi1>
          %masked_sort3A_668, %masked_sort3A_669, %masked_sort3A_670 = tpu.sort %add3A_259, %add3A_667 masked %masked_sort3A : (vector<16xf32>, vector<16xi32>, vector<16xi1>) -> (vector<16xi1>, vector<16xf32>, vector<16xi32>)
          %rev3A = arith.constant 15 : i32
          %rev3A_671 = vector.broadcast %rev3A : i32 to vector<16xi32>
          %rev3A_672 = tpu.iota {dimensions = array<i32: 0>} : vector<16xi32>
          %rev3A_673 = arith.subi %rev3A_671, %rev3A_672 : vector<16xi32>
          %rev3A_674 = tpu.dynamic_gather %masked_sort3A_669[%rev3A_673] in [0] : vector<16xf32>, vector<16xi32> -> vector<16xf32>
          %rev3A_675 = arith.constant 15 : i32
          %rev3A_676 = vector.broadcast %rev3A_675 : i32 to vector<16xi32>
          %rev3A_677 = tpu.iota {dimensions = array<i32: 0>} : vector<16xi32>
          %rev3A_678 = arith.subi %rev3A_676, %rev3A_677 : vector<16xi32>
          %rev3A_679 = tpu.dynamic_gather %masked_sort3A_670[%rev3A_678] in [0] : vector<16xi32>, vector<16xi32> -> vector<16xi32>
          %le3A = arith.cmpf ole, %scan3A_129, %rev3A_674 : vector<16xf32>
          %select_n3A_680 = arith.select %le3A, %scan3A_129, %rev3A_674 : vector<16xi1>, vector<16xf32>
          %select_n3A_681 = arith.select %le3A, %scan3A_130, %rev3A_679 : vector<16xi1>, vector<16xi32>
          %masked_sort3A_682 = arith.constant dense<true> : vector<16xi1>
          %masked_sort3A_683, %masked_sort3A_684, %masked_sort3A_685 = tpu.sort %select_n3A_680, %select_n3A_681 masked %masked_sort3A_682 : (vector<16xf32>, vector<16xi32>, vector<16xi1>) -> (vector<16xi1>, vector<16xf32>, vector<16xi32>)
          %broadcast_in_dim3A_686 = arith.constant 7 : i32
          %broadcast_in_dim3A_687 = vector.broadcast %broadcast_in_dim3A_686 : i32 to vector<16xi32>
          %broadcast_in_dim3A_688 = vector.shape_cast %broadcast_in_dim3A_687 : vector<16xi32> to vector<16x1xi32>
          %gather3A_689 = vector.shape_cast %broadcast_in_dim3A_688 : vector<16x1xi32> to vector<16xi32>
          %gather3A_690 = tpu.dynamic_gather %masked_sort3A_684[%gather3A_689] in [0] : vector<16xf32>, vector<16xi32> -> vector<16xf32>
          %add3A_691 = arith.constant 16 : i32
          %add3A_692 = vector.broadcast %add3A_691 : i32 to vector<16xi32>
          %add3A_693 = arith.addi %add3A_646, %add3A_692 : vector<16xi32>
          %masked_sort3A_694 = arith.constant dense<true> : vector<16xi1>
          %masked_sort3A_695, %masked_sort3A_696, %masked_sort3A_697 = tpu.sort %add3A_386, %add3A_693 masked %masked_sort3A_694 : (vector<16xf32>, vector<16xi32>, vector<16xi1>) -> (vector<16xi1>, vector<16xf32>, vector<16xi32>)
          %rev3A_698 = arith.constant 15 : i32
          %rev3A_699 = vector.broadcast %rev3A_698 : i32 to vector<16xi32>
          %rev3A_700 = tpu.iota {dimensions = array<i32: 0>} : vector<16xi32>
          %rev3A_701 = arith.subi %rev3A_699, %rev3A_700 : vector<16xi32>
          %rev3A_702 = tpu.dynamic_gather %masked_sort3A_696[%rev3A_701] in [0] : vector<16xf32>, vector<16xi32> -> vector<16xf32>
          %rev3A_703 = arith.constant 15 : i32
          %rev3A_704 = vector.broadcast %rev3A_703 : i32 to vector<16xi32>
          %rev3A_705 = tpu.iota {dimensions = array<i32: 0>} : vector<16xi32>
          %rev3A_706 = arith.subi %rev3A_704, %rev3A_705 : vector<16xi32>
          %rev3A_707 = tpu.dynamic_gather %masked_sort3A_697[%rev3A_706] in [0] : vector<16xi32>, vector<16xi32> -> vector<16xi32>
          %le3A_708 = arith.cmpf ole, %masked_sort3A_684, %rev3A_702 : vector<16xf32>
          %select_n3A_709 = arith.select %le3A_708, %masked_sort3A_684, %rev3A_702 : vector<16xi1>, vector<16xf32>
          %select_n3A_710 = arith.select %le3A_708, %masked_sort3A_685, %rev3A_707 : vector<16xi1>, vector<16xi32>
          %masked_sort3A_711 = arith.constant dense<true> : vector<16xi1>
          %masked_sort3A_712, %masked_sort3A_713, %masked_sort3A_714 = tpu.sort %select_n3A_709, %select_n3A_710 masked %masked_sort3A_711 : (vector<16xf32>, vector<16xi32>, vector<16xi1>) -> (vector<16xi1>, vector<16xf32>, vector<16xi32>)
          %broadcast_in_dim3A_715 = arith.constant 7 : i32
          %broadcast_in_dim3A_716 = vector.broadcast %broadcast_in_dim3A_715 : i32 to vector<16xi32>
          %broadcast_in_dim3A_717 = vector.shape_cast %broadcast_in_dim3A_716 : vector<16xi32> to vector<16x1xi32>
          %gather3A_718 = vector.shape_cast %broadcast_in_dim3A_717 : vector<16x1xi32> to vector<16xi32>
          %gather3A_719 = tpu.dynamic_gather %masked_sort3A_713[%gather3A_718] in [0] : vector<16xf32>, vector<16xi32> -> vector<16xf32>
          %add3A_720 = arith.constant 32 : i32
          %add3A_721 = vector.broadcast %add3A_720 : i32 to vector<16xi32>
          %add3A_722 = arith.addi %add3A_646, %add3A_721 : vector<16xi32>
          %masked_sort3A_723 = arith.constant dense<true> : vector<16xi1>
          %masked_sort3A_724, %masked_sort3A_725, %masked_sort3A_726 = tpu.sort %add3A_513, %add3A_722 masked %masked_sort3A_723 : (vector<16xf32>, vector<16xi32>, vector<16xi1>) -> (vector<16xi1>, vector<16xf32>, vector<16xi32>)
          %rev3A_727 = arith.constant 15 : i32
          %rev3A_728 = vector.broadcast %rev3A_727 : i32 to vector<16xi32>
          %rev3A_729 = tpu.iota {dimensions = array<i32: 0>} : vector<16xi32>
          %rev3A_730 = arith.subi %rev3A_728, %rev3A_729 : vector<16xi32>
          %rev3A_731 = tpu.dynamic_gather %masked_sort3A_725[%rev3A_730] in [0] : vector<16xf32>, vector<16xi32> -> vector<16xf32>
          %rev3A_732 = arith.constant 15 : i32
          %rev3A_733 = vector.broadcast %rev3A_732 : i32 to vector<16xi32>
          %rev3A_734 = tpu.iota {dimensions = array<i32: 0>} : vector<16xi32>
          %rev3A_735 = arith.subi %rev3A_733, %rev3A_734 : vector<16xi32>
          %rev3A_736 = tpu.dynamic_gather %masked_sort3A_726[%rev3A_735] in [0] : vector<16xi32>, vector<16xi32> -> vector<16xi32>
          %le3A_737 = arith.cmpf ole, %masked_sort3A_713, %rev3A_731 : vector<16xf32>
          %select_n3A_738 = arith.select %le3A_737, %masked_sort3A_713, %rev3A_731 : vector<16xi1>, vector<16xf32>
          %select_n3A_739 = arith.select %le3A_737, %masked_sort3A_714, %rev3A_736 : vector<16xi1>, vector<16xi32>
          %masked_sort3A_740 = arith.constant dense<true> : vector<16xi1>
          %masked_sort3A_741, %masked_sort3A_742, %masked_sort3A_743 = tpu.sort %select_n3A_738, %select_n3A_739 masked %masked_sort3A_740 : (vector<16xf32>, vector<16xi32>, vector<16xi1>) -> (vector<16xi1>, vector<16xf32>, vector<16xi32>)
          %broadcast_in_dim3A_744 = arith.constant 7 : i32
          %broadcast_in_dim3A_745 = vector.broadcast %broadcast_in_dim3A_744 : i32 to vector<16xi32>
          %broadcast_in_dim3A_746 = vector.shape_cast %broadcast_in_dim3A_745 : vector<16xi32> to vector<16x1xi32>
          %gather3A_747 = vector.shape_cast %broadcast_in_dim3A_746 : vector<16x1xi32> to vector<16xi32>
          %gather3A_748 = tpu.dynamic_gather %masked_sort3A_742[%gather3A_747] in [0] : vector<16xf32>, vector<16xi32> -> vector<16xf32>
          %add3A_749 = arith.constant 48 : i32
          %add3A_750 = vector.broadcast %add3A_749 : i32 to vector<16xi32>
          %add3A_751 = arith.addi %add3A_646, %add3A_750 : vector<16xi32>
          %masked_sort3A_752 = arith.constant dense<true> : vector<16xi1>
          %masked_sort3A_753, %masked_sort3A_754, %masked_sort3A_755 = tpu.sort %add3A_640, %add3A_751 masked %masked_sort3A_752 : (vector<16xf32>, vector<16xi32>, vector<16xi1>) -> (vector<16xi1>, vector<16xf32>, vector<16xi32>)
          %rev3A_756 = arith.constant 15 : i32
          %rev3A_757 = vector.broadcast %rev3A_756 : i32 to vector<16xi32>
          %rev3A_758 = tpu.iota {dimensions = array<i32: 0>} : vector<16xi32>
          %rev3A_759 = arith.subi %rev3A_757, %rev3A_758 : vector<16xi32>
          %rev3A_760 = tpu.dynamic_gather %masked_sort3A_754[%rev3A_759] in [0] : vector<16xf32>, vector<16xi32> -> vector<16xf32>
          %rev3A_761 = arith.constant 15 : i32
          %rev3A_762 = vector.broadcast %rev3A_761 : i32 to vector<16xi32>
          %rev3A_763 = tpu.iota {dimensions = array<i32: 0>} : vector<16xi32>
          %rev3A_764 = arith.subi %rev3A_762, %rev3A_763 : vector<16xi32>
          %rev3A_765 = tpu.dynamic_gather %masked_sort3A_755[%rev3A_764] in [0] : vector<16xi32>, vector<16xi32> -> vector<16xi32>
          %le3A_766 = arith.cmpf ole, %masked_sort3A_742, %rev3A_760 : vector<16xf32>
          %select_n3A_767 = arith.select %le3A_766, %masked_sort3A_742, %rev3A_760 : vector<16xi1>, vector<16xf32>
          %select_n3A_768 = arith.select %le3A_766, %masked_sort3A_743, %rev3A_765 : vector<16xi1>, vector<16xi32>
          %masked_sort3A_769 = arith.constant dense<true> : vector<16xi1>
          %masked_sort3A_770, %masked_sort3A_771, %masked_sort3A_772 = tpu.sort %select_n3A_767, %select_n3A_768 masked %masked_sort3A_769 : (vector<16xf32>, vector<16xi32>, vector<16xi1>) -> (vector<16xi1>, vector<16xf32>, vector<16xi32>)
          %broadcast_in_dim3A_773 = arith.constant 7 : i32
          %broadcast_in_dim3A_774 = vector.broadcast %broadcast_in_dim3A_773 : i32 to vector<16xi32>
          %broadcast_in_dim3A_775 = vector.shape_cast %broadcast_in_dim3A_774 : vector<16xi32> to vector<16x1xi32>
          %gather3A_776 = vector.shape_cast %broadcast_in_dim3A_775 : vector<16x1xi32> to vector<16xi32>
          %gather3A_777 = tpu.dynamic_gather %masked_sort3A_771[%gather3A_776] in [0] : vector<16xf32>, vector<16xi32> -> vector<16xf32>
          scf.yield %masked_sort3A_771, %masked_sort3A_772, %gather3A_777 : vector<16xf32>, vector<16xi32>, vector<16xf32>
        } else {
          scf.yield %scan3A_129, %scan3A_130, %scan3A_131 : vector<16xf32>, vector<16xi32>, vector<16xf32>
        }
        scf.yield %cond3A_664#0, %cond3A_664#1, %cond3A_664#2 : vector<16xf32>, vector<16xi32>, vector<16xf32>
      }
      %scan3A_124 = arith.constant 8 : i32
      %swap3A = arith.constant 0 : index
      %swap3A_125 = tpu.vector_load %arg9[%swap3A] {strides = array<i32>} : memref<16xf32, #tpu.memory_space<vmem>>, vector<16xf32>,
      tpu.vector_store %arg9[%swap3A], %scan3A_123#0 {strides = array<i32>} : memref<16xf32, #tpu.memory_space<vmem>>, vector<16xf32>,
      %swap3A_126 = arith.constant 0 : index
      %swap3A_127 = tpu.vector_load %arg10[%swap3A_126] {strides = array<i32>} : memref<16xi32, #tpu.memory_space<vmem>>, vector<16xi32>,
      tpu.vector_store %arg10[%swap3A_126], %scan3A_123#1 {strides = array<i32>} : memref<16xi32, #tpu.memory_space<vmem>>, vector<16xi32>,
    } else {
    }
    %ne3A = arith.constant 8 : i32
    %ne3A_111 = arith.cmpi ne, %add3A, %ne3A : i32
    %convert_element_type3A_112 = arith.extui %ne3A_111 : i1 to i32
    %cond3A_113 = arith.constant 0 : i32
    %cond3A_114 = arith.cmpi ne, %convert_element_type3A_112, %cond3A_113 : i32
    scf.if %cond3A_114 {
      %swap3A = arith.constant 0 : index
      %swap3A_119 = tpu.vector_load %arg9[%swap3A] {strides = array<i32>} : memref<16xf32, #tpu.memory_space<vmem>>, vector<16xf32>,
      tpu.vector_store %arg9[%swap3A], %scan3A_97#0 {strides = array<i32>} : memref<16xf32, #tpu.memory_space<vmem>>, vector<16xf32>,
      %swap3A_120 = arith.constant 0 : index
      %swap3A_121 = tpu.vector_load %arg10[%swap3A_120] {strides = array<i32>} : memref<16xi32, #tpu.memory_space<vmem>>, vector<16xi32>,
      tpu.vector_store %arg10[%swap3A_120], %scan3A_97#1 {strides = array<i32>} : memref<16xi32, #tpu.memory_space<vmem>>, vector<16xi32>,
    } else {
    }
    %mul3A_115 = arith.constant 16 : i32
    %mul3A_116 = arith.muli %add3A, %mul3A_115 : i32
    "tpu.region"() ({
      %run_scoped3A = tpu.sem_alloc : memref<!tpu.dma_semaphore, #tpu.memory_space<semaphore_mem>>
      %dma_start3A_119 = tpu.memref_slice %arg4[%mul3A_116] : memref<512xf32, #tpu.memory_space<hbm>> -> memref<16xf32, #tpu.memory_space<hbm>>
      %dma_start3A_120 = tpu.memref_slice %arg4[%mul3A_116] : memref<512xf32, #tpu.memory_space<hbm>> -> memref<16xf32, #tpu.memory_space<hbm>>
      tpu.enqueue_dma source(%arg9 : memref<16xf32, #tpu.memory_space<vmem>>) target(%dma_start3A_120 : memref<16xf32, #tpu.memory_space<hbm>>) target_semaphore(%run_scoped3A : memref<!tpu.dma_semaphore, #tpu.memory_space<semaphore_mem>>)
      %dma_wait3A_121 = tpu.memref_slice %arg4[%mul3A_116] : memref<512xf32, #tpu.memory_space<hbm>> -> memref<16xf32, #tpu.memory_space<hbm>>
      %dma_wait3A_122 = tpu.memref_slice %arg4[%mul3A_116] : memref<512xf32, #tpu.memory_space<hbm>> -> memref<16xf32, #tpu.memory_space<hbm>>
      tpu.wait_dma2 semaphore(%run_scoped3A : memref<!tpu.dma_semaphore, #tpu.memory_space<semaphore_mem>>) src(%arg9 : memref<16xf32, #tpu.memory_space<vmem>>) dst(%dma_wait3A_122 : memref<16xf32, #tpu.memory_space<hbm>>)
      tpu.yield
    }) : () -> ()
    %mul3A_117 = arith.constant 16 : i32
    %mul3A_118 = arith.muli %add3A, %mul3A_117 : i32
    "tpu.region"() ({
      %run_scoped3A = tpu.sem_alloc : memref<!tpu.dma_semaphore, #tpu.memory_space<semaphore_mem>>
      %dma_start3A_119 = tpu.memref_slice %arg5[%mul3A_118] : memref<512xi32, #tpu.memory_space<hbm>> -> memref<16xi32, #tpu.memory_space<hbm>>
      %dma_start3A_120 = tpu.memref_slice %arg5[%mul3A_118] : memref<512xi32, #tpu.memory_space<hbm>> -> memref<16xi32, #tpu.memory_space<hbm>>
      tpu.enqueue_dma source(%arg10 : memref<16xi32, #tpu.memory_space<vmem>>) target(%dma_start3A_120 : memref<16xi32, #tpu.memory_space<hbm>>) target_semaphore(%run_scoped3A : memref<!tpu.dma_semaphore, #tpu.memory_space<semaphore_mem>>)
      %dma_wait3A_121 = tpu.memref_slice %arg5[%mul3A_118] : memref<512xi32, #tpu.memory_space<hbm>> -> memref<16xi32, #tpu.memory_space<hbm>>
      %dma_wait3A_122 = tpu.memref_slice %arg5[%mul3A_118] : memref<512xi32, #tpu.memory_space<hbm>> -> memref<16xi32, #tpu.memory_space<hbm>>
      tpu.wait_dma2 semaphore(%run_scoped3A : memref<!tpu.dma_semaphore, #tpu.memory_space<semaphore_mem>>) src(%arg10 : memref<16xi32, #tpu.memory_space<vmem>>) dst(%dma_wait3A_122 : memref<16xi32, #tpu.memory_space<hbm>>)
      tpu.yield
    }) : () -> ()
    return
  }
}

module attributes {stable_mosaic.version = 14 : i64} {
  func.func @_tc_merge_body(%arg0: i32, %arg1: memref<512xf32, #tpu.memory_space<vmem>>, %arg2: memref<512xi32, #tpu.memory_space<vmem>>, %arg3: memref<16x128xf32, #tpu.memory_space<vmem>>, %arg4: memref<16x1xf32, #tpu.memory_space<vmem>>, %arg5: memref<8xi32, #tpu.memory_space<vmem>>, %arg6: memref<8xf32, #tpu.memory_space<vmem>>) attributes {dimension_semantics = [#tpu.dimension_semantics<arbitrary>], iteration_bounds = array<i64: 1>, scalar_prefetch = 0 : i64, scratch_operands = 0 : i64, tpu.core_type = #tpu.core_type<tc>, window_params = [{pipeline_mode = #tpu.pipeline_mode<synchronous>, transform_indices = @transform_0, window_bounds = array<i64: 512>}, {pipeline_mode = #tpu.pipeline_mode<synchronous>, transform_indices = @transform_1, window_bounds = array<i64: 512>}, {transform_indices = @transform_2, window_bounds = array<i64: 16, 128>}, {pipeline_mode = #tpu.pipeline_mode<synchronous>, transform_indices = @transform_3, window_bounds = array<i64: 16, 1>}, {pipeline_mode = #tpu.pipeline_mode<synchronous>, transform_indices = @transform_4, window_bounds = array<i64: 8>}, {pipeline_mode = #tpu.pipeline_mode<synchronous>, transform_indices = @transform_5, window_bounds = array<i64: 8>}]} {
    %get3A = arith.constant 0 : index
    %get3A_0 = arith.constant 0 : index
    %get3A_1 = vector.load %arg3[%get3A, %get3A_0] : memref<16x128xf32, #tpu.memory_space<vmem>>, vector<16x128xf32>
    %get3A_2 = arith.constant 0 : index
    %get3A_3 = arith.constant 0 : index
    %get3A_4 = vector.load %arg4[%get3A_2, %get3A_3] : memref<16x1xf32, #tpu.memory_space<vmem>>, vector<16x1xf32>
    %sub3A = vector.broadcast %get3A_4 : vector<16x1xf32> to vector<16x128xf32>
    %sub3A_5 = arith.subf %get3A_1, %sub3A : vector<16x128xf32>
    %integer_pow3A = arith.mulf %sub3A_5, %sub3A_5 : vector<16x128xf32>
    %reduce_sum3A = arith.constant dense<0.000000e+00> : vector<128xf32>
    %reduce_sum3A_6 = vector.multi_reduction <add>, %integer_pow3A, %reduce_sum3A [0] : vector<16x128xf32> to vector<128xf32>
    %iota3A = tpu.iota {dimensions = array<i32: 1>} : vector<1x128xi32>
    %iota3A_7 = vector.shape_cast %iota3A : vector<1x128xi32> to vector<128xi32>
    %lt3A = arith.constant 64 : i32
    %lt3A_8 = vector.broadcast %lt3A : i32 to vector<128xi32>
    %lt3A_9 = arith.cmpi slt, %iota3A_7, %lt3A_8 : vector<128xi32>
    %jit3A = arith.constant 0x7F800000 : f32
    %broadcast_in_dim3A = vector.broadcast %jit3A : f32 to vector<128xf32>
    %select_n3A = arith.select %lt3A_9, %reduce_sum3A_6, %broadcast_in_dim3A : vector<128xi1>, vector<128xf32>
    %iota3A_10 = tpu.iota {dimensions = array<i32: 1>} : vector<1x128xi32>
    %iota3A_11 = vector.shape_cast %iota3A_10 : vector<1x128xi32> to vector<128xi32>
    %add3A = arith.constant 999936 : i32
    %add3A_12 = vector.broadcast %add3A : i32 to vector<128xi32>
    %add3A_13 = arith.addi %add3A_12, %iota3A_11 : vector<128xi32>
    %get3A_14 = arith.constant 0 : index
    %get3A_15 = vector.load %arg1[%get3A_14] : memref<512xf32, #tpu.memory_space<vmem>>, vector<512xf32>
    %concatenate3A = tpu.concatenate %get3A_15, %select_n3A in 0 : vector<512xf32>, vector<128xf32> -> vector<640xf32>
    %get3A_16 = arith.constant 0 : index
    %get3A_17 = vector.load %arg2[%get3A_16] : memref<512xi32, #tpu.memory_space<vmem>>, vector<512xi32>
    %concatenate3A_18 = tpu.concatenate %get3A_17, %add3A_13 in 0 : vector<512xi32>, vector<128xi32> -> vector<640xi32>
    %reduce_min3A = vector.shape_cast %concatenate3A : vector<640xf32> to vector<1x640xf32>
    %reduce_min3A_19 = arith.constant dense<0x7F800000> : vector<1xf32>
    %reduce_min3A_20 = vector.multi_reduction <minimumf>, %reduce_min3A, %reduce_min3A_19 [1] : vector<1x640xf32> to vector<1xf32>
    %reduce_min3A_21 = vector.shape_cast %reduce_min3A_20 : vector<1xf32> to vector<1x1xf32>
    %reduce_min3A_22 = vector.extract %reduce_min3A_21[0, 0] : f32 from vector<1x1xf32>
    %eq3A = vector.broadcast %reduce_min3A_22 : f32 to vector<640xf32>
    %eq3A_23 = arith.cmpf oeq, %concatenate3A, %eq3A : vector<640xf32>
    %jit3A_24 = arith.constant 2147483647 : i32
    %broadcast_in_dim3A_25 = vector.broadcast %jit3A_24 : i32 to vector<640xi32>
    %select_n3A_26 = arith.select %eq3A_23, %concatenate3A_18, %broadcast_in_dim3A_25 : vector<640xi1>, vector<640xi32>
    %reduce_min3A_27 = vector.shape_cast %select_n3A_26 : vector<640xi32> to vector<1x640xi32>
    %reduce_min3A_28 = arith.constant dense<2147483647> : vector<1xi32>
    %reduce_min3A_29 = vector.multi_reduction <minsi>, %reduce_min3A_27, %reduce_min3A_28 [1] : vector<1x640xi32> to vector<1xi32>
    %reduce_min3A_30 = vector.shape_cast %reduce_min3A_29 : vector<1xi32> to vector<1x1xi32>
    %reduce_min3A_31 = vector.extract %reduce_min3A_30[0, 0] : i32 from vector<1x1xi32>
    %eq3A_32 = vector.broadcast %reduce_min3A_31 : i32 to vector<640xi32>
    %eq3A_33 = arith.cmpi eq, %concatenate3A_18, %eq3A_32 : vector<640xi32>
    %and3A = arith.andi %eq3A_23, %eq3A_33 : vector<640xi1>
    %jit3A_34 = arith.constant 0x7F800000 : f32
    %broadcast_in_dim3A_35 = vector.broadcast %jit3A_34 : f32 to vector<640xf32>
    %select_n3A_36 = arith.select %and3A, %broadcast_in_dim3A_35, %concatenate3A : vector<640xi1>, vector<640xf32>
    %reduce_min3A_37 = vector.shape_cast %select_n3A_36 : vector<640xf32> to vector<1x640xf32>
    %reduce_min3A_38 = arith.constant dense<0x7F800000> : vector<1xf32>
    %reduce_min3A_39 = vector.multi_reduction <minimumf>, %reduce_min3A_37, %reduce_min3A_38 [1] : vector<1x640xf32> to vector<1xf32>
    %reduce_min3A_40 = vector.shape_cast %reduce_min3A_39 : vector<1xf32> to vector<1x1xf32>
    %reduce_min3A_41 = vector.extract %reduce_min3A_40[0, 0] : f32 from vector<1x1xf32>
    %eq3A_42 = vector.broadcast %reduce_min3A_41 : f32 to vector<640xf32>
    %eq3A_43 = arith.cmpf oeq, %select_n3A_36, %eq3A_42 : vector<640xf32>
    %jit3A_44 = arith.constant 2147483647 : i32
    %broadcast_in_dim3A_45 = vector.broadcast %jit3A_44 : i32 to vector<640xi32>
    %select_n3A_46 = arith.select %eq3A_43, %concatenate3A_18, %broadcast_in_dim3A_45 : vector<640xi1>, vector<640xi32>
    %reduce_min3A_47 = vector.shape_cast %select_n3A_46 : vector<640xi32> to vector<1x640xi32>
    %reduce_min3A_48 = arith.constant dense<2147483647> : vector<1xi32>
    %reduce_min3A_49 = vector.multi_reduction <minsi>, %reduce_min3A_47, %reduce_min3A_48 [1] : vector<1x640xi32> to vector<1xi32>
    %reduce_min3A_50 = vector.shape_cast %reduce_min3A_49 : vector<1xi32> to vector<1x1xi32>
    %reduce_min3A_51 = vector.extract %reduce_min3A_50[0, 0] : i32 from vector<1x1xi32>
    %eq3A_52 = vector.broadcast %reduce_min3A_51 : i32 to vector<640xi32>
    %eq3A_53 = arith.cmpi eq, %concatenate3A_18, %eq3A_52 : vector<640xi32>
    %and3A_54 = arith.andi %eq3A_43, %eq3A_53 : vector<640xi1>
    %jit3A_55 = arith.constant 0x7F800000 : f32
    %broadcast_in_dim3A_56 = vector.broadcast %jit3A_55 : f32 to vector<640xf32>
    %select_n3A_57 = arith.select %and3A_54, %broadcast_in_dim3A_56, %select_n3A_36 : vector<640xi1>, vector<640xf32>
    %reduce_min3A_58 = vector.shape_cast %select_n3A_57 : vector<640xf32> to vector<1x640xf32>
    %reduce_min3A_59 = arith.constant dense<0x7F800000> : vector<1xf32>
    %reduce_min3A_60 = vector.multi_reduction <minimumf>, %reduce_min3A_58, %reduce_min3A_59 [1] : vector<1x640xf32> to vector<1xf32>
    %reduce_min3A_61 = vector.shape_cast %reduce_min3A_60 : vector<1xf32> to vector<1x1xf32>
    %reduce_min3A_62 = vector.extract %reduce_min3A_61[0, 0] : f32 from vector<1x1xf32>
    %eq3A_63 = vector.broadcast %reduce_min3A_62 : f32 to vector<640xf32>
    %eq3A_64 = arith.cmpf oeq, %select_n3A_57, %eq3A_63 : vector<640xf32>
    %jit3A_65 = arith.constant 2147483647 : i32
    %broadcast_in_dim3A_66 = vector.broadcast %jit3A_65 : i32 to vector<640xi32>
    %select_n3A_67 = arith.select %eq3A_64, %concatenate3A_18, %broadcast_in_dim3A_66 : vector<640xi1>, vector<640xi32>
    %reduce_min3A_68 = vector.shape_cast %select_n3A_67 : vector<640xi32> to vector<1x640xi32>
    %reduce_min3A_69 = arith.constant dense<2147483647> : vector<1xi32>
    %reduce_min3A_70 = vector.multi_reduction <minsi>, %reduce_min3A_68, %reduce_min3A_69 [1] : vector<1x640xi32> to vector<1xi32>
    %reduce_min3A_71 = vector.shape_cast %reduce_min3A_70 : vector<1xi32> to vector<1x1xi32>
    %reduce_min3A_72 = vector.extract %reduce_min3A_71[0, 0] : i32 from vector<1x1xi32>
    %eq3A_73 = vector.broadcast %reduce_min3A_72 : i32 to vector<640xi32>
    %eq3A_74 = arith.cmpi eq, %concatenate3A_18, %eq3A_73 : vector<640xi32>
    %and3A_75 = arith.andi %eq3A_64, %eq3A_74 : vector<640xi1>
    %jit3A_76 = arith.constant 0x7F800000 : f32
    %broadcast_in_dim3A_77 = vector.broadcast %jit3A_76 : f32 to vector<640xf32>
    %select_n3A_78 = arith.select %and3A_75, %broadcast_in_dim3A_77, %select_n3A_57 : vector<640xi1>, vector<640xf32>
    %reduce_min3A_79 = vector.shape_cast %select_n3A_78 : vector<640xf32> to vector<1x640xf32>
    %reduce_min3A_80 = arith.constant dense<0x7F800000> : vector<1xf32>
    %reduce_min3A_81 = vector.multi_reduction <minimumf>, %reduce_min3A_79, %reduce_min3A_80 [1] : vector<1x640xf32> to vector<1xf32>
    %reduce_min3A_82 = vector.shape_cast %reduce_min3A_81 : vector<1xf32> to vector<1x1xf32>
    %reduce_min3A_83 = vector.extract %reduce_min3A_82[0, 0] : f32 from vector<1x1xf32>
    %eq3A_84 = vector.broadcast %reduce_min3A_83 : f32 to vector<640xf32>
    %eq3A_85 = arith.cmpf oeq, %select_n3A_78, %eq3A_84 : vector<640xf32>
    %jit3A_86 = arith.constant 2147483647 : i32
    %broadcast_in_dim3A_87 = vector.broadcast %jit3A_86 : i32 to vector<640xi32>
    %select_n3A_88 = arith.select %eq3A_85, %concatenate3A_18, %broadcast_in_dim3A_87 : vector<640xi1>, vector<640xi32>
    %reduce_min3A_89 = vector.shape_cast %select_n3A_88 : vector<640xi32> to vector<1x640xi32>
    %reduce_min3A_90 = arith.constant dense<2147483647> : vector<1xi32>
    %reduce_min3A_91 = vector.multi_reduction <minsi>, %reduce_min3A_89, %reduce_min3A_90 [1] : vector<1x640xi32> to vector<1xi32>
    %reduce_min3A_92 = vector.shape_cast %reduce_min3A_91 : vector<1xi32> to vector<1x1xi32>
    %reduce_min3A_93 = vector.extract %reduce_min3A_92[0, 0] : i32 from vector<1x1xi32>
    %eq3A_94 = vector.broadcast %reduce_min3A_93 : i32 to vector<640xi32>
    %eq3A_95 = arith.cmpi eq, %concatenate3A_18, %eq3A_94 : vector<640xi32>
    %and3A_96 = arith.andi %eq3A_85, %eq3A_95 : vector<640xi1>
    %jit3A_97 = arith.constant 0x7F800000 : f32
    %broadcast_in_dim3A_98 = vector.broadcast %jit3A_97 : f32 to vector<640xf32>
    %select_n3A_99 = arith.select %and3A_96, %broadcast_in_dim3A_98, %select_n3A_78 : vector<640xi1>, vector<640xf32>
    %reduce_min3A_100 = vector.shape_cast %select_n3A_99 : vector<640xf32> to vector<1x640xf32>
    %reduce_min3A_101 = arith.constant dense<0x7F800000> : vector<1xf32>
    %reduce_min3A_102 = vector.multi_reduction <minimumf>, %reduce_min3A_100, %reduce_min3A_101 [1] : vector<1x640xf32> to vector<1xf32>
    %reduce_min3A_103 = vector.shape_cast %reduce_min3A_102 : vector<1xf32> to vector<1x1xf32>
    %reduce_min3A_104 = vector.extract %reduce_min3A_103[0, 0] : f32 from vector<1x1xf32>
    %eq3A_105 = vector.broadcast %reduce_min3A_104 : f32 to vector<640xf32>
    %eq3A_106 = arith.cmpf oeq, %select_n3A_99, %eq3A_105 : vector<640xf32>
    %jit3A_107 = arith.constant 2147483647 : i32
    %broadcast_in_dim3A_108 = vector.broadcast %jit3A_107 : i32 to vector<640xi32>
    %select_n3A_109 = arith.select %eq3A_106, %concatenate3A_18, %broadcast_in_dim3A_108 : vector<640xi1>, vector<640xi32>
    %reduce_min3A_110 = vector.shape_cast %select_n3A_109 : vector<640xi32> to vector<1x640xi32>
    %reduce_min3A_111 = arith.constant dense<2147483647> : vector<1xi32>
    %reduce_min3A_112 = vector.multi_reduction <minsi>, %reduce_min3A_110, %reduce_min3A_111 [1] : vector<1x640xi32> to vector<1xi32>
    %reduce_min3A_113 = vector.shape_cast %reduce_min3A_112 : vector<1xi32> to vector<1x1xi32>
    %reduce_min3A_114 = vector.extract %reduce_min3A_113[0, 0] : i32 from vector<1x1xi32>
    %eq3A_115 = vector.broadcast %reduce_min3A_114 : i32 to vector<640xi32>
    %eq3A_116 = arith.cmpi eq, %concatenate3A_18, %eq3A_115 : vector<640xi32>
    %and3A_117 = arith.andi %eq3A_106, %eq3A_116 : vector<640xi1>
    %jit3A_118 = arith.constant 0x7F800000 : f32
    %broadcast_in_dim3A_119 = vector.broadcast %jit3A_118 : f32 to vector<640xf32>
    %select_n3A_120 = arith.select %and3A_117, %broadcast_in_dim3A_119, %select_n3A_99 : vector<640xi1>, vector<640xf32>
    %reduce_min3A_121 = vector.shape_cast %select_n3A_120 : vector<640xf32> to vector<1x640xf32>
    %reduce_min3A_122 = arith.constant dense<0x7F800000> : vector<1xf32>
    %reduce_min3A_123 = vector.multi_reduction <minimumf>, %reduce_min3A_121, %reduce_min3A_122 [1] : vector<1x640xf32> to vector<1xf32>
    %reduce_min3A_124 = vector.shape_cast %reduce_min3A_123 : vector<1xf32> to vector<1x1xf32>
    %reduce_min3A_125 = vector.extract %reduce_min3A_124[0, 0] : f32 from vector<1x1xf32>
    %eq3A_126 = vector.broadcast %reduce_min3A_125 : f32 to vector<640xf32>
    %eq3A_127 = arith.cmpf oeq, %select_n3A_120, %eq3A_126 : vector<640xf32>
    %jit3A_128 = arith.constant 2147483647 : i32
    %broadcast_in_dim3A_129 = vector.broadcast %jit3A_128 : i32 to vector<640xi32>
    %select_n3A_130 = arith.select %eq3A_127, %concatenate3A_18, %broadcast_in_dim3A_129 : vector<640xi1>, vector<640xi32>
    %reduce_min3A_131 = vector.shape_cast %select_n3A_130 : vector<640xi32> to vector<1x640xi32>
    %reduce_min3A_132 = arith.constant dense<2147483647> : vector<1xi32>
    %reduce_min3A_133 = vector.multi_reduction <minsi>, %reduce_min3A_131, %reduce_min3A_132 [1] : vector<1x640xi32> to vector<1xi32>
    %reduce_min3A_134 = vector.shape_cast %reduce_min3A_133 : vector<1xi32> to vector<1x1xi32>
    %reduce_min3A_135 = vector.extract %reduce_min3A_134[0, 0] : i32 from vector<1x1xi32>
    %eq3A_136 = vector.broadcast %reduce_min3A_135 : i32 to vector<640xi32>
    %eq3A_137 = arith.cmpi eq, %concatenate3A_18, %eq3A_136 : vector<640xi32>
    %and3A_138 = arith.andi %eq3A_127, %eq3A_137 : vector<640xi1>
    %jit3A_139 = arith.constant 0x7F800000 : f32
    %broadcast_in_dim3A_140 = vector.broadcast %jit3A_139 : f32 to vector<640xf32>
    %select_n3A_141 = arith.select %and3A_138, %broadcast_in_dim3A_140, %select_n3A_120 : vector<640xi1>, vector<640xf32>
    %reduce_min3A_142 = vector.shape_cast %select_n3A_141 : vector<640xf32> to vector<1x640xf32>
    %reduce_min3A_143 = arith.constant dense<0x7F800000> : vector<1xf32>
    %reduce_min3A_144 = vector.multi_reduction <minimumf>, %reduce_min3A_142, %reduce_min3A_143 [1] : vector<1x640xf32> to vector<1xf32>
    %reduce_min3A_145 = vector.shape_cast %reduce_min3A_144 : vector<1xf32> to vector<1x1xf32>
    %reduce_min3A_146 = vector.extract %reduce_min3A_145[0, 0] : f32 from vector<1x1xf32>
    %eq3A_147 = vector.broadcast %reduce_min3A_146 : f32 to vector<640xf32>
    %eq3A_148 = arith.cmpf oeq, %select_n3A_141, %eq3A_147 : vector<640xf32>
    %jit3A_149 = arith.constant 2147483647 : i32
    %broadcast_in_dim3A_150 = vector.broadcast %jit3A_149 : i32 to vector<640xi32>
    %select_n3A_151 = arith.select %eq3A_148, %concatenate3A_18, %broadcast_in_dim3A_150 : vector<640xi1>, vector<640xi32>
    %reduce_min3A_152 = vector.shape_cast %select_n3A_151 : vector<640xi32> to vector<1x640xi32>
    %reduce_min3A_153 = arith.constant dense<2147483647> : vector<1xi32>
    %reduce_min3A_154 = vector.multi_reduction <minsi>, %reduce_min3A_152, %reduce_min3A_153 [1] : vector<1x640xi32> to vector<1xi32>
    %reduce_min3A_155 = vector.shape_cast %reduce_min3A_154 : vector<1xi32> to vector<1x1xi32>
    %reduce_min3A_156 = vector.extract %reduce_min3A_155[0, 0] : i32 from vector<1x1xi32>
    %eq3A_157 = vector.broadcast %reduce_min3A_156 : i32 to vector<640xi32>
    %eq3A_158 = arith.cmpi eq, %concatenate3A_18, %eq3A_157 : vector<640xi32>
    %and3A_159 = arith.andi %eq3A_148, %eq3A_158 : vector<640xi1>
    %jit3A_160 = arith.constant 0x7F800000 : f32
    %broadcast_in_dim3A_161 = vector.broadcast %jit3A_160 : f32 to vector<640xf32>
    %select_n3A_162 = arith.select %and3A_159, %broadcast_in_dim3A_161, %select_n3A_141 : vector<640xi1>, vector<640xf32>
    %reduce_min3A_163 = vector.shape_cast %select_n3A_162 : vector<640xf32> to vector<1x640xf32>
    %reduce_min3A_164 = arith.constant dense<0x7F800000> : vector<1xf32>
    %reduce_min3A_165 = vector.multi_reduction <minimumf>, %reduce_min3A_163, %reduce_min3A_164 [1] : vector<1x640xf32> to vector<1xf32>
    %reduce_min3A_166 = vector.shape_cast %reduce_min3A_165 : vector<1xf32> to vector<1x1xf32>
    %reduce_min3A_167 = vector.extract %reduce_min3A_166[0, 0] : f32 from vector<1x1xf32>
    %eq3A_168 = vector.broadcast %reduce_min3A_167 : f32 to vector<640xf32>
    %eq3A_169 = arith.cmpf oeq, %select_n3A_162, %eq3A_168 : vector<640xf32>
    %jit3A_170 = arith.constant 2147483647 : i32
    %broadcast_in_dim3A_171 = vector.broadcast %jit3A_170 : i32 to vector<640xi32>
    %select_n3A_172 = arith.select %eq3A_169, %concatenate3A_18, %broadcast_in_dim3A_171 : vector<640xi1>, vector<640xi32>
    %reduce_min3A_173 = vector.shape_cast %select_n3A_172 : vector<640xi32> to vector<1x640xi32>
    %reduce_min3A_174 = arith.constant dense<2147483647> : vector<1xi32>
    %reduce_min3A_175 = vector.multi_reduction <minsi>, %reduce_min3A_173, %reduce_min3A_174 [1] : vector<1x640xi32> to vector<1xi32>
    %reduce_min3A_176 = vector.shape_cast %reduce_min3A_175 : vector<1xi32> to vector<1x1xi32>
    %reduce_min3A_177 = vector.extract %reduce_min3A_176[0, 0] : i32 from vector<1x1xi32>
    %stack3A = vector.broadcast %reduce_min3A_31 : i32 to vector<1xi32>
    %stack3A_178 = vector.broadcast %reduce_min3A_51 : i32 to vector<1xi32>
    %stack3A_179 = vector.broadcast %reduce_min3A_72 : i32 to vector<1xi32>
    %stack3A_180 = vector.broadcast %reduce_min3A_93 : i32 to vector<1xi32>
    %stack3A_181 = vector.broadcast %reduce_min3A_114 : i32 to vector<1xi32>
    %stack3A_182 = vector.broadcast %reduce_min3A_135 : i32 to vector<1xi32>
    %stack3A_183 = vector.broadcast %reduce_min3A_156 : i32 to vector<1xi32>
    %stack3A_184 = vector.broadcast %reduce_min3A_177 : i32 to vector<1xi32>
    %stack3A_185 = tpu.concatenate %stack3A, %stack3A_178, %stack3A_179, %stack3A_180, %stack3A_181, %stack3A_182, %stack3A_183, %stack3A_184 in 0 : vector<1xi32>, vector<1xi32>, vector<1xi32>, vector<1xi32>, vector<1xi32>, vector<1xi32>, vector<1xi32>, vector<1xi32> -> vector<8xi32>
    %swap3A = arith.constant 0 : index
    %swap3A_186 = vector.load %arg5[%swap3A] : memref<8xi32, #tpu.memory_space<vmem>>, vector<8xi32>
    tpu.vector_store %arg5[%swap3A], %stack3A_185 {strides = array<i32>} : memref<8xi32, #tpu.memory_space<vmem>>, vector<8xi32>,
    %stack3A_187 = vector.broadcast %reduce_min3A_22 : f32 to vector<1xf32>
    %stack3A_188 = vector.broadcast %reduce_min3A_41 : f32 to vector<1xf32>
    %stack3A_189 = vector.broadcast %reduce_min3A_62 : f32 to vector<1xf32>
    %stack3A_190 = vector.broadcast %reduce_min3A_83 : f32 to vector<1xf32>
    %stack3A_191 = vector.broadcast %reduce_min3A_104 : f32 to vector<1xf32>
    %stack3A_192 = vector.broadcast %reduce_min3A_125 : f32 to vector<1xf32>
    %stack3A_193 = vector.broadcast %reduce_min3A_146 : f32 to vector<1xf32>
    %stack3A_194 = vector.broadcast %reduce_min3A_167 : f32 to vector<1xf32>
    %stack3A_195 = tpu.concatenate %stack3A_187, %stack3A_188, %stack3A_189, %stack3A_190, %stack3A_191, %stack3A_192, %stack3A_193, %stack3A_194 in 0 : vector<1xf32>, vector<1xf32>, vector<1xf32>, vector<1xf32>, vector<1xf32>, vector<1xf32>, vector<1xf32>, vector<1xf32> -> vector<8xf32>
    %sqrt3A = math.sqrt %stack3A_195 : vector<8xf32>
    %swap3A_196 = arith.constant 0 : index
    %swap3A_197 = vector.load %arg6[%swap3A_196] : memref<8xf32, #tpu.memory_space<vmem>>, vector<8xf32>
    tpu.vector_store %arg6[%swap3A_196], %sqrt3A {strides = array<i32>} : memref<8xf32, #tpu.memory_space<vmem>>, vector<8xf32>,
    return
  }
  func.func @transform_0(%arg0: i32) -> i32 {
    %c0_i32 = arith.constant 0 : i32
    %c0_i32_0 = arith.constant 0 : i32
    return %c0_i32 : i32
  }
  func.func @transform_1(%arg0: i32) -> i32 {
    %c0_i32 = arith.constant 0 : i32
    %c0_i32_0 = arith.constant 0 : i32
    return %c0_i32 : i32
  }
  func.func @transform_2(%arg0: i32) -> (i32, i32) {
    %c0_i32 = arith.constant 0 : i32
    %c7812_i32 = arith.constant 7812 : i32
    %c0_i32_0 = arith.constant 0 : i32
    return %c0_i32, %c7812_i32 : i32, i32
  }
  func.func @transform_3(%arg0: i32) -> (i32, i32) {
    %c0_i32 = arith.constant 0 : i32
    %c0_i32_0 = arith.constant 0 : i32
    %c0_i32_1 = arith.constant 0 : i32
    return %c0_i32, %c0_i32_0 : i32, i32
  }
  func.func @transform_4(%arg0: i32) -> i32 {
    %c0_i32 = arith.constant 0 : i32
    %c0_i32_0 = arith.constant 0 : i32
    return %c0_i32 : i32
  }
  func.func @transform_5(%arg0: i32) -> i32 {
    %c0_i32 = arith.constant 0 : i32
    %c0_i32_0 = arith.constant 0 : i32
    return %c0_i32 : i32
  }
}

</mosaic_0001>

<sc_bundles>
// kernel: kernel.4.cloned.1.call-start
scs
__scs_entry_jumppad:
0x0: {  	(pc) =	sbr.rel $0x88, $3  }
0x1: {  	(tag) =	ssettag $0x0;
	lr =	simm.s32 $0x1  }
0x2: {  	[smem:$0x3F9F] =	sst lr;
	_ =	strace $0xD0000000  }
0x3: {  	_ = 	snop  }
0x4: {  	_ = 	snop  }
0x5: {  	_ = 	snop  }
0x6: {  	_ = 	snop  }
0x7: {  	_ = 	snop  }
__scs_overlays_trampoline_lowered:
0x8: {  	[smem:$0x3FAE] =	sst s0  }
0x9: {  	[smem:$0x3FAF] =	sst s1  }
0xa: {  	[smem:$0x3FB0] =	sst s2  }
0xb: {  	[smem:$0x3FB1] =	sst s3  }
0xc: {  	[smem:$0x3FB2] =	sst s4  }
0xd: {  	[smem:$0x3FB3] =	sst s5  }
0xe: {  	[smem:$0x3FB4] =	sst s6  }
0xf: {  	[smem:$0x3FB5] =	sst s7  }
0x10: {  	[smem:$0x3FB6] =	sst s8  }
0x11: {  	[smem:$0x3FB7] =	sst s9;
	s0 =	simm.s32 @!p0 $0x0  }
0x12: {  	s1 =	sld [smem:$0x3F9D];
	s0 =	simm.s32 @p0 $0x1  }
0x13: {  	[smem:$0x3FB8] =	sst s0;
	s0 =	simm.s32 @!p1 $0x0  }
0x14: {  	s2 =	sld [smem:$0x3F9C];
	s0 =	simm.s32 @p1 $0x1  }
0x15: {  	[smem:$0x3FB9] =	sst s0;
	s0 =	simm.s32 @!p2 $0x0  }
0x16: {  	s3 =	sld [smem:$0x3FDB];
	s0 =	simm.s32 @p2 $0x1  }
0x17: {  	s4 =	simm.s32 $0x1BF5;
	[smem:$0x3FBB] =	sst s0  }
0x18: {  	s0 =	sld [smem:$0x3F9E];
	_ =	swait.ge [sflag:s4], $0x0  }
0x19: {  	s7 =	sld [smem:$0x3F9F]  }
0x1a: {  	s8 =	sadd.s32 $0xFFFFE003, lr  }
0x1b: {  	s9 =	sadd.s32 $0xFFFFFEF7, lr;
	s5 =	simm.s32 $0xFFFFFFFF;
	p2 =	slt.u32 s8, $0xFFFFF086  }
0x1c: {  	p1 =	slt.u32 s9, $0xF7A;
	s5 =	simm.s32 @!p2 $0x0  }
0x1d: {  	s5 =	simm.s32 @p1 $0x1;
	p0 =	seq.s32 s7, s2  }
0x1e: {  	s7 =	smul.u32 @!p0 $0xF7A, s2;
	p2 =	seq.s32 @!p0 s5, $0x0  }
0x1f: {  	s9 =	smul.u32 $0xF7A, s1;
	s8 =	simm.s32 @!p0 $0x1BF5;
	p2 =	por !p2, p0  }
0x20: {  	[sflag:s8] =	ssyncset.s32 @!p0 $0xFFFFF086;
	s6 =	sadd.s32 @!p0 s3, s7;
	s7 =	simm.s32 @!p0 $0x108  }
0x21: {  	s3 =	sadd.s32 s3, s9;
	s6 =	sadd.s32 @!p0 $0x88, s6;
	s7 =	simm.s32 @p2 $0x1082  }
0x22: {  	[simem:s7], [sflag:s8] =	dma.local @!p0 [hbm:s6], $0xF7A  }
0x23: {  	s9 =	sor.u32 $0xD0000000, s2;
	s6 =	simm.s32 $0x108;
	_ =	swait.ge @!p0 [sflag:s8], $0x0  }
0x24: {  	s3 =	sadd.s32 $0x88, s3;
	s6 =	simm.s32 @!p1 $0x1082;
	[sflag:s4] =	ssyncset.s32 $0xFFFFF086  }
0x25: {  	[simem:s6], [sflag:s4] =	dma.local [hbm:s3], $0xF7A  }
0x26: {  	[smem:$0x3F9F] =	sst s1;
	(tag) =	ssettag s2;
	_ =	strace s9  }
0x27: {  	s1 =	sld [smem:$0x3FAF]  }
0x28: {  	s2 =	sld [smem:$0x3FB0]  }
0x29: {  	s4 =	sld [smem:$0x3FB2]  }
0x2a: {  	p0 =	seq.s32 s5, $0x0;
	s5 =	sld [smem:$0x3FB3]  }
0x2b: {  	s6 =	sld [smem:$0x3FB4]  }
0x2c: {  	s7 =	sld [smem:$0x3FB5]  }
0x2d: {  	s3 =	simm.s32 $0x108;
	s8 =	sld [smem:$0x3FB6]  }
0x2e: {  	s3 =	simm.s32 @!p0 $0x1082;
	s9 =	sld [smem:$0x3FB7]  }
0x2f: {  	lr =	sadd.s32 s0, s3;
	s0 =	sld [smem:$0x3FAE]  }
0x30: {  	s3 =	sld [smem:$0x3FB1]  }
0x31: {  	[smem:$0x3FBA] =	sst s10  }
0x32: {  	s10 =	sld [smem:$0x3FB8];
	_ =	sdelay $0x3  }
0x33: {  	p0 =	seq.s32 s10, $0x1;
	s10 =	sld [smem:$0x3FBA];
	_ =	sdelay $0x3  }
0x34: {  	[smem:$0x3FBA] =	sst s10  }
0x35: {  	s10 =	sld [smem:$0x3FB9];
	_ =	sdelay $0x3  }
0x36: {  	p1 =	seq.s32 s10, $0x1;
	s10 =	sld [smem:$0x3FBA];
	_ =	sdelay $0x3  }
0x37: {  	[smem:$0x3FBA] =	sst s10  }
0x38: {  	s10 =	sld [smem:$0x3FBB]  }
0x39: {  	_ = 	snop;
	(pc) =	sbr.ind lr, $3  }
0x3a: {  	_ = 	snop  }
0x3b: {  	_ = 	snop  }
0x3c: {  	p2 =	seq.s32 s10, $0x1;
	s10 =	sld [smem:$0x3FBA]  }
0x3d: {  	_ =	shalt  }
0x3e: {  	_ =	shalt  }
0x3f: {  	_ =	shalt  }
0x40: {  	_ =	shalt  }
0x41: {  	_ =	shalt  }
0x42: {  	_ =	shalt  }
0x43: {  	_ =	shalt  }
0x44: {  	_ =	shalt  }
0x45: {  	_ =	shalt  }
0x46: {  	_ =	shalt  }
0x47: {  	_ =	shalt  }
0x48: {  	_ =	shalt  }
0x49: {  	_ =	shalt  }
0x4a: {  	_ =	shalt  }
0x4b: {  	_ =	shalt  }
0x4c: {  	_ =	shalt  }
0x4d: {  	_ =	shalt  }
0x4e: {  	_ =	shalt  }
0x4f: {  	_ =	shalt  }
0x50: {  	_ =	shalt  }
0x51: {  	_ =	shalt  }
0x52: {  	_ =	shalt  }
0x53: {  	_ =	shalt  }
0x54: {  	_ =	shalt  }
0x55: {  	_ =	shalt  }
0x56: {  	_ =	shalt  }
0x57: {  	_ =	shalt  }
0x58: {  	_ =	shalt  }
0x59: {  	_ =	shalt  }
0x5a: {  	_ =	shalt  }
0x5b: {  	_ =	shalt  }
0x5c: {  	_ =	shalt  }
0x5d: {  	_ =	shalt  }
0x5e: {  	_ =	shalt  }
0x5f: {  	_ =	shalt  }
0x60: {  	_ =	shalt  }
0x61: {  	_ =	shalt  }
0x62: {  	_ =	shalt  }
0x63: {  	_ =	shalt  }
0x64: {  	_ =	shalt  }
0x65: {  	_ =	shalt  }
0x66: {  	_ =	shalt  }
0x67: {  	_ =	shalt  }
0x68: {  	_ =	shalt  }
0x69: {  	_ =	shalt  }
0x6a: {  	_ =	shalt  }
0x6b: {  	_ =	shalt  }
0x6c: {  	_ =	shalt  }
0x6d: {  	_ =	shalt  }
0x6e: {  	_ =	shalt  }
0x6f: {  	_ =	shalt  }
0x70: {  	_ =	shalt  }
0x71: {  	_ =	shalt  }
0x72: {  	_ =	shalt  }
0x73: {  	_ =	shalt  }
0x74: {  	_ =	shalt  }
0x75: {  	_ =	shalt  }
0x76: {  	_ =	shalt  }
0x77: {  	_ =	shalt  }
0x78: {  	_ =	shalt  }
0x79: {  	_ =	shalt  }
0x7a: {  	_ =	shalt  }
0x7b: {  	_ =	shalt  }
0x7c: {  	_ =	shalt  }
0x7d: {  	_ =	shalt  }
0x7e: {  	_ =	shalt  }
0x7f: {  	_ =	shalt  }
0x80: {  	_ =	shalt  }
0x81: {  	_ =	shalt  }
0x82: {  	_ =	shalt  }
0x83: {  	_ =	shalt  }
0x84: {  	_ =	shalt  }
0x85: {  	_ =	shalt  }
0x86: {  	_ =	shalt  }
0x87: {  	_ =	shalt  }
.Lfunc_end0:
.L_simem_size_0:
called_computation_lowered:
.L_overlay_start_0:
0x88: {  	s2 =	sld [smem:$0x3FD9]  }
0x89: {  	s3 =	sld [smem:$0x3FFE];
	_ =	sdelay $0x1  }
0x8a: {  	s1 =	srdreg.scid  }
0x8b: {  	s0 =	sand.u32 $0x1, s1  }
0x8c: {  	s17 =	sshll.u32 s0, $0xA;
	s2 =	sadd.s32 s3, s2  }
0x8d: {  	s2 =	sadd.s32 s2, s17  }
0x8e: {  	[smem:$0x3FC6] =	sst s2  }
0x8f: {  	_ = 	snop  }
0x90: {  	s2 =	sld [smem:$0x3FC9]  }
0x91: {  	s18 =	sld [smem:$0x3FC8];
	(tm) =	ssettm $0x1  }
0x92: {  	s4 =	sld [smem:$0x3FFB];
	_ =	sdelay $0x3  }
0x93: {  	_ =	strace s4  }
0x94: {  	s4 =	sld [smem:$0x3FFC];
	_ =	sdelay $0x3  }
0x95: {  	_ =	strace s4  }
0x96: {  	s4 =	sld [smem:$0x3FFD];
	_ =	sdelay $0x3  }
0x97: {  	_ =	strace s4  }
0x98: {  	_ =	strace $0x8FFFFFFF  }
0x99: {  	s19 =	sld [smem:$0x3FDB];
	_ =	sdelay $0x1  }
0x9a: {  	s5 =	simm.s32 $_scs_section_size  }
0x9b: {  	s6 =	simm.s32 $_size__tile_overlayer_lowered;
	s7 =	simm.s32 $_tile_overlayer_lowered  }
0x9c: {  	s22 =	simm.s32 $0x1BFF;
	s21 =	sshll.u32 s7, $0x1;
	s4 =	sadd.s32 s5, s19  }
0x9d: {  	s8 =	simm.s32 $0x0;
	s20 =	sshll.u32 s6, $0x1;
	s6 =	sadd.s32 s21, s4  }
0x9e: {  	[timem:s8], [sflag:s22] =	dma.local [hbm:s6], s20  }
0x9f: {  	_ =	swait.ge [sflag:s22], s20  }
0xa0: {  	s5 =	ssub.s32 $0x0, s20;
	[sflag:s22] =	ssyncset.done $0x0  }
0xa1: {  	[sflag:s22] =	ssyncadd.s32 s5;
	_ =	sdelay $0x1  }
0xa2: {  	s23 =	simm.s32 $0x1B8B  }
0xa3: {  	_ =	swait.ge [sflag:s23], $0x1  }
0xa4: {  	[sflag:s23] =	ssyncset.done $0x0  }
0xa5: {  	s25 =	simm.s32 $0x1B8E;
	s24 =	sld [smem:$0x3FFE];
	[sflag:s23] =	ssyncadd.s32 $0xFFFFFFFF  }
0xa6: {  	s26 =	simm.s32 $execute0_lowered;
	[smem:$0x3FD2] =	sst s25  }
0xa7: {  	s6 =	sshll.u32 s26, $0x1;
	_ =	strace $0x80000046;
	[dreg:$0x1] =	wrdreg $0xFFFFFFFF  }
0xa8: {  	s28 =	simm.s32 $_size_execute0_lowered;
	s4 =	sadd.s32 s4, s6;
	[dreg:$0x0] =	wrdreg $0x0  }
0xa9: {  	s6 =	sshll.u32 s28, $0x1;
	[dreg:$0x2] =	wrdreg s4  }
0xaa: {  	[dreg:$0x3] =	wrdreg s6  }
0xab: {  	[dreg:$0x4] =	wrdreg $0xC0  }
0xac: {  	_ =	task [dreg:s8], $0x5FFFF  }
0xad: {  	[dreg:$0x1] =	wrdreg $0xFFFFFFFF  }
0xae: {  	[dreg:$0x0] =	wrdreg $0x60  }
0xaf: {  	[dreg:$0x2] =	wrdreg s18  }
0xb0: {  	[dreg:$0x3] =	wrdreg s2  }
0xb1: {  	[dreg:$0x4] =	wrdreg s24  }
0xb2: {  	[dreg:$0x5] =	wrdreg $0x9  }
0xb3: {  	_ =	task.clear_ibuf [dreg:s8], $0x6FFFF;
	_ =	strace $0x90000046  }
0xb4: {  	s29 =	simm.s32 $0x9;
	_ =	strace $0x80000048  }
0xb5: {  	_ =	swait.ge [sflag:s29], $0x1  }
0xb6: {  	[sflag:s29] =	ssyncadd.s32 $0xFFFFFFFF  }
0xb7: {  	_ =	strace $0x90000048  }
0xb8: {  	_ =	sfence  }
0xb9: {  	s30 =	sld [smem:$0x0];
	_ =	sdelay $0x2  }
0xba: {  	s31 =	sshll.u32 s1, $0xD;
	s1 =	sshrl.u32 s1, $0x2  }
0xbb: {  	s3 =	sand.u32 $0x4000, s31;
	s1 =	sadd.s32 s1, s30  }
0xbc: {  	s0 =	sor.u32 s3, s0;
	s1 =	sshll.u32 s1, $0x11  }
0xbd: {  	s0 =	sor.u32 s1, s0  }
0xbe: {  	s0 =	sadd.s32 $0x8F2B, s0  }
0xbf: {  	[sflag:s0] =	ssyncadd.remote.s32 $0x1  }
0xc0: {  	_ =	sfence.sel $0xFFFF  }
0xc1: {  	[dreg:$0x0] =	wrdreg $0xFFFFFFFF;
	(pc) =	sbr.abs _section_cstart, $3  }
0xc2: {  	[dreg:$0x1] =	wrdreg $0xFFFFFFFF  }
0xc3: {  	_ =	task.clear_ibuf [dreg:s8], $0x2FFFF;
	_ =	strace $0x9FFFFFFF  }
0xc4: {  	(tm) =	ssettm $0x7FFFFFFF  }
0xc5: {  	_ =	shalt  }
tec
execute0_lowered:
.L_overlay_start_1:
0x0: {  	(tag) =	ssettag $0x1  }
0x1: {  	s1 =	rddreg [dreg:$0x0]  }
0x2: {  	s0 =	rddreg [dreg:$0x2]  }
0x3: {  	s2 =	srdreg.scid;
	s8 =	stileid.u32  }
0x4: {  	s9 =	simm.s32 $0x0;
	s11 =	simm.s32 $0x3;
	s15 =	simm.s32 $0x4000  }
0x5: {  	s16 =	simm.s32 $0x7A1400;
	s17 =	simm.s32 $0x1;
	s18 =	simm.s32 $0x8000  }
0x6: {  	s19 =	simm.s32 $0x2;
	s2 =	sand.u32 $0x1, s2;
	s3 =	sshll.u32 s8, $0x1  }
0x7: {  	[smem:$0x7FF] =	sst s9;
	s28 =	sadd.s32 $0xF4000, s1;
	s31 =	sshll.u32 s8, $0xC  }
0x8: {  	s5 =	sor.u32 s2, s3;
	_ =	strace $0x80000047;
	s4 =	ssub.s32 $0x2, s2  }
0x9: {  	[dreg:$0x5] =	wrdreg s28;
	s3 =	sshll.u32 s5, $0x1;
	s6 =	sshll.u32 s5, $0xB  }
0xa: {  	s25 =	sshrl.u32 s4, $0x1;
	s0 =	sadd.s32 s3, s0;
	s26 =	sadd.s32 s1, s6  }
.Ltmp0:
0xb: {  	[dreg:$0x4] =	wrdreg s26;
	s29 =	sadd.s32 $0xE00, s0;
	(pc) =	sbr.rel .LBB2_1-.Ltmp0, $4  }
0xc: {  	s3 =	ssub.s32 s4, s25;
	s0 =	sadd.s32 $0x1000, s0;
	[dreg:$0x6] =	wrdreg s29  }
0xd: {  	s2 =	sshll.u32 s2, $0xB;
	s30 =	smax.u32 s3, $0x1;
	[dreg:$0x7] =	wrdreg s0  }
0xe: {  	s22 =	simm.s32 $0x0;
	[dreg:$0x8] =	wrdreg s30;
	s0 =	sor.u32 s2, s31  }
0xf: {  	v28 =	vimm.f32 $0.0e+00;
	s7 =	sor.u32 $0x40, s5;
	p0 =	sne.s32 s5, $0x8;
	[dreg:$0x9] =	wrdreg s0  }
.LBB2_8:
0x10: {  	s11 =	simm.s32 $0x3  }
.LBB2_12:
0x11: {  	[tilespmem:$0x10080] =	vst v48  }
0x12: {  	[tilespmem:$0x10100] =	vst v35;
	s9 =	simm.s32 $0x0;
	s0 =	rddreg [dreg:$0x6];
	s2 =	simm.s32 $0x10080  }
0x13: {  	[hbm4b:s0+s9] =	stream.linear.scatter [tilespmem:s2], [sflag:$0x3], $0x10, $0x38;
	[tilespmem:$0x10180] =	vst v63  }
0x14: {  	_ =	swait.ge [sflag:s11], $0x10  }
0x15: {  	[sflag:s11] =	ssyncset.done $0x0  }
0x16: {  	s30 =	simm.s32 $0x10100;
	s29 =	rddreg [dreg:$0x7];
	[sflag:s11] =	ssyncadd.s32 $0xFFFFFFF0  }
0x17: {  	[hbm4b:s29+s9] =	stream.linear.scatter [tilespmem:s30], [sflag:$0x3], $0x10, $0x38;
	[tilespmem:$0x10180] =	vst v63  }
0x18: {  	_ =	swait.ge [sflag:s11], $0x10  }
0x19: {  	s22 =	sadd.s32 $0x1, s22;
	s31 =	rddreg [dreg:$0x8]  }
0x1a: {  	p1 =	sne.s32 s22, s31  }
.Ltmp1:
0x1b: {  	_ = 	snop;
	(pc) =	sbr.rel @!p1 .LBB2_13-.Ltmp1, $3  }
0x1c: {  	_ =	sdelay $0x1  }
0x1d: {  	[sflag:s11] =	ssyncset.done $0x0  }
0x1e: {  	[sflag:s11] =	ssyncadd.s32 $0xFFFFFFF0  }
.LBB2_1:
0x1f: {  	s0 =	rddreg [dreg:$0x1];
	s2 =	simm.s32 $0x10000  }
0x20: {  	[tilespmem:s2], [sflag:$0x3] =	stream.linear.gather [hbm4b:s0+s9], $0x80, $0x38;
	[tilespmem:$0x10180] =	vst v63  }
0x21: {  	_ =	swait.ge [sflag:s11], $0x80  }
0x22: {  	[sflag:s11] =	ssyncset.done $0x0  }
0x23: {  	[sflag:s11] =	ssyncadd.s32 $0xFFFFFF80  }
0x24: {  	v0 =	vld [tilespmem:$0x10000];
	_ =	sdelay $0x3  }
0x25: {  	v35 =	vimm.s32 $0x0  }
0x26: {  	v44 =	vimm.s32 $0x1;
	s31 =	rddreg [dreg:$0x4];
	v1 =	vperm.xlane v0, v35  }
0x27: {  	v54 =	vimm.s32 $0x8;
	[tilespmem:s9], [sflag:$0x1] =	stream.strided.gather [hbm4b:s31+s15], $0x8000, s16, s15, $0x38;
	v57 =	vperm.xlane v0, v44;
	[tilespmem:$0x10180] =	vst v63  }
0x28: {  	v55 =	vimm.s32 $0x9;
	v63 =	vperm.xlane v0, v54;
	[tilespmem:$0x1FF00] =	vst v1  }
0x29: {  	v49 =	vimm.s32 $0x6;
	v56 =	vimm.s32 $0xA;
	v54 =	vperm.xlane v0, v55;
	[tilespmem:$0x1FF30] =	vst v57  }
0x2a: {  	v58 =	vimm.s32 $0xB;
	v53 =	vperm.xlane v0, v49;
	v49 =	vperm.xlane v0, v56;
	[tilespmem:$0x1FF40] =	vst v63  }
0x2b: {  	v52 =	vimm.s32 $0x7;
	v55 =	vperm.xlane v0, v58;
	[tilespmem:$0x1FF50] =	vst v54  }
0x2c: {  	v59 =	vimm.s32 $0xC;
	v25 =	vperm.xlane v0, v52;
	[tilespmem:$0x1FF60] =	vst v49  }
0x2d: {  	v60 =	vimm.s32 $0xD;
	v17 =	vperm.xlane v0, v59;
	[tilespmem:$0x1FF70] =	vst v55  }
0x2e: {  	v61 =	vimm.s32 $0xE;
	v18 =	vperm.xlane v0, v60;
	[tilespmem:$0x1FF80] =	vst v25  }
0x2f: {  	v62 =	vimm.s32 $0xF;
	v19 =	vperm.xlane v0, v61;
	[tilespmem:$0x1FF90] =	vst v17  }
0x30: {  	v47 =	vimm.s32 $0x4;
	v20 =	vperm.xlane v0, v62;
	[tilespmem:$0x1FFA0] =	vst v18  }
0x31: {  	v48 =	vimm.s32 $0x5;
	v50 =	vperm.xlane v0, v47;
	[tilespmem:$0x1FFB0] =	vst v19  }
0x32: {  	v45 =	vimm.s32 $0x2;
	v51 =	vperm.xlane v0, v48;
	[tilespmem:$0x1FFC0] =	vst v20  }
0x33: {  	v1 =	vperm.xlane v0, v45;
	[tilespmem:$0x1FFD0] =	vst v50  }
0x34: {  	v46 =	vimm.s32 $0x3;
	[tilespmem:$0x1FFE0] =	vst v51  }
0x35: {  	[tilespmem:$0x1FF10] =	vst v1;
	v1 =	vperm.xlane v0, v46  }
0x36: {  	[tilespmem:$0x1FFF0] =	vst v53  }
0x37: {  	v30 =	vimm.f32 $+Inf;
	s24 =	simm.s32 $0x0;
	s23 =	rddreg [dreg:$0x9];
	v48 =	vimm.f32 $+Inf;
	[tilespmem:$0x1FF20] =	vst v1  }
.LBB2_2:
0x38: {  	s28 =	sshll.u32 s24, $0x6  }
0x39: {  	s0 =	sor.u32 s5, s28  }
0x3a: {  	s26 =	sor.u32 $0x20, s0  }
0x3b: {  	_ =	swait.ge [sflag:s17], $0x8000;
	s0 =	smov.u32 s5;
	p1 =	slt.u32 s26, $0x1E8  }
0x3c: {  	s29 =	simm.s32 $0x0;
	[sflag:s17] =	ssyncset.done $0x0;
	s0 =	smov.u32 @p1 s26  }
0x3d: {  	s3 =	sand.u32 $0x3C00, s29;
	s2 =	sand.u32 $0x40, s29;
	s25 =	sshll.u32 s0, $0xB  }
0x3e: {  	v10 =	vld [tilespmem:$0x1FF00];
	[sflag:s17] =	ssyncadd.s32 $0xFFFF8000;
	s6 =	sor.u32 $0x4000, s3;
	s0 =	sand.u32 $0x1FFFF800, s25  }
0x3f: {  	v11 =	vld [tilespmem:$0x1FF10];
	s21 =	sor.u32 $0x4080, s3;
	s20 =	sor.u32 s2, s6;
	s0 =	sadd.s32 s1, s0  }
0x40: {  	v12 =	vld [tilespmem:$0x1FF20];
	[tilespmem:s18], [sflag:$0x2] =	stream.strided.gather [hbm4b:s0+s15], $0x8000, s16, s15, $0x38  }
0x41: {  	s13 =	sor.u32 $0x4180, s3;
	s4 =	sor.u32 s2, s21;
	v0 =	vld [tilespmem:s20+$0x0]  }
0x42: {  	s31 =	sor.u32 $0x30, s2;
	s9 =	sor.u32 s2, s13;
	v1 =	vld [tilespmem:s4+$0x0]  }
0x43: {  	s10 =	sor.u32 s31, s3;
	v4 =	vld [tilespmem:s9+$0x0]  }
0x44: {  	v60 =	vld [tilespmem:s10+$0x0]  }
0x45: {  	v36 =	vld [tilespmem:s10+$0x80]  }
0x46: {  	s30 =	sor.u32 $0x20, s2;
	v37 =	vld [tilespmem:s10+$0x100]  }
0x47: {  	s11 =	sor.u32 s30, s3;
	v38 =	vld [tilespmem:s10+$0x180]  }
0x48: {  	v39 =	vld [tilespmem:s11+$0x0]  }
0x49: {  	v40 =	vld [tilespmem:s11+$0x80]  }
0x4a: {  	v41 =	vld [tilespmem:s11+$0x100]  }
0x4b: {  	s4 =	sor.u32 s2, s3;
	v43 =	vld [tilespmem:s11+$0x180]  }
0x4c: {  	v5 =	vld [tilespmem:s4+$0x0]  }
0x4d: {  	v6 =	vld [tilespmem:s4+$0x80]  }
0x4e: {  	p1 =	por $0x0, $0x0;
	s20 =	sor.u32 $0x4100, s3;
	s9 =	simm.s32 $0x1;
	v7 =	vld [tilespmem:s4+$0x100]  }
0x4f: {  	s0 =	sor.u32 $0x10, s2;
	s8 =	sor.u32 s2, s20;
	v8 =	vld [tilespmem:s4+$0x180];
	s9 =	simm.s32 @!p1 $0x0  }
0x50: {  	v3 =	vld [tilespmem:s8+$0x0];
	s8 =	sor.u32 s0, s3;
	s12 =	sshll.u32 s9, $0x6;
	v42 =	vsub.f32 v0, v63;
	v2 =	vsub.f32 v1, v54  }
0x51: {  	v9 =	vmov v35;
	s4 =	sadd.s32 $0x0, s12;
	v61 =	vld [tilespmem:s8+$0x80];
	v0 =	vsub.f32 v4, v55;
	v35 =	vsub.f32 v60, v10  }
0x52: {  	v45 =	vld [tilespmem:s8+$0x100];
	s14 =	sor.u32 $0x200, s4;
	v36 =	vsub.f32 v36, v57;
	v37 =	vsub.f32 v37, v11  }
0x53: {  	s10 =	sor.u32 $0x280, s4;
	v44 =	vld [tilespmem:s14+$0x0];
	v38 =	vsub.f32 v38, v12;
	v39 =	vsub.f32 v39, v10  }
0x54: {  	s11 =	sor.u32 $0x300, s4;
	v46 =	vld [tilespmem:s10+$0x0];
	v40 =	vsub.f32 v40, v57;
	v41 =	vsub.f32 v41, v11  }
0x55: {  	s12 =	sor.u32 $0x380, s4;
	v47 =	vld [tilespmem:s11+$0x0];
	v43 =	vsub.f32 v43, v12;
	v42 =	vmul.f32 v42, v42;
	v35 =	vmul.f32 v35, v35  }
0x56: {  	s10 =	sadd.s32 $0x30, s4;
	v62 =	vld [tilespmem:s12+$0x0];
	v5 =	vsub.f32 v5, v10;
	v36 =	vmul.f32 v36, v36;
	v37 =	vmul.f32 v37, v37  }
0x57: {  	s14 =	sor.u32 $0x200, s10;
	v1 =	vsub.f32 v3, v49;
	v3 =	vld [tilespmem:s8+$0x0];
	v38 =	vmul.f32 v38, v38;
	v39 =	vmul.f32 v39, v39  }
0x58: {  	v6 =	vsub.f32 v6, v57;
	s11 =	sor.u32 $0x280, s10;
	v15 =	vld [tilespmem:s14+$0x0];
	v40 =	vmul.f32 v40, v40;
	v41 =	vmul.f32 v41, v41  }
0x59: {  	v7 =	vsub.f32 v7, v11;
	s12 =	sor.u32 $0x300, s10;
	v16 =	vld [tilespmem:s11+$0x0];
	v43 =	vmul.f32 v43, v43;
	v2 =	vmul.f32 v2, v2  }
0x5a: {  	v8 =	vsub.f32 v8, v12;
	s10 =	sor.u32 $0x380, s10;
	s11 =	sadd.s32 $0x20, s4;
	v24 =	vld [tilespmem:s12+$0x0];
	v0 =	vmul.f32 v0, v0;
	v5 =	vmul.f32 v5, v5  }
0x5b: {  	v26 =	vld [tilespmem:s10+$0x0];
	v6 =	vmul.f32 v6, v6;
	v4 =	vsub.f32 v61, v57;
	v45 =	vsub.f32 v45, v11;
	s14 =	sor.u32 $0x200, s11  }
0x5c: {  	v7 =	vmul.f32 v7, v7;
	s10 =	sor.u32 $0x280, s11;
	v52 =	vld [tilespmem:s14+$0x0];
	v44 =	vsub.f32 v44, v50;
	v46 =	vsub.f32 v46, v51  }
0x5d: {  	v21 =	vmovc v48;
	s4 =	sadd.s32 $0x10, s4;
	v8 =	vmul.f32 v8, v8;
	s12 =	sor.u32 $0x300, s11;
	v27 =	vld [tilespmem:s10+$0x0];
	v47 =	vsub.f32 v47, v53;
	v48 =	vsub.f32 v62, v25  }
0x5e: {  	v11 =	vmovc v51;
	v56 =	vld [tilespmem:s12+$0x0];
	s14 =	sor.u32 $0x200, s4;
	v3 =	vsub.f32 v3, v10;
	v44 =	vmul.f32 v44, v44;
	v46 =	vmul.f32 v46, v46  }
0x5f: {  	s10 =	sor.u32 $0x380, s11;
	v57 =	vld [tilespmem:s14+$0x0];
	v10 =	vmovc v50;
	v47 =	vmul.f32 v47, v47;
	v50 =	vsub.f32 v16, v11;
	v51 =	vsub.f32 v24, v53  }
0x60: {  	v13 =	vmovc v49;
	s11 =	sor.u32 $0x280, s4;
	v59 =	vld [tilespmem:s10+$0x0];
	v48 =	vmul.f32 v48, v48;
	v49 =	vsub.f32 v15, v10;
	v5 =	vadd.f32 v44, v5  }
0x61: {  	v1 =	vmul.f32 v1, v1;
	v60 =	vld [tilespmem:s11+$0x0];
	v6 =	vadd.f32 v46, v6;
	v7 =	vadd.f32 v47, v7  }
0x62: {  	v58 =	vld [tilespmem:s8+$0x180];
	s12 =	sor.u32 $0x300, s4;
	v8 =	vadd.f32 v48, v8;
	v52 =	vsub.f32 v52, v10;
	v50 =	vmul.f32 v50, v50  }
0x63: {  	s8 =	sor.u32 $0x4200, s3;
	s4 =	sor.u32 $0x380, s4;
	v61 =	vld [tilespmem:s12+$0x0];
	v44 =	vsub.f32 v26, v25;
	v51 =	vmul.f32 v51, v51;
	v46 =	vsub.f32 v27, v11  }
0x64: {  	v62 =	vld [tilespmem:s4+$0x0];
	s14 =	sor.u32 s2, s8;
	v4 =	vmul.f32 v4, v4;
	v47 =	vsub.f32 v56, v53;
	v48 =	vsub.f32 v57, v10  }
0x65: {  	s10 =	sor.u32 s31, s21;
	v14 =	vld [tilespmem:s14+$0x0];
	v49 =	vmul.f32 v49, v49;
	v36 =	vadd.f32 v50, v36;
	v37 =	vadd.f32 v51, v37  }
0x66: {  	s11 =	sor.u32 s31, s20;
	v16 =	vld [tilespmem:s10+$0x0];
	v52 =	vmul.f32 v52, v52;
	v50 =	vsub.f32 v59, v25;
	v51 =	vsub.f32 v60, v11  }
0x67: {  	s9 =	sor.u32 s31, s6;
	v24 =	vld [tilespmem:s11+$0x0];
	v44 =	vmul.f32 v44, v44;
	v5 =	vadd.f32 v42, v5;
	v2 =	vadd.f32 v2, v6  }
0x68: {  	s14 =	sor.u32 s31, s13;
	v15 =	vld [tilespmem:s9+$0x0];
	v46 =	vmul.f32 v46, v46;
	v1 =	vadd.f32 v1, v7;
	v0 =	vadd.f32 v0, v8  }
0x69: {  	s10 =	sor.u32 s30, s21;
	v26 =	vld [tilespmem:s14+$0x0];
	v47 =	vmul.f32 v47, v47;
	v35 =	vadd.f32 v49, v35;
	v49 =	vsub.f32 v58, v12  }
0x6a: {  	v45 =	vmul.f32 v45, v45;
	s11 =	sor.u32 s30, s20;
	v27 =	vld [tilespmem:s10+$0x0];
	v39 =	vadd.f32 v52, v39;
	v38 =	vadd.f32 v44, v38  }
0x6b: {  	v3 =	vmul.f32 v3, v3;
	v56 =	vld [tilespmem:s11+$0x0];
	s14 =	sor.u32 s30, s13;
	v40 =	vadd.f32 v46, v40;
	v41 =	vadd.f32 v47, v41  }
0x6c: {  	s10 =	sor.u32 s0, s21;
	v7 =	vld [tilespmem:s14+$0x0];
	v48 =	vmul.f32 v48, v48;
	v52 =	vsub.f32 v61, v53;
	v44 =	vsub.f32 v62, v25  }
0x6d: {  	s4 =	sor.u32 $0x4300, s3;
	s13 =	sor.u32 s0, s13;
	v8 =	vld [tilespmem:s10+$0x0];
	v50 =	vmul.f32 v50, v50;
	v47 =	vsub.f32 v15, v63;
	v46 =	vsub.f32 v14, v17  }
0x6e: {  	s14 =	sor.u32 s2, s4;
	v59 =	vld [tilespmem:s13+$0x0];
	v51 =	vmul.f32 v51, v51;
	v3 =	vadd.f32 v48, v3;
	v48 =	vsub.f32 v16, v54  }
0x6f: {  	s12 =	sor.u32 s30, s6;
	v60 =	vld [tilespmem:s14+$0x0];
	v49 =	vmul.f32 v49, v49;
	v42 =	vsub.f32 v27, v54;
	v43 =	vadd.f32 v50, v43  }
0x70: {  	s10 =	sor.u32 s30, s8;
	v25 =	vld [tilespmem:s12+$0x0];
	v52 =	vmul.f32 v52, v52;
	v4 =	vadd.f32 v51, v4;
	v44 =	vmul.f32 v44, v44  }
0x71: {  	s12 =	sor.u32 s0, s6;
	v14 =	vld [tilespmem:s10+$0x0];
	v50 =	vsub.f32 v24, v13;
	v47 =	vmul.f32 v47, v47;
	v7 =	vsub.f32 v7, v55  }
0x72: {  	s6 =	sor.u32 $0x4280, s3;
	v6 =	vld [tilespmem:s12+$0x0];
	s12 =	sor.u32 s0, s20;
	v46 =	vmul.f32 v46, v46;
	v8 =	vsub.f32 v8, v54;
	v45 =	vadd.f32 v52, v45  }
0x73: {  	s11 =	sor.u32 s2, s6;
	v58 =	vld [tilespmem:s12+$0x0];
	v48 =	vmul.f32 v48, v48;
	v44 =	vadd.f32 v44, v49;
	v52 =	vsub.f32 v26, v55  }
0x74: {  	s3 =	sor.u32 $0x4380, s3;
	s20 =	sor.u32 s31, s8;
	v57 =	vld [tilespmem:s11+$0x0];
	v42 =	vmul.f32 v42, v42;
	v35 =	vadd.f32 v47, v35;
	v49 =	vsub.f32 v56, v13  }
0x75: {  	s14 =	sor.u32 s30, s3;
	v62 =	vld [tilespmem:s20+$0x0];
	v50 =	vmul.f32 v50, v50;
	v5 =	vadd.f32 v46, v5;
	v51 =	vsub.f32 v25, v63  }
0x76: {  	s2 =	sor.u32 s2, s3;
	v24 =	vld [tilespmem:s14+$0x0];
	v36 =	vadd.f32 v48, v36;
	v40 =	vadd.f32 v42, v40  }
0x77: {  	s21 =	sor.u32 s31, s6;
	v61 =	vld [tilespmem:s2+$0x0];
	v7 =	vmul.f32 v7, v7;
	v37 =	vadd.f32 v50, v37;
	v6 =	vsub.f32 v6, v63  }
0x78: {  	v12 =	vld [tilespmem:s21+$0x0];
	s21 =	sor.u32 s0, s4;
	v8 =	vmul.f32 v8, v8;
	v50 =	vsub.f32 v59, v55;
	v48 =	vsub.f32 v58, v13  }
0x79: {  	v27 =	vld [tilespmem:s21+$0x0];
	v52 =	vmul.f32 v52, v52;
	v7 =	vadd.f32 v7, v43;
	v47 =	vsub.f32 v57, v18  }
0x7a: {  	s20 =	sor.u32 s0, s6;
	v49 =	vmul.f32 v49, v49;
	v4 =	vadd.f32 v8, v4;
	v42 =	vsub.f32 v62, v17  }
0x7b: {  	s13 =	sor.u32 s30, s4;
	v26 =	vld [tilespmem:s20+$0x0];
	v51 =	vmul.f32 v51, v51;
	v43 =	vsub.f32 v14, v17;
	v53 =	vsub.f32 v24, v20  }
0x7c: {  	v16 =	vld [tilespmem:s13+$0x0];
	s8 =	sor.u32 s0, s8;
	v38 =	vadd.f32 v52, v38;
	v6 =	vmul.f32 v6, v6;
	v41 =	vadd.f32 v49, v41  }
0x7d: {  	s12 =	sor.u32 s30, s6;
	v25 =	vld [tilespmem:s8+$0x0];
	v52 =	vsub.f32 v61, v20;
	v50 =	vmul.f32 v50, v50;
	v49 =	vsub.f32 v12, v18  }
0x7e: {  	s0 =	sor.u32 s0, s3;
	v15 =	vld [tilespmem:s12+$0x0];
	v56 =	vsub.f32 v27, v19;
	v39 =	vadd.f32 v51, v39;
	v48 =	vmul.f32 v48, v48  }
0x7f: {  	s11 =	sor.u32 s31, s3;
	v34 =	vld [tilespmem:s0+$0x0];
	v51 =	vsub.f32 v60, v19;
	v47 =	vmul.f32 v47, v47;
	v42 =	vmul.f32 v42, v42  }
0x80: {  	v8 =	vld [tilespmem:s11+$0x0];
	v43 =	vmul.f32 v43, v43;
	v55 =	vsub.f32 v26, v18;
	v3 =	vadd.f32 v6, v3  }
0x81: {  	s9 =	sor.u32 s31, s4;
	v44 =	vadd.f32 v50, v44;
	v52 =	vmul.f32 v52, v52;
	v50 =	vsub.f32 v16, v19  }
0x82: {  	v6 =	vld [tilespmem:s9+$0x0];
	v49 =	vmul.f32 v49, v49;
	v54 =	vsub.f32 v25, v17;
	v45 =	vadd.f32 v48, v45  }
0x83: {  	v59 =	vmul.f32 v56, v56;
	v2 =	vadd.f32 v47, v2;
	v48 =	vsub.f32 v15, v18  }
0x84: {  	v51 =	vmul.f32 v51, v51;
	v35 =	vadd.f32 v42, v35;
	v42 =	vsub.f32 v34, v20  }
0x85: {  	v58 =	vmul.f32 v55, v55;
	v8 =	vsub.f32 v8, v20;
	v0 =	vadd.f32 v52, v0  }
0x86: {  	v36 =	vadd.f32 v49, v36;
	v49 =	vadd.f32 v43, v39;
	v39 =	vmul.f32 v50, v50  }
0x87: {  	v57 =	vmul.f32 v54, v54;
	v1 =	vadd.f32 v51, v1;
	v6 =	vsub.f32 v6, v19  }
0x88: {  	v48 =	vmul.f32 v48, v48;
	v42 =	vmul.f32 v42, v42;
	v4 =	vadd.f32 v58, v4  }
0x89: {  	v2 =	vadd.f32 v2, v5;
	v39 =	vadd.f32 v39, v41;
	v6 =	vmul.f32 v6, v6  }
0x8a: {  	v8 =	vmul.f32 v8, v8;
	v3 =	vadd.f32 v57, v3;
	v60 =	vadd.f32 v42, v44  }
0x8b: {  	v6 =	vadd.f32 v6, v37;
	v37 =	vadd.f32 v48, v40;
	v40 =	vmul.f32 v53, v53  }
0x8c: {  	v0 =	vadd.f32 v0, v1;
	v8 =	vadd.f32 v8, v38  }
0x8d: {  	v7 =	vadd.f32 v40, v7;
	v40 =	vadd.f32 v59, v45  }
0x8e: {  	v1 =	vadd.f32 v36, v35;
	v3 =	vadd.f32 v4, v3  }
0x8f: {  	v61 =	vadd.f32 v8, v6;
	v62 =	vadd.f32 v60, v40  }
0x90: {  	v6 =	vadd.f32 v37, v49;
	v7 =	vadd.f32 v7, v39  }
0x91: {  	v0 =	vadd.f32 v0, v2;
	v44 =	vadd.f32 v62, v3  }
0x92: {  	v36 =	vadd.f32 v7, v6  }
0x93: {  	v8 =	vadd.f32 v61, v1;
	v1 =	vmin.f32 v0, v44  }
0x94: {  	v1 =	vmin.f32 v1, v36  }
0x95: {  	v1 =	vmin.f32 v1, v8  }
0x96: {  	vm0 =	vlt.f32 v1, v30  }
0x97: {  	v1 =	vsel vm0, $0x3F800000, v28  }
0x98: {  	s30 =	simm.s32 $0x200;
	s31 =	simm.s32 $0x0;
	v35 =	vmov v9;
	(xrf0) =	vmax.scan.msk.f32 $0xffff, v1  }
.LBB2_3:
0x99: {  	v17 =	vld [tilespmem:$0x1FF90]  }
0x9a: {  	v18 =	vld [tilespmem:$0x1FFA0]  }
0x9b: {  	v19 =	vld [tilespmem:$0x1FFB0]  }
0x9c: {  	v20 =	vld [tilespmem:$0x1FFC0]  }
0x9d: {  	v25 =	vld [tilespmem:$0x1FF50]  }
0x9e: {  	v23 =	vld [tilespmem:$0x1FF60]  }
0x9f: {  	v32 =	vld [tilespmem:$0x1FF00]  }
0xa0: {  	v24 =	vld [tilespmem:$0x1FF70]  }
0xa1: {  	s2 =	sand.u32 $0x3C00, s30;
	s29 =	sadd.s32 $0x40, s29;
	v34 =	vld [tilespmem:$0x1FF30]  }
0xa2: {  	v33 =	vld [tilespmem:$0x1FF10];
	s0 =	sand.u32 $0x40, s29;
	s4 =	sor.u32 $0x4200, s2  }
0xa3: {  	v42 =	vld [tilespmem:$0x1FF20];
	s11 =	sor.u32 $0x4300, s2;
	s3 =	sor.u32 s0, s4  }
0xa4: {  	s12 =	sor.u32 $0x4380, s2;
	s9 =	sor.u32 s0, s11;
	v2 =	vld [tilespmem:s3+$0x0]  }
0xa5: {  	s21 =	sor.u32 $0x4000, s2;
	s13 =	sor.u32 s0, s12;
	v3 =	vld [tilespmem:s9+$0x0];
	v1, _, _ =	vpop (xrf0)  }
0xa6: {  	s20 =	sor.u32 $0x4080, s2;
	s6 =	sor.u32 s0, s21;
	v4 =	vld [tilespmem:s13+$0x0];
	(v2sf) =	vpush v1, $0xF  }
0xa7: {  	s14 =	sor.u32 s0, s20;
	v5 =	vld [tilespmem:s6+$0x0]  }
0xa8: {  	v6 =	vld [tilespmem:s14+$0x0];
	s14 =	sor.u32 s0, s2  }
0xa9: {  	v37 =	vld [tilespmem:s14+$0x0]  }
0xaa: {  	s10 =	sor.u32 $0x4280, s2;
	v38 =	vld [tilespmem:s14+$0x80]  }
0xab: {  	s8 =	sor.u32 s0, s10;
	v39 =	vld [tilespmem:s14+$0x100]  }
0xac: {  	v1 =	vld [tilespmem:s8+$0x0];
	s8 =	sor.u32 $0x4180, s2  }
0xad: {  	s13 =	sor.u32 $0x4100, s2;
	v40 =	vld [tilespmem:s14+$0x180];
	s9 =	sor.u32 s0, s8  }
0xae: {  	[tilespmem:$0x1FE50] =	vst v8;
	s6 =	sor.u32 s0, s13;
	v8 =	vld [tilespmem:s9+$0x0];
	s9 =	sor.u32 $0x30, s0  }
0xaf: {  	v7 =	vld [tilespmem:s6+$0x0];
	s14 =	sor.u32 s9, s4  }
0xb0: {  	s6 =	sor.u32 s9, s10;
	v41 =	vld [tilespmem:s14+$0x0]  }
0xb1: {  	s3 =	sor.u32 s9, s12;
	v43 =	vld [tilespmem:s6+$0x0]  }
0xb2: {  	s14 =	sor.u32 s9, s11;
	s6 =	sor.u32 $0x20, s0;
	v46 =	vld [tilespmem:s3+$0x0]  }
0xb3: {  	v45 =	vld [tilespmem:s14+$0x0];
	s14 =	sor.u32 s6, s4  }
0xb4: {  	v1 =	vsub.f32 v1, v18;
	v47 =	vld [tilespmem:s14+$0x0];
	s14 =	sor.u32 s6, s10  }
0xb5: {  	v48 =	vld [tilespmem:s14+$0x0];
	s14 =	sor.u32 s6, s11;
	s3 =	spop (v2sf)  }
0xb6: {  	v3 =	vsub.f32 v3, v19;
	v1 =	vmul.f32 v1, v1;
	v49 =	vld [tilespmem:s14+$0x0];
	s14 =	sor.u32 s6, s12;
	p2 =	sgt.f32 s3, $0.0e+00  }
0xb7: {  	v50 =	vld [tilespmem:s14+$0x0]  }
0xb8: {  	v4 =	vsub.f32 v4, v20;
	s14 =	sor.u32 s9, s21;
	[tilespmem:$0x1FE80] =	vst v1;
	v1 =	vmul.f32 v3, v3;
	v3 =	vld [tilespmem:$0x1FFD0];
	s3 =	sor.u32 $0x10, s0;
	s0 =	sadd.s32 @p2 s31, s23;
	v9 =	vlaneseq.u32 @p2  }
0xb9: {  	v54 =	vld [tilespmem:s14+$0x0];
	s14 =	sor.u32 s6, s21;
	v51 =	vor.u32 @p2 s0, v9  }
0xba: {  	v61 =	vld [tilespmem:s14+$0x0];
	[tilespmem:$0x1FE90] =	vst v1;
	v1 =	vmul.f32 v4, v4;
	(xrf1) =	vsort.ascd.msk.f32 @p2 $0xffff, v0, v51  }
0xbb: {  	v4 =	vld [tilespmem:$0x1FFE0]  }
0xbc: {  	[tilespmem:$0x1FEA0] =	vst v1;
	v1 =	vld [tilespmem:$0x1FF80];
	s4 =	sor.u32 s3, s4  }
0xbd: {  	s12 =	sor.u32 s3, s12;
	v52 =	vld [tilespmem:s4+$0x0]  }
0xbe: {  	s14 =	sor.u32 s3, s21;
	v53 =	vld [tilespmem:s12+$0x0]  }
0xbf: {  	v13 =	vsub.f32 v47, v17;
	s12 =	sor.u32 s9, s8;
	v47 =	vld [tilespmem:s14+$0x0]  }
0xc0: {  	s10 =	sor.u32 s3, s10;
	v60 =	vld [tilespmem:s12+$0x0]  }
0xc1: {  	s11 =	sor.u32 s3, s11;
	v0 =	vld [tilespmem:s10+$0x0]  }
0xc2: {  	v2 =	vsub.f32 v2, v17;
	v5 =	vsub.f32 v5, v63;
	s12 =	sor.u32 s6, s8;
	v51 =	vld [tilespmem:s11+$0x0]  }
0xc3: {  	v6 =	vsub.f32 v6, v25;
	v14 =	vsub.f32 v46, v20;
	s8 =	sor.u32 s3, s8;
	v46 =	vld [tilespmem:s12+$0x0]  }
0xc4: {  	v56 =	vsub.f32 v37, v32;
	v58 =	vsub.f32 v38, v34;
	s10 =	sor.u32 s9, s20;
	v38 =	vld [tilespmem:s8+$0x0]  }
0xc5: {  	v59 =	vsub.f32 v39, v33;
	v26 =	vsub.f32 v50, v20;
	v22 =	vlaneseq.u32 @p2;
	s11 =	sor.u32 s9, s13;
	v55 =	vld [tilespmem:s10+$0x0]  }
0xc6: {  	v11 =	vsub.f32 v43, v18;
	v43 =	vmul.u32 @p2 $0xFFFFFFFF, v22;
	s9 =	sor.u32 s9, s2;
	v57 =	vld [tilespmem:s11+$0x0];
	v0 =	vsub.f32 v0, v18  }
0xc7: {  	v10 =	vsub.f32 v41, v17;
	v16 =	vsub.f32 v49, v19;
	[tilespmem:$0x1FEB0] =	vst v26;
	v26 =	vld [tilespmem:s9+$0x0]  }
0xc8: {  	v43 =	vadd.s32 @p2 $0xF, v43;
	v39 =	vld [tilespmem:s9+$0x80];
	[tilespmem:$0x1FED0] =	vst v0;
	v0 =	vsub.f32 v51, v19;
	v51 =	vor.u32 @p2 $0x10, v22;
	v49, v50, _ =	vpop @p2 (xrf1)  }
0xc9: {  	v9 =	vsub.f32 v40, v42;
	s10 =	sor.u32 s6, s20;
	v40 =	vld [tilespmem:s9+$0x100];
	v22 =	vor.u32 @p2 s0, v51;
	v49 =	vperm.xlane @p2 v49, v43  }
0xca: {  	s11 =	sor.u32 s6, s13;
	v62 =	vld [tilespmem:s10+$0x0];
	v17 =	vsub.f32 v52, v17;
	(xrf1) =	vsort.ascd.msk.f32 @p2 $0xffff, v44, v22;
	v50 =	vperm.xlane @p2 v50, v43  }
0xcb: {  	v12 =	vsub.f32 v45, v19;
	s20 =	sor.u32 s3, s20;
	v45 =	vld [tilespmem:s11+$0x0];
	v37 =	vsub.f32 v53, v20;
	v51 =	vmovc v21;
	vm0 =	vle.f32 @p2 v21, v49  }
0xcc: {  	v15 =	vsub.f32 v48, v18;
	s6 =	sor.u32 s6, s2;
	v48 =	vld [tilespmem:s20+$0x0];
	[tilespmem:$0x1FEC0] =	vst v17;
	v44 =	vsel @p2 vm0, v51, v49;
	v49 =	vsel @p2 vm0, v35, v50  }
0xcd: {  	v7 =	vsub.f32 v7, v23;
	v8 =	vsub.f32 v8, v24;
	s21 =	sor.u32 s3, s13;
	[tilespmem:$0x1FEF0] =	vst v37;
	v37 =	vld [tilespmem:s6+$0x0];
	(xrf1) =	vsort.ascd.msk.f32 @p2 $0xffff, v44, v49  }
0xce: {  	v2 =	vmul.f32 v2, v2;
	v20 =	vsub.f32 v60, v24;
	v17 =	vsub.f32 v54, v63;
	[tilespmem:$0x1FEE0] =	vst v0;
	v0 =	vld [tilespmem:s21+$0x0]  }
0xcf: {  	p1 =	por !p1, !p1;
	s3 =	sor.u32 s3, s2;
	s2 =	simm.s32 $0x1;
	v60 =	vmul.f32 v16, v16;
	v53 =	vsub.f32 v46, v24;
	v18 =	vsub.f32 v55, v25;
	v55 =	vld [tilespmem:s6+$0x180]  }
0xd0: {  	v41 =	vld [tilespmem:s9+$0x180];
	s2 =	simm.s32 @!p1 $0x0;
	v46 =	vmul.f32 v7, v7;
	v54 =	vmul.f32 v10, v10;
	v19 =	vsub.f32 v57, v23  }
0xd1: {  	s2 =	sshll.u32 s2, $0x6;
	v52 =	vsub.f32 v45, v23;
	v22 =	vsub.f32 v62, v25;
	v62 =	vmul.f32 v6, v6;
	v6 =	vld [tilespmem:s3+$0x100]  }
0xd2: {  	s2 =	sadd.s32 s2, s30;
	v45 =	vmul.f32 v8, v8;
	v50 =	vsub.f32 v47, v63;
	v47 =	vsub.f32 v48, v25;
	v48 =	vld [tilespmem:s3+$0x80]  }
0xd3: {  	s12 =	sor.u32 $0x300, s2;
	v27 =	vsub.f32 v37, v32;
	v37 =	vmul.f32 v9, v9;
	v49 =	vsub.f32 v0, v23;
	v0 =	vld [tilespmem:s6+$0x80]  }
0xd4: {  	v10 =	vld [tilespmem:s12+$0x0];
	v31 =	vsub.f32 v55, v42;
	v55 =	vmul.f32 v13, v13;
	v23 =	vsub.f32 v38, v24  }
0xd5: {  	v57 =	vld [tilespmem:s3+$0x0];
	v27 =	vmul.f32 v27, v27;
	v21 =	vsub.f32 v61, v63;
	v24 =	vsub.f32 v39, v34  }
0xd6: {  	s11 =	sor.u32 $0x280, s2;
	s14 =	sadd.s32 $0x30, s2;
	v61 =	vmul.f32 v5, v5;
	v38 =	vld [tilespmem:s6+$0x100];
	[tilespmem:$0x1FE60] =	vst v23;
	v23 =	vsub.f32 v26, v32;
	v26 =	vsub.f32 v41, v42  }
0xd7: {  	s21 =	sor.u32 $0x280, s14;
	v9 =	vld [tilespmem:s11+$0x0];
	v41 =	vmul.f32 v56, v56;
	v56 =	vmul.f32 v12, v12;
	v12 =	vsub.f32 v6, v33  }
0xd8: {  	s20 =	sor.u32 $0x200, s14;
	v63 =	vld [tilespmem:s21+$0x0];
	v28 =	vsub.f32 v0, v34;
	v34 =	vsub.f32 v48, v34;
	v48 =	vlaneseq.u32 @p2;
	v5, v6, _ =	vpop @p2 (xrf1)  }
0xd9: {  	s10 =	sor.u32 $0x200, s2;
	v13 =	vld [tilespmem:s20+$0x0];
	v31 =	vmul.f32 v31, v31;
	v7 =	vperm.xlane @p2 v5, v43;
	v5 =	vor.u32 @p2 $0x20, v48  }
0xda: {  	s13 =	sor.u32 $0x380, s2;
	s8 =	sadd.s32 $0x20, s2;
	s2 =	sadd.s32 $0x10, s2;
	v8 =	vld [tilespmem:s3+$0x180];
	v39 =	vmul.f32 v58, v58;
	v58 =	vmul.f32 v15, v15;
	v15 =	vor.u32 @p2 s0, v5  }
0xdb: {  	s9 =	sor.u32 $0x380, s14;
	s20 =	sor.u32 $0x280, s2;
	v25 =	vsub.f32 v40, v33;
	s21 =	sor.u32 $0x300, s2;
	v44 =	vmov v30;
	v30 =	vld [tilespmem:s10+$0x0];
	v29 =	vsub.f32 v38, v33;
	v16, v33, _ =	vpop @p2 (xrf1);
	(xrf1) =	vsort.ascd.msk.f32 @p2 $0xffff, v36, v15  }
0xdc: {  	v40 =	vmul.f32 v59, v59;
	s6 =	sor.u32 $0x300, s14;
	s14 =	sor.u32 $0x200, s2;
	s2 =	sor.u32 $0x380, s2;
	v32 =	vsub.f32 v57, v32;
	v57 =	vmul.f32 v11, v11;
	v11 =	vld [tilespmem:s13+$0x0]  }
0xdd: {  	v59 =	vmul.f32 v14, v14;
	v14 =	vsub.f32 v63, v4;
	v63 =	vld [tilespmem:s2+$0x0];
	v6 =	vperm.xlane @p2 v6, v43  }
0xde: {  	v9 =	vsub.f32 v9, v4;
	v13 =	vsub.f32 v13, v3;
	v0 =	vld [tilespmem:s6+$0x0];
	vm0 =	vle.f32 @p2 v16, v7  }
0xdf: {  	v38 =	vmul.f32 v17, v17;
	v5 =	vmovc v35;
	v35 =	vld [tilespmem:s21+$0x0];
	v16 =	vsel @p2 vm0, v16, v7;
	v17 =	vsel @p2 vm0, v33, v6  }
0xe0: {  	v9 =	vmul.f32 v9, v9;
	v13 =	vmul.f32 v13, v13;
	s10 =	sor.u32 $0x200, s8;
	v15 =	vld [tilespmem:s9+$0x0];
	(xrf1) =	vsort.ascd.msk.f32 @p2 $0xffff, v16, v17  }
0xe1: {  	v25 =	vmul.f32 v25, v25;
	v36 =	vmul.f32 v18, v18;
	v18 =	vld [tilespmem:s10+$0x0]  }
0xe2: {  	s12 =	sor.u32 $0x300, s8;
	v26 =	vmul.f32 v26, v26;
	v7 =	vmul.f32 v19, v19;
	v16 =	vsub.f32 v8, v42;
	v42 =	vld [tilespmem:$0x1FFF0]  }
0xe3: {  	s13 =	sor.u32 $0x380, s8;
	v19 =	vmul.f32 v21, v21;
	v21 =	vld [tilespmem:s12+$0x0];
	v8 =	vmul.f32 v22, v22  }
0xe4: {  	v22 =	vmul.f32 v23, v23;
	v23 =	vmul.f32 v24, v24;
	v24 =	vld [tilespmem:s13+$0x0]  }
0xe5: {  	v11 =	vsub.f32 v11, v1;
	v6 =	vmul.f32 v20, v20;
	v20 =	vsub.f32 v30, v3;
	v30 =	vld [tilespmem:s14+$0x0]  }
0xe6: {  	v32 =	vmul.f32 v32, v32;
	v63 =	vsub.f32 v63, v1;
	v15 =	vsub.f32 v15, v1  }
0xe7: {  	v12 =	vmul.f32 v12, v12;
	v18 =	vsub.f32 v18, v3;
	v10 =	vsub.f32 v10, v42  }
0xe8: {  	[tilespmem:$0x1FE70] =	vst v2;
	s11 =	sor.u32 $0x280, s8;
	v14 =	vmul.f32 v14, v14;
	v33 =	vld [tilespmem:s20+$0x0];
	v2 =	vsub.f32 v0, v42;
	v21 =	vsub.f32 v21, v42  }
0xe9: {  	v48 =	vor.u32 @p2 $0x30, v48;
	v17 =	vld [tilespmem:s11+$0x0];
	v24 =	vsub.f32 v24, v1;
	v35 =	vsub.f32 v35, v42;
	v42, v1, _ =	vpop @p2 (xrf1)  }
0xea: {  	v30 =	vsub.f32 v30, v3;
	v3 =	vperm.xlane @p2 v1, v43;
	v1 =	vor.u32 @p2 s0, v48;
	v48 =	vld [tilespmem:$0x1FE50]  }
0xeb: {  	v28 =	vmul.f32 v28, v28;
	v29 =	vmul.f32 v29, v29  }
0xec: {  	v34 =	vmul.f32 v34, v34;
	v16 =	vmul.f32 v16, v16  }
0xed: {  	v13 =	vadd.f32 v13, v22;
	v14 =	vadd.f32 v14, v23;
	v42 =	vperm.xlane @p2 v42, v43  }
0xee: {  	v33 =	vsub.f32 v33, v4;
	v17 =	vsub.f32 v17, v4;
	v4 =	vmul.f32 v2, v2;
	v0, v2, _ =	vpop @p2 (xrf1)  }
0xef: {  	v22 =	vmul.f32 v63, v63;
	vm0 =	vle.f32 @p2 v0, v42;
	(xrf1) =	vsort.ascd.msk.f32 @p2 $0xffff, v48, v1  }
0xf0: {  	v15 =	vmul.f32 v15, v15;
	v0 =	vsel @p2 vm0, v0, v42;
	v2 =	vsel @p2 vm0, v2, v3  }
0xf1: {  	v16 =	vadd.f32 v22, v16;
	v17 =	vmul.f32 v17, v17;
	(xrf1) =	vsort.ascd.msk.f32 @p2 $0xffff, v0, v2  }
0xf2: {  	v11 =	vmul.f32 v11, v11;
	v15 =	vadd.f32 v15, v26;
	v4 =	vadd.f32 v4, v25  }
0xf3: {  	v20 =	vmul.f32 v20, v20;
	v14 =	vadd.f32 v36, v14;
	v17 =	vadd.f32 v17, v28  }
0xf4: {  	v23 =	vmul.f32 v50, v50;
	v6 =	vadd.f32 v6, v15;
	v4 =	vadd.f32 v7, v4  }
0xf5: {  	v22 =	vmul.f32 v53, v53;
	v14 =	vadd.f32 v57, v14;
	v8 =	vadd.f32 v8, v17  }
0xf6: {  	v10 =	vmul.f32 v10, v10;
	v6 =	vadd.f32 v59, v6;
	v4 =	vadd.f32 v56, v4  }
0xf7: {  	v7 =	vld [tilespmem:$0x1FE60];
	v8 =	vadd.f32 v58, v8;
	v3 =	vadd.f32 v20, v41;
	v20 =	vmul.f32 v33, v33  }
0xf8: {  	v0 =	vadd.f32 v9, v39;
	v9 =	vmul.f32 v21, v21;
	v21 =	vmul.f32 v35, v35  }
0xf9: {  	v4 =	vadd.f32 v6, v4;
	v42 =	vmul.f32 v47, v47;
	v1 =	vmul.f32 v18, v18  }
0xfa: {  	v2 =	vadd.f32 v10, v40;
	v12 =	vadd.f32 v21, v12;
	v21 =	vmul.f32 v52, v52  }
0xfb: {  	v10 =	vadd.f32 v11, v37;
	v40 =	vmul.f32 v30, v30;
	v1 =	vadd.f32 v1, v27  }
0xfc: {  	v7 =	vmul.f32 v7, v7;
	v20 =	vadd.f32 v20, v34;
	v9 =	vadd.f32 v9, v29  }
0xfd: {  	v50 =	vld [tilespmem:$0x1FEA0];
	v11 =	vmul.f32 v24, v24;
	v18 =	vadd.f32 v40, v32;
	v1 =	vadd.f32 v19, v1;
	v15, v19, _ =	vpop @p2 (xrf1)  }
0xfe: {  	v53 =	vld [tilespmem:$0x1FEC0];
	v3 =	vadd.f32 v61, v3;
	v2 =	vadd.f32 v46, v2;
	v15 =	vperm.xlane @p2 v15, v43  }
0xff: {  	v47 =	vld [tilespmem:$0x1FE70];
	v9 =	vadd.f32 v21, v9;
	v46 =	vadd.f32 v23, v18;
	v18 =	vperm.xlane @p2 v19, v43;
	v19, v21, _ =	vpop @p2 (xrf1)  }
0x100: {  	v48 =	vld [tilespmem:$0x1FE80];
	v30 =	vmovc v44;
	v44 =	vadd.f32 v38, v13;
	v7 =	vadd.f32 v7, v16;
	vm0 =	vle.f32 @p2 v19, v15  }
0x101: {  	v57 =	vld [tilespmem:$0x1FEE0];
	v11 =	vadd.f32 v11, v31;
	v13 =	vsel @p2 vm0, v19, v15;
	v15 =	vsel @p2 vm0, v21, v18  }
0x102: {  	v59 =	vld [tilespmem:$0x1FEF0];
	v0 =	vadd.f32 v62, v0;
	v10 =	vadd.f32 v45, v10;
	(xrf1) =	vsort.ascd.msk.f32 @p2 $0xffff, v13, v15  }
0x103: {  	v41 =	vmovc v5;
	v45 =	vmul.f32 v49, v49;
	v20 =	vadd.f32 v42, v20;
	v5 =	vadd.f32 v54, v44;
	v54 =	vld [tilespmem:$0x1FED0]  }
0x104: {  	v49 =	vld [tilespmem:$0x1FE90];
	v3 =	vadd.f32 v47, v3;
	v11 =	vadd.f32 v22, v11  }
0x105: {  	v52 =	vld [tilespmem:$0x1FEB0];
	v12 =	vadd.f32 v45, v12;
	v0 =	vadd.f32 v48, v0  }
0x106: {  	v10 =	vadd.f32 v50, v10;
	v1 =	vadd.f32 v55, v1  }
0x107: {  	v9 =	vadd.f32 v60, v9;
	v0 =	vadd.f32 v0, v3  }
0x108: {  	v3 =	vadd.f32 v14, v5;
	v16 =	vmul.f32 v54, v54;
	v18 =	vmul.f32 v57, v57  }
0x109: {  	v2 =	vadd.f32 v49, v2;
	v19 =	vmul.f32 v59, v59;
	v15 =	vmul.f32 v53, v53  }
0x10a: {  	v61 =	vadd.f32 v16, v20;
	v13 =	vmul.f32 v52, v52;
	v12 =	vadd.f32 v18, v12  }
0x10b: {  	v7 =	vadd.f32 v19, v7;
	v60 =	vadd.f32 v15, v46  }
0x10c: {  	v2 =	vadd.f32 v10, v2;
	v11 =	vadd.f32 v13, v11  }
0x10d: {  	v6 =	vadd.f32 v7, v12;
	v62 =	vadd.f32 v61, v60  }
0x10e: {  	v1 =	vadd.f32 v8, v1;
	v7 =	vadd.f32 v11, v9  }
0x10f: {  	v0 =	vadd.f32 v2, v0;
	v44 =	vadd.f32 v6, v62  }
0x110: {  	s30 =	sadd.s32 $0x200, s30;
	v8 =	vadd.f32 v4, v3;
	v2 =	vimm.s32 @p2 $0x7;
	v36 =	vadd.f32 v7, v1;
	v3, v4, _ =	vpop @p2 (xrf1)  }
0x111: {  	p3 =	sne.s32 s30, $0x4000;
	v1 =	vmin.f32 v0, v44;
	v2 =	vperm.xlane @p2 v3, v2  }
.Ltmp2:
0x112: {  	v1 =	vmin.f32 v1, v36;
	(pc) =	sbr.rel @p3 .LBB2_3-.Ltmp2, $4  }
0x113: {  	v1 =	vmin.f32 v1, v8;
	v30 =	vpsel p2, v2, v30  }
0x114: {  	v28 =	vimm.f32 $0.0e+00;
	vm15 =	vlt.f32 v1, v30  }
0x115: {  	v1 =	vsel vm15, $0x3F800000, v28  }
0x116: {  	s31 =	smov.u32 s29;
	v63 =	vld [tilespmem:$0x1FF40];
	v21 =	vpsel p2, v3, v51;
	v35 =	vpsel p2, v4, v41;
	(xrf0) =	vmax.scan.msk.f32 $0xffff, v1  }
0x117: {  	_ =	sdelay $0x4  }
0x118: {  	v1, _, _ =	vpop (xrf0)  }
0x119: {  	(v2sf) =	vpush v1, $0xF;
	_ =	sdelay $0xe  }
0x11a: {  	s0 =	spop (v2sf)  }
0x11b: {  	p2 =	sgt.f32 s0, $0.0e+00;
	_ =	sdelay $0x1  }
0x11c: {  	s0 =	sadd.s32 @p2 s31, s23;
	v1 =	vlaneseq.u32 @p2  }
0x11d: {  	v2 =	vor.u32 @p2 s0, v1  }
0x11e: {  	(xrf1) =	vsort.ascd.msk.f32 @p2 $0xffff, v0, v2;
	_ =	sdelay $0xb  }
0x11f: {  	v0 =	vmul.u32 @p2 $0xFFFFFFFF, v1;
	_ =	sdelay $0x1  }
0x120: {  	v0 =	vadd.s32 @p2 $0xF, v0;
	v2, v3, _ =	vpop @p2 (xrf1)  }
0x121: {  	v4 =	vor.u32 @p2 $0x10, v1;
	v2 =	vperm.xlane @p2 v2, v0  }
0x122: {  	v4 =	vor.u32 @p2 s0, v4;
	v3 =	vperm.xlane @p2 v3, v0  }
0x123: {  	(xrf1) =	vsort.ascd.msk.f32 @p2 $0xffff, v44, v4;
	vm0 =	vle.f32 @p2 v21, v2  }
0x124: {  	v2 =	vsel @p2 vm0, v21, v2;
	v3 =	vsel @p2 vm0, v35, v3  }
0x125: {  	(xrf1) =	vsort.ascd.msk.f32 @p2 $0xffff, v2, v3;
	_ =	sdelay $0xb  }
0x126: {  	v2, v3, _ =	vpop @p2 (xrf1)  }
0x127: {  	v4 =	vor.u32 @p2 $0x20, v1;
	v2 =	vperm.xlane @p2 v2, v0  }
0x128: {  	v4 =	vor.u32 @p2 s0, v4;
	v3 =	vperm.xlane @p2 v3, v0;
	v5, v6, _ =	vpop @p2 (xrf1)  }
0x129: {  	(xrf1) =	vsort.ascd.msk.f32 @p2 $0xffff, v36, v4;
	vm0 =	vle.f32 @p2 v5, v2  }
0x12a: {  	v2 =	vsel @p2 vm0, v5, v2;
	v3 =	vsel @p2 vm0, v6, v3  }
0x12b: {  	(xrf1) =	vsort.ascd.msk.f32 @p2 $0xffff, v2, v3;
	_ =	sdelay $0xb  }
0x12c: {  	v2, v3, _ =	vpop @p2 (xrf1)  }
0x12d: {  	v1 =	vor.u32 @p2 $0x30, v1;
	v2 =	vperm.xlane @p2 v2, v0  }
0x12e: {  	v1 =	vor.u32 @p2 s0, v1;
	v3 =	vperm.xlane @p2 v3, v0;
	v4, v5, _ =	vpop @p2 (xrf1)  }
0x12f: {  	(xrf1) =	vsort.ascd.msk.f32 @p2 $0xffff, v8, v1;
	vm0 =	vle.f32 @p2 v4, v2  }
0x130: {  	v1 =	vsel @p2 vm0, v4, v2;
	v2 =	vsel @p2 vm0, v5, v3  }
0x131: {  	(xrf1) =	vsort.ascd.msk.f32 @p2 $0xffff, v1, v2;
	_ =	sdelay $0xb  }
0x132: {  	v1, v2, _ =	vpop @p2 (xrf1)  }
0x133: {  	v1 =	vperm.xlane @p2 v1, v0  }
0x134: {  	v0 =	vperm.xlane @p2 v2, v0;
	v2, v3, _ =	vpop @p2 (xrf1)  }
0x135: {  	vm0 =	vle.f32 @p2 v2, v1  }
0x136: {  	v1 =	vsel @p2 vm0, v2, v1;
	v0 =	vsel @p2 vm0, v3, v0  }
0x137: {  	(xrf1) =	vsort.ascd.msk.f32 @p2 $0xffff, v1, v0;
	_ =	sdelay $0xd  }
0x138: {  	v27, v29, _ =	vpop @p2 (xrf1)  }
0x139: {  	_ =	swait.ge [sflag:s19], $0x8000  }
0x13a: {  	v54 =	vld [tilespmem:$0x1FF50]  }
0x13b: {  	v49 =	vld [tilespmem:$0x1FF60]  }
0x13c: {  	v55 =	vld [tilespmem:$0x1FF70]  }
0x13d: {  	s0 =	sadd.s32 s7, s28;
	v24 =	vld [tilespmem:$0x1FF00]  }
0x13e: {  	s2 =	smov.u32 s5;
	p1 =	slt.u32 s0, $0x1E8;
	v57 =	vld [tilespmem:$0x1FF30]  }
0x13f: {  	s2 =	smov.u32 @p1 s0;
	v31 =	vld [tilespmem:$0x1FF10]  }
0x140: {  	s28 =	simm.s32 $0x0;
	s0 =	sshll.u32 s2, $0xB;
	v32 =	vld [tilespmem:$0x1FF20]  }
0x141: {  	s31 =	sand.u32 $0x40, s28;
	s2 =	sand.u32 $0x3C00, s28;
	s0 =	sand.u32 $0x1FFFF800, s0;
	v50 =	vld [tilespmem:$0x1FFD0]  }
0x142: {  	s21 =	sor.u32 $0xC000, s2;
	s20 =	sor.u32 $0xC080, s2;
	[sflag:s19] =	ssyncset.done $0x0;
	v51 =	vld [tilespmem:$0x1FFE0]  }
0x143: {  	s0 =	sadd.s32 s1, s0;
	s11 =	sor.u32 s31, s21;
	v53 =	vld [tilespmem:$0x1FFF0];
	[sflag:s19] =	ssyncadd.s32 $0xFFFF8000  }
0x144: {  	v43 =	vld [tilespmem:$0x1FF80];
	[tilespmem:s28], [sflag:$0x1] =	stream.strided.gather [hbm4b:s0+s15], $0x8000, s16, s15, $0x38  }
0x145: {  	s13 =	sor.u32 $0xC100, s2;
	s12 =	sor.u32 s31, s20;
	v0 =	vld [tilespmem:s11+$0x0]  }
0x146: {  	s3 =	sor.u32 $0xC180, s2;
	s14 =	sor.u32 s31, s13;
	v1 =	vld [tilespmem:s12+$0x0]  }
0x147: {  	s4 =	sor.u32 $0x8000, s2;
	s30 =	sor.u32 s31, s3;
	v3 =	vld [tilespmem:s14+$0x0]  }
0x148: {  	s6 =	sor.u32 s31, s4;
	v62 =	vld [tilespmem:s30+$0x0]  }
0x149: {  	v20 =	vld [tilespmem:s6+$0x0]  }
0x14a: {  	v22 =	vld [tilespmem:s6+$0x80]  }
0x14b: {  	s29 =	sor.u32 $0x20, s31;
	v7 =	vld [tilespmem:s6+$0x100]  }
0x14c: {  	s8 =	sor.u32 s29, s4;
	v23 =	vld [tilespmem:s6+$0x180]  }
0x14d: {  	v13 =	vld [tilespmem:s8+$0x0]  }
0x14e: {  	v14 =	vld [tilespmem:s8+$0x80]  }
0x14f: {  	s30 =	sor.u32 $0x30, s31;
	v15 =	vld [tilespmem:s8+$0x100]  }
0x150: {  	v17 =	vld [tilespmem:s8+$0x180];
	s6 =	sor.u32 s30, s4  }
0x151: {  	v9 =	vld [tilespmem:s6+$0x0]  }
0x152: {  	v10 =	vld [tilespmem:s6+$0x80]  }
0x153: {  	s9 =	simm.s32 $0x1;
	p1 =	por $0x0, $0x0;
	s0 =	sor.u32 $0x10, s31;
	v11 =	vld [tilespmem:s6+$0x100]  }
0x154: {  	s9 =	simm.s32 @!p1 $0x0;
	v12 =	vld [tilespmem:s6+$0x180];
	s6 =	sor.u32 s0, s4  }
0x155: {  	s9 =	sshll.u32 s9, $0x6;
	v40 =	vld [tilespmem:s6+$0x80]  }
0x156: {  	s4 =	sadd.s32 $0x0, s9;
	v19 =	vld [tilespmem:s6+$0x100]  }
0x157: {  	s10 =	sor.u32 $0x200, s4;
	v48 =	vld [tilespmem:s6+$0x180]  }
0x158: {  	s12 =	sor.u32 $0x300, s4;
	v18 =	vld [tilespmem:s10+$0x8000];
	v16 =	vsub.f32 v0, v63  }
0x159: {  	v41 =	vld [tilespmem:s12+$0x8000];
	v2 =	vsub.f32 v1, v54;
	v1 =	vsub.f32 v3, v49  }
0x15a: {  	s11 =	sor.u32 $0x280, s4;
	v0 =	vsub.f32 v62, v55;
	v3 =	vld [tilespmem:s6+$0x0];
	v25 =	vsub.f32 v20, v24  }
0x15b: {  	s14 =	sor.u32 $0x380, s4;
	s9 =	sadd.s32 $0x30, s4;
	v26 =	vsub.f32 v22, v57;
	v7 =	vsub.f32 v7, v31;
	v20 =	vld [tilespmem:s11+$0x8000]  }
0x15c: {  	s10 =	sor.u32 $0x200, s9;
	v8 =	vsub.f32 v23, v32;
	v13 =	vsub.f32 v13, v24;
	v22 =	vld [tilespmem:s14+$0x8000]  }
0x15d: {  	v14 =	vsub.f32 v14, v57;
	v15 =	vsub.f32 v15, v31;
	v23 =	vld [tilespmem:s10+$0x8000];
	s11 =	sor.u32 $0x280, s9;
	v16 =	vmul.f32 v16, v16  }
0x15e: {  	s12 =	sor.u32 $0x300, s9;
	v17 =	vsub.f32 v17, v32;
	s10 =	sadd.s32 $0x20, s4;
	v42 =	vld [tilespmem:s11+$0x8000];
	v4 =	vmul.f32 v25, v25;
	v5 =	vmul.f32 v26, v26  }
0x15f: {  	s14 =	sor.u32 $0x200, s10;
	v9 =	vsub.f32 v9, v24;
	v7 =	vmul.f32 v7, v7;
	v8 =	vmul.f32 v8, v8;
	v25 =	vld [tilespmem:s12+$0x8000]  }
0x160: {  	s4 =	sadd.s32 $0x10, s4;
	s11 =	sor.u32 $0x380, s9;
	v10 =	vsub.f32 v10, v57;
	v26 =	vld [tilespmem:s14+$0x8000];
	v13 =	vmul.f32 v13, v13;
	v14 =	vmul.f32 v14, v14  }
0x161: {  	s6 =	sor.u32 $0xC200, s2;
	s9 =	sor.u32 $0x200, s4;
	v11 =	vsub.f32 v11, v31;
	v44 =	vld [tilespmem:s11+$0x8000];
	v15 =	vmul.f32 v15, v15;
	v17 =	vmul.f32 v17, v17  }
0x162: {  	s8 =	sor.u32 s31, s6;
	v12 =	vsub.f32 v12, v32;
	v47 =	vld [tilespmem:s9+$0x8000];
	v2 =	vmul.f32 v2, v2;
	v1 =	vmul.f32 v1, v1  }
0x163: {  	s12 =	sor.u32 $0x280, s10;
	v60 =	vld [tilespmem:s8+$0x0];
	v0 =	vmul.f32 v0, v0;
	v6 =	vsub.f32 v40, v57;
	v19 =	vsub.f32 v19, v31  }
0x164: {  	v36 =	vmovc v21;
	s14 =	sor.u32 $0x300, s10;
	v45 =	vld [tilespmem:s12+$0x8000];
	v18 =	vsub.f32 v18, v50;
	v9 =	vmul.f32 v9, v9;
	v21 =	vsub.f32 v41, v53  }
0x165: {  	s11 =	sor.u32 $0x380, s10;
	v46 =	vld [tilespmem:s14+$0x8000];
	v10 =	vmul.f32 v10, v10;
	v11 =	vmul.f32 v11, v11;
	v3 =	vsub.f32 v3, v24  }
0x166: {  	s9 =	sor.u32 s30, s21;
	v52 =	vld [tilespmem:s11+$0x8000];
	v12 =	vmul.f32 v12, v12;
	v20 =	vsub.f32 v20, v51;
	v22 =	vsub.f32 v22, v43  }
0x167: {  	s10 =	sor.u32 s30, s20;
	v61 =	vld [tilespmem:s9+$0x0];
	v23 =	vsub.f32 v23, v50;
	v18 =	vmul.f32 v18, v18;
	v21 =	vmul.f32 v21, v21  }
0x168: {  	s8 =	sor.u32 s29, s20;
	v62 =	vld [tilespmem:s10+$0x0];
	v24 =	vsub.f32 v42, v51;
	v20 =	vmul.f32 v20, v20;
	v25 =	vsub.f32 v25, v53  }
0x169: {  	s12 =	sor.u32 $0x280, s4;
	v37 =	vld [tilespmem:s8+$0x0];
	v22 =	vmul.f32 v22, v22;
	v26 =	vsub.f32 v26, v50;
	v4 =	vadd.f32 v18, v4  }
0x16a: {  	s14 =	sor.u32 $0x300, s4;
	v56 =	vld [tilespmem:s12+$0x8000];
	v23 =	vmul.f32 v23, v23;
	v7 =	vadd.f32 v21, v7;
	v18 =	vsub.f32 v44, v43  }
0x16b: {  	s4 =	sor.u32 $0x380, s4;
	v58 =	vld [tilespmem:s14+$0x8000];
	v6 =	vmul.f32 v6, v6;
	v21 =	vsub.f32 v46, v53;
	v5 =	vadd.f32 v20, v5  }
0x16c: {  	s10 =	sor.u32 s0, s21;
	v59 =	vld [tilespmem:s4+$0x8000];
	v24 =	vmul.f32 v24, v24;
	v8 =	vadd.f32 v22, v8;
	v9 =	vadd.f32 v23, v9  }
0x16d: {  	s12 =	sor.u32 s29, s21;
	v39 =	vld [tilespmem:s10+$0x0];
	v19 =	vmul.f32 v19, v19;
	v20 =	vsub.f32 v45, v51;
	v22 =	vsub.f32 v47, v50  }
0x16e: {  	v33 =	vld [tilespmem:s12+$0x0];
	s12 =	sor.u32 s0, s20;
	v25 =	vmul.f32 v25, v25;
	v23 =	vsub.f32 v48, v32;
	v10 =	vadd.f32 v24, v10  }
0x16f: {  	s9 =	sor.u32 s29, s13;
	v41 =	vld [tilespmem:s12+$0x0];
	v26 =	vmul.f32 v26, v26;
	v24 =	vsub.f32 v52, v43;
	v4 =	vadd.f32 v16, v4  }
0x170: {  	s8 =	sor.u32 $0xC280, s2;
	s14 =	sor.u32 s30, s3;
	v38 =	vld [tilespmem:s9+$0x0];
	v3 =	vmul.f32 v3, v3;
	v1 =	vadd.f32 v1, v7;
	v16 =	vsub.f32 v37, v54  }
0x171: {  	s4 =	sor.u32 $0xC300, s2;
	s2 =	sor.u32 $0xC380, s2;
	v34 =	vld [tilespmem:s14+$0x0];
	s14 =	sor.u32 s31, s8;
	v18 =	vmul.f32 v18, v18;
	v11 =	vadd.f32 v25, v11;
	v13 =	vadd.f32 v26, v13  }
0x172: {  	s21 =	sor.u32 s31, s4;
	s31 =	sor.u32 s31, s2;
	v42 =	vld [tilespmem:s14+$0x0];
	v21 =	vmul.f32 v21, v21;
	v25 =	vsub.f32 v56, v51;
	v26 =	vsub.f32 v58, v53  }
0x173: {  	s11 =	sor.u32 s30, s13;
	v46 =	vld [tilespmem:s31+$0x0];
	v20 =	vmul.f32 v20, v20;
	v2 =	vadd.f32 v2, v5;
	v0 =	vadd.f32 v0, v8  }
0x174: {  	v32 =	vld [tilespmem:s11+$0x0];
	v22 =	vmul.f32 v22, v22;
	v5 =	vsub.f32 v39, v63;
	v8 =	vsub.f32 v41, v54  }
0x175: {  	v48 =	vld [tilespmem:$0x1FF90];
	v23 =	vmul.f32 v23, v23;
	v12 =	vadd.f32 v18, v12;
	v15 =	vadd.f32 v21, v15  }
0x176: {  	s11 =	sor.u32 s29, s3;
	v45 =	vld [tilespmem:s21+$0x0];
	v24 =	vmul.f32 v24, v24;
	v18 =	vsub.f32 v59, v43;
	v21 =	vsub.f32 v61, v63  }
0x177: {  	s9 =	sor.u32 s30, s6;
	v40 =	vld [tilespmem:s11+$0x0];
	v16 =	vmul.f32 v16, v16;
	v14 =	vadd.f32 v20, v14;
	v3 =	vadd.f32 v22, v3  }
0x178: {  	s3 =	sor.u32 s0, s3;
	v47 =	vld [tilespmem:s9+$0x0];
	v25 =	vmul.f32 v25, v25;
	v26 =	vmul.f32 v26, v26;
	v22 =	vsub.f32 v62, v54  }
0x179: {  	s10 =	sor.u32 s30, s8;
	v44 =	vld [tilespmem:s3+$0x0];
	v5 =	vmul.f32 v5, v5;
	v17 =	vadd.f32 v24, v17;
	v24 =	vsub.f32 v32, v49  }
0x17a: {  	s20 =	sor.u32 s0, s13;
	v52 =	vld [tilespmem:s10+$0x0];
	v8 =	vmul.f32 v8, v8;
	v20 =	vsub.f32 v60, v48;
	v6 =	vadd.f32 v25, v6  }
0x17b: {  	v43 =	vld [tilespmem:s20+$0x0];
	v18 =	vmul.f32 v18, v18;
	v19 =	vadd.f32 v26, v19;
	v25 =	vsub.f32 v33, v63  }
0x17c: {  	s12 =	sor.u32 s30, s2;
	s11 =	sor.u32 s30, s4;
	s30 =	sor.u32 s0, s8;
	v59 =	vld [tilespmem:$0x1FFA0];
	v21 =	vmul.f32 v21, v21;
	v26 =	vsub.f32 v34, v55;
	v7 =	vsub.f32 v40, v55  }
0x17d: {  	s21 =	sor.u32 s29, s2;
	v39 =	vld [tilespmem:s30+$0x0];
	v22 =	vmul.f32 v22, v22;
	v14 =	vadd.f32 v16, v14;
	v3 =	vadd.f32 v5, v3  }
0x17e: {  	v37 =	vld [tilespmem:s21+$0x0];
	v16 =	vsub.f32 v47, v48;
	v18 =	vadd.f32 v18, v23;
	v24 =	vmul.f32 v24, v24  }
0x17f: {  	s13 =	sor.u32 s29, s6;
	v56 =	vld [tilespmem:s11+$0x0];
	v9 =	vadd.f32 v21, v9;
	v23 =	vsub.f32 v38, v49;
	v20 =	vmul.f32 v20, v20  }
0x180: {  	v60 =	vld [tilespmem:s13+$0x0];
	v25 =	vmul.f32 v25, v25;
	v10 =	vadd.f32 v22, v10;
	v22 =	vsub.f32 v43, v49  }
0x181: {  	v33 =	vld [tilespmem:$0x1FFB0];
	v26 =	vmul.f32 v26, v26;
	v21 =	vsub.f32 v42, v59;
	v6 =	vadd.f32 v8, v6  }
0x182: {  	v34 =	vld [tilespmem:$0x1FFC0];
	v7 =	vmul.f32 v7, v7;
	v47 =	vsub.f32 v39, v59;
	v11 =	vadd.f32 v24, v11  }
0x183: {  	v58 =	vld [tilespmem:s12+$0x0];
	s20 =	sor.u32 s29, s4;
	v16 =	vmul.f32 v16, v16;
	v24 =	vsub.f32 v44, v55;
	v4 =	vadd.f32 v20, v4  }
0x184: {  	s6 =	sor.u32 s0, s6;
	s31 =	sor.u32 s0, s4;
	s0 =	sor.u32 s0, s2;
	v62 =	vld [tilespmem:s20+$0x0];
	v23 =	vmul.f32 v23, v23;
	v13 =	vadd.f32 v25, v13;
	v12 =	vadd.f32 v26, v12  }
0x185: {  	s14 =	sor.u32 s29, s8;
	v41 =	vld [tilespmem:s0+$0x0];
	v7 =	vadd.f32 v7, v17;
	v8 =	vsub.f32 v60, v48  }
0x186: {  	v61 =	vld [tilespmem:s14+$0x0];
	v9 =	vadd.f32 v16, v9;
	v15 =	vadd.f32 v23, v15  }
0x187: {  	v38 =	vld [tilespmem:s6+$0x0];
	v25 =	vsub.f32 v45, v33;
	v26 =	vsub.f32 v46, v34  }
0x188: {  	v40 =	vld [tilespmem:s31+$0x0];
	v22 =	vmul.f32 v22, v22;
	v23 =	vsub.f32 v52, v59;
	v5 =	vsub.f32 v56, v33  }
0x189: {  	v21 =	vmul.f32 v21, v21;
	v17 =	vsub.f32 v58, v34;
	v44 =	vsub.f32 v62, v33  }
0x18a: {  	v24 =	vmul.f32 v24, v24;
	v45 =	vsub.f32 v37, v34;
	v16 =	vsub.f32 v41, v34  }
0x18b: {  	v56 =	vmul.f32 v47, v47;
	v19 =	vadd.f32 v22, v19;
	v2 =	vadd.f32 v21, v2  }
0x18c: {  	v22 =	vsub.f32 v61, v59;
	v8 =	vmul.f32 v8, v8;
	v46 =	vsub.f32 v38, v48  }
0x18d: {  	v48 =	vsub.f32 v40, v33;
	v25 =	vmul.f32 v25, v25;
	v26 =	vmul.f32 v26, v26  }
0x18e: {  	v18 =	vadd.f32 v24, v18;
	v23 =	vmul.f32 v23, v23;
	v5 =	vmul.f32 v5, v5  }
0x18f: {  	v17 =	vmul.f32 v17, v17;
	v16 =	vmul.f32 v16, v16;
	v6 =	vadd.f32 v56, v6  }
0x190: {  	v43 =	vmul.f32 v22, v22;
	v8 =	vadd.f32 v8, v13;
	v2 =	vadd.f32 v2, v4  }
0x191: {  	v13 =	vmul.f32 v44, v44;
	v1 =	vadd.f32 v25, v1;
	v0 =	vadd.f32 v26, v0  }
0x192: {  	v52 =	vmul.f32 v46, v46;
	v10 =	vadd.f32 v23, v10;
	v5 =	vadd.f32 v5, v11  }
0x193: {  	v58 =	vmul.f32 v48, v48;
	v42 =	vadd.f32 v17, v12;
	v59 =	vadd.f32 v16, v18  }
0x194: {  	v12 =	vadd.f32 v43, v14;
	v14 =	vmul.f32 v45, v45;
	v13 =	vadd.f32 v13, v15  }
0x195: {  	v3 =	vadd.f32 v52, v3;
	v0 =	vadd.f32 v0, v1  }
0x196: {  	v7 =	vadd.f32 v14, v7;
	v14 =	vadd.f32 v58, v19  }
0x197: {  	v1 =	vadd.f32 v10, v9;
	v60 =	vadd.f32 v42, v5  }
0x198: {  	v3 =	vadd.f32 v6, v3;
	v61 =	vadd.f32 v59, v14  }
0x199: {  	v62 =	vadd.f32 v12, v8;
	v7 =	vadd.f32 v7, v13  }
0x19a: {  	v0 =	vadd.f32 v0, v2;
	v45 =	vadd.f32 v61, v3  }
0x19b: {  	v2 =	vimm.s32 @p2 $0x7;
	v38 =	vadd.f32 v7, v62  }
0x19c: {  	v2 =	vperm.xlane @p2 v27, v2;
	v59 =	vadd.f32 v60, v1;
	v1 =	vmin.f32 v0, v45  }
0x19d: {  	v1 =	vmin.f32 v1, v38  }
0x19e: {  	v34 =	vpsel p2, v2, v30;
	v1 =	vmin.f32 v1, v59  }
0x19f: {  	vm15 =	vlt.f32 v1, v34  }
0x1a0: {  	v1 =	vsel vm15, $0x3F800000, v28  }
0x1a1: {  	s29 =	simm.s32 $0x0;
	v32 =	vpsel p2, v29, v35;
	v33 =	vpsel p2, v27, v36;
	p2 =	sgt.u32 s26, $0x1E7;
	s26 =	simm.s32 $0x200;
	(xrf0) =	vmax.scan.msk.f32 $0xffff, v1  }
.LBB2_5:
0x1a2: {  	v37 =	vld [tilespmem:$0x1FF90]  }
0x1a3: {  	v39 =	vld [tilespmem:$0x1FFA0]  }
0x1a4: {  	v41 =	vld [tilespmem:$0x1FFB0]  }
0x1a5: {  	v42 =	vld [tilespmem:$0x1FFC0]  }
0x1a6: {  	s2 =	sand.u32 $0x3C00, s26;
	s28 =	sadd.s32 $0x40, s28;
	v35 =	vld [tilespmem:$0x1FF00]  }
0x1a7: {  	v36 =	vld [tilespmem:$0x1FF10];
	s0 =	sand.u32 $0x40, s28;
	s30 =	sor.u32 $0xC280, s2;
	v1, _, _ =	vpop (xrf0)  }
0x1a8: {  	v40 =	vld [tilespmem:$0x1FF20];
	s10 =	sor.u32 $0xC300, s2;
	s31 =	sor.u32 s0, s30;
	(v2sf) =	vpush v1, $0xF  }
0x1a9: {  	s20 =	sor.u32 $0xC080, s2;
	s4 =	sor.u32 s0, s10;
	v2 =	vld [tilespmem:s31+$0x0]  }
0x1aa: {  	s13 =	sor.u32 $0xC100, s2;
	s8 =	sor.u32 s0, s20;
	v3 =	vld [tilespmem:s4+$0x0]  }
0x1ab: {  	s21 =	sor.u32 $0xC000, s2;
	s9 =	sor.u32 s0, s13;
	v6 =	vld [tilespmem:s8+$0x0]  }
0x1ac: {  	s31 =	sor.u32 $0xC380, s2;
	s4 =	sor.u32 s0, s21;
	v7 =	vld [tilespmem:s9+$0x0]  }
0x1ad: {  	s8 =	sor.u32 $0xC180, s2;
	s6 =	sor.u32 s0, s31;
	v5 =	vld [tilespmem:s4+$0x0]  }
0x1ae: {  	s11 =	sor.u32 $0xC200, s2;
	s2 =	sor.u32 $0x8000, s2;
	s12 =	sor.u32 s0, s8;
	v4 =	vld [tilespmem:s6+$0x0]  }
0x1af: {  	s14 =	sor.u32 s0, s2;
	v8 =	vld [tilespmem:s12+$0x0]  }
0x1b0: {  	v9 =	vld [tilespmem:s14+$0x0]  }
0x1b1: {  	v10 =	vld [tilespmem:s14+$0x80]  }
0x1b2: {  	s9 =	sor.u32 $0x30, s0;
	v11 =	vld [tilespmem:s14+$0x100]  }
0x1b3: {  	s4 =	sor.u32 s9, s11;
	v12 =	vld [tilespmem:s14+$0x180]  }
0x1b4: {  	s3 =	sor.u32 s0, s11;
	v13 =	vld [tilespmem:s4+$0x0]  }
0x1b5: {  	s6 =	sor.u32 s9, s30;
	v1 =	vld [tilespmem:s3+$0x0]  }
0x1b6: {  	s12 =	sor.u32 s9, s10;
	v14 =	vld [tilespmem:s6+$0x0]  }
0x1b7: {  	s14 =	sor.u32 s9, s31;
	s6 =	sor.u32 $0x20, s0;
	v15 =	vld [tilespmem:s12+$0x0];
	s4 =	spop (v2sf)  }
0x1b8: {  	v16 =	vld [tilespmem:s14+$0x0];
	s12 =	sor.u32 s6, s11;
	p3 =	sgt.f32 @!p2 s4, $0.0e+00  }
0x1b9: {  	s3 =	sor.u32 $0x10, s0;
	s14 =	sor.u32 s6, s31;
	v17 =	vld [tilespmem:s12+$0x0]  }
0x1ba: {  	s11 =	sor.u32 s3, s11;
	v20 =	vld [tilespmem:s14+$0x0];
	p3 =	por !p3, p2  }
0x1bb: {  	s12 =	sor.u32 s6, s10;
	v22 =	vld [tilespmem:s11+$0x0];
	s0 =	sadd.s32 @!p3 s29, s25;
	v43 =	vlaneseq.u32 @!p3  }
0x1bc: {  	s11 =	sor.u32 s3, s10;
	v19 =	vld [tilespmem:s12+$0x0];
	v21 =	vor.u32 @!p3 s0, v43  }
0x1bd: {  	s14 =	sor.u32 s9, s21;
	v62 =	vld [tilespmem:s11+$0x0];
	(xrf1) =	vsort.ascd.msk.f32 @!p3 $0xffff, v0, v21  }
0x1be: {  	s10 =	sor.u32 s9, s8;
	v25 =	vld [tilespmem:s14+$0x0]  }
0x1bf: {  	s12 =	sor.u32 s3, s31;
	v29 =	vld [tilespmem:s10+$0x0]  }
0x1c0: {  	s31 =	sor.u32 s9, s13;
	v23 =	vld [tilespmem:s12+$0x0]  }
0x1c1: {  	s11 =	sor.u32 s6, s21;
	v28 =	vld [tilespmem:s31+$0x0]  }
0x1c2: {  	v2 =	vsub.f32 v2, v39;
	s14 =	sor.u32 s6, s13;
	v30 =	vld [tilespmem:s11+$0x0]  }
0x1c3: {  	v26 =	vsub.f32 v6, v54;
	s12 =	sor.u32 s6, s20;
	v13 =	vsub.f32 v13, v37;
	v46 =	vld [tilespmem:s14+$0x0]  }
0x1c4: {  	s11 =	sor.u32 s3, s13;
	s13 =	sor.u32 s9, s2;
	v1 =	vsub.f32 v1, v37;
	v31 =	vld [tilespmem:s12+$0x0];
	v6 =	vsub.f32 v17, v37  }
0x1c5: {  	v37 =	vsub.f32 v22, v37;
	v58 =	vsub.f32 v62, v41;
	v62 =	vld [tilespmem:s13+$0x0];
	s4 =	sor.u32 s6, s30  }
0x1c6: {  	v3 =	vsub.f32 v3, v41;
	v7 =	vsub.f32 v7, v49;
	v18 =	vld [tilespmem:s4+$0x0]  }
0x1c7: {  	v5 =	vsub.f32 v5, v63;
	v24 =	vsub.f32 v4, v42;
	[tilespmem:$0x1FE10] =	vst v37;
	v37 =	vld [tilespmem:s13+$0x80];
	s30 =	sor.u32 s3, s30  }
0x1c8: {  	v8 =	vsub.f32 v8, v55;
	s12 =	sor.u32 s3, s8;
	v56 =	vsub.f32 v19, v41;
	v0 =	vld [tilespmem:s30+$0x0]  }
0x1c9: {  	s10 =	sor.u32 s3, s20;
	v14 =	vsub.f32 v14, v39;
	v61 =	vld [tilespmem:s12+$0x0];
	v52 =	vsub.f32 v20, v42;
	v48 =	vmul.u32 @!p3 $0xFFFFFFFF, v43  }
0x1ca: {  	s31 =	sor.u32 s3, s21;
	v22 =	vsub.f32 v25, v63;
	v60 =	vsub.f32 v23, v42;
	[tilespmem:$0x1FDE0] =	vst v56;
	v56 =	vld [tilespmem:s10+$0x0]  }
0x1cb: {  	v17 =	vld [tilespmem:s31+$0x0];
	v25 =	vsub.f32 v62, v35;
	s3 =	sor.u32 s3, s2;
	v4 =	vsub.f32 v18, v39;
	v44 =	vadd.s32 @!p3 $0xF, v48;
	v18, v20, _ =	vpop @!p3 (xrf1)  }
0x1cc: {  	v62 =	vsub.f32 v37, v57;
	v37 =	vld [tilespmem:s3+$0x0];
	v23 =	vor.u32 @!p3 $0x10, v43;
	s30 =	sor.u32 s9, s20;
	v18 =	vperm.xlane @!p3 v18, v44  }
0x1cd: {  	v23 =	vor.u32 @!p3 s0, v23;
	v27 =	vld [tilespmem:s30+$0x0];
	v0 =	vsub.f32 v0, v39;
	v20 =	vperm.xlane @!p3 v20, v44  }
0x1ce: {  	v16 =	vsub.f32 v16, v42;
	v39 =	vld [tilespmem:s13+$0x180];
	(xrf1) =	vsort.ascd.msk.f32 @!p3 $0xffff, v45, v23;
	vm0 =	vle.f32 @!p3 v33, v18  }
0x1cf: {  	v42 =	vsub.f32 v56, v54;
	s30 =	sor.u32 s6, s8;
	[tilespmem:$0x1FE20] =	vst v0;
	v0 =	vld [tilespmem:s11+$0x0];
	v18 =	vsel @!p3 vm0, v33, v18;
	v20 =	vsel @!p3 vm0, v32, v20  }
0x1d0: {  	p1 =	por !p1, !p1;
	v9 =	vsub.f32 v9, v35;
	v10 =	vsub.f32 v10, v57;
	s6 =	sor.u32 s6, s2;
	s2 =	simm.s32 $0x1;
	v47 =	vld [tilespmem:s30+$0x0];
	(xrf1) =	vsort.ascd.msk.f32 @!p3 $0xffff, v18, v20  }
0x1d1: {  	v11 =	vsub.f32 v11, v36;
	v15 =	vsub.f32 v15, v41;
	[tilespmem:$0x1FD90] =	vst v42;
	v42 =	vld [tilespmem:s6+$0x180];
	s2 =	simm.s32 @!p1 $0x0  }
0x1d2: {  	v12 =	vsub.f32 v12, v40;
	v13 =	vmul.f32 v13, v13;
	v29 =	vsub.f32 v29, v55;
	v41 =	vld [tilespmem:s6+$0x0];
	s2 =	sshll.u32 s2, $0x6  }
0x1d3: {  	v15 =	vmul.f32 v15, v15;
	v30 =	vsub.f32 v30, v63;
	[tilespmem:$0x1FE30] =	vst v58;
	v17 =	vsub.f32 v17, v63;
	v58 =	vld [tilespmem:s6+$0x100];
	s2 =	sadd.s32 s2, s26  }
0x1d4: {  	v16 =	vmul.f32 v16, v16;
	s14 =	sor.u32 $0x200, s2;
	v63 =	vsub.f32 v39, v40;
	v39 =	vld [tilespmem:s3+$0x80];
	v0 =	vsub.f32 v0, v49  }
0x1d5: {  	v28 =	vsub.f32 v28, v49;
	v31 =	vsub.f32 v31, v54;
	[tilespmem:$0x1FE40] =	vst v60;
	v60 =	vmul.f32 v5, v5;
	s30 =	sor.u32 $0x380, s2;
	v56 =	vld [tilespmem:s14+$0x8000]  }
0x1d6: {  	v5 =	vmul.f32 v11, v11;
	v21 =	vsub.f32 v42, v40;
	v42 =	vld [tilespmem:s30+$0x8000];
	[tilespmem:$0x1FDA0] =	vst v0;
	v0 =	vsub.f32 v61, v55  }
0x1d7: {  	v25 =	vmul.f32 v25, v25;
	s31 =	sadd.s32 $0x30, s2;
	v27 =	vsub.f32 v27, v54;
	v54 =	vsub.f32 v37, v35;
	v23 =	vld [tilespmem:s13+$0x100]  }
0x1d8: {  	v48 =	vmul.f32 v24, v24;
	s9 =	sor.u32 $0x300, s31;
	[tilespmem:$0x1FDB0] =	vst v0;
	v0 =	vmul.f32 v1, v1;
	v20 =	vsub.f32 v46, v49;
	v46 =	vld [tilespmem:s6+$0x80]  }
0x1d9: {  	s20 =	sor.u32 $0x280, s2;
	v47 =	vsub.f32 v47, v55;
	v54 =	vmul.f32 v54, v54;
	v11 =	vsub.f32 v39, v57;
	v39 =	vld [tilespmem:s9+$0x8000]  }
0x1da: {  	v19 =	vsub.f32 v58, v36;
	v1 =	vmul.f32 v10, v10;
	v10 =	vld [tilespmem:s20+$0x8000];
	[tilespmem:$0x1FDC0] =	vst v0;
	v0 =	vmul.f32 v2, v2  }
0x1db: {  	v61 =	vmul.f32 v7, v7;
	v45 =	vmul.f32 v8, v8;
	v18 =	vsub.f32 v41, v35;
	v41 =	vld [tilespmem:s3+$0x100];
	s6 =	sor.u32 $0x200, s31  }
0x1dc: {  	v58 =	vor.u32 @!p3 $0x20, v43;
	v2 =	vmul.f32 v12, v12;
	[tilespmem:$0x1FDD0] =	vst v0;
	v0 =	vmul.f32 v3, v3;
	v49 =	vld [tilespmem:s6+$0x8000];
	v7, v8, _ =	vpop @!p3 (xrf1)  }
0x1dd: {  	[tilespmem:$0x1FD80] =	vst v17;
	s21 =	sor.u32 $0x300, s2;
	v17 =	vsub.f32 v46, v57;
	v46 =	vmul.f32 v26, v26;
	v26 =	vld [tilespmem:s3+$0x180];
	v7 =	vperm.xlane @!p3 v7, v44  }
0x1de: {  	s10 =	sadd.s32 $0x20, s2;
	s2 =	sadd.s32 $0x10, s2;
	s8 =	sor.u32 $0x280, s31;
	v12 =	vld [tilespmem:s21+$0x8000];
	v23 =	vsub.f32 v23, v36;
	[tilespmem:$0x1FDF0] =	vst v0;
	v0 =	vor.u32 @!p3 s0, v58;
	v8 =	vperm.xlane @!p3 v8, v44;
	v35, v37, _ =	vpop @!p3 (xrf1)  }
0x1df: {  	s11 =	sor.u32 $0x380, s31;
	s30 =	sor.u32 $0x280, s2;
	v3 =	vmul.f32 v9, v9;
	v57 =	vld [tilespmem:s8+$0x8000];
	(xrf1) =	vsort.ascd.msk.f32 @!p3 $0xffff, v38, v0;
	vm0 =	vle.f32 @!p3 v35, v7  }
0x1e0: {  	s21 =	sor.u32 $0x200, s2;
	s31 =	sor.u32 $0x300, s2;
	s2 =	sor.u32 $0x380, s2;
	v24 =	vsub.f32 v41, v36;
	v36 =	vld [tilespmem:$0x1FF80];
	v7 =	vsel @!p3 vm0, v35, v7;
	v8 =	vsel @!p3 vm0, v37, v8  }
0x1e1: {  	s13 =	sor.u32 $0x280, s10;
	v39 =	vsub.f32 v39, v53;
	v9 =	vsub.f32 v49, v50;
	v49 =	vld [tilespmem:s2+$0x8000];
	(xrf1) =	vsort.ascd.msk.f32 @!p3 $0xffff, v7, v8  }
0x1e2: {  	v58 =	vmul.f32 v6, v6;
	v6 =	vmul.f32 v22, v22;
	v22 =	vsub.f32 v26, v40;
	v26 =	vld [tilespmem:s13+$0x8000]  }
0x1e3: {  	v43 =	vor.u32 @!p3 $0x30, v43;
	v19 =	vmul.f32 v19, v19;
	v23 =	vmul.f32 v23, v23;
	v40 =	vld [tilespmem:s31+$0x8000]  }
0x1e4: {  	v10 =	vsub.f32 v10, v51;
	v39 =	vmul.f32 v39, v39;
	v38 =	vmul.f32 v4, v4;
	v0 =	vld [tilespmem:s11+$0x8000]  }
0x1e5: {  	s12 =	sor.u32 $0x200, s10;
	v4 =	vmul.f32 v27, v27;
	v27 =	vsub.f32 v56, v50;
	v56 =	vmul.f32 v62, v62;
	v62 =	vld [tilespmem:s30+$0x8000]  }
0x1e6: {  	v43 =	vor.u32 @!p3 s0, v43;
	v21 =	vmul.f32 v21, v21;
	v10 =	vmul.f32 v10, v10;
	v35 =	vld [tilespmem:s12+$0x8000]  }
0x1e7: {  	s14 =	sor.u32 $0x300, s10;
	v63 =	vmul.f32 v63, v63;
	v12 =	vsub.f32 v12, v53;
	v23 =	vadd.f32 v39, v23;
	v37 =	vld [tilespmem:s21+$0x8000]  }
0x1e8: {  	s20 =	sor.u32 $0x380, s10;
	v1 =	vadd.f32 v10, v1;
	v8 =	vmul.f32 v28, v28;
	v7 =	vmul.f32 v29, v29;
	v28 =	vld [tilespmem:s14+$0x8000]  }
0x1e9: {  	v55 =	vsub.f32 v42, v36;
	v29 =	vmul.f32 v30, v30;
	v30 =	vmul.f32 v31, v31;
	v31 =	vld [tilespmem:s20+$0x8000]  }
0x1ea: {  	v11 =	vmul.f32 v11, v11;
	v57 =	vsub.f32 v57, v51;
	v41 =	vsub.f32 v49, v36  }
0x1eb: {  	v12 =	vmul.f32 v12, v12;
	v26 =	vsub.f32 v26, v51;
	v40 =	vsub.f32 v40, v53  }
0x1ec: {  	v17 =	vmul.f32 v17, v17;
	v0 =	vsub.f32 v0, v36;
	v62 =	vsub.f32 v62, v51  }
0x1ed: {  	[tilespmem:$0x1FE00] =	vst v52;
	v9 =	vmul.f32 v9, v9;
	v35 =	vsub.f32 v35, v50;
	v37 =	vsub.f32 v37, v50;
	v42, v49, _ =	vpop @!p3 (xrf1)  }
0x1ee: {  	v52 =	vmovc v50;
	v28 =	vsub.f32 v28, v53;
	v31 =	vsub.f32 v31, v36;
	v42 =	vperm.xlane @!p3 v42, v44  }
0x1ef: {  	v36 =	vmov v53;
	v53 =	vmov v51;
	v49 =	vperm.xlane @!p3 v49, v44;
	v50, v51, _ =	vpop @!p3 (xrf1)  }
0x1f0: {  	v55 =	vmul.f32 v55, v55;
	(xrf1) =	vsort.ascd.msk.f32 @!p3 $0xffff, v59, v43;
	vm0 =	vle.f32 @!p3 v50, v42  }
0x1f1: {  	v9 =	vadd.f32 v9, v25;
	v42 =	vsel @!p3 vm0, v50, v42;
	v49 =	vsel @!p3 vm0, v51, v49  }
0x1f2: {  	v5 =	vadd.f32 v12, v5;
	v2 =	vadd.f32 v55, v2;
	(xrf1) =	vsort.ascd.msk.f32 @!p3 $0xffff, v42, v49  }
0x1f3: {  	v1 =	vadd.f32 v46, v1;
	v6 =	vadd.f32 v6, v9;
	v27 =	vmul.f32 v27, v27  }
0x1f4: {  	v5 =	vadd.f32 v61, v5;
	v2 =	vadd.f32 v45, v2;
	v26 =	vmul.f32 v26, v26  }
0x1f5: {  	v18 =	vmul.f32 v18, v18;
	v6 =	vadd.f32 v13, v6;
	v3 =	vadd.f32 v27, v3  }
0x1f6: {  	v2 =	vadd.f32 v48, v2;
	v17 =	vadd.f32 v26, v17;
	v0 =	vmul.f32 v0, v0  }
0x1f7: {  	v61 =	vld [tilespmem:$0x1FD90];
	v8 =	vadd.f32 v8, v23;
	v27 =	vmul.f32 v35, v35;
	v43 =	vmul.f32 v57, v57  }
0x1f8: {  	v20 =	vmul.f32 v20, v20;
	v3 =	vadd.f32 v60, v3;
	v0 =	vadd.f32 v0, v63  }
0x1f9: {  	v35 =	vmul.f32 v28, v28;
	v18 =	vadd.f32 v27, v18;
	v28 =	vadd.f32 v43, v56  }
0x1fa: {  	v24 =	vmul.f32 v24, v24;
	v17 =	vadd.f32 v30, v17;
	v0 =	vadd.f32 v7, v0  }
0x1fb: {  	v22 =	vmul.f32 v22, v22;
	v10 =	vadd.f32 v35, v19;
	v18 =	vadd.f32 v29, v18  }
0x1fc: {  	v39 =	vld [tilespmem:$0x1FE30];
	v26 =	vmul.f32 v61, v61;
	v8 =	vadd.f32 v15, v8;
	v0 =	vadd.f32 v16, v0  }
0x1fd: {  	v60 =	vld [tilespmem:$0x1FD80];
	v27 =	vmul.f32 v40, v40;
	v10 =	vadd.f32 v20, v10;
	v40 =	vadd.f32 v58, v18  }
0x1fe: {  	v35 =	vld [tilespmem:$0x1FE00];
	v59 =	vmul.f32 v47, v47;
	v51 =	vmov v53;
	v4 =	vadd.f32 v4, v28;
	v23, v28, _ =	vpop @!p3 (xrf1)  }
0x1ff: {  	v53 =	vmovc v36;
	v36 =	vmul.f32 v31, v31;
	v56 =	vadd.f32 v27, v24;
	v27 =	vld [tilespmem:$0x1FDA0];
	v7 =	vperm.xlane @!p3 v23, v44  }
0x200: {  	v47 =	vadd.f32 v0, v8;
	v31 =	vmul.f32 v62, v62;
	v62 =	vld [tilespmem:$0x1FDB0];
	v20 =	vperm.xlane @!p3 v28, v44;
	v23, v28, _ =	vpop @!p3 (xrf1)  }
0x201: {  	v50 =	vmovc v52;
	v52 =	vmul.f32 v41, v41;
	v24 =	vld [tilespmem:$0x1FDD0];
	v42 =	vmul.f32 v37, v37;
	vm0 =	vle.f32 @!p3 v23, v7  }
0x202: {  	v37 =	vld [tilespmem:$0x1FE20];
	v11 =	vadd.f32 v31, v11;
	v7 =	vsel @!p3 vm0, v23, v7;
	v20 =	vsel @!p3 vm0, v28, v20  }
0x203: {  	v41 =	vadd.f32 v38, v17;
	v43 =	vadd.f32 v42, v54;
	v42 =	vld [tilespmem:$0x1FE40];
	(xrf1) =	vsort.ascd.msk.f32 @!p3 $0xffff, v7, v20  }
0x204: {  	v25 =	vmul.f32 v60, v60;
	v12 =	vadd.f32 v36, v21;
	v11 =	vadd.f32 v26, v11;
	v26 =	vld [tilespmem:$0x1FDF0]  }
0x205: {  	v14 =	vmul.f32 v14, v14;
	v22 =	vadd.f32 v52, v22;
	v36 =	vld [tilespmem:$0x1FE10];
	v48 =	vadd.f32 v41, v40  }
0x206: {  	v12 =	vadd.f32 v59, v12;
	v27 =	vmul.f32 v27, v27;
	v19 =	vadd.f32 v25, v43;
	v25 =	vld [tilespmem:$0x1FDE0]  }
0x207: {  	v4 =	vadd.f32 v14, v4;
	v14 =	vmul.f32 v39, v39;
	v9 =	vmul.f32 v62, v62;
	v23 =	vld [tilespmem:$0x1FDC0]  }
0x208: {  	v1 =	vadd.f32 v24, v1;
	v13 =	vmul.f32 v37, v37;
	v21 =	vadd.f32 v27, v56  }
0x209: {  	v9 =	vadd.f32 v9, v22;
	v17 =	vmul.f32 v42, v42;
	v5 =	vadd.f32 v26, v5  }
0x20a: {  	v11 =	vadd.f32 v13, v11;
	v45 =	vadd.f32 v14, v21  }
0x20b: {  	v22 =	vmul.f32 v36, v36;
	v9 =	vadd.f32 v17, v9;
	v2 =	vadd.f32 v2, v5  }
0x20c: {  	v7 =	vmul.f32 v25, v25;
	v20 =	vmul.f32 v35, v35;
	v3 =	vadd.f32 v23, v3  }
0x20d: {  	v61 =	vadd.f32 v9, v45;
	v44 =	vadd.f32 v22, v19  }
0x20e: {  	v7 =	vadd.f32 v7, v10;
	v43 =	vadd.f32 v20, v12  }
0x20f: {  	v60 =	vadd.f32 v11, v44;
	v1 =	vadd.f32 v1, v3  }
0x210: {  	v46 =	vadd.f32 v4, v6;
	v52 =	vadd.f32 v43, v7  }
0x211: {  	v45 =	vadd.f32 v61, v60;
	v0 =	vadd.f32 v2, v1;
	v1 =	vimm.s32 @!p3 $0x7;
	v2, v3, _ =	vpop @!p3 (xrf1)  }
0x212: {  	s26 =	sadd.s32 $0x200, s26;
	v38 =	vadd.f32 v52, v48;
	v1 =	vperm.xlane @!p3 v2, v1  }
0x213: {  	p4 =	sne.s32 s26, $0x4000;
	v59 =	vadd.f32 v47, v46;
	v62 =	vmin.f32 v0, v45;
	v2 =	vpsel p3, v33, v2  }
.Ltmp3:
0x214: {  	v55 =	vld [tilespmem:$0x1FF70];
	v33 =	vpsel p2, v33, v2;
	v2 =	vmin.f32 v62, v38;
	v1 =	vpsel p3, v34, v1;
	(pc) =	sbr.rel @p4 .LBB2_5-.Ltmp3, $4  }
0x215: {  	v63 =	vld [tilespmem:$0x1FF40];
	v2 =	vmin.f32 v2, v59;
	v34 =	vpsel p2, v34, v1  }
0x216: {  	v57 =	vld [tilespmem:$0x1FF30];
	v28 =	vimm.f32 $0.0e+00;
	vm15 =	vlt.f32 v2, v34  }
0x217: {  	v49 =	vld [tilespmem:$0x1FF60];
	v3 =	vpsel p3, v32, v3;
	v1 =	vsel vm15, $0x3F800000, v28  }
0x218: {  	s29 =	smov.u32 s28;
	v54 =	vld [tilespmem:$0x1FF50];
	v32 =	vpsel p2, v32, v3;
	(xrf0) =	vmax.scan.msk.f32 $0xffff, v1  }
0x219: {  	_ =	sdelay $0x4  }
0x21a: {  	v1, _, _ =	vpop (xrf0)  }
0x21b: {  	(v2sf) =	vpush v1, $0xF;
	_ =	sdelay $0xe  }
0x21c: {  	s0 =	spop (v2sf)  }
0x21d: {  	p1 =	sgt.f32 @!p2 s0, $0.0e+00;
	_ =	sdelay $0x1  }
0x21e: {  	p1 =	por !p1, p2  }
0x21f: {  	s0 =	sadd.s32 @!p1 s29, s25;
	v1 =	vlaneseq.u32 @!p1  }
0x220: {  	v2 =	vor.u32 @!p1 s0, v1  }
0x221: {  	(xrf1) =	vsort.ascd.msk.f32 @!p1 $0xffff, v0, v2;
	_ =	sdelay $0xb  }
0x222: {  	v0 =	vmul.u32 @!p1 $0xFFFFFFFF, v1;
	_ =	sdelay $0x1  }
0x223: {  	v0 =	vadd.s32 @!p1 $0xF, v0;
	v2, v3, _ =	vpop @!p1 (xrf1)  }
0x224: {  	v4 =	vor.u32 @!p1 $0x10, v1;
	v2 =	vperm.xlane @!p1 v2, v0  }
0x225: {  	v4 =	vor.u32 @!p1 s0, v4;
	v3 =	vperm.xlane @!p1 v3, v0  }
0x226: {  	(xrf1) =	vsort.ascd.msk.f32 @!p1 $0xffff, v45, v4;
	vm0 =	vle.f32 @!p1 v33, v2  }
0x227: {  	v2 =	vsel @!p1 vm0, v33, v2;
	v3 =	vsel @!p1 vm0, v32, v3  }
0x228: {  	(xrf1) =	vsort.ascd.msk.f32 @!p1 $0xffff, v2, v3;
	_ =	sdelay $0xb  }
0x229: {  	v2, v3, _ =	vpop @!p1 (xrf1)  }
0x22a: {  	v4 =	vor.u32 @!p1 $0x20, v1;
	v2 =	vperm.xlane @!p1 v2, v0  }
0x22b: {  	v4 =	vor.u32 @!p1 s0, v4;
	v3 =	vperm.xlane @!p1 v3, v0;
	v5, v6, _ =	vpop @!p1 (xrf1)  }
0x22c: {  	(xrf1) =	vsort.ascd.msk.f32 @!p1 $0xffff, v38, v4;
	vm0 =	vle.f32 @!p1 v5, v2  }
0x22d: {  	v2 =	vsel @!p1 vm0, v5, v2;
	v3 =	vsel @!p1 vm0, v6, v3  }
0x22e: {  	(xrf1) =	vsort.ascd.msk.f32 @!p1 $0xffff, v2, v3;
	_ =	sdelay $0xb  }
0x22f: {  	v2, v3, _ =	vpop @!p1 (xrf1)  }
0x230: {  	v1 =	vor.u32 @!p1 $0x30, v1;
	v2 =	vperm.xlane @!p1 v2, v0  }
0x231: {  	v1 =	vor.u32 @!p1 s0, v1;
	v3 =	vperm.xlane @!p1 v3, v0;
	v4, v5, _ =	vpop @!p1 (xrf1)  }
0x232: {  	(xrf1) =	vsort.ascd.msk.f32 @!p1 $0xffff, v59, v1;
	vm0 =	vle.f32 @!p1 v4, v2  }
0x233: {  	v1 =	vsel @!p1 vm0, v4, v2;
	v2 =	vsel @!p1 vm0, v5, v3  }
0x234: {  	(xrf1) =	vsort.ascd.msk.f32 @!p1 $0xffff, v1, v2;
	_ =	sdelay $0xb  }
0x235: {  	v1, v2, _ =	vpop @!p1 (xrf1)  }
0x236: {  	v1 =	vperm.xlane @!p1 v1, v0  }
0x237: {  	v0 =	vperm.xlane @!p1 v2, v0;
	v2, v3, _ =	vpop @!p1 (xrf1)  }
0x238: {  	vm0 =	vle.f32 @!p1 v2, v1  }
0x239: {  	v1 =	vsel @!p1 vm0, v2, v1;
	v0 =	vsel @!p1 vm0, v3, v0  }
0x23a: {  	(xrf1) =	vsort.ascd.msk.f32 @!p1 $0xffff, v1, v0;
	_ =	sdelay $0xd  }
0x23b: {  	v0 =	vimm.s32 @!p1 $0x7;
	v1, v2, _ =	vpop @!p1 (xrf1)  }
0x23c: {  	v0 =	vperm.xlane @!p1 v1, v0  }
0x23d: {  	s24 =	sadd.s32 $0x1, s24  }
0x23e: {  	v1 =	vpsel p1, v33, v1;
	v2 =	vpsel p1, v32, v2;
	v0 =	vpsel p1, v34, v0;
	p1 =	sne.s32 s24, $0x8  }
.Ltmp4:
0x23f: {  	v25 =	vld [tilespmem:$0x1FF80];
	(pc) =	sbr.rel @p1 .LBB2_2-.Ltmp4, $4  }
0x240: {  	v17 =	vld [tilespmem:$0x1FF90]  }
0x241: {  	v18 =	vld [tilespmem:$0x1FFA0]  }
0x242: {  	v19 =	vld [tilespmem:$0x1FFB0]  }
0x243: {  	s23 =	sadd.s32 $0x20000, s23;
	v20 =	vld [tilespmem:$0x1FFC0];
	v48 =	vpsel p2, v33, v1;
	v35 =	vpsel p2, v32, v2;
	v30 =	vpsel p2, v34, v0  }
.Ltmp5:
0x244: {  	(pc) =	sbr.rel @p0 .LBB2_8-.Ltmp5, $4  }
0x245: {  	_ = 	snop  }
0x246: {  	_ =	swait.ge [sflag:s17], $0x8000  }
0x247: {  	[sflag:s17] =	ssyncset.done $0x0  }
0x248: {  	[sflag:s17] =	ssyncadd.s32 $0xFFFF8000  }
0x249: {  	s23 =	simm.s32 $0x0;
	s0 =	rddreg [dreg:$0x5]  }
0x24a: {  	[tilespmem:s23], [sflag:$0x3] =	stream.linear.gather [hbm4b:s0+s23], $0x1000, $0x38;
	[tilespmem:$0x10180] =	vst v63  }
0x24b: {  	s11 =	simm.s32 $0x3;
	s0 =	sadd.s32 $0xF4280, s0  }
0x24c: {  	[tilespmem:s15], [sflag:$0x3] =	stream.linear.gather [hbm4b:s0+s23], $0x1000, $0x38;
	[tilespmem:$0x10180] =	vst v63  }
0x24d: {  	_ =	swait.ge [sflag:s11], $0x2000  }
0x24e: {  	s3 =	sand.u32 $0xC00, s23;
	v37 =	vld [tilespmem:$0x1FF00]  }
0x24f: {  	s2 =	sand.u32 $0x40, s23;
	s24 =	sor.u32 $0x4380, s3;
	[sflag:s11] =	ssyncset.done $0x0;
	v38 =	vld [tilespmem:$0x1FF10]  }
0x250: {  	s20 =	sor.u32 $0x4000, s3;
	s31 =	sor.u32 s2, s24;
	v52 =	vld [tilespmem:$0x1FF20];
	[sflag:s11] =	ssyncadd.s32 $0xFFFFE000  }
0x251: {  	s13 =	sor.u32 $0x4080, s3;
	s4 =	sor.u32 s2, s20;
	v0 =	vld [tilespmem:s31+$0x0]  }
0x252: {  	s28 =	sor.u32 $0x4180, s3;
	s6 =	sor.u32 s2, s13;
	v1 =	vld [tilespmem:s4+$0x0]  }
0x253: {  	s8 =	sor.u32 s2, s28;
	v2 =	vld [tilespmem:s6+$0x0]  }
0x254: {  	s9 =	sor.u32 s2, s3;
	v3 =	vld [tilespmem:s8+$0x0]  }
0x255: {  	v4 =	vld [tilespmem:s9+$0x0]  }
0x256: {  	v5 =	vld [tilespmem:s9+$0x80]  }
0x257: {  	s10 =	sor.u32 s23, s23;
	v6 =	vld [tilespmem:s9+$0x100]  }
0x258: {  	s26 =	sor.u32 $0x30, s2;
	s0 =	sor.u32 $0x380, s10;
	v7 =	vld [tilespmem:s9+$0x180]  }
0x259: {  	s12 =	sor.u32 s26, s3;
	v8 =	vld [tilespmem:s0+$0x0]  }
0x25a: {  	v9 =	vld [tilespmem:s12+$0x0]  }
0x25b: {  	v10 =	vld [tilespmem:s12+$0x80]  }
0x25c: {  	s25 =	sor.u32 $0x20, s2;
	v11 =	vld [tilespmem:s12+$0x100]  }
0x25d: {  	s14 =	sor.u32 s25, s3;
	v12 =	vld [tilespmem:s12+$0x180]  }
0x25e: {  	v13 =	vld [tilespmem:s14+$0x0]  }
0x25f: {  	s0 =	sor.u32 $0x10, s2;
	v41 =	vld [tilespmem:s14+$0x100]  }
0x260: {  	v27 =	vmov v35;
	v14 =	vld [tilespmem:s14+$0x180];
	s8 =	sor.u32 s0, s3;
	v36 =	vsub.f32 v1, v63;
	v35 =	vsub.f32 v0, v20  }
0x261: {  	p1 =	por $0x0, $0x0;
	s6 =	simm.s32 $0x1;
	v15 =	vld [tilespmem:s8+$0x0];
	v0 =	vsub.f32 v2, v54;
	v2 =	vsub.f32 v4, v37  }
0x262: {  	s6 =	simm.s32 @!p1 $0x0;
	v16 =	vld [tilespmem:s8+$0x80];
	v3 =	vsub.f32 v3, v55;
	v5 =	vsub.f32 v5, v57  }
0x263: {  	s21 =	sshll.u32 s6, $0x6;
	v43 =	vld [tilespmem:s8+$0x100];
	v6 =	vsub.f32 v6, v38;
	v7 =	vsub.f32 v7, v52  }
0x264: {  	v46 =	vld [tilespmem:s8+$0x180];
	s4 =	sadd.s32 $0x0, s21;
	v8 =	vsub.f32 v8, v25;
	v9 =	vsub.f32 v9, v37  }
0x265: {  	s29 =	sor.u32 $0x200, s4;
	v1 =	vld [tilespmem:s14+$0x80];
	v10 =	vsub.f32 v10, v57;
	v11 =	vsub.f32 v11, v38  }
0x266: {  	s30 =	sor.u32 $0x280, s4;
	v42 =	vld [tilespmem:s29+$0x0];
	v12 =	vsub.f32 v12, v52;
	v2 =	vmul.f32 v2, v2;
	v3 =	vmul.f32 v3, v3  }
0x267: {  	s31 =	sor.u32 $0x300, s4;
	s9 =	sadd.s32 $0x30, s4;
	v13 =	vsub.f32 v13, v37;
	v44 =	vld [tilespmem:s30+$0x0];
	v5 =	vmul.f32 v5, v5;
	v6 =	vmul.f32 v6, v6  }
0x268: {  	v4 =	vsub.f32 v41, v38;
	v45 =	vld [tilespmem:s31+$0x0];
	s10 =	sor.u32 $0x200, s9;
	v7 =	vmul.f32 v7, v7;
	v8 =	vmul.f32 v8, v8  }
0x269: {  	v14 =	vsub.f32 v14, v52;
	s12 =	sor.u32 $0x280, s9;
	v21 =	vld [tilespmem:s10+$0x0];
	v9 =	vmul.f32 v9, v9;
	v10 =	vmul.f32 v10, v10  }
0x26a: {  	s14 =	sor.u32 $0x300, s9;
	v22 =	vld [tilespmem:s12+$0x0];
	v15 =	vsub.f32 v15, v37;
	v11 =	vmul.f32 v11, v11;
	v13 =	vmul.f32 v13, v13  }
0x26b: {  	s21 =	sor.u32 $0x380, s9;
	s29 =	sadd.s32 $0x20, s4;
	v23 =	vld [tilespmem:s14+$0x0];
	v16 =	vsub.f32 v16, v57;
	v12 =	vmul.f32 v12, v12;
	v4 =	vmul.f32 v4, v4  }
0x26c: {  	v31 =	vmovc v18;
	v24 =	vld [tilespmem:s21+$0x0];
	s30 =	sor.u32 $0x200, s29;
	v18 =	vsub.f32 v43, v38;
	v14 =	vmul.f32 v14, v14;
	v26 =	vmul.f32 v35, v35  }
0x26d: {  	v29 =	vmovc v17;
	s31 =	sor.u32 $0x280, s29;
	v47 =	vld [tilespmem:s30+$0x0];
	v0 =	vmul.f32 v0, v0;
	v7 =	vadd.f32 v8, v7;
	v8 =	vsub.f32 v46, v52  }
0x26e: {  	v32 =	vmovc v19;
	s9 =	sor.u32 $0x300, s29;
	v56 =	vld [tilespmem:s31+$0x0];
	v15 =	vmul.f32 v15, v15;
	v1 =	vsub.f32 v1, v57;
	v17 =	vsub.f32 v42, v50  }
0x26f: {  	v33 =	vmovc v20;
	s4 =	sadd.s32 $0x10, s4;
	s6 =	sor.u32 $0x380, s29;
	v58 =	vld [tilespmem:s9+$0x0];
	v16 =	vmul.f32 v16, v16;
	v19 =	vsub.f32 v44, v51;
	v20 =	vsub.f32 v45, v53  }
0x270: {  	s10 =	sor.u32 $0x200, s4;
	v59 =	vld [tilespmem:s6+$0x0];
	v18 =	vmul.f32 v18, v18;
	v21 =	vsub.f32 v21, v50;
	v22 =	vsub.f32 v22, v51  }
0x271: {  	s12 =	sor.u32 $0x280, s4;
	v60 =	vld [tilespmem:s10+$0x0];
	v3 =	vadd.f32 v3, v7;
	v23 =	vsub.f32 v23, v53;
	v17 =	vmul.f32 v17, v17  }
0x272: {  	s14 =	sor.u32 $0x300, s4;
	v61 =	vld [tilespmem:s12+$0x0];
	v24 =	vsub.f32 v24, v25;
	v19 =	vmul.f32 v19, v19;
	v20 =	vmul.f32 v20, v20  }
0x273: {  	s4 =	sor.u32 $0x380, s4;
	v62 =	vld [tilespmem:s14+$0x0];
	v7 =	vsub.f32 v56, v51;
	v21 =	vmul.f32 v21, v21;
	v3 =	vadd.f32 v26, v3  }
0x274: {  	v34 =	vld [tilespmem:s4+$0x0];
	s4 =	sor.u32 $0x4100, s3;
	s30 =	sor.u32 s26, s20;
	v22 =	vmul.f32 v22, v22;
	v2 =	vadd.f32 v17, v2;
	v5 =	vadd.f32 v19, v5  }
0x275: {  	s6 =	sor.u32 $0x4200, s3;
	s21 =	sor.u32 s2, s4;
	v41 =	vld [tilespmem:s30+$0x0];
	v23 =	vmul.f32 v23, v23;
	v6 =	vadd.f32 v20, v6;
	v17 =	vsub.f32 v47, v50  }
0x276: {  	s29 =	sor.u32 s2, s6;
	v39 =	vld [tilespmem:s21+$0x0];
	v24 =	vmul.f32 v24, v24;
	v19 =	vsub.f32 v58, v53;
	v20 =	vsub.f32 v59, v25  }
0x277: {  	s9 =	sor.u32 s26, s4;
	v40 =	vld [tilespmem:s29+$0x0];
	v45 =	vmul.f32 v36, v36;
	v9 =	vadd.f32 v21, v9;
	v10 =	vadd.f32 v22, v10  }
0x278: {  	s12 =	sor.u32 s25, s20;
	v43 =	vld [tilespmem:s9+$0x0];
	v1 =	vmul.f32 v1, v1;
	v11 =	vadd.f32 v23, v11;
	v12 =	vadd.f32 v24, v12  }
0x279: {  	s31 =	sor.u32 s26, s13;
	v46 =	vld [tilespmem:s12+$0x0];
	v7 =	vmul.f32 v7, v7;
	v21 =	vsub.f32 v60, v50;
	v22 =	vsub.f32 v61, v51  }
0x27a: {  	s8 =	sor.u32 $0x4280, s3;
	s10 =	sor.u32 s26, s28;
	s3 =	sor.u32 $0x4300, s3;
	v42 =	vld [tilespmem:s31+$0x0];
	v8 =	vmul.f32 v8, v8;
	v23 =	vsub.f32 v62, v53;
	v24 =	vsub.f32 v34, v25  }
0x27b: {  	s14 =	sor.u32 s25, s13;
	v44 =	vld [tilespmem:s10+$0x0];
	s31 =	sor.u32 s0, s13;
	s13 =	sor.u32 s26, s3;
	v17 =	vmul.f32 v17, v17;
	v19 =	vmul.f32 v19, v19;
	v1 =	vadd.f32 v7, v1  }
0x27c: {  	s30 =	sor.u32 s2, s8;
	v36 =	vld [tilespmem:s13+$0x0];
	v20 =	vmul.f32 v20, v20;
	v2 =	vadd.f32 v45, v2;
	v0 =	vadd.f32 v0, v5  }
0x27d: {  	v56 =	vld [tilespmem:s30+$0x0];
	v7 =	vsub.f32 v40, v29;
	v21 =	vmul.f32 v21, v21;
	v13 =	vadd.f32 v17, v13  }
0x27e: {  	s21 =	sor.u32 s25, s4;
	v47 =	vld [tilespmem:s14+$0x0];
	v22 =	vmul.f32 v22, v22;
	v4 =	vadd.f32 v19, v4;
	v14 =	vadd.f32 v20, v14  }
0x27f: {  	s29 =	sor.u32 s25, s28;
	v50 =	vld [tilespmem:s21+$0x0];
	v23 =	vmul.f32 v23, v23;
	v17 =	vsub.f32 v39, v49;
	v19 =	vsub.f32 v41, v63  }
0x280: {  	s10 =	sor.u32 s0, s20;
	v51 =	vld [tilespmem:s29+$0x0];
	v24 =	vmul.f32 v24, v24;
	v20 =	vsub.f32 v42, v54;
	v15 =	vadd.f32 v21, v15  }
0x281: {  	v53 =	vld [tilespmem:s10+$0x0];
	v16 =	vadd.f32 v22, v16;
	v18 =	vadd.f32 v23, v18  }
0x282: {  	s4 =	sor.u32 s0, s4;
	v58 =	vld [tilespmem:s31+$0x0];
	v8 =	vadd.f32 v24, v8;
	v21 =	vsub.f32 v43, v49  }
0x283: {  	s2 =	sor.u32 s2, s3;
	v59 =	vld [tilespmem:s4+$0x0];
	v7 =	vmul.f32 v7, v7;
	v22 =	vsub.f32 v44, v55;
	v23 =	vsub.f32 v46, v63  }
0x284: {  	s9 =	sor.u32 s0, s28;
	v60 =	vld [tilespmem:s2+$0x0];
	v24 =	vsub.f32 v47, v54;
	v17 =	vmul.f32 v17, v17;
	v19 =	vmul.f32 v19, v19  }
0x285: {  	s12 =	sor.u32 s26, s8;
	v61 =	vld [tilespmem:s9+$0x0];
	v20 =	vmul.f32 v20, v20;
	v25 =	vsub.f32 v50, v49;
	v26 =	vsub.f32 v51, v55  }
0x286: {  	s10 =	sor.u32 s26, s6;
	v34 =	vld [tilespmem:s12+$0x0];
	v5 =	vsub.f32 v53, v63;
	v2 =	vadd.f32 v7, v2;
	v21 =	vmul.f32 v21, v21  }
0x287: {  	s20 =	sor.u32 s25, s6;
	v62 =	vld [tilespmem:s10+$0x0];
	v22 =	vmul.f32 v22, v22;
	v6 =	vadd.f32 v17, v6;
	v9 =	vadd.f32 v19, v9  }
0x288: {  	s14 =	sor.u32 s26, s24;
	s26 =	sor.u32 s25, s3;
	v40 =	vld [tilespmem:s20+$0x0];
	v23 =	vmul.f32 v23, v23;
	v10 =	vadd.f32 v20, v10;
	v19 =	vsub.f32 v58, v54  }
0x289: {  	v42 =	vld [tilespmem:s26+$0x0];
	v24 =	vmul.f32 v24, v24;
	v20 =	vsub.f32 v59, v49;
	v17 =	vsub.f32 v56, v31  }
0x28a: {  	s28 =	sor.u32 s25, s24;
	v39 =	vld [tilespmem:s14+$0x0];
	v11 =	vadd.f32 v21, v11;
	v12 =	vadd.f32 v22, v12  }
0x28b: {  	s29 =	sor.u32 s0, s6;
	v43 =	vld [tilespmem:s28+$0x0];
	v25 =	vmul.f32 v25, v25;
	v13 =	vadd.f32 v23, v13;
	v1 =	vadd.f32 v24, v1  }
0x28c: {  	s31 =	sor.u32 s0, s3;
	v44 =	vld [tilespmem:s29+$0x0];
	v26 =	vmul.f32 v26, v26;
	v21 =	vsub.f32 v60, v32;
	v22 =	vsub.f32 v61, v55  }
0x28d: {  	s30 =	sor.u32 s0, s8;
	s0 =	sor.u32 s0, s24;
	v46 =	vld [tilespmem:s31+$0x0];
	v5 =	vmul.f32 v5, v5;
	v23 =	vsub.f32 v62, v29;
	v24 =	vsub.f32 v34, v31  }
0x28e: {  	v47 =	vld [tilespmem:s0+$0x0];
	v50 =	vsub.f32 v42, v32;
	v4 =	vadd.f32 v25, v4  }
0x28f: {  	s21 =	sor.u32 s25, s8;
	v14 =	vadd.f32 v26, v14;
	v19 =	vmul.f32 v19, v19;
	v5 =	vadd.f32 v5, v15  }
0x290: {  	v41 =	vld [tilespmem:s21+$0x0];
	v20 =	vmul.f32 v20, v20;
	v25 =	vsub.f32 v36, v32;
	v26 =	vsub.f32 v39, v33  }
0x291: {  	v45 =	vld [tilespmem:s30+$0x0];
	v17 =	vmul.f32 v17, v17;
	v15 =	vsub.f32 v40, v29;
	v7 =	vsub.f32 v43, v33  }
0x292: {  	v51 =	vsub.f32 v44, v29;
	v53 =	vsub.f32 v46, v32;
	v22 =	vmul.f32 v22, v22  }
0x293: {  	v56 =	vsub.f32 v47, v33;
	v21 =	vmul.f32 v21, v21;
	v23 =	vmul.f32 v23, v23  }
0x294: {  	v24 =	vmul.f32 v24, v24;
	v16 =	vadd.f32 v19, v16;
	v18 =	vadd.f32 v20, v18  }
0x295: {  	v0 =	vadd.f32 v17, v0;
	v19 =	vsub.f32 v41, v31;
	v25 =	vmul.f32 v25, v25  }
0x296: {  	v26 =	vmul.f32 v26, v26;
	v15 =	vmul.f32 v15, v15;
	v17 =	vsub.f32 v45, v31  }
0x297: {  	v7 =	vmul.f32 v7, v7;
	v8 =	vadd.f32 v22, v8;
	v6 =	vadd.f32 v21, v6  }
0x298: {  	v58 =	vmul.f32 v51, v51;
	v9 =	vadd.f32 v23, v9;
	v10 =	vadd.f32 v24, v10  }
0x299: {  	v59 =	vmul.f32 v53, v53;
	v11 =	vadd.f32 v25, v11;
	v12 =	vadd.f32 v26, v12  }
0x29a: {  	v60 =	vmul.f32 v56, v56;
	v13 =	vadd.f32 v15, v13;
	v7 =	vadd.f32 v7, v14  }
0x29b: {  	v19 =	vmul.f32 v19, v19;
	v5 =	vadd.f32 v58, v5;
	v14 =	vadd.f32 v59, v18  }
0x29c: {  	v17 =	vmul.f32 v17, v17;
	v0 =	vadd.f32 v0, v2;
	v8 =	vadd.f32 v60, v8  }
0x29d: {  	v15 =	vmul.f32 v50, v50;
	v2 =	vadd.f32 v3, v6;
	v3 =	vadd.f32 v10, v9  }
0x29e: {  	v1 =	vadd.f32 v19, v1;
	v61 =	vadd.f32 v17, v16  }
0x29f: {  	v4 =	vadd.f32 v15, v4;
	v62 =	vadd.f32 v12, v11  }
0x2a0: {  	v8 =	vadd.f32 v8, v14;
	v5 =	vadd.f32 v61, v5  }
0x2a1: {  	v1 =	vadd.f32 v1, v13;
	v4 =	vadd.f32 v7, v4  }
0x2a2: {  	v0 =	vadd.f32 v2, v0;
	v44 =	vadd.f32 v8, v5  }
0x2a3: {  	v36 =	vadd.f32 v4, v1  }
0x2a4: {  	v47 =	vadd.f32 v62, v3;
	v1 =	vmin.f32 v0, v44  }
0x2a5: {  	v1 =	vmin.f32 v1, v36  }
0x2a6: {  	v1 =	vmin.f32 v1, v47  }
0x2a7: {  	vm0 =	vlt.f32 v1, v30  }
0x2a8: {  	v1 =	vsel vm0, $0x3F800000, v28  }
0x2a9: {  	v35 =	vmov v27;
	s24 =	simm.s32 $0x200;
	s25 =	simm.s32 $0x0;
	(xrf0) =	vmax.scan.msk.f32 $0xffff, v1  }
.LBB2_10:
0x2aa: {  	_ = 	snop  }
0x2ab: {  	v40 =	vld [tilespmem:$0x1FF90]  }
0x2ac: {  	v41 =	vld [tilespmem:$0x1FFA0]  }
0x2ad: {  	s2 =	sand.u32 $0xC00, s24;
	s23 =	sadd.s32 $0x40, s23;
	v43 =	vld [tilespmem:$0x1FFB0]  }
0x2ae: {  	v45 =	vld [tilespmem:$0x1FFC0];
	s0 =	sand.u32 $0x40, s23;
	s30 =	sor.u32 $0x4200, s2  }
0x2af: {  	v39 =	vld [tilespmem:$0x1FF80];
	s26 =	sor.u32 $0x4280, s2;
	s3 =	sor.u32 s0, s30;
	v2, _, _ =	vpop (xrf0)  }
0x2b0: {  	s29 =	sor.u32 $0x4380, s2;
	s4 =	sor.u32 s0, s26;
	v1 =	vld [tilespmem:s3+$0x0];
	(v2sf) =	vpush v2, $0xF  }
0x2b1: {  	s20 =	sor.u32 $0x4080, s2;
	s8 =	sor.u32 s0, s29;
	v3 =	vld [tilespmem:s4+$0x0]  }
0x2b2: {  	s9 =	sor.u32 s0, s20;
	v4 =	vld [tilespmem:s8+$0x0]  }
0x2b3: {  	s13 =	sor.u32 s0, s2;
	v6 =	vld [tilespmem:s9+$0x0]  }
0x2b4: {  	v9 =	vld [tilespmem:s13+$0x0]  }
0x2b5: {  	v10 =	vld [tilespmem:s13+$0x80]  }
0x2b6: {  	s21 =	sor.u32 $0x4000, s2;
	v11 =	vld [tilespmem:s13+$0x100]  }
0x2b7: {  	s14 =	sor.u32 s24, s23;
	s4 =	sor.u32 s0, s21;
	v12 =	vld [tilespmem:s13+$0x180]  }
0x2b8: {  	s8 =	sor.u32 $0x4100, s2;
	s3 =	sor.u32 $0x380, s14;
	v5 =	vld [tilespmem:s4+$0x0]  }
0x2b9: {  	s9 =	sor.u32 $0x30, s0;
	s10 =	sor.u32 s0, s8;
	v13 =	vld [tilespmem:s3+$0x0]  }
0x2ba: {  	s31 =	sor.u32 s9, s30;
	v7 =	vld [tilespmem:s10+$0x0]  }
0x2bb: {  	s13 =	sor.u32 $0x20, s0;
	s4 =	sor.u32 s9, s26;
	v14 =	vld [tilespmem:s31+$0x0]  }
0x2bc: {  	s28 =	sor.u32 $0x4300, s2;
	s14 =	sor.u32 s13, s30;
	v15 =	vld [tilespmem:s4+$0x0]  }
0x2bd: {  	s6 =	sor.u32 s0, s28;
	v18 =	vld [tilespmem:s14+$0x0]  }
0x2be: {  	s10 =	sor.u32 s9, s28;
	v2 =	vld [tilespmem:s6+$0x0]  }
0x2bf: {  	s14 =	sor.u32 s13, s29;
	v16 =	vld [tilespmem:s10+$0x0];
	s31 =	spop (v2sf)  }
0x2c0: {  	s10 =	sor.u32 s13, s26;
	v21 =	vld [tilespmem:s14+$0x0];
	p2 =	sgt.f32 s31, $0.0e+00  }
0x2c1: {  	s6 =	sor.u32 $0x4180, s2;
	s14 =	sor.u32 s9, s21;
	v19 =	vld [tilespmem:s10+$0x0]  }
0x2c2: {  	s3 =	sor.u32 $0x10, s0;
	s12 =	sor.u32 s0, s6;
	v25 =	vld [tilespmem:s14+$0x0];
	s0 =	sadd.s32 @p2 $0xF4000, s25;
	v42 =	vlaneseq.u32 @p2  }
0x2c3: {  	s10 =	sor.u32 s3, s30;
	v8 =	vld [tilespmem:s12+$0x0];
	v22 =	vor.u32 @p2 s0, v42  }
0x2c4: {  	s30 =	sor.u32 s13, s21;
	v23 =	vld [tilespmem:s10+$0x0];
	(xrf1) =	vsort.ascd.msk.f32 @p2 $0xffff, v0, v22  }
0x2c5: {  	s14 =	sor.u32 s3, s21;
	v29 =	vld [tilespmem:s30+$0x0]  }
0x2c6: {  	s21 =	sor.u32 s3, s20;
	v33 =	vld [tilespmem:s14+$0x0]  }
0x2c7: {  	s12 =	sor.u32 s9, s29;
	v34 =	vld [tilespmem:s21+$0x0]  }
0x2c8: {  	s10 =	sor.u32 s3, s28;
	v17 =	vld [tilespmem:s12+$0x0]  }
0x2c9: {  	v1 =	vsub.f32 v1, v40;
	v3 =	vsub.f32 v3, v41;
	s12 =	sor.u32 s13, s28;
	v56 =	vld [tilespmem:s10+$0x0]  }
0x2ca: {  	v4 =	vsub.f32 v4, v45;
	v6 =	vsub.f32 v6, v54;
	s28 =	sor.u32 s9, s8;
	v20 =	vld [tilespmem:s12+$0x0]  }
0x2cb: {  	v9 =	vsub.f32 v9, v37;
	v10 =	vsub.f32 v10, v57;
	s10 =	sor.u32 s13, s8;
	v27 =	vld [tilespmem:s28+$0x0]  }
0x2cc: {  	v11 =	vsub.f32 v11, v38;
	v12 =	vsub.f32 v12, v52;
	s12 =	sor.u32 s3, s29;
	v31 =	vld [tilespmem:s10+$0x0]  }
0x2cd: {  	v5 =	vsub.f32 v5, v63;
	v13 =	vsub.f32 v13, v39;
	s29 =	sor.u32 s9, s6;
	v24 =	vld [tilespmem:s12+$0x0]  }
0x2ce: {  	v7 =	vsub.f32 v7, v49;
	v14 =	vsub.f32 v14, v40;
	s28 =	sor.u32 s3, s6;
	v28 =	vld [tilespmem:s29+$0x0]  }
0x2cf: {  	v15 =	vsub.f32 v15, v41;
	v18 =	vsub.f32 v18, v40;
	v12 =	vmul.f32 v12, v12;
	s12 =	sor.u32 s13, s6;
	v60 =	vld [tilespmem:s28+$0x0]  }
0x2d0: {  	v2 =	vsub.f32 v2, v43;
	v16 =	vsub.f32 v16, v43;
	s29 =	sor.u32 s9, s2;
	v32 =	vld [tilespmem:s12+$0x0];
	v46 =	vmul.u32 @p2 $0xFFFFFFFF, v42  }
0x2d1: {  	v50 =	vsub.f32 v21, v45;
	v13 =	vmul.f32 v13, v13;
	v61 =	vld [tilespmem:s29+$0x0];
	v58 =	vsub.f32 v56, v43;
	s31 =	sor.u32 s3, s26  }
0x2d2: {  	v20 =	vsub.f32 v20, v43;
	v59 =	vsub.f32 v24, v45;
	v0 =	vld [tilespmem:s31+$0x0];
	v43 =	vadd.s32 @p2 $0xF, v46;
	v21, v22, _ =	vpop @p2 (xrf1)  }
0x2d3: {  	v62 =	vld [tilespmem:s29+$0x80];
	v24 =	vsub.f32 v25, v63;
	v25 =	vor.u32 @p2 $0x10, v42;
	v21 =	vperm.xlane @p2 v21, v43  }
0x2d4: {  	v53 =	vld [tilespmem:s29+$0x180];
	v23 =	vsub.f32 v23, v40;
	v25 =	vor.u32 @p2 s0, v25;
	v22 =	vperm.xlane @p2 v22, v43  }
0x2d5: {  	v40 =	vld [tilespmem:s29+$0x100];
	v27 =	vsub.f32 v27, v49;
	(xrf1) =	vsort.ascd.msk.f32 @p2 $0xffff, v44, v25;
	vm0 =	vle.f32 @p2 v48, v21  }
0x2d6: {  	p1 =	por !p1, !p1;
	s30 =	sor.u32 s13, s2;
	v49 =	vsub.f32 v31, v49;
	v31 =	vld [tilespmem:$0x1FF60];
	s26 =	sor.u32 s9, s20;
	v21 =	vsel @p2 vm0, v48, v21;
	v22 =	vsel @p2 vm0, v35, v22  }
0x2d7: {  	v19 =	vsub.f32 v19, v41;
	[tilespmem:$0x1FD30] =	vst v50;
	v26 =	vld [tilespmem:s26+$0x0];
	s26 =	sor.u32 s3, s8;
	s3 =	sor.u32 s3, s2;
	s2 =	simm.s32 $0x1;
	v0 =	vsub.f32 v0, v41;
	(xrf1) =	vsort.ascd.msk.f32 @p2 $0xffff, v21, v22  }
0x2d8: {  	v8 =	vsub.f32 v8, v55;
	v29 =	vsub.f32 v29, v63;
	[tilespmem:$0x1FD40] =	vst v23;
	v23 =	vld [tilespmem:s30+$0x100];
	s2 =	simm.s32 @!p1 $0x0  }
0x2d9: {  	v50 =	vsub.f32 v33, v63;
	v12 =	vadd.f32 v13, v12;
	s2 =	sshll.u32 s2, $0x6;
	[tilespmem:$0x1FD50] =	vst v0;
	v0 =	vld [tilespmem:s26+$0x0]  }
0x2da: {  	v17 =	vsub.f32 v17, v45;
	v56 =	vmul.f32 v16, v16;
	v16 =	vmul.f32 v18, v18;
	[tilespmem:$0x1FD60] =	vst v58;
	v58 =	vld [tilespmem:s3+$0x80];
	s31 =	sor.u32 s13, s20;
	s2 =	sadd.s32 s2, s24  }
0x2db: {  	[tilespmem:$0x1FCE0] =	vst v30;
	v45 =	vmul.f32 v3, v3;
	v51 =	vsub.f32 v32, v55;
	v32 =	vsub.f32 v61, v37;
	v30 =	vld [tilespmem:s31+$0x0];
	s31 =	sor.u32 $0x200, s2  }
0x2dc: {  	v33 =	vsub.f32 v62, v57;
	v46 =	vmul.f32 v2, v2;
	v2 =	vmul.f32 v10, v10;
	s4 =	sor.u32 $0x280, s2;
	s8 =	sadd.s32 $0x30, s2;
	v10 =	vld [tilespmem:s31+$0x0]  }
0x2dd: {  	v3 =	vmul.f32 v11, v11;
	v11 =	vsub.f32 v23, v38;
	v23 =	vld [tilespmem:s4+$0x0];
	s12 =	sor.u32 $0x300, s8;
	v41 =	vsub.f32 v34, v54  }
0x2de: {  	v61 =	vmul.f32 v6, v6;
	v62 =	vmul.f32 v7, v7;
	[tilespmem:$0x1FD70] =	vst v59;
	v18 =	vld [tilespmem:s12+$0x0];
	v0 =	vsub.f32 v0, v31  }
0x2df: {  	v28 =	vsub.f32 v28, v55;
	v7 =	vmul.f32 v29, v29;
	v59 =	vmul.f32 v5, v5;
	[tilespmem:$0x1FCF0] =	vst v41;
	v41 =	vld [tilespmem:s3+$0x180]  }
0x2e0: {  	v29 =	vmul.f32 v32, v32;
	v26 =	vsub.f32 v26, v54;
	v31 =	vld [tilespmem:s30+$0x180];
	[tilespmem:$0x1FD00] =	vst v0;
	v0 =	vsub.f32 v60, v55  }
0x2e1: {  	v30 =	vsub.f32 v30, v54;
	v54 =	vmul.f32 v15, v15;
	v15 =	vsub.f32 v58, v57;
	v44 =	vld [tilespmem:s3+$0x0]  }
0x2e2: {  	s9 =	sor.u32 $0x200, s8;
	v58 =	vmul.f32 v19, v19;
	v25 =	vsub.f32 v40, v38;
	v40 =	vld [tilespmem:s3+$0x100];
	[tilespmem:$0x1FD10] =	vst v0;
	v0 =	vmul.f32 v1, v1  }
0x2e3: {  	v53 =	vsub.f32 v53, v52;
	s6 =	sor.u32 $0x300, s2;
	v60 =	vmul.f32 v4, v4;
	v55 =	vld [tilespmem:s9+$0x0];
	v1 =	vmul.f32 v8, v8;
	v4, v5, _ =	vpop @p2 (xrf1)  }
0x2e4: {  	v8 =	vld [tilespmem:s6+$0x0];
	[tilespmem:$0x1FD20] =	vst v0;
	v0 =	vmul.f32 v9, v9;
	v6 =	vperm.xlane @p2 v4, v43;
	v4 =	vor.u32 @p2 $0x20, v42  }
0x2e5: {  	v9 =	vsub.f32 v41, v52;
	v41 =	vld [tilespmem:$0x1FFE0];
	v5 =	vperm.xlane @p2 v5, v43;
	v4 =	vor.u32 @p2 s0, v4;
	v19, v63, _ =	vpop @p2 (xrf1)  }
0x2e6: {  	v31 =	vsub.f32 v31, v52;
	v22 =	vld [tilespmem:s30+$0x80];
	(xrf1) =	vsort.ascd.msk.f32 @p2 $0xffff, v36, v4;
	vm0 =	vle.f32 @p2 v19, v6  }
0x2e7: {  	v52 =	vld [tilespmem:$0x1FFF0];
	v4 =	vmul.f32 v24, v24;
	v19 =	vsel @p2 vm0, v19, v6;
	v24 =	vsel @p2 vm0, v63, v5  }
0x2e8: {  	v32 =	vmul.f32 v33, v33;
	v53 =	vmul.f32 v53, v53;
	s13 =	sadd.s32 $0x20, s2;
	s2 =	sadd.s32 $0x10, s2;
	s14 =	sor.u32 $0x380, s8;
	v21 =	vld [tilespmem:s30+$0x0];
	(xrf1) =	vsort.ascd.msk.f32 @p2 $0xffff, v19, v24  }
0x2e9: {  	v11 =	vmul.f32 v11, v11;
	v34 =	vsub.f32 v44, v37;
	v44 =	vmul.f32 v14, v14;
	v14 =	vmovc v35;
	v35 =	vld [tilespmem:s14+$0x0];
	s30 =	sor.u32 $0x280, s2  }
0x2ea: {  	s10 =	sor.u32 $0x280, s8;
	v15 =	vmul.f32 v15, v15;
	v25 =	vmul.f32 v25, v25;
	v33 =	vld [tilespmem:s30+$0x0]  }
0x2eb: {  	s20 =	sor.u32 $0x200, s13;
	v1 =	vadd.f32 v1, v12;
	v22 =	vsub.f32 v22, v57;
	v57 =	vmul.f32 v17, v17;
	v17 =	vld [tilespmem:s10+$0x0]  }
0x2ec: {  	s21 =	sor.u32 $0x280, s13;
	v31 =	vmul.f32 v31, v31;
	v9 =	vmul.f32 v9, v9;
	v36 =	vld [tilespmem:s20+$0x0]  }
0x2ed: {  	s28 =	sor.u32 $0x380, s13;
	v1 =	vadd.f32 v60, v1;
	v34 =	vmul.f32 v34, v34;
	v23 =	vsub.f32 v23, v41;
	v63 =	vld [tilespmem:s21+$0x0]  }
0x2ee: {  	s29 =	sor.u32 $0x200, s2;
	s31 =	sor.u32 $0x300, s2;
	s2 =	sor.u32 $0x380, s2;
	v8 =	vsub.f32 v8, v52;
	v18 =	vsub.f32 v18, v52;
	v5 =	vmul.f32 v27, v27;
	v27 =	vld [tilespmem:s28+$0x0]  }
0x2ef: {  	v21 =	vsub.f32 v21, v37;
	v23 =	vmul.f32 v23, v23;
	v19 =	vsub.f32 v40, v38;
	v38 =	vld [tilespmem:s2+$0x0]  }
0x2f0: {  	v35 =	vsub.f32 v35, v39;
	v8 =	vmul.f32 v8, v8;
	v6 =	vmul.f32 v26, v26;
	v40 =	vld [tilespmem:$0x1FFD0]  }
0x2f1: {  	v33 =	vsub.f32 v33, v41;
	v26 =	vmul.f32 v28, v28;
	v28 =	vmul.f32 v30, v30;
	v30 =	vld [tilespmem:s29+$0x0]  }
0x2f2: {  	v18 =	vmul.f32 v18, v18;
	v21 =	vmul.f32 v21, v21;
	v2 =	vadd.f32 v23, v2  }
0x2f3: {  	v17 =	vsub.f32 v17, v41;
	v42 =	vor.u32 @p2 $0x30, v42;
	v63 =	vsub.f32 v63, v41  }
0x2f4: {  	v42 =	vor.u32 @p2 s0, v42;
	v27 =	vsub.f32 v27, v39;
	v38 =	vsub.f32 v38, v39;
	v13, v39, _ =	vpop @p2 (xrf1)  }
0x2f5: {  	v10 =	vsub.f32 v10, v40;
	v55 =	vsub.f32 v55, v40;
	v13 =	vperm.xlane @p2 v13, v43  }
0x2f6: {  	v37 =	vld [tilespmem:s31+$0x0];
	v36 =	vsub.f32 v36, v40;
	v30 =	vsub.f32 v30, v40;
	v39 =	vperm.xlane @p2 v39, v43;
	v40, v41, _ =	vpop @p2 (xrf1)  }
0x2f7: {  	v3 =	vadd.f32 v8, v3;
	(xrf1) =	vsort.ascd.msk.f32 @p2 $0xffff, v47, v42;
	vm0 =	vle.f32 @p2 v40, v13  }
0x2f8: {  	v17 =	vmul.f32 v17, v17;
	v13 =	vsel @p2 vm0, v40, v13;
	v39 =	vsel @p2 vm0, v41, v39  }
0x2f9: {  	s26 =	sor.u32 $0x300, s13;
	v18 =	vadd.f32 v18, v25;
	v3 =	vadd.f32 v62, v3;
	(xrf1) =	vsort.ascd.msk.f32 @p2 $0xffff, v13, v39  }
0x2fa: {  	v22 =	vmul.f32 v22, v22;
	v2 =	vadd.f32 v61, v2;
	v17 =	vadd.f32 v17, v32;
	v24 =	vld [tilespmem:s26+$0x0]  }
0x2fb: {  	v35 =	vmul.f32 v35, v35;
	v37 =	vsub.f32 v37, v52;
	v3 =	vadd.f32 v46, v3  }
0x2fc: {  	v23 =	vmul.f32 v33, v33;
	v2 =	vadd.f32 v45, v2;
	v6 =	vadd.f32 v6, v17  }
0x2fd: {  	v33 =	vmul.f32 v51, v51;
	v1 =	vadd.f32 v1, v3;
	v5 =	vadd.f32 v5, v18  }
0x2fe: {  	v6 =	vadd.f32 v54, v6;
	v8 =	vmul.f32 v27, v27;
	v10 =	vmul.f32 v10, v10  }
0x2ff: {  	v5 =	vadd.f32 v56, v5;
	v24 =	vsub.f32 v24, v52;
	v36 =	vmul.f32 v36, v36  }
0x300: {  	v27 =	vmul.f32 v38, v38;
	v8 =	vadd.f32 v8, v31;
	v0 =	vadd.f32 v10, v0  }
0x301: {  	v10 =	vmul.f32 v24, v24;
	v21 =	vadd.f32 v36, v21;
	v40 =	vmul.f32 v63, v63  }
0x302: {  	v32 =	vmul.f32 v49, v49;
	v9 =	vadd.f32 v27, v9;
	v8 =	vadd.f32 v33, v8  }
0x303: {  	v19 =	vmul.f32 v19, v19;
	v10 =	vadd.f32 v10, v11;
	v22 =	vadd.f32 v40, v22  }
0x304: {  	v55 =	vmul.f32 v55, v55;
	v36 =	vld [tilespmem:$0x1FCF0];
	v0 =	vadd.f32 v59, v0;
	v7 =	vadd.f32 v7, v21  }
0x305: {  	v10 =	vadd.f32 v32, v10;
	v47 =	vmul.f32 v30, v30;
	v42 =	vmul.f32 v37, v37;
	v18, v24, _ =	vpop @p2 (xrf1)  }
0x306: {  	v41 =	vadd.f32 v35, v53;
	v53 =	vadd.f32 v23, v15;
	v18 =	vperm.xlane @p2 v18, v43  }
0x307: {  	v51 =	vld [tilespmem:$0x1FD50];
	v19 =	vadd.f32 v42, v19;
	v42 =	vadd.f32 v28, v22;
	v15 =	vperm.xlane @p2 v24, v43;
	v22, v23, _ =	vpop @p2 (xrf1)  }
0x308: {  	v47 =	vadd.f32 v47, v34;
	v34 =	vmul.f32 v50, v50;
	v39 =	vld [tilespmem:$0x1FD00];
	vm0 =	vle.f32 @p2 v22, v18  }
0x309: {  	v27 =	vmul.f32 v36, v36;
	v40 =	vld [tilespmem:$0x1FD10];
	v18 =	vsel @p2 vm0, v22, v18;
	v15 =	vsel @p2 vm0, v23, v15  }
0x30a: {  	v13 =	vadd.f32 v55, v29;
	v11 =	vadd.f32 v34, v47;
	v47 =	vld [tilespmem:$0x1FD40];
	(xrf1) =	vsort.ascd.msk.f32 @p2 $0xffff, v18, v15  }
0x30b: {  	v20 =	vmul.f32 v20, v20;
	v41 =	vadd.f32 v26, v41;
	v56 =	vadd.f32 v58, v42;
	v58 =	vld [tilespmem:$0x1FD70]  }
0x30c: {  	v7 =	vadd.f32 v16, v7;
	v35 =	vmovc v14;
	v14 =	vmul.f32 v51, v51;
	v12 =	vadd.f32 v27, v53;
	v53 =	vld [tilespmem:$0x1FD60]  }
0x30d: {  	v46 =	vld [tilespmem:$0x1FD30];
	v4 =	vadd.f32 v4, v13;
	v17 =	vadd.f32 v57, v41  }
0x30e: {  	v10 =	vadd.f32 v20, v10;
	v12 =	vadd.f32 v14, v12;
	v13 =	vmul.f32 v40, v40;
	v43 =	vld [tilespmem:$0x1FD20]  }
0x30f: {  	v4 =	vadd.f32 v44, v4;
	v29 =	vmul.f32 v39, v39;
	v3 =	vadd.f32 v17, v5  }
0x310: {  	v50 =	vmul.f32 v47, v47;
	v9 =	vadd.f32 v13, v9;
	v21 =	vmul.f32 v58, v58  }
0x311: {  	v19 =	vadd.f32 v29, v19;
	v61 =	vadd.f32 v56, v7;
	v18 =	vmul.f32 v53, v53  }
0x312: {  	v13 =	vmul.f32 v46, v46;
	v11 =	vadd.f32 v50, v11;
	v9 =	vadd.f32 v21, v9  }
0x313: {  	v0 =	vadd.f32 v43, v0;
	v59 =	vadd.f32 v18, v19  }
0x314: {  	v8 =	vadd.f32 v13, v8;
	v11 =	vadd.f32 v12, v11  }
0x315: {  	v0 =	vadd.f32 v2, v0;
	v60 =	vadd.f32 v9, v59  }
0x316: {  	v30 =	vld [tilespmem:$0x1FCE0];
	v62 =	vadd.f32 v8, v10;
	v2 =	vadd.f32 v6, v4  }
0x317: {  	v49 =	vld [tilespmem:$0x1FF60];
	v0 =	vadd.f32 v1, v0;
	v44 =	vadd.f32 v60, v11  }
0x318: {  	s24 =	sadd.s32 $0x200, s24;
	v54 =	vld [tilespmem:$0x1FF50];
	v36 =	vadd.f32 v62, v61;
	v47 =	vadd.f32 v3, v2;
	v2 =	vimm.s32 @p2 $0x7;
	v3, v4, _ =	vpop @p2 (xrf1)  }
0x319: {  	p3 =	sne.s32 s24, $0x1000;
	v52 =	vld [tilespmem:$0x1FF20];
	v1 =	vmin.f32 v0, v44;
	v2 =	vperm.xlane @p2 v3, v2  }
.Ltmp6:
0x31a: {  	v38 =	vld [tilespmem:$0x1FF10];
	v1 =	vmin.f32 v1, v36;
	(pc) =	sbr.rel @p3 .LBB2_10-.Ltmp6, $4  }
0x31b: {  	v37 =	vld [tilespmem:$0x1FF00];
	v1 =	vmin.f32 v1, v47;
	v30 =	vpsel p2, v2, v30  }
0x31c: {  	v63 =	vld [tilespmem:$0x1FF40];
	v28 =	vimm.f32 $0.0e+00;
	vm15 =	vlt.f32 v1, v30  }
0x31d: {  	v55 =	vld [tilespmem:$0x1FF70];
	v1 =	vsel vm15, $0x3F800000, v28  }
0x31e: {  	s25 =	smov.u32 s23;
	v57 =	vld [tilespmem:$0x1FF30];
	v48 =	vpsel p2, v3, v48;
	v35 =	vpsel p2, v4, v35;
	(xrf0) =	vmax.scan.msk.f32 $0xffff, v1  }
0x31f: {  	_ =	sdelay $0x4  }
0x320: {  	v1, _, _ =	vpop (xrf0)  }
0x321: {  	(v2sf) =	vpush v1, $0xF;
	_ =	sdelay $0xe  }
0x322: {  	s0 =	spop (v2sf)  }
0x323: {  	p1 =	sgt.f32 s0, $0.0e+00;
	_ =	sdelay $0x1  }
0x324: {  	s0 =	sadd.s32 @p1 $0xF4000, s25;
	v1 =	vlaneseq.u32 @p1  }
0x325: {  	v2 =	vor.u32 @p1 s0, v1  }
0x326: {  	(xrf1) =	vsort.ascd.msk.f32 @p1 $0xffff, v0, v2;
	_ =	sdelay $0xb  }
0x327: {  	v0 =	vmul.u32 @p1 $0xFFFFFFFF, v1;
	_ =	sdelay $0x1  }
0x328: {  	v0 =	vadd.s32 @p1 $0xF, v0;
	v2, v3, _ =	vpop @p1 (xrf1)  }
0x329: {  	v4 =	vor.u32 @p1 $0x10, v1;
	v2 =	vperm.xlane @p1 v2, v0  }
0x32a: {  	v4 =	vor.u32 @p1 s0, v4;
	v3 =	vperm.xlane @p1 v3, v0  }
0x32b: {  	(xrf1) =	vsort.ascd.msk.f32 @p1 $0xffff, v44, v4;
	vm0 =	vle.f32 @p1 v48, v2  }
0x32c: {  	v2 =	vsel @p1 vm0, v48, v2;
	v3 =	vsel @p1 vm0, v35, v3  }
0x32d: {  	(xrf1) =	vsort.ascd.msk.f32 @p1 $0xffff, v2, v3;
	_ =	sdelay $0xb  }
0x32e: {  	v2, v3, _ =	vpop @p1 (xrf1)  }
0x32f: {  	v4 =	vor.u32 @p1 $0x20, v1;
	v2 =	vperm.xlane @p1 v2, v0  }
0x330: {  	v4 =	vor.u32 @p1 s0, v4;
	v3 =	vperm.xlane @p1 v3, v0;
	v5, v6, _ =	vpop @p1 (xrf1)  }
0x331: {  	(xrf1) =	vsort.ascd.msk.f32 @p1 $0xffff, v36, v4;
	vm0 =	vle.f32 @p1 v5, v2  }
0x332: {  	v2 =	vsel @p1 vm0, v5, v2;
	v3 =	vsel @p1 vm0, v6, v3  }
0x333: {  	(xrf1) =	vsort.ascd.msk.f32 @p1 $0xffff, v2, v3;
	_ =	sdelay $0xb  }
0x334: {  	v2, v3, _ =	vpop @p1 (xrf1)  }
0x335: {  	v1 =	vor.u32 @p1 $0x30, v1;
	v2 =	vperm.xlane @p1 v2, v0  }
0x336: {  	v1 =	vor.u32 @p1 s0, v1;
	v3 =	vperm.xlane @p1 v3, v0;
	v4, v5, _ =	vpop @p1 (xrf1)  }
0x337: {  	(xrf1) =	vsort.ascd.msk.f32 @p1 $0xffff, v47, v1;
	vm0 =	vle.f32 @p1 v4, v2  }
0x338: {  	v1 =	vsel @p1 vm0, v4, v2;
	v2 =	vsel @p1 vm0, v5, v3  }
0x339: {  	(xrf1) =	vsort.ascd.msk.f32 @p1 $0xffff, v1, v2;
	_ =	sdelay $0xb  }
0x33a: {  	v1, v2, _ =	vpop @p1 (xrf1)  }
0x33b: {  	v1 =	vperm.xlane @p1 v1, v0  }
0x33c: {  	v0 =	vperm.xlane @p1 v2, v0;
	v2, v3, _ =	vpop @p1 (xrf1)  }
0x33d: {  	vm0 =	vle.f32 @p1 v2, v1  }
0x33e: {  	v1 =	vsel @p1 vm0, v2, v1;
	v0 =	vsel @p1 vm0, v3, v0  }
0x33f: {  	(xrf1) =	vsort.ascd.msk.f32 @p1 $0xffff, v1, v0;
	_ =	sdelay $0xa  }
.Ltmp7:
0x340: {  	_ = 	snop;
	(pc) =	sbr.rel .LBB2_12-.Ltmp7, $3  }
0x341: {  	_ =	sdelay $0x1  }
0x342: {  	v0, v1, _ =	vpop @p1 (xrf1)  }
0x343: {  	v48 =	vpsel p1, v0, v48;
	v35 =	vpsel p1, v1, v35  }
.LBB2_13:
0x344: {  	_ =	sfence.sel $0x180000  }
0x345: {  	[bflag:$0x0] =	sbarrier.arrive $0xFFFF  }
0x346: {  	_ =	strace $0x90000047  }
0x347: {  	s0 =	stileid.u32;
	[bflag:$0x2] =	sbarrier.arrive $0xFFFF  }
0x348: {  	p0 =	sne.s32 s0, $0x0;
	s0 =	rddreg [dreg:$0x3]  }
0x349: {  	s0 =	sadd.s32 @!p0 $0x100000, s0  }
0x34a: {  	[sflag:s0] =	ssyncadd.tile.s32 @!p0 $0x1;
	_ =	shalt  }
.Lfunc_end2:
_tile_overlayer_lowered:
.L_overlay_start_2:
0x34b: {  	(tag) =	ssettag $0x2  }
0x34c: {  	s0 =	rddreg [dreg:$0x0];
	s2 =	stileid.u32  }
0x34d: {  	s1 =	rddreg [dreg:$0x1];
	p0 =	sne.s32 s2, $0x0  }
0x34e: {  	s3 =	rddreg [dreg:$0x2];
	[bflag:$0x3] =	sbarrier.arrive $0xFFFF;
	s2 =	simm.s32 @!p0 $0x1C03  }
0x34f: {  	[timem:s3], [sflag:s2] =	dma.local @!p0 [hbm:s0], s1  }
0x350: {  	s0 =	simm.s32 @!p0 $0x3  }
0x351: {  	_ =	swait.ge @!p0 [sflag:s0], s1  }
0x352: {  	s1 =	ssub.s32 @!p0 $0x0, s1;
	[sflag:s0] =	ssyncset.done @!p0 $0x0  }
0x353: {  	[sflag:s0] =	ssyncadd.s32 @!p0 s1  }
0x354: {  	[bflag:$0x3] =	sbarrier.arrive $0xFFFF  }
0x355: {  	_ =	shalt  }

</sc_bundles>
